<compile_context>
chip_gen: v7x
topology: tpu7x:2x2x1
jax: 0.10.2.dev20260603
libtpu: 0.0.44.dev20260713+nightly
codegen_flags: <defaults>
</compile_context>

<pallas_src>
import jax
import jax.numpy as jnp
from jax import lax
from jax.experimental import pallas as pl
from jax.experimental.pallas import tpu as pltpu
from jax.experimental.pallas import tpu_sc as plsc

_B = 16384
_D = 32
_NW = 32
_BPW = _B // _NW
_C = 32
_NCHUNK = _BPW // _C
_L = 16


def _pmf_body(u_hbm, i_hbm, uemb, iemb, out_hbm,
              u_v, i_v, blk_u, blk_i, out_v, sem_u, sem_i):
    wid = lax.axis_index("s") * 2 + lax.axis_index("c")

    pltpu.sync_copy(u_hbm.at[wid], u_v)
    pltpu.sync_copy(i_hbm.at[wid], i_v)

    lane = lax.iota(jnp.int32, _L)
    lane8 = lane * 8

    def chunk_body(c, carry):
        c0 = c * _C
        qvs = []
        copies = []
        for g in range(_C // _L):
            qu = u_v[pl.ds(c0 + g * _L, _L)]
            qi = i_v[pl.ds(c0 + g * _L, _L)]
            qvs.append((qu, qi))
            for k in range(_L):
                s = g * _L + k
                cu = jnp.sum(jnp.where(lane == k, qu, 0))
                copies.append(pltpu.async_copy(
                    uemb.at[pl.ds(pl.multiple_of((cu >> 3) * 8, 8), 8), :],
                    blk_u.at[pl.ds(s * 8, 8), :], sem_u))
                ci = jnp.sum(jnp.where(lane == k, qi, 0))
                copies.append(pltpu.async_copy(
                    iemb.at[pl.ds(pl.multiple_of((ci >> 3) * 8, 8), 8), :],
                    blk_i.at[pl.ds(s * 8, 8), :], sem_i))
        for cp in copies:
            cp.wait()

        for g in range(_C // _L):
            qu, qi = qvs[g]
            row_u = lane8 + (qu & 7) + g * (_L * 8)
            row_i = lane8 + (qi & 7) + g * (_L * 8)
            acc = jnp.zeros((_L,), jnp.float32)
            for d in range(_D):
                dv = jnp.full((_L,), d, jnp.int32)
                uv = plsc.load_gather(blk_u, [row_u, dv])
                iv = plsc.load_gather(blk_i, [row_i, dv])
                acc = acc + uv * iv
            out_v[pl.ds(c0 + g * _L, _L)] = acc
        return carry

    lax.fori_loop(0, _NCHUNK, chunk_body, 0)

    pltpu.sync_copy(out_v, out_hbm.at[pl.ds(wid * _BPW, _BPW)])


@jax.jit
def _pmf(u2, i2, user_emb, item_emb):
    mesh = plsc.VectorSubcoreMesh(core_axis_name="c", subcore_axis_name="s")
    return pl.kernel(
        _pmf_body,
        out_type=jax.ShapeDtypeStruct((_B,), jnp.float32),
        mesh=mesh,
        compiler_params=pltpu.CompilerParams(
            needs_layout_passes=False, use_tc_tiling_on_sc=True),
        scratch_types=[
            pltpu.VMEM((_BPW,), jnp.int32),
            pltpu.VMEM((_BPW,), jnp.int32),
            pltpu.VMEM((_C * 8, _D), jnp.float32),
            pltpu.VMEM((_C * 8, _D), jnp.float32),
            pltpu.VMEM((_BPW,), jnp.float32),
            pltpu.SemaphoreType.DMA,
            pltpu.SemaphoreType.DMA,
        ],
    )(u2, i2, user_emb, item_emb)


def kernel(u, i, user_emb, item_emb):
    u2 = u.astype(jnp.int32).reshape(_NW, _BPW)
    i2 = i.astype(jnp.int32).reshape(_NW, _BPW)
    return _pmf(u2, i2, user_emb, item_emb)

# --- scband reference (transcript-rebuilt; emitter-appended) ---
"""Pipeline reference for scband-pmf-32581621907921 (READ-ONLY COPY).

The authoritative reference and input builder live on the scoring server;
editing this copy changes nothing except your own understanding.
"""

import jax, jax.numpy as jnp
import numpy as np

N_USERS = 1000000
N_ITEMS = 1000000
EMB_DIM = 32
BATCH = 16384

def setup_inputs(seed: int = 0) -> dict:
    key = jax.random.key(seed)
    k1, k2, k3, k4 = jax.random.split(key, 4)
    u = jax.random.randint(k1, (BATCH,), 0, N_USERS, dtype=jnp.int64) if jax.config.jax_enable_x64 else jax.random.randint(k1, (BATCH,), 0, N_USERS, dtype=jnp.int32)
    i = jax.random.randint(k2, (BATCH,), 0, N_ITEMS, dtype=jnp.int32)
    user_emb = jax.random.normal(k3, (N_USERS, EMB_DIM), dtype=jnp.float32) * 0.1
    item_emb = jax.random.normal(k4, (N_ITEMS, EMB_DIM), dtype=jnp.float32) * 0.1
    return {"u": u, "i": i, "user_emb": user_emb, "item_emb": item_emb}

def reference(u, i, user_emb, item_emb):
    pu = jnp.take(user_emb, u, axis=0)
    qi = jnp.take(item_emb, i, axis=0)
    return (pu * qi).sum(axis=1)

if __name__ == "__main__":
    import jax
    _d = setup_inputs()
    print(jax.jit(kernel)(*tuple(_d.values())))

</pallas_src>

<mosaic_0001>
#map = affine_map<(d0, d1) -> (0, 0)>
#map1 = affine_map<(d0, d1) -> (0)>
module attributes {stable_mosaic.version = 14 : i64} {
  func.func @_pmf_body(%arg0: i32, %arg1: i32, %arg2: memref<32x512xi32, #tpu.memory_space<hbm>>, %arg3: memref<32x512xi32, #tpu.memory_space<hbm>>, %arg4: memref<1000000x32xf32, #tpu.memory_space<hbm>>, %arg5: memref<1000000x32xf32, #tpu.memory_space<hbm>>, %arg6: memref<16384xf32, #tpu.memory_space<hbm>>, %arg7: memref<512xi32, #tpu.memory_space<vmem>>, %arg8: memref<512xi32, #tpu.memory_space<vmem>>, %arg9: memref<256x32xf32, #tpu.memory_space<vmem>>, %arg10: memref<256x32xf32, #tpu.memory_space<vmem>>, %arg11: memref<512xf32, #tpu.memory_space<vmem>>, %arg12: memref<!tpu.dma_semaphore, #tpu.memory_space<semaphore_mem>>, %arg13: memref<!tpu.dma_semaphore, #tpu.memory_space<semaphore_mem>>) attributes {dimension_semantics = [#tpu.dimension_semantics<core_parallel>, #tpu.dimension_semantics<subcore_parallel>], iteration_bounds = array<i64: 2, 16>, scalar_prefetch = 0 : i64, scratch_operands = 7 : i64, tpu.core_type = #tpu.core_type<sc_vector_subcore>, window_params = [{transform_indices = #map}, {transform_indices = #map}, {transform_indices = #map}, {transform_indices = #map}, {transform_indices = #map1}]} {
    %mul3A = arith.constant 2 : i32
    %mul3A_0 = arith.muli %arg1, %mul3A : i32
    %add3A = arith.addi %mul3A_0, %arg0 : i32
    "tpu.region"() ({
      %run_scoped3A = tpu.sem_alloc : memref<!tpu.dma_semaphore, #tpu.memory_space<semaphore_mem>>
      %dma_start3A = arith.constant 0 : i32
      %dma_start3A_11 = tpu.memref_slice %arg2[%add3A, %dma_start3A] : memref<32x512xi32, #tpu.memory_space<hbm>> -> memref<1x512xi32, #tpu.memory_space<hbm>>
      %dma_start3A_12 = tpu.memref_squeeze %dma_start3A_11 : memref<1x512xi32, #tpu.memory_space<hbm>> -> memref<512xi32, #tpu.memory_space<hbm>>
      %dma_start3A_13 = arith.constant 0 : i32
      %dma_start3A_14 = tpu.memref_slice %arg2[%add3A, %dma_start3A_13] : memref<32x512xi32, #tpu.memory_space<hbm>> -> memref<1x512xi32, #tpu.memory_space<hbm>>
      %dma_start3A_15 = tpu.memref_squeeze %dma_start3A_14 : memref<1x512xi32, #tpu.memory_space<hbm>> -> memref<512xi32, #tpu.memory_space<hbm>>
      tpu.enqueue_dma source(%dma_start3A_15 : memref<512xi32, #tpu.memory_space<hbm>>) target(%arg7 : memref<512xi32, #tpu.memory_space<vmem>>) target_semaphore(%run_scoped3A : memref<!tpu.dma_semaphore, #tpu.memory_space<semaphore_mem>>)
      %dma_wait3A = arith.constant 0 : i32
      %dma_wait3A_16 = tpu.memref_slice %arg2[%add3A, %dma_wait3A] : memref<32x512xi32, #tpu.memory_space<hbm>> -> memref<1x512xi32, #tpu.memory_space<hbm>>
      %dma_wait3A_17 = tpu.memref_squeeze %dma_wait3A_16 : memref<1x512xi32, #tpu.memory_space<hbm>> -> memref<512xi32, #tpu.memory_space<hbm>>
      %dma_wait3A_18 = arith.constant 0 : i32
      %dma_wait3A_19 = tpu.memref_slice %arg2[%add3A, %dma_wait3A_18] : memref<32x512xi32, #tpu.memory_space<hbm>> -> memref<1x512xi32, #tpu.memory_space<hbm>>
      %dma_wait3A_20 = tpu.memref_squeeze %dma_wait3A_19 : memref<1x512xi32, #tpu.memory_space<hbm>> -> memref<512xi32, #tpu.memory_space<hbm>>
      tpu.wait_dma2 semaphore(%run_scoped3A : memref<!tpu.dma_semaphore, #tpu.memory_space<semaphore_mem>>) src(%dma_wait3A_20 : memref<512xi32, #tpu.memory_space<hbm>>) dst(%arg7 : memref<512xi32, #tpu.memory_space<vmem>>)
      tpu.yield
    }) : () -> ()
    "tpu.region"() ({
      %run_scoped3A = tpu.sem_alloc : memref<!tpu.dma_semaphore, #tpu.memory_space<semaphore_mem>>
      %dma_start3A = arith.constant 0 : i32
      %dma_start3A_11 = tpu.memref_slice %arg3[%add3A, %dma_start3A] : memref<32x512xi32, #tpu.memory_space<hbm>> -> memref<1x512xi32, #tpu.memory_space<hbm>>
      %dma_start3A_12 = tpu.memref_squeeze %dma_start3A_11 : memref<1x512xi32, #tpu.memory_space<hbm>> -> memref<512xi32, #tpu.memory_space<hbm>>
      %dma_start3A_13 = arith.constant 0 : i32
      %dma_start3A_14 = tpu.memref_slice %arg3[%add3A, %dma_start3A_13] : memref<32x512xi32, #tpu.memory_space<hbm>> -> memref<1x512xi32, #tpu.memory_space<hbm>>
      %dma_start3A_15 = tpu.memref_squeeze %dma_start3A_14 : memref<1x512xi32, #tpu.memory_space<hbm>> -> memref<512xi32, #tpu.memory_space<hbm>>
      tpu.enqueue_dma source(%dma_start3A_15 : memref<512xi32, #tpu.memory_space<hbm>>) target(%arg8 : memref<512xi32, #tpu.memory_space<vmem>>) target_semaphore(%run_scoped3A : memref<!tpu.dma_semaphore, #tpu.memory_space<semaphore_mem>>)
      %dma_wait3A = arith.constant 0 : i32
      %dma_wait3A_16 = tpu.memref_slice %arg3[%add3A, %dma_wait3A] : memref<32x512xi32, #tpu.memory_space<hbm>> -> memref<1x512xi32, #tpu.memory_space<hbm>>
      %dma_wait3A_17 = tpu.memref_squeeze %dma_wait3A_16 : memref<1x512xi32, #tpu.memory_space<hbm>> -> memref<512xi32, #tpu.memory_space<hbm>>
      %dma_wait3A_18 = arith.constant 0 : i32
      %dma_wait3A_19 = tpu.memref_slice %arg3[%add3A, %dma_wait3A_18] : memref<32x512xi32, #tpu.memory_space<hbm>> -> memref<1x512xi32, #tpu.memory_space<hbm>>
      %dma_wait3A_20 = tpu.memref_squeeze %dma_wait3A_19 : memref<1x512xi32, #tpu.memory_space<hbm>> -> memref<512xi32, #tpu.memory_space<hbm>>
      tpu.wait_dma2 semaphore(%run_scoped3A : memref<!tpu.dma_semaphore, #tpu.memory_space<semaphore_mem>>) src(%dma_wait3A_20 : memref<512xi32, #tpu.memory_space<hbm>>) dst(%arg8 : memref<512xi32, #tpu.memory_space<vmem>>)
      tpu.yield
    }) : () -> ()
    %iota3A = tpu.iota {dimensions = array<i32: 0>} : vector<16xi32>
    %mul3A_1 = arith.constant 8 : i32
    %mul3A_2 = vector.broadcast %mul3A_1 : i32 to vector<16xi32>
    %mul3A_3 = arith.muli %iota3A, %mul3A_2 : vector<16xi32>
    %scan3A = arith.constant 0 : i32
    %scan3A_4 = arith.constant 0 : i32
    %scan3A_5 = arith.constant 16 : i32
    %scan3A_6 = arith.addi %scan3A_4, %scan3A_5 : i32
    %scan3A_7 = arith.constant 1 : i32
    scf.for %scan3A_11 = %scan3A_4 to %scan3A_6 step %scan3A_7  : i32 {
      %mul3A_12 = arith.constant 32 : i32
      %mul3A_13 = arith.muli %scan3A_11, %mul3A_12 : i32
      %add3A_14 = arith.constant 0 : i32
      %add3A_15 = arith.addi %mul3A_13, %add3A_14 : i32
      %get3A = arith.index_cast %add3A_15 : i32 to index
      %get3A_16 = tpu.vector_load %arg7[%get3A] {strides = array<i32>} : memref<512xi32, #tpu.memory_space<vmem>>, vector<16xi32>,
      %add3A_17 = arith.constant 0 : i32
      %add3A_18 = arith.addi %mul3A_13, %add3A_17 : i32
      %get3A_19 = arith.index_cast %add3A_18 : i32 to index
      %get3A_20 = tpu.vector_load %arg8[%get3A_19] {strides = array<i32>} : memref<512xi32, #tpu.memory_space<vmem>>, vector<16xi32>,
      %eq3A = arith.constant 0 : i32
      %eq3A_21 = vector.broadcast %eq3A : i32 to vector<16xi32>
      %eq3A_22 = arith.cmpi eq, %iota3A, %eq3A_21 : vector<16xi32>
      %jit3A = arith.constant 0 : i32
      %broadcast_in_dim3A = vector.broadcast %jit3A : i32 to vector<16xi32>
      %select_n3A = arith.select %eq3A_22, %get3A_16, %broadcast_in_dim3A : vector<16xi1>, vector<16xi32>
      %reduce_sum3A = arith.constant true
      %reduce_sum3A_23 = vector.broadcast %reduce_sum3A : i1 to vector<16xi1>
      %reduce_sum3A_24 = tpu.scan <sum>, %select_n3A masked %reduce_sum3A_23 : vector<16xi32>, vector<16xi1> -> vector<16xi32>
      %reduce_sum3A_25 = vector.extract %reduce_sum3A_24[15] : i32 from vector<16xi32>
      %shift_right_arithmetic3A = arith.constant 3 : i32
      %shift_right_arithmetic3A_26 = arith.shrsi %reduce_sum3A_25, %shift_right_arithmetic3A : i32
      %mul3A_27 = arith.constant 8 : i32
      %mul3A_28 = arith.muli %shift_right_arithmetic3A_26, %mul3A_27 : i32
      %multiple_of3A = tpu.assume_multiple %mul3A_28, 8 : i32
      %dma_start3A = arith.constant 0 : i32
      %dma_start3A_29 = arith.constant 0 : i32
      %dma_start3A_30 = tpu.memref_slice %arg9[%dma_start3A, %dma_start3A_29] : memref<256x32xf32, #tpu.memory_space<vmem>> -> memref<8x32xf32, #tpu.memory_space<vmem>>
      %dma_start3A_31 = arith.constant 0 : i32
      %dma_start3A_32 = tpu.memref_slice %arg4[%multiple_of3A, %dma_start3A_31] : memref<1000000x32xf32, #tpu.memory_space<hbm>> -> memref<8x32xf32, #tpu.memory_space<hbm>>
      %dma_start3A_33 = arith.constant 0 : i32
      %dma_start3A_34 = arith.constant 0 : i32
      %dma_start3A_35 = tpu.memref_slice %arg9[%dma_start3A_33, %dma_start3A_34] : memref<256x32xf32, #tpu.memory_space<vmem>> -> memref<8x32xf32, #tpu.memory_space<vmem>>
      %dma_start3A_36 = arith.constant 0 : i32
      %dma_start3A_37 = tpu.memref_slice %arg4[%multiple_of3A, %dma_start3A_36] : memref<1000000x32xf32, #tpu.memory_space<hbm>> -> memref<8x32xf32, #tpu.memory_space<hbm>>
      tpu.enqueue_dma source(%dma_start3A_37 : memref<8x32xf32, #tpu.memory_space<hbm>>) target(%dma_start3A_35 : memref<8x32xf32, #tpu.memory_space<vmem>>) target_semaphore(%arg12 : memref<!tpu.dma_semaphore, #tpu.memory_space<semaphore_mem>>)
      %eq3A_38 = arith.constant 0 : i32
      %eq3A_39 = vector.broadcast %eq3A_38 : i32 to vector<16xi32>
      %eq3A_40 = arith.cmpi eq, %iota3A, %eq3A_39 : vector<16xi32>
      %jit3A_41 = arith.constant 0 : i32
      %broadcast_in_dim3A_42 = vector.broadcast %jit3A_41 : i32 to vector<16xi32>
      %select_n3A_43 = arith.select %eq3A_40, %get3A_20, %broadcast_in_dim3A_42 : vector<16xi1>, vector<16xi32>
      %reduce_sum3A_44 = arith.constant true
      %reduce_sum3A_45 = vector.broadcast %reduce_sum3A_44 : i1 to vector<16xi1>
      %reduce_sum3A_46 = tpu.scan <sum>, %select_n3A_43 masked %reduce_sum3A_45 : vector<16xi32>, vector<16xi1> -> vector<16xi32>
      %reduce_sum3A_47 = vector.extract %reduce_sum3A_46[15] : i32 from vector<16xi32>
      %shift_right_arithmetic3A_48 = arith.constant 3 : i32
      %shift_right_arithmetic3A_49 = arith.shrsi %reduce_sum3A_47, %shift_right_arithmetic3A_48 : i32
      %mul3A_50 = arith.constant 8 : i32
      %mul3A_51 = arith.muli %shift_right_arithmetic3A_49, %mul3A_50 : i32
      %multiple_of3A_52 = tpu.assume_multiple %mul3A_51, 8 : i32
      %dma_start3A_53 = arith.constant 0 : i32
      %dma_start3A_54 = arith.constant 0 : i32
      %dma_start3A_55 = tpu.memref_slice %arg10[%dma_start3A_53, %dma_start3A_54] : memref<256x32xf32, #tpu.memory_space<vmem>> -> memref<8x32xf32, #tpu.memory_space<vmem>>
      %dma_start3A_56 = arith.constant 0 : i32
      %dma_start3A_57 = tpu.memref_slice %arg5[%multiple_of3A_52, %dma_start3A_56] : memref<1000000x32xf32, #tpu.memory_space<hbm>> -> memref<8x32xf32, #tpu.memory_space<hbm>>
      %dma_start3A_58 = arith.constant 0 : i32
      %dma_start3A_59 = arith.constant 0 : i32
      %dma_start3A_60 = tpu.memref_slice %arg10[%dma_start3A_58, %dma_start3A_59] : memref<256x32xf32, #tpu.memory_space<vmem>> -> memref<8x32xf32, #tpu.memory_space<vmem>>
      %dma_start3A_61 = arith.constant 0 : i32
      %dma_start3A_62 = tpu.memref_slice %arg5[%multiple_of3A_52, %dma_start3A_61] : memref<1000000x32xf32, #tpu.memory_space<hbm>> -> memref<8x32xf32, #tpu.memory_space<hbm>>
      tpu.enqueue_dma source(%dma_start3A_62 : memref<8x32xf32, #tpu.memory_space<hbm>>) target(%dma_start3A_60 : memref<8x32xf32, #tpu.memory_space<vmem>>) target_semaphore(%arg13 : memref<!tpu.dma_semaphore, #tpu.memory_space<semaphore_mem>>)
      %eq3A_63 = arith.constant 1 : i32
      %eq3A_64 = vector.broadcast %eq3A_63 : i32 to vector<16xi32>
      %eq3A_65 = arith.cmpi eq, %iota3A, %eq3A_64 : vector<16xi32>
      %jit3A_66 = arith.constant 0 : i32
      %broadcast_in_dim3A_67 = vector.broadcast %jit3A_66 : i32 to vector<16xi32>
      %select_n3A_68 = arith.select %eq3A_65, %get3A_16, %broadcast_in_dim3A_67 : vector<16xi1>, vector<16xi32>
      %reduce_sum3A_69 = arith.constant true
      %reduce_sum3A_70 = vector.broadcast %reduce_sum3A_69 : i1 to vector<16xi1>
      %reduce_sum3A_71 = tpu.scan <sum>, %select_n3A_68 masked %reduce_sum3A_70 : vector<16xi32>, vector<16xi1> -> vector<16xi32>
      %reduce_sum3A_72 = vector.extract %reduce_sum3A_71[15] : i32 from vector<16xi32>
      %shift_right_arithmetic3A_73 = arith.constant 3 : i32
      %shift_right_arithmetic3A_74 = arith.shrsi %reduce_sum3A_72, %shift_right_arithmetic3A_73 : i32
      %mul3A_75 = arith.constant 8 : i32
      %mul3A_76 = arith.muli %shift_right_arithmetic3A_74, %mul3A_75 : i32
      %multiple_of3A_77 = tpu.assume_multiple %mul3A_76, 8 : i32
      %dma_start3A_78 = arith.constant 8 : i32
      %dma_start3A_79 = arith.constant 0 : i32
      %dma_start3A_80 = tpu.memref_slice %arg9[%dma_start3A_78, %dma_start3A_79] : memref<256x32xf32, #tpu.memory_space<vmem>> -> memref<8x32xf32, #tpu.memory_space<vmem>>
      %dma_start3A_81 = arith.constant 0 : i32
      %dma_start3A_82 = tpu.memref_slice %arg4[%multiple_of3A_77, %dma_start3A_81] : memref<1000000x32xf32, #tpu.memory_space<hbm>> -> memref<8x32xf32, #tpu.memory_space<hbm>>
      %dma_start3A_83 = arith.constant 8 : i32
      %dma_start3A_84 = arith.constant 0 : i32
      %dma_start3A_85 = tpu.memref_slice %arg9[%dma_start3A_83, %dma_start3A_84] : memref<256x32xf32, #tpu.memory_space<vmem>> -> memref<8x32xf32, #tpu.memory_space<vmem>>
      %dma_start3A_86 = arith.constant 0 : i32
      %dma_start3A_87 = tpu.memref_slice %arg4[%multiple_of3A_77, %dma_start3A_86] : memref<1000000x32xf32, #tpu.memory_space<hbm>> -> memref<8x32xf32, #tpu.memory_space<hbm>>
      tpu.enqueue_dma source(%dma_start3A_87 : memref<8x32xf32, #tpu.memory_space<hbm>>) target(%dma_start3A_85 : memref<8x32xf32, #tpu.memory_space<vmem>>) target_semaphore(%arg12 : memref<!tpu.dma_semaphore, #tpu.memory_space<semaphore_mem>>)
      %eq3A_88 = arith.constant 1 : i32
      %eq3A_89 = vector.broadcast %eq3A_88 : i32 to vector<16xi32>
      %eq3A_90 = arith.cmpi eq, %iota3A, %eq3A_89 : vector<16xi32>
      %jit3A_91 = arith.constant 0 : i32
      %broadcast_in_dim3A_92 = vector.broadcast %jit3A_91 : i32 to vector<16xi32>
      %select_n3A_93 = arith.select %eq3A_90, %get3A_20, %broadcast_in_dim3A_92 : vector<16xi1>, vector<16xi32>
      %reduce_sum3A_94 = arith.constant true
      %reduce_sum3A_95 = vector.broadcast %reduce_sum3A_94 : i1 to vector<16xi1>
      %reduce_sum3A_96 = tpu.scan <sum>, %select_n3A_93 masked %reduce_sum3A_95 : vector<16xi32>, vector<16xi1> -> vector<16xi32>
      %reduce_sum3A_97 = vector.extract %reduce_sum3A_96[15] : i32 from vector<16xi32>
      %shift_right_arithmetic3A_98 = arith.constant 3 : i32
      %shift_right_arithmetic3A_99 = arith.shrsi %reduce_sum3A_97, %shift_right_arithmetic3A_98 : i32
      %mul3A_100 = arith.constant 8 : i32
      %mul3A_101 = arith.muli %shift_right_arithmetic3A_99, %mul3A_100 : i32
      %multiple_of3A_102 = tpu.assume_multiple %mul3A_101, 8 : i32
      %dma_start3A_103 = arith.constant 8 : i32
      %dma_start3A_104 = arith.constant 0 : i32
      %dma_start3A_105 = tpu.memref_slice %arg10[%dma_start3A_103, %dma_start3A_104] : memref<256x32xf32, #tpu.memory_space<vmem>> -> memref<8x32xf32, #tpu.memory_space<vmem>>
      %dma_start3A_106 = arith.constant 0 : i32
      %dma_start3A_107 = tpu.memref_slice %arg5[%multiple_of3A_102, %dma_start3A_106] : memref<1000000x32xf32, #tpu.memory_space<hbm>> -> memref<8x32xf32, #tpu.memory_space<hbm>>
      %dma_start3A_108 = arith.constant 8 : i32
      %dma_start3A_109 = arith.constant 0 : i32
      %dma_start3A_110 = tpu.memref_slice %arg10[%dma_start3A_108, %dma_start3A_109] : memref<256x32xf32, #tpu.memory_space<vmem>> -> memref<8x32xf32, #tpu.memory_space<vmem>>
      %dma_start3A_111 = arith.constant 0 : i32
      %dma_start3A_112 = tpu.memref_slice %arg5[%multiple_of3A_102, %dma_start3A_111] : memref<1000000x32xf32, #tpu.memory_space<hbm>> -> memref<8x32xf32, #tpu.memory_space<hbm>>
      tpu.enqueue_dma source(%dma_start3A_112 : memref<8x32xf32, #tpu.memory_space<hbm>>) target(%dma_start3A_110 : memref<8x32xf32, #tpu.memory_space<vmem>>) target_semaphore(%arg13 : memref<!tpu.dma_semaphore, #tpu.memory_space<semaphore_mem>>)
      %eq3A_113 = arith.constant 2 : i32
      %eq3A_114 = vector.broadcast %eq3A_113 : i32 to vector<16xi32>
      %eq3A_115 = arith.cmpi eq, %iota3A, %eq3A_114 : vector<16xi32>
      %jit3A_116 = arith.constant 0 : i32
      %broadcast_in_dim3A_117 = vector.broadcast %jit3A_116 : i32 to vector<16xi32>
      %select_n3A_118 = arith.select %eq3A_115, %get3A_16, %broadcast_in_dim3A_117 : vector<16xi1>, vector<16xi32>
      %reduce_sum3A_119 = arith.constant true
      %reduce_sum3A_120 = vector.broadcast %reduce_sum3A_119 : i1 to vector<16xi1>
      %reduce_sum3A_121 = tpu.scan <sum>, %select_n3A_118 masked %reduce_sum3A_120 : vector<16xi32>, vector<16xi1> -> vector<16xi32>
      %reduce_sum3A_122 = vector.extract %reduce_sum3A_121[15] : i32 from vector<16xi32>
      %shift_right_arithmetic3A_123 = arith.constant 3 : i32
      %shift_right_arithmetic3A_124 = arith.shrsi %reduce_sum3A_122, %shift_right_arithmetic3A_123 : i32
      %mul3A_125 = arith.constant 8 : i32
      %mul3A_126 = arith.muli %shift_right_arithmetic3A_124, %mul3A_125 : i32
      %multiple_of3A_127 = tpu.assume_multiple %mul3A_126, 8 : i32
      %dma_start3A_128 = arith.constant 16 : i32
      %dma_start3A_129 = arith.constant 0 : i32
      %dma_start3A_130 = tpu.memref_slice %arg9[%dma_start3A_128, %dma_start3A_129] : memref<256x32xf32, #tpu.memory_space<vmem>> -> memref<8x32xf32, #tpu.memory_space<vmem>>
      %dma_start3A_131 = arith.constant 0 : i32
      %dma_start3A_132 = tpu.memref_slice %arg4[%multiple_of3A_127, %dma_start3A_131] : memref<1000000x32xf32, #tpu.memory_space<hbm>> -> memref<8x32xf32, #tpu.memory_space<hbm>>
      %dma_start3A_133 = arith.constant 16 : i32
      %dma_start3A_134 = arith.constant 0 : i32
      %dma_start3A_135 = tpu.memref_slice %arg9[%dma_start3A_133, %dma_start3A_134] : memref<256x32xf32, #tpu.memory_space<vmem>> -> memref<8x32xf32, #tpu.memory_space<vmem>>
      %dma_start3A_136 = arith.constant 0 : i32
      %dma_start3A_137 = tpu.memref_slice %arg4[%multiple_of3A_127, %dma_start3A_136] : memref<1000000x32xf32, #tpu.memory_space<hbm>> -> memref<8x32xf32, #tpu.memory_space<hbm>>
      tpu.enqueue_dma source(%dma_start3A_137 : memref<8x32xf32, #tpu.memory_space<hbm>>) target(%dma_start3A_135 : memref<8x32xf32, #tpu.memory_space<vmem>>) target_semaphore(%arg12 : memref<!tpu.dma_semaphore, #tpu.memory_space<semaphore_mem>>)
      %eq3A_138 = arith.constant 2 : i32
      %eq3A_139 = vector.broadcast %eq3A_138 : i32 to vector<16xi32>
      %eq3A_140 = arith.cmpi eq, %iota3A, %eq3A_139 : vector<16xi32>
      %jit3A_141 = arith.constant 0 : i32
      %broadcast_in_dim3A_142 = vector.broadcast %jit3A_141 : i32 to vector<16xi32>
      %select_n3A_143 = arith.select %eq3A_140, %get3A_20, %broadcast_in_dim3A_142 : vector<16xi1>, vector<16xi32>
      %reduce_sum3A_144 = arith.constant true
      %reduce_sum3A_145 = vector.broadcast %reduce_sum3A_144 : i1 to vector<16xi1>
      %reduce_sum3A_146 = tpu.scan <sum>, %select_n3A_143 masked %reduce_sum3A_145 : vector<16xi32>, vector<16xi1> -> vector<16xi32>
      %reduce_sum3A_147 = vector.extract %reduce_sum3A_146[15] : i32 from vector<16xi32>
      %shift_right_arithmetic3A_148 = arith.constant 3 : i32
      %shift_right_arithmetic3A_149 = arith.shrsi %reduce_sum3A_147, %shift_right_arithmetic3A_148 : i32
      %mul3A_150 = arith.constant 8 : i32
      %mul3A_151 = arith.muli %shift_right_arithmetic3A_149, %mul3A_150 : i32
      %multiple_of3A_152 = tpu.assume_multiple %mul3A_151, 8 : i32
      %dma_start3A_153 = arith.constant 16 : i32
      %dma_start3A_154 = arith.constant 0 : i32
      %dma_start3A_155 = tpu.memref_slice %arg10[%dma_start3A_153, %dma_start3A_154] : memref<256x32xf32, #tpu.memory_space<vmem>> -> memref<8x32xf32, #tpu.memory_space<vmem>>
      %dma_start3A_156 = arith.constant 0 : i32
      %dma_start3A_157 = tpu.memref_slice %arg5[%multiple_of3A_152, %dma_start3A_156] : memref<1000000x32xf32, #tpu.memory_space<hbm>> -> memref<8x32xf32, #tpu.memory_space<hbm>>
      %dma_start3A_158 = arith.constant 16 : i32
      %dma_start3A_159 = arith.constant 0 : i32
      %dma_start3A_160 = tpu.memref_slice %arg10[%dma_start3A_158, %dma_start3A_159] : memref<256x32xf32, #tpu.memory_space<vmem>> -> memref<8x32xf32, #tpu.memory_space<vmem>>
      %dma_start3A_161 = arith.constant 0 : i32
      %dma_start3A_162 = tpu.memref_slice %arg5[%multiple_of3A_152, %dma_start3A_161] : memref<1000000x32xf32, #tpu.memory_space<hbm>> -> memref<8x32xf32, #tpu.memory_space<hbm>>
      tpu.enqueue_dma source(%dma_start3A_162 : memref<8x32xf32, #tpu.memory_space<hbm>>) target(%dma_start3A_160 : memref<8x32xf32, #tpu.memory_space<vmem>>) target_semaphore(%arg13 : memref<!tpu.dma_semaphore, #tpu.memory_space<semaphore_mem>>)
      %eq3A_163 = arith.constant 3 : i32
      %eq3A_164 = vector.broadcast %eq3A_163 : i32 to vector<16xi32>
      %eq3A_165 = arith.cmpi eq, %iota3A, %eq3A_164 : vector<16xi32>
      %jit3A_166 = arith.constant 0 : i32
      %broadcast_in_dim3A_167 = vector.broadcast %jit3A_166 : i32 to vector<16xi32>
      %select_n3A_168 = arith.select %eq3A_165, %get3A_16, %broadcast_in_dim3A_167 : vector<16xi1>, vector<16xi32>
      %reduce_sum3A_169 = arith.constant true
      %reduce_sum3A_170 = vector.broadcast %reduce_sum3A_169 : i1 to vector<16xi1>
      %reduce_sum3A_171 = tpu.scan <sum>, %select_n3A_168 masked %reduce_sum3A_170 : vector<16xi32>, vector<16xi1> -> vector<16xi32>
      %reduce_sum3A_172 = vector.extract %reduce_sum3A_171[15] : i32 from vector<16xi32>
      %shift_right_arithmetic3A_173 = arith.constant 3 : i32
      %shift_right_arithmetic3A_174 = arith.shrsi %reduce_sum3A_172, %shift_right_arithmetic3A_173 : i32
      %mul3A_175 = arith.constant 8 : i32
      %mul3A_176 = arith.muli %shift_right_arithmetic3A_174, %mul3A_175 : i32
      %multiple_of3A_177 = tpu.assume_multiple %mul3A_176, 8 : i32
      %dma_start3A_178 = arith.constant 24 : i32
      %dma_start3A_179 = arith.constant 0 : i32
      %dma_start3A_180 = tpu.memref_slice %arg9[%dma_start3A_178, %dma_start3A_179] : memref<256x32xf32, #tpu.memory_space<vmem>> -> memref<8x32xf32, #tpu.memory_space<vmem>>
      %dma_start3A_181 = arith.constant 0 : i32
      %dma_start3A_182 = tpu.memref_slice %arg4[%multiple_of3A_177, %dma_start3A_181] : memref<1000000x32xf32, #tpu.memory_space<hbm>> -> memref<8x32xf32, #tpu.memory_space<hbm>>
      %dma_start3A_183 = arith.constant 24 : i32
      %dma_start3A_184 = arith.constant 0 : i32
      %dma_start3A_185 = tpu.memref_slice %arg9[%dma_start3A_183, %dma_start3A_184] : memref<256x32xf32, #tpu.memory_space<vmem>> -> memref<8x32xf32, #tpu.memory_space<vmem>>
      %dma_start3A_186 = arith.constant 0 : i32
      %dma_start3A_187 = tpu.memref_slice %arg4[%multiple_of3A_177, %dma_start3A_186] : memref<1000000x32xf32, #tpu.memory_space<hbm>> -> memref<8x32xf32, #tpu.memory_space<hbm>>
      tpu.enqueue_dma source(%dma_start3A_187 : memref<8x32xf32, #tpu.memory_space<hbm>>) target(%dma_start3A_185 : memref<8x32xf32, #tpu.memory_space<vmem>>) target_semaphore(%arg12 : memref<!tpu.dma_semaphore, #tpu.memory_space<semaphore_mem>>)
      %eq3A_188 = arith.constant 3 : i32
      %eq3A_189 = vector.broadcast %eq3A_188 : i32 to vector<16xi32>
      %eq3A_190 = arith.cmpi eq, %iota3A, %eq3A_189 : vector<16xi32>
      %jit3A_191 = arith.constant 0 : i32
      %broadcast_in_dim3A_192 = vector.broadcast %jit3A_191 : i32 to vector<16xi32>
      %select_n3A_193 = arith.select %eq3A_190, %get3A_20, %broadcast_in_dim3A_192 : vector<16xi1>, vector<16xi32>
      %reduce_sum3A_194 = arith.constant true
      %reduce_sum3A_195 = vector.broadcast %reduce_sum3A_194 : i1 to vector<16xi1>
      %reduce_sum3A_196 = tpu.scan <sum>, %select_n3A_193 masked %reduce_sum3A_195 : vector<16xi32>, vector<16xi1> -> vector<16xi32>
      %reduce_sum3A_197 = vector.extract %reduce_sum3A_196[15] : i32 from vector<16xi32>
      %shift_right_arithmetic3A_198 = arith.constant 3 : i32
      %shift_right_arithmetic3A_199 = arith.shrsi %reduce_sum3A_197, %shift_right_arithmetic3A_198 : i32
      %mul3A_200 = arith.constant 8 : i32
      %mul3A_201 = arith.muli %shift_right_arithmetic3A_199, %mul3A_200 : i32
      %multiple_of3A_202 = tpu.assume_multiple %mul3A_201, 8 : i32
      %dma_start3A_203 = arith.constant 24 : i32
      %dma_start3A_204 = arith.constant 0 : i32
      %dma_start3A_205 = tpu.memref_slice %arg10[%dma_start3A_203, %dma_start3A_204] : memref<256x32xf32, #tpu.memory_space<vmem>> -> memref<8x32xf32, #tpu.memory_space<vmem>>
      %dma_start3A_206 = arith.constant 0 : i32
      %dma_start3A_207 = tpu.memref_slice %arg5[%multiple_of3A_202, %dma_start3A_206] : memref<1000000x32xf32, #tpu.memory_space<hbm>> -> memref<8x32xf32, #tpu.memory_space<hbm>>
      %dma_start3A_208 = arith.constant 24 : i32
      %dma_start3A_209 = arith.constant 0 : i32
      %dma_start3A_210 = tpu.memref_slice %arg10[%dma_start3A_208, %dma_start3A_209] : memref<256x32xf32, #tpu.memory_space<vmem>> -> memref<8x32xf32, #tpu.memory_space<vmem>>
      %dma_start3A_211 = arith.constant 0 : i32
      %dma_start3A_212 = tpu.memref_slice %arg5[%multiple_of3A_202, %dma_start3A_211] : memref<1000000x32xf32, #tpu.memory_space<hbm>> -> memref<8x32xf32, #tpu.memory_space<hbm>>
      tpu.enqueue_dma source(%dma_start3A_212 : memref<8x32xf32, #tpu.memory_space<hbm>>) target(%dma_start3A_210 : memref<8x32xf32, #tpu.memory_space<vmem>>) target_semaphore(%arg13 : memref<!tpu.dma_semaphore, #tpu.memory_space<semaphore_mem>>)
      %eq3A_213 = arith.constant 4 : i32
      %eq3A_214 = vector.broadcast %eq3A_213 : i32 to vector<16xi32>
      %eq3A_215 = arith.cmpi eq, %iota3A, %eq3A_214 : vector<16xi32>
      %jit3A_216 = arith.constant 0 : i32
      %broadcast_in_dim3A_217 = vector.broadcast %jit3A_216 : i32 to vector<16xi32>
      %select_n3A_218 = arith.select %eq3A_215, %get3A_16, %broadcast_in_dim3A_217 : vector<16xi1>, vector<16xi32>
      %reduce_sum3A_219 = arith.constant true
      %reduce_sum3A_220 = vector.broadcast %reduce_sum3A_219 : i1 to vector<16xi1>
      %reduce_sum3A_221 = tpu.scan <sum>, %select_n3A_218 masked %reduce_sum3A_220 : vector<16xi32>, vector<16xi1> -> vector<16xi32>
      %reduce_sum3A_222 = vector.extract %reduce_sum3A_221[15] : i32 from vector<16xi32>
      %shift_right_arithmetic3A_223 = arith.constant 3 : i32
      %shift_right_arithmetic3A_224 = arith.shrsi %reduce_sum3A_222, %shift_right_arithmetic3A_223 : i32
      %mul3A_225 = arith.constant 8 : i32
      %mul3A_226 = arith.muli %shift_right_arithmetic3A_224, %mul3A_225 : i32
      %multiple_of3A_227 = tpu.assume_multiple %mul3A_226, 8 : i32
      %dma_start3A_228 = arith.constant 32 : i32
      %dma_start3A_229 = arith.constant 0 : i32
      %dma_start3A_230 = tpu.memref_slice %arg9[%dma_start3A_228, %dma_start3A_229] : memref<256x32xf32, #tpu.memory_space<vmem>> -> memref<8x32xf32, #tpu.memory_space<vmem>>
      %dma_start3A_231 = arith.constant 0 : i32
      %dma_start3A_232 = tpu.memref_slice %arg4[%multiple_of3A_227, %dma_start3A_231] : memref<1000000x32xf32, #tpu.memory_space<hbm>> -> memref<8x32xf32, #tpu.memory_space<hbm>>
      %dma_start3A_233 = arith.constant 32 : i32
      %dma_start3A_234 = arith.constant 0 : i32
      %dma_start3A_235 = tpu.memref_slice %arg9[%dma_start3A_233, %dma_start3A_234] : memref<256x32xf32, #tpu.memory_space<vmem>> -> memref<8x32xf32, #tpu.memory_space<vmem>>
      %dma_start3A_236 = arith.constant 0 : i32
      %dma_start3A_237 = tpu.memref_slice %arg4[%multiple_of3A_227, %dma_start3A_236] : memref<1000000x32xf32, #tpu.memory_space<hbm>> -> memref<8x32xf32, #tpu.memory_space<hbm>>
      tpu.enqueue_dma source(%dma_start3A_237 : memref<8x32xf32, #tpu.memory_space<hbm>>) target(%dma_start3A_235 : memref<8x32xf32, #tpu.memory_space<vmem>>) target_semaphore(%arg12 : memref<!tpu.dma_semaphore, #tpu.memory_space<semaphore_mem>>)
      %eq3A_238 = arith.constant 4 : i32
      %eq3A_239 = vector.broadcast %eq3A_238 : i32 to vector<16xi32>
      %eq3A_240 = arith.cmpi eq, %iota3A, %eq3A_239 : vector<16xi32>
      %jit3A_241 = arith.constant 0 : i32
      %broadcast_in_dim3A_242 = vector.broadcast %jit3A_241 : i32 to vector<16xi32>
      %select_n3A_243 = arith.select %eq3A_240, %get3A_20, %broadcast_in_dim3A_242 : vector<16xi1>, vector<16xi32>
      %reduce_sum3A_244 = arith.constant true
      %reduce_sum3A_245 = vector.broadcast %reduce_sum3A_244 : i1 to vector<16xi1>
      %reduce_sum3A_246 = tpu.scan <sum>, %select_n3A_243 masked %reduce_sum3A_245 : vector<16xi32>, vector<16xi1> -> vector<16xi32>
      %reduce_sum3A_247 = vector.extract %reduce_sum3A_246[15] : i32 from vector<16xi32>
      %shift_right_arithmetic3A_248 = arith.constant 3 : i32
      %shift_right_arithmetic3A_249 = arith.shrsi %reduce_sum3A_247, %shift_right_arithmetic3A_248 : i32
      %mul3A_250 = arith.constant 8 : i32
      %mul3A_251 = arith.muli %shift_right_arithmetic3A_249, %mul3A_250 : i32
      %multiple_of3A_252 = tpu.assume_multiple %mul3A_251, 8 : i32
      %dma_start3A_253 = arith.constant 32 : i32
      %dma_start3A_254 = arith.constant 0 : i32
      %dma_start3A_255 = tpu.memref_slice %arg10[%dma_start3A_253, %dma_start3A_254] : memref<256x32xf32, #tpu.memory_space<vmem>> -> memref<8x32xf32, #tpu.memory_space<vmem>>
      %dma_start3A_256 = arith.constant 0 : i32
      %dma_start3A_257 = tpu.memref_slice %arg5[%multiple_of3A_252, %dma_start3A_256] : memref<1000000x32xf32, #tpu.memory_space<hbm>> -> memref<8x32xf32, #tpu.memory_space<hbm>>
      %dma_start3A_258 = arith.constant 32 : i32
      %dma_start3A_259 = arith.constant 0 : i32
      %dma_start3A_260 = tpu.memref_slice %arg10[%dma_start3A_258, %dma_start3A_259] : memref<256x32xf32, #tpu.memory_space<vmem>> -> memref<8x32xf32, #tpu.memory_space<vmem>>
      %dma_start3A_261 = arith.constant 0 : i32
      %dma_start3A_262 = tpu.memref_slice %arg5[%multiple_of3A_252, %dma_start3A_261] : memref<1000000x32xf32, #tpu.memory_space<hbm>> -> memref<8x32xf32, #tpu.memory_space<hbm>>
      tpu.enqueue_dma source(%dma_start3A_262 : memref<8x32xf32, #tpu.memory_space<hbm>>) target(%dma_start3A_260 : memref<8x32xf32, #tpu.memory_space<vmem>>) target_semaphore(%arg13 : memref<!tpu.dma_semaphore, #tpu.memory_space<semaphore_mem>>)
      %eq3A_263 = arith.constant 5 : i32
      %eq3A_264 = vector.broadcast %eq3A_263 : i32 to vector<16xi32>
      %eq3A_265 = arith.cmpi eq, %iota3A, %eq3A_264 : vector<16xi32>
      %jit3A_266 = arith.constant 0 : i32
      %broadcast_in_dim3A_267 = vector.broadcast %jit3A_266 : i32 to vector<16xi32>
      %select_n3A_268 = arith.select %eq3A_265, %get3A_16, %broadcast_in_dim3A_267 : vector<16xi1>, vector<16xi32>
      %reduce_sum3A_269 = arith.constant true
      %reduce_sum3A_270 = vector.broadcast %reduce_sum3A_269 : i1 to vector<16xi1>
      %reduce_sum3A_271 = tpu.scan <sum>, %select_n3A_268 masked %reduce_sum3A_270 : vector<16xi32>, vector<16xi1> -> vector<16xi32>
      %reduce_sum3A_272 = vector.extract %reduce_sum3A_271[15] : i32 from vector<16xi32>
      %shift_right_arithmetic3A_273 = arith.constant 3 : i32
      %shift_right_arithmetic3A_274 = arith.shrsi %reduce_sum3A_272, %shift_right_arithmetic3A_273 : i32
      %mul3A_275 = arith.constant 8 : i32
      %mul3A_276 = arith.muli %shift_right_arithmetic3A_274, %mul3A_275 : i32
      %multiple_of3A_277 = tpu.assume_multiple %mul3A_276, 8 : i32
      %dma_start3A_278 = arith.constant 40 : i32
      %dma_start3A_279 = arith.constant 0 : i32
      %dma_start3A_280 = tpu.memref_slice %arg9[%dma_start3A_278, %dma_start3A_279] : memref<256x32xf32, #tpu.memory_space<vmem>> -> memref<8x32xf32, #tpu.memory_space<vmem>>
      %dma_start3A_281 = arith.constant 0 : i32
      %dma_start3A_282 = tpu.memref_slice %arg4[%multiple_of3A_277, %dma_start3A_281] : memref<1000000x32xf32, #tpu.memory_space<hbm>> -> memref<8x32xf32, #tpu.memory_space<hbm>>
      %dma_start3A_283 = arith.constant 40 : i32
      %dma_start3A_284 = arith.constant 0 : i32
      %dma_start3A_285 = tpu.memref_slice %arg9[%dma_start3A_283, %dma_start3A_284] : memref<256x32xf32, #tpu.memory_space<vmem>> -> memref<8x32xf32, #tpu.memory_space<vmem>>
      %dma_start3A_286 = arith.constant 0 : i32
      %dma_start3A_287 = tpu.memref_slice %arg4[%multiple_of3A_277, %dma_start3A_286] : memref<1000000x32xf32, #tpu.memory_space<hbm>> -> memref<8x32xf32, #tpu.memory_space<hbm>>
      tpu.enqueue_dma source(%dma_start3A_287 : memref<8x32xf32, #tpu.memory_space<hbm>>) target(%dma_start3A_285 : memref<8x32xf32, #tpu.memory_space<vmem>>) target_semaphore(%arg12 : memref<!tpu.dma_semaphore, #tpu.memory_space<semaphore_mem>>)
      %eq3A_288 = arith.constant 5 : i32
      %eq3A_289 = vector.broadcast %eq3A_288 : i32 to vector<16xi32>
      %eq3A_290 = arith.cmpi eq, %iota3A, %eq3A_289 : vector<16xi32>
      %jit3A_291 = arith.constant 0 : i32
      %broadcast_in_dim3A_292 = vector.broadcast %jit3A_291 : i32 to vector<16xi32>
      %select_n3A_293 = arith.select %eq3A_290, %get3A_20, %broadcast_in_dim3A_292 : vector<16xi1>, vector<16xi32>
      %reduce_sum3A_294 = arith.constant true
      %reduce_sum3A_295 = vector.broadcast %reduce_sum3A_294 : i1 to vector<16xi1>
      %reduce_sum3A_296 = tpu.scan <sum>, %select_n3A_293 masked %reduce_sum3A_295 : vector<16xi32>, vector<16xi1> -> vector<16xi32>
      %reduce_sum3A_297 = vector.extract %reduce_sum3A_296[15] : i32 from vector<16xi32>
      %shift_right_arithmetic3A_298 = arith.constant 3 : i32
      %shift_right_arithmetic3A_299 = arith.shrsi %reduce_sum3A_297, %shift_right_arithmetic3A_298 : i32
      %mul3A_300 = arith.constant 8 : i32
      %mul3A_301 = arith.muli %shift_right_arithmetic3A_299, %mul3A_300 : i32
      %multiple_of3A_302 = tpu.assume_multiple %mul3A_301, 8 : i32
      %dma_start3A_303 = arith.constant 40 : i32
      %dma_start3A_304 = arith.constant 0 : i32
      %dma_start3A_305 = tpu.memref_slice %arg10[%dma_start3A_303, %dma_start3A_304] : memref<256x32xf32, #tpu.memory_space<vmem>> -> memref<8x32xf32, #tpu.memory_space<vmem>>
      %dma_start3A_306 = arith.constant 0 : i32
      %dma_start3A_307 = tpu.memref_slice %arg5[%multiple_of3A_302, %dma_start3A_306] : memref<1000000x32xf32, #tpu.memory_space<hbm>> -> memref<8x32xf32, #tpu.memory_space<hbm>>
      %dma_start3A_308 = arith.constant 40 : i32
      %dma_start3A_309 = arith.constant 0 : i32
      %dma_start3A_310 = tpu.memref_slice %arg10[%dma_start3A_308, %dma_start3A_309] : memref<256x32xf32, #tpu.memory_space<vmem>> -> memref<8x32xf32, #tpu.memory_space<vmem>>
      %dma_start3A_311 = arith.constant 0 : i32
      %dma_start3A_312 = tpu.memref_slice %arg5[%multiple_of3A_302, %dma_start3A_311] : memref<1000000x32xf32, #tpu.memory_space<hbm>> -> memref<8x32xf32, #tpu.memory_space<hbm>>
      tpu.enqueue_dma source(%dma_start3A_312 : memref<8x32xf32, #tpu.memory_space<hbm>>) target(%dma_start3A_310 : memref<8x32xf32, #tpu.memory_space<vmem>>) target_semaphore(%arg13 : memref<!tpu.dma_semaphore, #tpu.memory_space<semaphore_mem>>)
      %eq3A_313 = arith.constant 6 : i32
      %eq3A_314 = vector.broadcast %eq3A_313 : i32 to vector<16xi32>
      %eq3A_315 = arith.cmpi eq, %iota3A, %eq3A_314 : vector<16xi32>
      %jit3A_316 = arith.constant 0 : i32
      %broadcast_in_dim3A_317 = vector.broadcast %jit3A_316 : i32 to vector<16xi32>
      %select_n3A_318 = arith.select %eq3A_315, %get3A_16, %broadcast_in_dim3A_317 : vector<16xi1>, vector<16xi32>
      %reduce_sum3A_319 = arith.constant true
      %reduce_sum3A_320 = vector.broadcast %reduce_sum3A_319 : i1 to vector<16xi1>
      %reduce_sum3A_321 = tpu.scan <sum>, %select_n3A_318 masked %reduce_sum3A_320 : vector<16xi32>, vector<16xi1> -> vector<16xi32>
      %reduce_sum3A_322 = vector.extract %reduce_sum3A_321[15] : i32 from vector<16xi32>
      %shift_right_arithmetic3A_323 = arith.constant 3 : i32
      %shift_right_arithmetic3A_324 = arith.shrsi %reduce_sum3A_322, %shift_right_arithmetic3A_323 : i32
      %mul3A_325 = arith.constant 8 : i32
      %mul3A_326 = arith.muli %shift_right_arithmetic3A_324, %mul3A_325 : i32
      %multiple_of3A_327 = tpu.assume_multiple %mul3A_326, 8 : i32
      %dma_start3A_328 = arith.constant 48 : i32
      %dma_start3A_329 = arith.constant 0 : i32
      %dma_start3A_330 = tpu.memref_slice %arg9[%dma_start3A_328, %dma_start3A_329] : memref<256x32xf32, #tpu.memory_space<vmem>> -> memref<8x32xf32, #tpu.memory_space<vmem>>
      %dma_start3A_331 = arith.constant 0 : i32
      %dma_start3A_332 = tpu.memref_slice %arg4[%multiple_of3A_327, %dma_start3A_331] : memref<1000000x32xf32, #tpu.memory_space<hbm>> -> memref<8x32xf32, #tpu.memory_space<hbm>>
      %dma_start3A_333 = arith.constant 48 : i32
      %dma_start3A_334 = arith.constant 0 : i32
      %dma_start3A_335 = tpu.memref_slice %arg9[%dma_start3A_333, %dma_start3A_334] : memref<256x32xf32, #tpu.memory_space<vmem>> -> memref<8x32xf32, #tpu.memory_space<vmem>>
      %dma_start3A_336 = arith.constant 0 : i32
      %dma_start3A_337 = tpu.memref_slice %arg4[%multiple_of3A_327, %dma_start3A_336] : memref<1000000x32xf32, #tpu.memory_space<hbm>> -> memref<8x32xf32, #tpu.memory_space<hbm>>
      tpu.enqueue_dma source(%dma_start3A_337 : memref<8x32xf32, #tpu.memory_space<hbm>>) target(%dma_start3A_335 : memref<8x32xf32, #tpu.memory_space<vmem>>) target_semaphore(%arg12 : memref<!tpu.dma_semaphore, #tpu.memory_space<semaphore_mem>>)
      %eq3A_338 = arith.constant 6 : i32
      %eq3A_339 = vector.broadcast %eq3A_338 : i32 to vector<16xi32>
      %eq3A_340 = arith.cmpi eq, %iota3A, %eq3A_339 : vector<16xi32>
      %jit3A_341 = arith.constant 0 : i32
      %broadcast_in_dim3A_342 = vector.broadcast %jit3A_341 : i32 to vector<16xi32>
      %select_n3A_343 = arith.select %eq3A_340, %get3A_20, %broadcast_in_dim3A_342 : vector<16xi1>, vector<16xi32>
      %reduce_sum3A_344 = arith.constant true
      %reduce_sum3A_345 = vector.broadcast %reduce_sum3A_344 : i1 to vector<16xi1>
      %reduce_sum3A_346 = tpu.scan <sum>, %select_n3A_343 masked %reduce_sum3A_345 : vector<16xi32>, vector<16xi1> -> vector<16xi32>
      %reduce_sum3A_347 = vector.extract %reduce_sum3A_346[15] : i32 from vector<16xi32>
      %shift_right_arithmetic3A_348 = arith.constant 3 : i32
      %shift_right_arithmetic3A_349 = arith.shrsi %reduce_sum3A_347, %shift_right_arithmetic3A_348 : i32
      %mul3A_350 = arith.constant 8 : i32
      %mul3A_351 = arith.muli %shift_right_arithmetic3A_349, %mul3A_350 : i32
      %multiple_of3A_352 = tpu.assume_multiple %mul3A_351, 8 : i32
      %dma_start3A_353 = arith.constant 48 : i32
      %dma_start3A_354 = arith.constant 0 : i32
      %dma_start3A_355 = tpu.memref_slice %arg10[%dma_start3A_353, %dma_start3A_354] : memref<256x32xf32, #tpu.memory_space<vmem>> -> memref<8x32xf32, #tpu.memory_space<vmem>>
      %dma_start3A_356 = arith.constant 0 : i32
      %dma_start3A_357 = tpu.memref_slice %arg5[%multiple_of3A_352, %dma_start3A_356] : memref<1000000x32xf32, #tpu.memory_space<hbm>> -> memref<8x32xf32, #tpu.memory_space<hbm>>
      %dma_start3A_358 = arith.constant 48 : i32
      %dma_start3A_359 = arith.constant 0 : i32
      %dma_start3A_360 = tpu.memref_slice %arg10[%dma_start3A_358, %dma_start3A_359] : memref<256x32xf32, #tpu.memory_space<vmem>> -> memref<8x32xf32, #tpu.memory_space<vmem>>
      %dma_start3A_361 = arith.constant 0 : i32
      %dma_start3A_362 = tpu.memref_slice %arg5[%multiple_of3A_352, %dma_start3A_361] : memref<1000000x32xf32, #tpu.memory_space<hbm>> -> memref<8x32xf32, #tpu.memory_space<hbm>>
      tpu.enqueue_dma source(%dma_start3A_362 : memref<8x32xf32, #tpu.memory_space<hbm>>) target(%dma_start3A_360 : memref<8x32xf32, #tpu.memory_space<vmem>>) target_semaphore(%arg13 : memref<!tpu.dma_semaphore, #tpu.memory_space<semaphore_mem>>)
      %eq3A_363 = arith.constant 7 : i32
      %eq3A_364 = vector.broadcast %eq3A_363 : i32 to vector<16xi32>
      %eq3A_365 = arith.cmpi eq, %iota3A, %eq3A_364 : vector<16xi32>
      %jit3A_366 = arith.constant 0 : i32
      %broadcast_in_dim3A_367 = vector.broadcast %jit3A_366 : i32 to vector<16xi32>
      %select_n3A_368 = arith.select %eq3A_365, %get3A_16, %broadcast_in_dim3A_367 : vector<16xi1>, vector<16xi32>
      %reduce_sum3A_369 = arith.constant true
      %reduce_sum3A_370 = vector.broadcast %reduce_sum3A_369 : i1 to vector<16xi1>
      %reduce_sum3A_371 = tpu.scan <sum>, %select_n3A_368 masked %reduce_sum3A_370 : vector<16xi32>, vector<16xi1> -> vector<16xi32>
      %reduce_sum3A_372 = vector.extract %reduce_sum3A_371[15] : i32 from vector<16xi32>
      %shift_right_arithmetic3A_373 = arith.constant 3 : i32
      %shift_right_arithmetic3A_374 = arith.shrsi %reduce_sum3A_372, %shift_right_arithmetic3A_373 : i32
      %mul3A_375 = arith.constant 8 : i32
      %mul3A_376 = arith.muli %shift_right_arithmetic3A_374, %mul3A_375 : i32
      %multiple_of3A_377 = tpu.assume_multiple %mul3A_376, 8 : i32
      %dma_start3A_378 = arith.constant 56 : i32
      %dma_start3A_379 = arith.constant 0 : i32
      %dma_start3A_380 = tpu.memref_slice %arg9[%dma_start3A_378, %dma_start3A_379] : memref<256x32xf32, #tpu.memory_space<vmem>> -> memref<8x32xf32, #tpu.memory_space<vmem>>
      %dma_start3A_381 = arith.constant 0 : i32
      %dma_start3A_382 = tpu.memref_slice %arg4[%multiple_of3A_377, %dma_start3A_381] : memref<1000000x32xf32, #tpu.memory_space<hbm>> -> memref<8x32xf32, #tpu.memory_space<hbm>>
      %dma_start3A_383 = arith.constant 56 : i32
      %dma_start3A_384 = arith.constant 0 : i32
      %dma_start3A_385 = tpu.memref_slice %arg9[%dma_start3A_383, %dma_start3A_384] : memref<256x32xf32, #tpu.memory_space<vmem>> -> memref<8x32xf32, #tpu.memory_space<vmem>>
      %dma_start3A_386 = arith.constant 0 : i32
      %dma_start3A_387 = tpu.memref_slice %arg4[%multiple_of3A_377, %dma_start3A_386] : memref<1000000x32xf32, #tpu.memory_space<hbm>> -> memref<8x32xf32, #tpu.memory_space<hbm>>
      tpu.enqueue_dma source(%dma_start3A_387 : memref<8x32xf32, #tpu.memory_space<hbm>>) target(%dma_start3A_385 : memref<8x32xf32, #tpu.memory_space<vmem>>) target_semaphore(%arg12 : memref<!tpu.dma_semaphore, #tpu.memory_space<semaphore_mem>>)
      %eq3A_388 = arith.constant 7 : i32
      %eq3A_389 = vector.broadcast %eq3A_388 : i32 to vector<16xi32>
      %eq3A_390 = arith.cmpi eq, %iota3A, %eq3A_389 : vector<16xi32>
      %jit3A_391 = arith.constant 0 : i32
      %broadcast_in_dim3A_392 = vector.broadcast %jit3A_391 : i32 to vector<16xi32>
      %select_n3A_393 = arith.select %eq3A_390, %get3A_20, %broadcast_in_dim3A_392 : vector<16xi1>, vector<16xi32>
      %reduce_sum3A_394 = arith.constant true
      %reduce_sum3A_395 = vector.broadcast %reduce_sum3A_394 : i1 to vector<16xi1>
      %reduce_sum3A_396 = tpu.scan <sum>, %select_n3A_393 masked %reduce_sum3A_395 : vector<16xi32>, vector<16xi1> -> vector<16xi32>
      %reduce_sum3A_397 = vector.extract %reduce_sum3A_396[15] : i32 from vector<16xi32>
      %shift_right_arithmetic3A_398 = arith.constant 3 : i32
      %shift_right_arithmetic3A_399 = arith.shrsi %reduce_sum3A_397, %shift_right_arithmetic3A_398 : i32
      %mul3A_400 = arith.constant 8 : i32
      %mul3A_401 = arith.muli %shift_right_arithmetic3A_399, %mul3A_400 : i32
      %multiple_of3A_402 = tpu.assume_multiple %mul3A_401, 8 : i32
      %dma_start3A_403 = arith.constant 56 : i32
      %dma_start3A_404 = arith.constant 0 : i32
      %dma_start3A_405 = tpu.memref_slice %arg10[%dma_start3A_403, %dma_start3A_404] : memref<256x32xf32, #tpu.memory_space<vmem>> -> memref<8x32xf32, #tpu.memory_space<vmem>>
      %dma_start3A_406 = arith.constant 0 : i32
      %dma_start3A_407 = tpu.memref_slice %arg5[%multiple_of3A_402, %dma_start3A_406] : memref<1000000x32xf32, #tpu.memory_space<hbm>> -> memref<8x32xf32, #tpu.memory_space<hbm>>
      %dma_start3A_408 = arith.constant 56 : i32
      %dma_start3A_409 = arith.constant 0 : i32
      %dma_start3A_410 = tpu.memref_slice %arg10[%dma_start3A_408, %dma_start3A_409] : memref<256x32xf32, #tpu.memory_space<vmem>> -> memref<8x32xf32, #tpu.memory_space<vmem>>
      %dma_start3A_411 = arith.constant 0 : i32
      %dma_start3A_412 = tpu.memref_slice %arg5[%multiple_of3A_402, %dma_start3A_411] : memref<1000000x32xf32, #tpu.memory_space<hbm>> -> memref<8x32xf32, #tpu.memory_space<hbm>>
      tpu.enqueue_dma source(%dma_start3A_412 : memref<8x32xf32, #tpu.memory_space<hbm>>) target(%dma_start3A_410 : memref<8x32xf32, #tpu.memory_space<vmem>>) target_semaphore(%arg13 : memref<!tpu.dma_semaphore, #tpu.memory_space<semaphore_mem>>)
      %eq3A_413 = arith.constant 8 : i32
      %eq3A_414 = vector.broadcast %eq3A_413 : i32 to vector<16xi32>
      %eq3A_415 = arith.cmpi eq, %iota3A, %eq3A_414 : vector<16xi32>
      %jit3A_416 = arith.constant 0 : i32
      %broadcast_in_dim3A_417 = vector.broadcast %jit3A_416 : i32 to vector<16xi32>
      %select_n3A_418 = arith.select %eq3A_415, %get3A_16, %broadcast_in_dim3A_417 : vector<16xi1>, vector<16xi32>
      %reduce_sum3A_419 = arith.constant true
      %reduce_sum3A_420 = vector.broadcast %reduce_sum3A_419 : i1 to vector<16xi1>
      %reduce_sum3A_421 = tpu.scan <sum>, %select_n3A_418 masked %reduce_sum3A_420 : vector<16xi32>, vector<16xi1> -> vector<16xi32>
      %reduce_sum3A_422 = vector.extract %reduce_sum3A_421[15] : i32 from vector<16xi32>
      %shift_right_arithmetic3A_423 = arith.constant 3 : i32
      %shift_right_arithmetic3A_424 = arith.shrsi %reduce_sum3A_422, %shift_right_arithmetic3A_423 : i32
      %mul3A_425 = arith.constant 8 : i32
      %mul3A_426 = arith.muli %shift_right_arithmetic3A_424, %mul3A_425 : i32
      %multiple_of3A_427 = tpu.assume_multiple %mul3A_426, 8 : i32
      %dma_start3A_428 = arith.constant 64 : i32
      %dma_start3A_429 = arith.constant 0 : i32
      %dma_start3A_430 = tpu.memref_slice %arg9[%dma_start3A_428, %dma_start3A_429] : memref<256x32xf32, #tpu.memory_space<vmem>> -> memref<8x32xf32, #tpu.memory_space<vmem>>
      %dma_start3A_431 = arith.constant 0 : i32
      %dma_start3A_432 = tpu.memref_slice %arg4[%multiple_of3A_427, %dma_start3A_431] : memref<1000000x32xf32, #tpu.memory_space<hbm>> -> memref<8x32xf32, #tpu.memory_space<hbm>>
      %dma_start3A_433 = arith.constant 64 : i32
      %dma_start3A_434 = arith.constant 0 : i32
      %dma_start3A_435 = tpu.memref_slice %arg9[%dma_start3A_433, %dma_start3A_434] : memref<256x32xf32, #tpu.memory_space<vmem>> -> memref<8x32xf32, #tpu.memory_space<vmem>>
      %dma_start3A_436 = arith.constant 0 : i32
      %dma_start3A_437 = tpu.memref_slice %arg4[%multiple_of3A_427, %dma_start3A_436] : memref<1000000x32xf32, #tpu.memory_space<hbm>> -> memref<8x32xf32, #tpu.memory_space<hbm>>
      tpu.enqueue_dma source(%dma_start3A_437 : memref<8x32xf32, #tpu.memory_space<hbm>>) target(%dma_start3A_435 : memref<8x32xf32, #tpu.memory_space<vmem>>) target_semaphore(%arg12 : memref<!tpu.dma_semaphore, #tpu.memory_space<semaphore_mem>>)
      %eq3A_438 = arith.constant 8 : i32
      %eq3A_439 = vector.broadcast %eq3A_438 : i32 to vector<16xi32>
      %eq3A_440 = arith.cmpi eq, %iota3A, %eq3A_439 : vector<16xi32>
      %jit3A_441 = arith.constant 0 : i32
      %broadcast_in_dim3A_442 = vector.broadcast %jit3A_441 : i32 to vector<16xi32>
      %select_n3A_443 = arith.select %eq3A_440, %get3A_20, %broadcast_in_dim3A_442 : vector<16xi1>, vector<16xi32>
      %reduce_sum3A_444 = arith.constant true
      %reduce_sum3A_445 = vector.broadcast %reduce_sum3A_444 : i1 to vector<16xi1>
      %reduce_sum3A_446 = tpu.scan <sum>, %select_n3A_443 masked %reduce_sum3A_445 : vector<16xi32>, vector<16xi1> -> vector<16xi32>
      %reduce_sum3A_447 = vector.extract %reduce_sum3A_446[15] : i32 from vector<16xi32>
      %shift_right_arithmetic3A_448 = arith.constant 3 : i32
      %shift_right_arithmetic3A_449 = arith.shrsi %reduce_sum3A_447, %shift_right_arithmetic3A_448 : i32
      %mul3A_450 = arith.constant 8 : i32
      %mul3A_451 = arith.muli %shift_right_arithmetic3A_449, %mul3A_450 : i32
      %multiple_of3A_452 = tpu.assume_multiple %mul3A_451, 8 : i32
      %dma_start3A_453 = arith.constant 64 : i32
      %dma_start3A_454 = arith.constant 0 : i32
      %dma_start3A_455 = tpu.memref_slice %arg10[%dma_start3A_453, %dma_start3A_454] : memref<256x32xf32, #tpu.memory_space<vmem>> -> memref<8x32xf32, #tpu.memory_space<vmem>>
      %dma_start3A_456 = arith.constant 0 : i32
      %dma_start3A_457 = tpu.memref_slice %arg5[%multiple_of3A_452, %dma_start3A_456] : memref<1000000x32xf32, #tpu.memory_space<hbm>> -> memref<8x32xf32, #tpu.memory_space<hbm>>
      %dma_start3A_458 = arith.constant 64 : i32
      %dma_start3A_459 = arith.constant 0 : i32
      %dma_start3A_460 = tpu.memref_slice %arg10[%dma_start3A_458, %dma_start3A_459] : memref<256x32xf32, #tpu.memory_space<vmem>> -> memref<8x32xf32, #tpu.memory_space<vmem>>
      %dma_start3A_461 = arith.constant 0 : i32
      %dma_start3A_462 = tpu.memref_slice %arg5[%multiple_of3A_452, %dma_start3A_461] : memref<1000000x32xf32, #tpu.memory_space<hbm>> -> memref<8x32xf32, #tpu.memory_space<hbm>>
      tpu.enqueue_dma source(%dma_start3A_462 : memref<8x32xf32, #tpu.memory_space<hbm>>) target(%dma_start3A_460 : memref<8x32xf32, #tpu.memory_space<vmem>>) target_semaphore(%arg13 : memref<!tpu.dma_semaphore, #tpu.memory_space<semaphore_mem>>)
      %eq3A_463 = arith.constant 9 : i32
      %eq3A_464 = vector.broadcast %eq3A_463 : i32 to vector<16xi32>
      %eq3A_465 = arith.cmpi eq, %iota3A, %eq3A_464 : vector<16xi32>
      %jit3A_466 = arith.constant 0 : i32
      %broadcast_in_dim3A_467 = vector.broadcast %jit3A_466 : i32 to vector<16xi32>
      %select_n3A_468 = arith.select %eq3A_465, %get3A_16, %broadcast_in_dim3A_467 : vector<16xi1>, vector<16xi32>
      %reduce_sum3A_469 = arith.constant true
      %reduce_sum3A_470 = vector.broadcast %reduce_sum3A_469 : i1 to vector<16xi1>
      %reduce_sum3A_471 = tpu.scan <sum>, %select_n3A_468 masked %reduce_sum3A_470 : vector<16xi32>, vector<16xi1> -> vector<16xi32>
      %reduce_sum3A_472 = vector.extract %reduce_sum3A_471[15] : i32 from vector<16xi32>
      %shift_right_arithmetic3A_473 = arith.constant 3 : i32
      %shift_right_arithmetic3A_474 = arith.shrsi %reduce_sum3A_472, %shift_right_arithmetic3A_473 : i32
      %mul3A_475 = arith.constant 8 : i32
      %mul3A_476 = arith.muli %shift_right_arithmetic3A_474, %mul3A_475 : i32
      %multiple_of3A_477 = tpu.assume_multiple %mul3A_476, 8 : i32
      %dma_start3A_478 = arith.constant 72 : i32
      %dma_start3A_479 = arith.constant 0 : i32
      %dma_start3A_480 = tpu.memref_slice %arg9[%dma_start3A_478, %dma_start3A_479] : memref<256x32xf32, #tpu.memory_space<vmem>> -> memref<8x32xf32, #tpu.memory_space<vmem>>
      %dma_start3A_481 = arith.constant 0 : i32
      %dma_start3A_482 = tpu.memref_slice %arg4[%multiple_of3A_477, %dma_start3A_481] : memref<1000000x32xf32, #tpu.memory_space<hbm>> -> memref<8x32xf32, #tpu.memory_space<hbm>>
      %dma_start3A_483 = arith.constant 72 : i32
      %dma_start3A_484 = arith.constant 0 : i32
      %dma_start3A_485 = tpu.memref_slice %arg9[%dma_start3A_483, %dma_start3A_484] : memref<256x32xf32, #tpu.memory_space<vmem>> -> memref<8x32xf32, #tpu.memory_space<vmem>>
      %dma_start3A_486 = arith.constant 0 : i32
      %dma_start3A_487 = tpu.memref_slice %arg4[%multiple_of3A_477, %dma_start3A_486] : memref<1000000x32xf32, #tpu.memory_space<hbm>> -> memref<8x32xf32, #tpu.memory_space<hbm>>
      tpu.enqueue_dma source(%dma_start3A_487 : memref<8x32xf32, #tpu.memory_space<hbm>>) target(%dma_start3A_485 : memref<8x32xf32, #tpu.memory_space<vmem>>) target_semaphore(%arg12 : memref<!tpu.dma_semaphore, #tpu.memory_space<semaphore_mem>>)
      %eq3A_488 = arith.constant 9 : i32
      %eq3A_489 = vector.broadcast %eq3A_488 : i32 to vector<16xi32>
      %eq3A_490 = arith.cmpi eq, %iota3A, %eq3A_489 : vector<16xi32>
      %jit3A_491 = arith.constant 0 : i32
      %broadcast_in_dim3A_492 = vector.broadcast %jit3A_491 : i32 to vector<16xi32>
      %select_n3A_493 = arith.select %eq3A_490, %get3A_20, %broadcast_in_dim3A_492 : vector<16xi1>, vector<16xi32>
      %reduce_sum3A_494 = arith.constant true
      %reduce_sum3A_495 = vector.broadcast %reduce_sum3A_494 : i1 to vector<16xi1>
      %reduce_sum3A_496 = tpu.scan <sum>, %select_n3A_493 masked %reduce_sum3A_495 : vector<16xi32>, vector<16xi1> -> vector<16xi32>
      %reduce_sum3A_497 = vector.extract %reduce_sum3A_496[15] : i32 from vector<16xi32>
      %shift_right_arithmetic3A_498 = arith.constant 3 : i32
      %shift_right_arithmetic3A_499 = arith.shrsi %reduce_sum3A_497, %shift_right_arithmetic3A_498 : i32
      %mul3A_500 = arith.constant 8 : i32
      %mul3A_501 = arith.muli %shift_right_arithmetic3A_499, %mul3A_500 : i32
      %multiple_of3A_502 = tpu.assume_multiple %mul3A_501, 8 : i32
      %dma_start3A_503 = arith.constant 72 : i32
      %dma_start3A_504 = arith.constant 0 : i32
      %dma_start3A_505 = tpu.memref_slice %arg10[%dma_start3A_503, %dma_start3A_504] : memref<256x32xf32, #tpu.memory_space<vmem>> -> memref<8x32xf32, #tpu.memory_space<vmem>>
      %dma_start3A_506 = arith.constant 0 : i32
      %dma_start3A_507 = tpu.memref_slice %arg5[%multiple_of3A_502, %dma_start3A_506] : memref<1000000x32xf32, #tpu.memory_space<hbm>> -> memref<8x32xf32, #tpu.memory_space<hbm>>
      %dma_start3A_508 = arith.constant 72 : i32
      %dma_start3A_509 = arith.constant 0 : i32
      %dma_start3A_510 = tpu.memref_slice %arg10[%dma_start3A_508, %dma_start3A_509] : memref<256x32xf32, #tpu.memory_space<vmem>> -> memref<8x32xf32, #tpu.memory_space<vmem>>
      %dma_start3A_511 = arith.constant 0 : i32
      %dma_start3A_512 = tpu.memref_slice %arg5[%multiple_of3A_502, %dma_start3A_511] : memref<1000000x32xf32, #tpu.memory_space<hbm>> -> memref<8x32xf32, #tpu.memory_space<hbm>>
      tpu.enqueue_dma source(%dma_start3A_512 : memref<8x32xf32, #tpu.memory_space<hbm>>) target(%dma_start3A_510 : memref<8x32xf32, #tpu.memory_space<vmem>>) target_semaphore(%arg13 : memref<!tpu.dma_semaphore, #tpu.memory_space<semaphore_mem>>)
      %eq3A_513 = arith.constant 10 : i32
      %eq3A_514 = vector.broadcast %eq3A_513 : i32 to vector<16xi32>
      %eq3A_515 = arith.cmpi eq, %iota3A, %eq3A_514 : vector<16xi32>
      %jit3A_516 = arith.constant 0 : i32
      %broadcast_in_dim3A_517 = vector.broadcast %jit3A_516 : i32 to vector<16xi32>
      %select_n3A_518 = arith.select %eq3A_515, %get3A_16, %broadcast_in_dim3A_517 : vector<16xi1>, vector<16xi32>
      %reduce_sum3A_519 = arith.constant true
      %reduce_sum3A_520 = vector.broadcast %reduce_sum3A_519 : i1 to vector<16xi1>
      %reduce_sum3A_521 = tpu.scan <sum>, %select_n3A_518 masked %reduce_sum3A_520 : vector<16xi32>, vector<16xi1> -> vector<16xi32>
      %reduce_sum3A_522 = vector.extract %reduce_sum3A_521[15] : i32 from vector<16xi32>
      %shift_right_arithmetic3A_523 = arith.constant 3 : i32
      %shift_right_arithmetic3A_524 = arith.shrsi %reduce_sum3A_522, %shift_right_arithmetic3A_523 : i32
      %mul3A_525 = arith.constant 8 : i32
      %mul3A_526 = arith.muli %shift_right_arithmetic3A_524, %mul3A_525 : i32
      %multiple_of3A_527 = tpu.assume_multiple %mul3A_526, 8 : i32
      %dma_start3A_528 = arith.constant 80 : i32
      %dma_start3A_529 = arith.constant 0 : i32
      %dma_start3A_530 = tpu.memref_slice %arg9[%dma_start3A_528, %dma_start3A_529] : memref<256x32xf32, #tpu.memory_space<vmem>> -> memref<8x32xf32, #tpu.memory_space<vmem>>
      %dma_start3A_531 = arith.constant 0 : i32
      %dma_start3A_532 = tpu.memref_slice %arg4[%multiple_of3A_527, %dma_start3A_531] : memref<1000000x32xf32, #tpu.memory_space<hbm>> -> memref<8x32xf32, #tpu.memory_space<hbm>>
      %dma_start3A_533 = arith.constant 80 : i32
      %dma_start3A_534 = arith.constant 0 : i32
      %dma_start3A_535 = tpu.memref_slice %arg9[%dma_start3A_533, %dma_start3A_534] : memref<256x32xf32, #tpu.memory_space<vmem>> -> memref<8x32xf32, #tpu.memory_space<vmem>>
      %dma_start3A_536 = arith.constant 0 : i32
      %dma_start3A_537 = tpu.memref_slice %arg4[%multiple_of3A_527, %dma_start3A_536] : memref<1000000x32xf32, #tpu.memory_space<hbm>> -> memref<8x32xf32, #tpu.memory_space<hbm>>
      tpu.enqueue_dma source(%dma_start3A_537 : memref<8x32xf32, #tpu.memory_space<hbm>>) target(%dma_start3A_535 : memref<8x32xf32, #tpu.memory_space<vmem>>) target_semaphore(%arg12 : memref<!tpu.dma_semaphore, #tpu.memory_space<semaphore_mem>>)
      %eq3A_538 = arith.constant 10 : i32
      %eq3A_539 = vector.broadcast %eq3A_538 : i32 to vector<16xi32>
      %eq3A_540 = arith.cmpi eq, %iota3A, %eq3A_539 : vector<16xi32>
      %jit3A_541 = arith.constant 0 : i32
      %broadcast_in_dim3A_542 = vector.broadcast %jit3A_541 : i32 to vector<16xi32>
      %select_n3A_543 = arith.select %eq3A_540, %get3A_20, %broadcast_in_dim3A_542 : vector<16xi1>, vector<16xi32>
      %reduce_sum3A_544 = arith.constant true
      %reduce_sum3A_545 = vector.broadcast %reduce_sum3A_544 : i1 to vector<16xi1>
      %reduce_sum3A_546 = tpu.scan <sum>, %select_n3A_543 masked %reduce_sum3A_545 : vector<16xi32>, vector<16xi1> -> vector<16xi32>
      %reduce_sum3A_547 = vector.extract %reduce_sum3A_546[15] : i32 from vector<16xi32>
      %shift_right_arithmetic3A_548 = arith.constant 3 : i32
      %shift_right_arithmetic3A_549 = arith.shrsi %reduce_sum3A_547, %shift_right_arithmetic3A_548 : i32
      %mul3A_550 = arith.constant 8 : i32
      %mul3A_551 = arith.muli %shift_right_arithmetic3A_549, %mul3A_550 : i32
      %multiple_of3A_552 = tpu.assume_multiple %mul3A_551, 8 : i32
      %dma_start3A_553 = arith.constant 80 : i32
      %dma_start3A_554 = arith.constant 0 : i32
      %dma_start3A_555 = tpu.memref_slice %arg10[%dma_start3A_553, %dma_start3A_554] : memref<256x32xf32, #tpu.memory_space<vmem>> -> memref<8x32xf32, #tpu.memory_space<vmem>>
      %dma_start3A_556 = arith.constant 0 : i32
      %dma_start3A_557 = tpu.memref_slice %arg5[%multiple_of3A_552, %dma_start3A_556] : memref<1000000x32xf32, #tpu.memory_space<hbm>> -> memref<8x32xf32, #tpu.memory_space<hbm>>
      %dma_start3A_558 = arith.constant 80 : i32
      %dma_start3A_559 = arith.constant 0 : i32
      %dma_start3A_560 = tpu.memref_slice %arg10[%dma_start3A_558, %dma_start3A_559] : memref<256x32xf32, #tpu.memory_space<vmem>> -> memref<8x32xf32, #tpu.memory_space<vmem>>
      %dma_start3A_561 = arith.constant 0 : i32
      %dma_start3A_562 = tpu.memref_slice %arg5[%multiple_of3A_552, %dma_start3A_561] : memref<1000000x32xf32, #tpu.memory_space<hbm>> -> memref<8x32xf32, #tpu.memory_space<hbm>>
      tpu.enqueue_dma source(%dma_start3A_562 : memref<8x32xf32, #tpu.memory_space<hbm>>) target(%dma_start3A_560 : memref<8x32xf32, #tpu.memory_space<vmem>>) target_semaphore(%arg13 : memref<!tpu.dma_semaphore, #tpu.memory_space<semaphore_mem>>)
      %eq3A_563 = arith.constant 11 : i32
      %eq3A_564 = vector.broadcast %eq3A_563 : i32 to vector<16xi32>
      %eq3A_565 = arith.cmpi eq, %iota3A, %eq3A_564 : vector<16xi32>
      %jit3A_566 = arith.constant 0 : i32
      %broadcast_in_dim3A_567 = vector.broadcast %jit3A_566 : i32 to vector<16xi32>
      %select_n3A_568 = arith.select %eq3A_565, %get3A_16, %broadcast_in_dim3A_567 : vector<16xi1>, vector<16xi32>
      %reduce_sum3A_569 = arith.constant true
      %reduce_sum3A_570 = vector.broadcast %reduce_sum3A_569 : i1 to vector<16xi1>
      %reduce_sum3A_571 = tpu.scan <sum>, %select_n3A_568 masked %reduce_sum3A_570 : vector<16xi32>, vector<16xi1> -> vector<16xi32>
      %reduce_sum3A_572 = vector.extract %reduce_sum3A_571[15] : i32 from vector<16xi32>
      %shift_right_arithmetic3A_573 = arith.constant 3 : i32
      %shift_right_arithmetic3A_574 = arith.shrsi %reduce_sum3A_572, %shift_right_arithmetic3A_573 : i32
      %mul3A_575 = arith.constant 8 : i32
      %mul3A_576 = arith.muli %shift_right_arithmetic3A_574, %mul3A_575 : i32
      %multiple_of3A_577 = tpu.assume_multiple %mul3A_576, 8 : i32
      %dma_start3A_578 = arith.constant 88 : i32
      %dma_start3A_579 = arith.constant 0 : i32
      %dma_start3A_580 = tpu.memref_slice %arg9[%dma_start3A_578, %dma_start3A_579] : memref<256x32xf32, #tpu.memory_space<vmem>> -> memref<8x32xf32, #tpu.memory_space<vmem>>
      %dma_start3A_581 = arith.constant 0 : i32
      %dma_start3A_582 = tpu.memref_slice %arg4[%multiple_of3A_577, %dma_start3A_581] : memref<1000000x32xf32, #tpu.memory_space<hbm>> -> memref<8x32xf32, #tpu.memory_space<hbm>>
      %dma_start3A_583 = arith.constant 88 : i32
      %dma_start3A_584 = arith.constant 0 : i32
      %dma_start3A_585 = tpu.memref_slice %arg9[%dma_start3A_583, %dma_start3A_584] : memref<256x32xf32, #tpu.memory_space<vmem>> -> memref<8x32xf32, #tpu.memory_space<vmem>>
      %dma_start3A_586 = arith.constant 0 : i32
      %dma_start3A_587 = tpu.memref_slice %arg4[%multiple_of3A_577, %dma_start3A_586] : memref<1000000x32xf32, #tpu.memory_space<hbm>> -> memref<8x32xf32, #tpu.memory_space<hbm>>
      tpu.enqueue_dma source(%dma_start3A_587 : memref<8x32xf32, #tpu.memory_space<hbm>>) target(%dma_start3A_585 : memref<8x32xf32, #tpu.memory_space<vmem>>) target_semaphore(%arg12 : memref<!tpu.dma_semaphore, #tpu.memory_space<semaphore_mem>>)
      %eq3A_588 = arith.constant 11 : i32
      %eq3A_589 = vector.broadcast %eq3A_588 : i32 to vector<16xi32>
      %eq3A_590 = arith.cmpi eq, %iota3A, %eq3A_589 : vector<16xi32>
      %jit3A_591 = arith.constant 0 : i32
      %broadcast_in_dim3A_592 = vector.broadcast %jit3A_591 : i32 to vector<16xi32>
      %select_n3A_593 = arith.select %eq3A_590, %get3A_20, %broadcast_in_dim3A_592 : vector<16xi1>, vector<16xi32>
      %reduce_sum3A_594 = arith.constant true
      %reduce_sum3A_595 = vector.broadcast %reduce_sum3A_594 : i1 to vector<16xi1>
      %reduce_sum3A_596 = tpu.scan <sum>, %select_n3A_593 masked %reduce_sum3A_595 : vector<16xi32>, vector<16xi1> -> vector<16xi32>
      %reduce_sum3A_597 = vector.extract %reduce_sum3A_596[15] : i32 from vector<16xi32>
      %shift_right_arithmetic3A_598 = arith.constant 3 : i32
      %shift_right_arithmetic3A_599 = arith.shrsi %reduce_sum3A_597, %shift_right_arithmetic3A_598 : i32
      %mul3A_600 = arith.constant 8 : i32
      %mul3A_601 = arith.muli %shift_right_arithmetic3A_599, %mul3A_600 : i32
      %multiple_of3A_602 = tpu.assume_multiple %mul3A_601, 8 : i32
      %dma_start3A_603 = arith.constant 88 : i32
      %dma_start3A_604 = arith.constant 0 : i32
      %dma_start3A_605 = tpu.memref_slice %arg10[%dma_start3A_603, %dma_start3A_604] : memref<256x32xf32, #tpu.memory_space<vmem>> -> memref<8x32xf32, #tpu.memory_space<vmem>>
      %dma_start3A_606 = arith.constant 0 : i32
      %dma_start3A_607 = tpu.memref_slice %arg5[%multiple_of3A_602, %dma_start3A_606] : memref<1000000x32xf32, #tpu.memory_space<hbm>> -> memref<8x32xf32, #tpu.memory_space<hbm>>
      %dma_start3A_608 = arith.constant 88 : i32
      %dma_start3A_609 = arith.constant 0 : i32
      %dma_start3A_610 = tpu.memref_slice %arg10[%dma_start3A_608, %dma_start3A_609] : memref<256x32xf32, #tpu.memory_space<vmem>> -> memref<8x32xf32, #tpu.memory_space<vmem>>
      %dma_start3A_611 = arith.constant 0 : i32
      %dma_start3A_612 = tpu.memref_slice %arg5[%multiple_of3A_602, %dma_start3A_611] : memref<1000000x32xf32, #tpu.memory_space<hbm>> -> memref<8x32xf32, #tpu.memory_space<hbm>>
      tpu.enqueue_dma source(%dma_start3A_612 : memref<8x32xf32, #tpu.memory_space<hbm>>) target(%dma_start3A_610 : memref<8x32xf32, #tpu.memory_space<vmem>>) target_semaphore(%arg13 : memref<!tpu.dma_semaphore, #tpu.memory_space<semaphore_mem>>)
      %eq3A_613 = arith.constant 12 : i32
      %eq3A_614 = vector.broadcast %eq3A_613 : i32 to vector<16xi32>
      %eq3A_615 = arith.cmpi eq, %iota3A, %eq3A_614 : vector<16xi32>
      %jit3A_616 = arith.constant 0 : i32
      %broadcast_in_dim3A_617 = vector.broadcast %jit3A_616 : i32 to vector<16xi32>
      %select_n3A_618 = arith.select %eq3A_615, %get3A_16, %broadcast_in_dim3A_617 : vector<16xi1>, vector<16xi32>
      %reduce_sum3A_619 = arith.constant true
      %reduce_sum3A_620 = vector.broadcast %reduce_sum3A_619 : i1 to vector<16xi1>
      %reduce_sum3A_621 = tpu.scan <sum>, %select_n3A_618 masked %reduce_sum3A_620 : vector<16xi32>, vector<16xi1> -> vector<16xi32>
      %reduce_sum3A_622 = vector.extract %reduce_sum3A_621[15] : i32 from vector<16xi32>
      %shift_right_arithmetic3A_623 = arith.constant 3 : i32
      %shift_right_arithmetic3A_624 = arith.shrsi %reduce_sum3A_622, %shift_right_arithmetic3A_623 : i32
      %mul3A_625 = arith.constant 8 : i32
      %mul3A_626 = arith.muli %shift_right_arithmetic3A_624, %mul3A_625 : i32
      %multiple_of3A_627 = tpu.assume_multiple %mul3A_626, 8 : i32
      %dma_start3A_628 = arith.constant 96 : i32
      %dma_start3A_629 = arith.constant 0 : i32
      %dma_start3A_630 = tpu.memref_slice %arg9[%dma_start3A_628, %dma_start3A_629] : memref<256x32xf32, #tpu.memory_space<vmem>> -> memref<8x32xf32, #tpu.memory_space<vmem>>
      %dma_start3A_631 = arith.constant 0 : i32
      %dma_start3A_632 = tpu.memref_slice %arg4[%multiple_of3A_627, %dma_start3A_631] : memref<1000000x32xf32, #tpu.memory_space<hbm>> -> memref<8x32xf32, #tpu.memory_space<hbm>>
      %dma_start3A_633 = arith.constant 96 : i32
      %dma_start3A_634 = arith.constant 0 : i32
      %dma_start3A_635 = tpu.memref_slice %arg9[%dma_start3A_633, %dma_start3A_634] : memref<256x32xf32, #tpu.memory_space<vmem>> -> memref<8x32xf32, #tpu.memory_space<vmem>>
      %dma_start3A_636 = arith.constant 0 : i32
      %dma_start3A_637 = tpu.memref_slice %arg4[%multiple_of3A_627, %dma_start3A_636] : memref<1000000x32xf32, #tpu.memory_space<hbm>> -> memref<8x32xf32, #tpu.memory_space<hbm>>
      tpu.enqueue_dma source(%dma_start3A_637 : memref<8x32xf32, #tpu.memory_space<hbm>>) target(%dma_start3A_635 : memref<8x32xf32, #tpu.memory_space<vmem>>) target_semaphore(%arg12 : memref<!tpu.dma_semaphore, #tpu.memory_space<semaphore_mem>>)
      %eq3A_638 = arith.constant 12 : i32
      %eq3A_639 = vector.broadcast %eq3A_638 : i32 to vector<16xi32>
      %eq3A_640 = arith.cmpi eq, %iota3A, %eq3A_639 : vector<16xi32>
      %jit3A_641 = arith.constant 0 : i32
      %broadcast_in_dim3A_642 = vector.broadcast %jit3A_641 : i32 to vector<16xi32>
      %select_n3A_643 = arith.select %eq3A_640, %get3A_20, %broadcast_in_dim3A_642 : vector<16xi1>, vector<16xi32>
      %reduce_sum3A_644 = arith.constant true
      %reduce_sum3A_645 = vector.broadcast %reduce_sum3A_644 : i1 to vector<16xi1>
      %reduce_sum3A_646 = tpu.scan <sum>, %select_n3A_643 masked %reduce_sum3A_645 : vector<16xi32>, vector<16xi1> -> vector<16xi32>
      %reduce_sum3A_647 = vector.extract %reduce_sum3A_646[15] : i32 from vector<16xi32>
      %shift_right_arithmetic3A_648 = arith.constant 3 : i32
      %shift_right_arithmetic3A_649 = arith.shrsi %reduce_sum3A_647, %shift_right_arithmetic3A_648 : i32
      %mul3A_650 = arith.constant 8 : i32
      %mul3A_651 = arith.muli %shift_right_arithmetic3A_649, %mul3A_650 : i32
      %multiple_of3A_652 = tpu.assume_multiple %mul3A_651, 8 : i32
      %dma_start3A_653 = arith.constant 96 : i32
      %dma_start3A_654 = arith.constant 0 : i32
      %dma_start3A_655 = tpu.memref_slice %arg10[%dma_start3A_653, %dma_start3A_654] : memref<256x32xf32, #tpu.memory_space<vmem>> -> memref<8x32xf32, #tpu.memory_space<vmem>>
      %dma_start3A_656 = arith.constant 0 : i32
      %dma_start3A_657 = tpu.memref_slice %arg5[%multiple_of3A_652, %dma_start3A_656] : memref<1000000x32xf32, #tpu.memory_space<hbm>> -> memref<8x32xf32, #tpu.memory_space<hbm>>
      %dma_start3A_658 = arith.constant 96 : i32
      %dma_start3A_659 = arith.constant 0 : i32
      %dma_start3A_660 = tpu.memref_slice %arg10[%dma_start3A_658, %dma_start3A_659] : memref<256x32xf32, #tpu.memory_space<vmem>> -> memref<8x32xf32, #tpu.memory_space<vmem>>
      %dma_start3A_661 = arith.constant 0 : i32
      %dma_start3A_662 = tpu.memref_slice %arg5[%multiple_of3A_652, %dma_start3A_661] : memref<1000000x32xf32, #tpu.memory_space<hbm>> -> memref<8x32xf32, #tpu.memory_space<hbm>>
      tpu.enqueue_dma source(%dma_start3A_662 : memref<8x32xf32, #tpu.memory_space<hbm>>) target(%dma_start3A_660 : memref<8x32xf32, #tpu.memory_space<vmem>>) target_semaphore(%arg13 : memref<!tpu.dma_semaphore, #tpu.memory_space<semaphore_mem>>)
      %eq3A_663 = arith.constant 13 : i32
      %eq3A_664 = vector.broadcast %eq3A_663 : i32 to vector<16xi32>
      %eq3A_665 = arith.cmpi eq, %iota3A, %eq3A_664 : vector<16xi32>
      %jit3A_666 = arith.constant 0 : i32
      %broadcast_in_dim3A_667 = vector.broadcast %jit3A_666 : i32 to vector<16xi32>
      %select_n3A_668 = arith.select %eq3A_665, %get3A_16, %broadcast_in_dim3A_667 : vector<16xi1>, vector<16xi32>
      %reduce_sum3A_669 = arith.constant true
      %reduce_sum3A_670 = vector.broadcast %reduce_sum3A_669 : i1 to vector<16xi1>
      %reduce_sum3A_671 = tpu.scan <sum>, %select_n3A_668 masked %reduce_sum3A_670 : vector<16xi32>, vector<16xi1> -> vector<16xi32>
      %reduce_sum3A_672 = vector.extract %reduce_sum3A_671[15] : i32 from vector<16xi32>
      %shift_right_arithmetic3A_673 = arith.constant 3 : i32
      %shift_right_arithmetic3A_674 = arith.shrsi %reduce_sum3A_672, %shift_right_arithmetic3A_673 : i32
      %mul3A_675 = arith.constant 8 : i32
      %mul3A_676 = arith.muli %shift_right_arithmetic3A_674, %mul3A_675 : i32
      %multiple_of3A_677 = tpu.assume_multiple %mul3A_676, 8 : i32
      %dma_start3A_678 = arith.constant 104 : i32
      %dma_start3A_679 = arith.constant 0 : i32
      %dma_start3A_680 = tpu.memref_slice %arg9[%dma_start3A_678, %dma_start3A_679] : memref<256x32xf32, #tpu.memory_space<vmem>> -> memref<8x32xf32, #tpu.memory_space<vmem>>
      %dma_start3A_681 = arith.constant 0 : i32
      %dma_start3A_682 = tpu.memref_slice %arg4[%multiple_of3A_677, %dma_start3A_681] : memref<1000000x32xf32, #tpu.memory_space<hbm>> -> memref<8x32xf32, #tpu.memory_space<hbm>>
      %dma_start3A_683 = arith.constant 104 : i32
      %dma_start3A_684 = arith.constant 0 : i32
      %dma_start3A_685 = tpu.memref_slice %arg9[%dma_start3A_683, %dma_start3A_684] : memref<256x32xf32, #tpu.memory_space<vmem>> -> memref<8x32xf32, #tpu.memory_space<vmem>>
      %dma_start3A_686 = arith.constant 0 : i32
      %dma_start3A_687 = tpu.memref_slice %arg4[%multiple_of3A_677, %dma_start3A_686] : memref<1000000x32xf32, #tpu.memory_space<hbm>> -> memref<8x32xf32, #tpu.memory_space<hbm>>
      tpu.enqueue_dma source(%dma_start3A_687 : memref<8x32xf32, #tpu.memory_space<hbm>>) target(%dma_start3A_685 : memref<8x32xf32, #tpu.memory_space<vmem>>) target_semaphore(%arg12 : memref<!tpu.dma_semaphore, #tpu.memory_space<semaphore_mem>>)
      %eq3A_688 = arith.constant 13 : i32
      %eq3A_689 = vector.broadcast %eq3A_688 : i32 to vector<16xi32>
      %eq3A_690 = arith.cmpi eq, %iota3A, %eq3A_689 : vector<16xi32>
      %jit3A_691 = arith.constant 0 : i32
      %broadcast_in_dim3A_692 = vector.broadcast %jit3A_691 : i32 to vector<16xi32>
      %select_n3A_693 = arith.select %eq3A_690, %get3A_20, %broadcast_in_dim3A_692 : vector<16xi1>, vector<16xi32>
      %reduce_sum3A_694 = arith.constant true
      %reduce_sum3A_695 = vector.broadcast %reduce_sum3A_694 : i1 to vector<16xi1>
      %reduce_sum3A_696 = tpu.scan <sum>, %select_n3A_693 masked %reduce_sum3A_695 : vector<16xi32>, vector<16xi1> -> vector<16xi32>
      %reduce_sum3A_697 = vector.extract %reduce_sum3A_696[15] : i32 from vector<16xi32>
      %shift_right_arithmetic3A_698 = arith.constant 3 : i32
      %shift_right_arithmetic3A_699 = arith.shrsi %reduce_sum3A_697, %shift_right_arithmetic3A_698 : i32
      %mul3A_700 = arith.constant 8 : i32
      %mul3A_701 = arith.muli %shift_right_arithmetic3A_699, %mul3A_700 : i32
      %multiple_of3A_702 = tpu.assume_multiple %mul3A_701, 8 : i32
      %dma_start3A_703 = arith.constant 104 : i32
      %dma_start3A_704 = arith.constant 0 : i32
      %dma_start3A_705 = tpu.memref_slice %arg10[%dma_start3A_703, %dma_start3A_704] : memref<256x32xf32, #tpu.memory_space<vmem>> -> memref<8x32xf32, #tpu.memory_space<vmem>>
      %dma_start3A_706 = arith.constant 0 : i32
      %dma_start3A_707 = tpu.memref_slice %arg5[%multiple_of3A_702, %dma_start3A_706] : memref<1000000x32xf32, #tpu.memory_space<hbm>> -> memref<8x32xf32, #tpu.memory_space<hbm>>
      %dma_start3A_708 = arith.constant 104 : i32
      %dma_start3A_709 = arith.constant 0 : i32
      %dma_start3A_710 = tpu.memref_slice %arg10[%dma_start3A_708, %dma_start3A_709] : memref<256x32xf32, #tpu.memory_space<vmem>> -> memref<8x32xf32, #tpu.memory_space<vmem>>
      %dma_start3A_711 = arith.constant 0 : i32
      %dma_start3A_712 = tpu.memref_slice %arg5[%multiple_of3A_702, %dma_start3A_711] : memref<1000000x32xf32, #tpu.memory_space<hbm>> -> memref<8x32xf32, #tpu.memory_space<hbm>>
      tpu.enqueue_dma source(%dma_start3A_712 : memref<8x32xf32, #tpu.memory_space<hbm>>) target(%dma_start3A_710 : memref<8x32xf32, #tpu.memory_space<vmem>>) target_semaphore(%arg13 : memref<!tpu.dma_semaphore, #tpu.memory_space<semaphore_mem>>)
      %eq3A_713 = arith.constant 14 : i32
      %eq3A_714 = vector.broadcast %eq3A_713 : i32 to vector<16xi32>
      %eq3A_715 = arith.cmpi eq, %iota3A, %eq3A_714 : vector<16xi32>
      %jit3A_716 = arith.constant 0 : i32
      %broadcast_in_dim3A_717 = vector.broadcast %jit3A_716 : i32 to vector<16xi32>
      %select_n3A_718 = arith.select %eq3A_715, %get3A_16, %broadcast_in_dim3A_717 : vector<16xi1>, vector<16xi32>
      %reduce_sum3A_719 = arith.constant true
      %reduce_sum3A_720 = vector.broadcast %reduce_sum3A_719 : i1 to vector<16xi1>
      %reduce_sum3A_721 = tpu.scan <sum>, %select_n3A_718 masked %reduce_sum3A_720 : vector<16xi32>, vector<16xi1> -> vector<16xi32>
      %reduce_sum3A_722 = vector.extract %reduce_sum3A_721[15] : i32 from vector<16xi32>
      %shift_right_arithmetic3A_723 = arith.constant 3 : i32
      %shift_right_arithmetic3A_724 = arith.shrsi %reduce_sum3A_722, %shift_right_arithmetic3A_723 : i32
      %mul3A_725 = arith.constant 8 : i32
      %mul3A_726 = arith.muli %shift_right_arithmetic3A_724, %mul3A_725 : i32
      %multiple_of3A_727 = tpu.assume_multiple %mul3A_726, 8 : i32
      %dma_start3A_728 = arith.constant 112 : i32
      %dma_start3A_729 = arith.constant 0 : i32
      %dma_start3A_730 = tpu.memref_slice %arg9[%dma_start3A_728, %dma_start3A_729] : memref<256x32xf32, #tpu.memory_space<vmem>> -> memref<8x32xf32, #tpu.memory_space<vmem>>
      %dma_start3A_731 = arith.constant 0 : i32
      %dma_start3A_732 = tpu.memref_slice %arg4[%multiple_of3A_727, %dma_start3A_731] : memref<1000000x32xf32, #tpu.memory_space<hbm>> -> memref<8x32xf32, #tpu.memory_space<hbm>>
      %dma_start3A_733 = arith.constant 112 : i32
      %dma_start3A_734 = arith.constant 0 : i32
      %dma_start3A_735 = tpu.memref_slice %arg9[%dma_start3A_733, %dma_start3A_734] : memref<256x32xf32, #tpu.memory_space<vmem>> -> memref<8x32xf32, #tpu.memory_space<vmem>>
      %dma_start3A_736 = arith.constant 0 : i32
      %dma_start3A_737 = tpu.memref_slice %arg4[%multiple_of3A_727, %dma_start3A_736] : memref<1000000x32xf32, #tpu.memory_space<hbm>> -> memref<8x32xf32, #tpu.memory_space<hbm>>
      tpu.enqueue_dma source(%dma_start3A_737 : memref<8x32xf32, #tpu.memory_space<hbm>>) target(%dma_start3A_735 : memref<8x32xf32, #tpu.memory_space<vmem>>) target_semaphore(%arg12 : memref<!tpu.dma_semaphore, #tpu.memory_space<semaphore_mem>>)
      %eq3A_738 = arith.constant 14 : i32
      %eq3A_739 = vector.broadcast %eq3A_738 : i32 to vector<16xi32>
      %eq3A_740 = arith.cmpi eq, %iota3A, %eq3A_739 : vector<16xi32>
      %jit3A_741 = arith.constant 0 : i32
      %broadcast_in_dim3A_742 = vector.broadcast %jit3A_741 : i32 to vector<16xi32>
      %select_n3A_743 = arith.select %eq3A_740, %get3A_20, %broadcast_in_dim3A_742 : vector<16xi1>, vector<16xi32>
      %reduce_sum3A_744 = arith.constant true
      %reduce_sum3A_745 = vector.broadcast %reduce_sum3A_744 : i1 to vector<16xi1>
      %reduce_sum3A_746 = tpu.scan <sum>, %select_n3A_743 masked %reduce_sum3A_745 : vector<16xi32>, vector<16xi1> -> vector<16xi32>
      %reduce_sum3A_747 = vector.extract %reduce_sum3A_746[15] : i32 from vector<16xi32>
      %shift_right_arithmetic3A_748 = arith.constant 3 : i32
      %shift_right_arithmetic3A_749 = arith.shrsi %reduce_sum3A_747, %shift_right_arithmetic3A_748 : i32
      %mul3A_750 = arith.constant 8 : i32
      %mul3A_751 = arith.muli %shift_right_arithmetic3A_749, %mul3A_750 : i32
      %multiple_of3A_752 = tpu.assume_multiple %mul3A_751, 8 : i32
      %dma_start3A_753 = arith.constant 112 : i32
      %dma_start3A_754 = arith.constant 0 : i32
      %dma_start3A_755 = tpu.memref_slice %arg10[%dma_start3A_753, %dma_start3A_754] : memref<256x32xf32, #tpu.memory_space<vmem>> -> memref<8x32xf32, #tpu.memory_space<vmem>>
      %dma_start3A_756 = arith.constant 0 : i32
      %dma_start3A_757 = tpu.memref_slice %arg5[%multiple_of3A_752, %dma_start3A_756] : memref<1000000x32xf32, #tpu.memory_space<hbm>> -> memref<8x32xf32, #tpu.memory_space<hbm>>
      %dma_start3A_758 = arith.constant 112 : i32
      %dma_start3A_759 = arith.constant 0 : i32
      %dma_start3A_760 = tpu.memref_slice %arg10[%dma_start3A_758, %dma_start3A_759] : memref<256x32xf32, #tpu.memory_space<vmem>> -> memref<8x32xf32, #tpu.memory_space<vmem>>
      %dma_start3A_761 = arith.constant 0 : i32
      %dma_start3A_762 = tpu.memref_slice %arg5[%multiple_of3A_752, %dma_start3A_761] : memref<1000000x32xf32, #tpu.memory_space<hbm>> -> memref<8x32xf32, #tpu.memory_space<hbm>>
      tpu.enqueue_dma source(%dma_start3A_762 : memref<8x32xf32, #tpu.memory_space<hbm>>) target(%dma_start3A_760 : memref<8x32xf32, #tpu.memory_space<vmem>>) target_semaphore(%arg13 : memref<!tpu.dma_semaphore, #tpu.memory_space<semaphore_mem>>)
      %eq3A_763 = arith.constant 15 : i32
      %eq3A_764 = vector.broadcast %eq3A_763 : i32 to vector<16xi32>
      %eq3A_765 = arith.cmpi eq, %iota3A, %eq3A_764 : vector<16xi32>
      %jit3A_766 = arith.constant 0 : i32
      %broadcast_in_dim3A_767 = vector.broadcast %jit3A_766 : i32 to vector<16xi32>
      %select_n3A_768 = arith.select %eq3A_765, %get3A_16, %broadcast_in_dim3A_767 : vector<16xi1>, vector<16xi32>
      %reduce_sum3A_769 = arith.constant true
      %reduce_sum3A_770 = vector.broadcast %reduce_sum3A_769 : i1 to vector<16xi1>
      %reduce_sum3A_771 = tpu.scan <sum>, %select_n3A_768 masked %reduce_sum3A_770 : vector<16xi32>, vector<16xi1> -> vector<16xi32>
      %reduce_sum3A_772 = vector.extract %reduce_sum3A_771[15] : i32 from vector<16xi32>
      %shift_right_arithmetic3A_773 = arith.constant 3 : i32
      %shift_right_arithmetic3A_774 = arith.shrsi %reduce_sum3A_772, %shift_right_arithmetic3A_773 : i32
      %mul3A_775 = arith.constant 8 : i32
      %mul3A_776 = arith.muli %shift_right_arithmetic3A_774, %mul3A_775 : i32
      %multiple_of3A_777 = tpu.assume_multiple %mul3A_776, 8 : i32
      %dma_start3A_778 = arith.constant 120 : i32
      %dma_start3A_779 = arith.constant 0 : i32
      %dma_start3A_780 = tpu.memref_slice %arg9[%dma_start3A_778, %dma_start3A_779] : memref<256x32xf32, #tpu.memory_space<vmem>> -> memref<8x32xf32, #tpu.memory_space<vmem>>
      %dma_start3A_781 = arith.constant 0 : i32
      %dma_start3A_782 = tpu.memref_slice %arg4[%multiple_of3A_777, %dma_start3A_781] : memref<1000000x32xf32, #tpu.memory_space<hbm>> -> memref<8x32xf32, #tpu.memory_space<hbm>>
      %dma_start3A_783 = arith.constant 120 : i32
      %dma_start3A_784 = arith.constant 0 : i32
      %dma_start3A_785 = tpu.memref_slice %arg9[%dma_start3A_783, %dma_start3A_784] : memref<256x32xf32, #tpu.memory_space<vmem>> -> memref<8x32xf32, #tpu.memory_space<vmem>>
      %dma_start3A_786 = arith.constant 0 : i32
      %dma_start3A_787 = tpu.memref_slice %arg4[%multiple_of3A_777, %dma_start3A_786] : memref<1000000x32xf32, #tpu.memory_space<hbm>> -> memref<8x32xf32, #tpu.memory_space<hbm>>
      tpu.enqueue_dma source(%dma_start3A_787 : memref<8x32xf32, #tpu.memory_space<hbm>>) target(%dma_start3A_785 : memref<8x32xf32, #tpu.memory_space<vmem>>) target_semaphore(%arg12 : memref<!tpu.dma_semaphore, #tpu.memory_space<semaphore_mem>>)
      %eq3A_788 = arith.constant 15 : i32
      %eq3A_789 = vector.broadcast %eq3A_788 : i32 to vector<16xi32>
      %eq3A_790 = arith.cmpi eq, %iota3A, %eq3A_789 : vector<16xi32>
      %jit3A_791 = arith.constant 0 : i32
      %broadcast_in_dim3A_792 = vector.broadcast %jit3A_791 : i32 to vector<16xi32>
      %select_n3A_793 = arith.select %eq3A_790, %get3A_20, %broadcast_in_dim3A_792 : vector<16xi1>, vector<16xi32>
      %reduce_sum3A_794 = arith.constant true
      %reduce_sum3A_795 = vector.broadcast %reduce_sum3A_794 : i1 to vector<16xi1>
      %reduce_sum3A_796 = tpu.scan <sum>, %select_n3A_793 masked %reduce_sum3A_795 : vector<16xi32>, vector<16xi1> -> vector<16xi32>
      %reduce_sum3A_797 = vector.extract %reduce_sum3A_796[15] : i32 from vector<16xi32>
      %shift_right_arithmetic3A_798 = arith.constant 3 : i32
      %shift_right_arithmetic3A_799 = arith.shrsi %reduce_sum3A_797, %shift_right_arithmetic3A_798 : i32
      %mul3A_800 = arith.constant 8 : i32
      %mul3A_801 = arith.muli %shift_right_arithmetic3A_799, %mul3A_800 : i32
      %multiple_of3A_802 = tpu.assume_multiple %mul3A_801, 8 : i32
      %dma_start3A_803 = arith.constant 120 : i32
      %dma_start3A_804 = arith.constant 0 : i32
      %dma_start3A_805 = tpu.memref_slice %arg10[%dma_start3A_803, %dma_start3A_804] : memref<256x32xf32, #tpu.memory_space<vmem>> -> memref<8x32xf32, #tpu.memory_space<vmem>>
      %dma_start3A_806 = arith.constant 0 : i32
      %dma_start3A_807 = tpu.memref_slice %arg5[%multiple_of3A_802, %dma_start3A_806] : memref<1000000x32xf32, #tpu.memory_space<hbm>> -> memref<8x32xf32, #tpu.memory_space<hbm>>
      %dma_start3A_808 = arith.constant 120 : i32
      %dma_start3A_809 = arith.constant 0 : i32
      %dma_start3A_810 = tpu.memref_slice %arg10[%dma_start3A_808, %dma_start3A_809] : memref<256x32xf32, #tpu.memory_space<vmem>> -> memref<8x32xf32, #tpu.memory_space<vmem>>
      %dma_start3A_811 = arith.constant 0 : i32
      %dma_start3A_812 = tpu.memref_slice %arg5[%multiple_of3A_802, %dma_start3A_811] : memref<1000000x32xf32, #tpu.memory_space<hbm>> -> memref<8x32xf32, #tpu.memory_space<hbm>>
      tpu.enqueue_dma source(%dma_start3A_812 : memref<8x32xf32, #tpu.memory_space<hbm>>) target(%dma_start3A_810 : memref<8x32xf32, #tpu.memory_space<vmem>>) target_semaphore(%arg13 : memref<!tpu.dma_semaphore, #tpu.memory_space<semaphore_mem>>)
      %add3A_813 = arith.constant 16 : i32
      %add3A_814 = arith.addi %mul3A_13, %add3A_813 : i32
      %get3A_815 = arith.index_cast %add3A_814 : i32 to index
      %get3A_816 = tpu.vector_load %arg7[%get3A_815] {strides = array<i32>} : memref<512xi32, #tpu.memory_space<vmem>>, vector<16xi32>,
      %add3A_817 = arith.constant 16 : i32
      %add3A_818 = arith.addi %mul3A_13, %add3A_817 : i32
      %get3A_819 = arith.index_cast %add3A_818 : i32 to index
      %get3A_820 = tpu.vector_load %arg8[%get3A_819] {strides = array<i32>} : memref<512xi32, #tpu.memory_space<vmem>>, vector<16xi32>,
      %eq3A_821 = arith.constant 0 : i32
      %eq3A_822 = vector.broadcast %eq3A_821 : i32 to vector<16xi32>
      %eq3A_823 = arith.cmpi eq, %iota3A, %eq3A_822 : vector<16xi32>
      %jit3A_824 = arith.constant 0 : i32
      %broadcast_in_dim3A_825 = vector.broadcast %jit3A_824 : i32 to vector<16xi32>
      %select_n3A_826 = arith.select %eq3A_823, %get3A_816, %broadcast_in_dim3A_825 : vector<16xi1>, vector<16xi32>
      %reduce_sum3A_827 = arith.constant true
      %reduce_sum3A_828 = vector.broadcast %reduce_sum3A_827 : i1 to vector<16xi1>
      %reduce_sum3A_829 = tpu.scan <sum>, %select_n3A_826 masked %reduce_sum3A_828 : vector<16xi32>, vector<16xi1> -> vector<16xi32>
      %reduce_sum3A_830 = vector.extract %reduce_sum3A_829[15] : i32 from vector<16xi32>
      %shift_right_arithmetic3A_831 = arith.constant 3 : i32
      %shift_right_arithmetic3A_832 = arith.shrsi %reduce_sum3A_830, %shift_right_arithmetic3A_831 : i32
      %mul3A_833 = arith.constant 8 : i32
      %mul3A_834 = arith.muli %shift_right_arithmetic3A_832, %mul3A_833 : i32
      %multiple_of3A_835 = tpu.assume_multiple %mul3A_834, 8 : i32
      %dma_start3A_836 = arith.constant 128 : i32
      %dma_start3A_837 = arith.constant 0 : i32
      %dma_start3A_838 = tpu.memref_slice %arg9[%dma_start3A_836, %dma_start3A_837] : memref<256x32xf32, #tpu.memory_space<vmem>> -> memref<8x32xf32, #tpu.memory_space<vmem>>
      %dma_start3A_839 = arith.constant 0 : i32
      %dma_start3A_840 = tpu.memref_slice %arg4[%multiple_of3A_835, %dma_start3A_839] : memref<1000000x32xf32, #tpu.memory_space<hbm>> -> memref<8x32xf32, #tpu.memory_space<hbm>>
      %dma_start3A_841 = arith.constant 128 : i32
      %dma_start3A_842 = arith.constant 0 : i32
      %dma_start3A_843 = tpu.memref_slice %arg9[%dma_start3A_841, %dma_start3A_842] : memref<256x32xf32, #tpu.memory_space<vmem>> -> memref<8x32xf32, #tpu.memory_space<vmem>>
      %dma_start3A_844 = arith.constant 0 : i32
      %dma_start3A_845 = tpu.memref_slice %arg4[%multiple_of3A_835, %dma_start3A_844] : memref<1000000x32xf32, #tpu.memory_space<hbm>> -> memref<8x32xf32, #tpu.memory_space<hbm>>
      tpu.enqueue_dma source(%dma_start3A_845 : memref<8x32xf32, #tpu.memory_space<hbm>>) target(%dma_start3A_843 : memref<8x32xf32, #tpu.memory_space<vmem>>) target_semaphore(%arg12 : memref<!tpu.dma_semaphore, #tpu.memory_space<semaphore_mem>>)
      %eq3A_846 = arith.constant 0 : i32
      %eq3A_847 = vector.broadcast %eq3A_846 : i32 to vector<16xi32>
      %eq3A_848 = arith.cmpi eq, %iota3A, %eq3A_847 : vector<16xi32>
      %jit3A_849 = arith.constant 0 : i32
      %broadcast_in_dim3A_850 = vector.broadcast %jit3A_849 : i32 to vector<16xi32>
      %select_n3A_851 = arith.select %eq3A_848, %get3A_820, %broadcast_in_dim3A_850 : vector<16xi1>, vector<16xi32>
      %reduce_sum3A_852 = arith.constant true
      %reduce_sum3A_853 = vector.broadcast %reduce_sum3A_852 : i1 to vector<16xi1>
      %reduce_sum3A_854 = tpu.scan <sum>, %select_n3A_851 masked %reduce_sum3A_853 : vector<16xi32>, vector<16xi1> -> vector<16xi32>
      %reduce_sum3A_855 = vector.extract %reduce_sum3A_854[15] : i32 from vector<16xi32>
      %shift_right_arithmetic3A_856 = arith.constant 3 : i32
      %shift_right_arithmetic3A_857 = arith.shrsi %reduce_sum3A_855, %shift_right_arithmetic3A_856 : i32
      %mul3A_858 = arith.constant 8 : i32
      %mul3A_859 = arith.muli %shift_right_arithmetic3A_857, %mul3A_858 : i32
      %multiple_of3A_860 = tpu.assume_multiple %mul3A_859, 8 : i32
      %dma_start3A_861 = arith.constant 128 : i32
      %dma_start3A_862 = arith.constant 0 : i32
      %dma_start3A_863 = tpu.memref_slice %arg10[%dma_start3A_861, %dma_start3A_862] : memref<256x32xf32, #tpu.memory_space<vmem>> -> memref<8x32xf32, #tpu.memory_space<vmem>>
      %dma_start3A_864 = arith.constant 0 : i32
      %dma_start3A_865 = tpu.memref_slice %arg5[%multiple_of3A_860, %dma_start3A_864] : memref<1000000x32xf32, #tpu.memory_space<hbm>> -> memref<8x32xf32, #tpu.memory_space<hbm>>
      %dma_start3A_866 = arith.constant 128 : i32
      %dma_start3A_867 = arith.constant 0 : i32
      %dma_start3A_868 = tpu.memref_slice %arg10[%dma_start3A_866, %dma_start3A_867] : memref<256x32xf32, #tpu.memory_space<vmem>> -> memref<8x32xf32, #tpu.memory_space<vmem>>
      %dma_start3A_869 = arith.constant 0 : i32
      %dma_start3A_870 = tpu.memref_slice %arg5[%multiple_of3A_860, %dma_start3A_869] : memref<1000000x32xf32, #tpu.memory_space<hbm>> -> memref<8x32xf32, #tpu.memory_space<hbm>>
      tpu.enqueue_dma source(%dma_start3A_870 : memref<8x32xf32, #tpu.memory_space<hbm>>) target(%dma_start3A_868 : memref<8x32xf32, #tpu.memory_space<vmem>>) target_semaphore(%arg13 : memref<!tpu.dma_semaphore, #tpu.memory_space<semaphore_mem>>)
      %eq3A_871 = arith.constant 1 : i32
      %eq3A_872 = vector.broadcast %eq3A_871 : i32 to vector<16xi32>
      %eq3A_873 = arith.cmpi eq, %iota3A, %eq3A_872 : vector<16xi32>
      %jit3A_874 = arith.constant 0 : i32
      %broadcast_in_dim3A_875 = vector.broadcast %jit3A_874 : i32 to vector<16xi32>
      %select_n3A_876 = arith.select %eq3A_873, %get3A_816, %broadcast_in_dim3A_875 : vector<16xi1>, vector<16xi32>
      %reduce_sum3A_877 = arith.constant true
      %reduce_sum3A_878 = vector.broadcast %reduce_sum3A_877 : i1 to vector<16xi1>
      %reduce_sum3A_879 = tpu.scan <sum>, %select_n3A_876 masked %reduce_sum3A_878 : vector<16xi32>, vector<16xi1> -> vector<16xi32>
      %reduce_sum3A_880 = vector.extract %reduce_sum3A_879[15] : i32 from vector<16xi32>
      %shift_right_arithmetic3A_881 = arith.constant 3 : i32
      %shift_right_arithmetic3A_882 = arith.shrsi %reduce_sum3A_880, %shift_right_arithmetic3A_881 : i32
      %mul3A_883 = arith.constant 8 : i32
      %mul3A_884 = arith.muli %shift_right_arithmetic3A_882, %mul3A_883 : i32
      %multiple_of3A_885 = tpu.assume_multiple %mul3A_884, 8 : i32
      %dma_start3A_886 = arith.constant 136 : i32
      %dma_start3A_887 = arith.constant 0 : i32
      %dma_start3A_888 = tpu.memref_slice %arg9[%dma_start3A_886, %dma_start3A_887] : memref<256x32xf32, #tpu.memory_space<vmem>> -> memref<8x32xf32, #tpu.memory_space<vmem>>
      %dma_start3A_889 = arith.constant 0 : i32
      %dma_start3A_890 = tpu.memref_slice %arg4[%multiple_of3A_885, %dma_start3A_889] : memref<1000000x32xf32, #tpu.memory_space<hbm>> -> memref<8x32xf32, #tpu.memory_space<hbm>>
      %dma_start3A_891 = arith.constant 136 : i32
      %dma_start3A_892 = arith.constant 0 : i32
      %dma_start3A_893 = tpu.memref_slice %arg9[%dma_start3A_891, %dma_start3A_892] : memref<256x32xf32, #tpu.memory_space<vmem>> -> memref<8x32xf32, #tpu.memory_space<vmem>>
      %dma_start3A_894 = arith.constant 0 : i32
      %dma_start3A_895 = tpu.memref_slice %arg4[%multiple_of3A_885, %dma_start3A_894] : memref<1000000x32xf32, #tpu.memory_space<hbm>> -> memref<8x32xf32, #tpu.memory_space<hbm>>
      tpu.enqueue_dma source(%dma_start3A_895 : memref<8x32xf32, #tpu.memory_space<hbm>>) target(%dma_start3A_893 : memref<8x32xf32, #tpu.memory_space<vmem>>) target_semaphore(%arg12 : memref<!tpu.dma_semaphore, #tpu.memory_space<semaphore_mem>>)
      %eq3A_896 = arith.constant 1 : i32
      %eq3A_897 = vector.broadcast %eq3A_896 : i32 to vector<16xi32>
      %eq3A_898 = arith.cmpi eq, %iota3A, %eq3A_897 : vector<16xi32>
      %jit3A_899 = arith.constant 0 : i32
      %broadcast_in_dim3A_900 = vector.broadcast %jit3A_899 : i32 to vector<16xi32>
      %select_n3A_901 = arith.select %eq3A_898, %get3A_820, %broadcast_in_dim3A_900 : vector<16xi1>, vector<16xi32>
      %reduce_sum3A_902 = arith.constant true
      %reduce_sum3A_903 = vector.broadcast %reduce_sum3A_902 : i1 to vector<16xi1>
      %reduce_sum3A_904 = tpu.scan <sum>, %select_n3A_901 masked %reduce_sum3A_903 : vector<16xi32>, vector<16xi1> -> vector<16xi32>
      %reduce_sum3A_905 = vector.extract %reduce_sum3A_904[15] : i32 from vector<16xi32>
      %shift_right_arithmetic3A_906 = arith.constant 3 : i32
      %shift_right_arithmetic3A_907 = arith.shrsi %reduce_sum3A_905, %shift_right_arithmetic3A_906 : i32
      %mul3A_908 = arith.constant 8 : i32
      %mul3A_909 = arith.muli %shift_right_arithmetic3A_907, %mul3A_908 : i32
      %multiple_of3A_910 = tpu.assume_multiple %mul3A_909, 8 : i32
      %dma_start3A_911 = arith.constant 136 : i32
      %dma_start3A_912 = arith.constant 0 : i32
      %dma_start3A_913 = tpu.memref_slice %arg10[%dma_start3A_911, %dma_start3A_912] : memref<256x32xf32, #tpu.memory_space<vmem>> -> memref<8x32xf32, #tpu.memory_space<vmem>>
      %dma_start3A_914 = arith.constant 0 : i32
      %dma_start3A_915 = tpu.memref_slice %arg5[%multiple_of3A_910, %dma_start3A_914] : memref<1000000x32xf32, #tpu.memory_space<hbm>> -> memref<8x32xf32, #tpu.memory_space<hbm>>
      %dma_start3A_916 = arith.constant 136 : i32
      %dma_start3A_917 = arith.constant 0 : i32
      %dma_start3A_918 = tpu.memref_slice %arg10[%dma_start3A_916, %dma_start3A_917] : memref<256x32xf32, #tpu.memory_space<vmem>> -> memref<8x32xf32, #tpu.memory_space<vmem>>
      %dma_start3A_919 = arith.constant 0 : i32
      %dma_start3A_920 = tpu.memref_slice %arg5[%multiple_of3A_910, %dma_start3A_919] : memref<1000000x32xf32, #tpu.memory_space<hbm>> -> memref<8x32xf32, #tpu.memory_space<hbm>>
      tpu.enqueue_dma source(%dma_start3A_920 : memref<8x32xf32, #tpu.memory_space<hbm>>) target(%dma_start3A_918 : memref<8x32xf32, #tpu.memory_space<vmem>>) target_semaphore(%arg13 : memref<!tpu.dma_semaphore, #tpu.memory_space<semaphore_mem>>)
      %eq3A_921 = arith.constant 2 : i32
      %eq3A_922 = vector.broadcast %eq3A_921 : i32 to vector<16xi32>
      %eq3A_923 = arith.cmpi eq, %iota3A, %eq3A_922 : vector<16xi32>
      %jit3A_924 = arith.constant 0 : i32
      %broadcast_in_dim3A_925 = vector.broadcast %jit3A_924 : i32 to vector<16xi32>
      %select_n3A_926 = arith.select %eq3A_923, %get3A_816, %broadcast_in_dim3A_925 : vector<16xi1>, vector<16xi32>
      %reduce_sum3A_927 = arith.constant true
      %reduce_sum3A_928 = vector.broadcast %reduce_sum3A_927 : i1 to vector<16xi1>
      %reduce_sum3A_929 = tpu.scan <sum>, %select_n3A_926 masked %reduce_sum3A_928 : vector<16xi32>, vector<16xi1> -> vector<16xi32>
      %reduce_sum3A_930 = vector.extract %reduce_sum3A_929[15] : i32 from vector<16xi32>
      %shift_right_arithmetic3A_931 = arith.constant 3 : i32
      %shift_right_arithmetic3A_932 = arith.shrsi %reduce_sum3A_930, %shift_right_arithmetic3A_931 : i32
      %mul3A_933 = arith.constant 8 : i32
      %mul3A_934 = arith.muli %shift_right_arithmetic3A_932, %mul3A_933 : i32
      %multiple_of3A_935 = tpu.assume_multiple %mul3A_934, 8 : i32
      %dma_start3A_936 = arith.constant 144 : i32
      %dma_start3A_937 = arith.constant 0 : i32
      %dma_start3A_938 = tpu.memref_slice %arg9[%dma_start3A_936, %dma_start3A_937] : memref<256x32xf32, #tpu.memory_space<vmem>> -> memref<8x32xf32, #tpu.memory_space<vmem>>
      %dma_start3A_939 = arith.constant 0 : i32
      %dma_start3A_940 = tpu.memref_slice %arg4[%multiple_of3A_935, %dma_start3A_939] : memref<1000000x32xf32, #tpu.memory_space<hbm>> -> memref<8x32xf32, #tpu.memory_space<hbm>>
      %dma_start3A_941 = arith.constant 144 : i32
      %dma_start3A_942 = arith.constant 0 : i32
      %dma_start3A_943 = tpu.memref_slice %arg9[%dma_start3A_941, %dma_start3A_942] : memref<256x32xf32, #tpu.memory_space<vmem>> -> memref<8x32xf32, #tpu.memory_space<vmem>>
      %dma_start3A_944 = arith.constant 0 : i32
      %dma_start3A_945 = tpu.memref_slice %arg4[%multiple_of3A_935, %dma_start3A_944] : memref<1000000x32xf32, #tpu.memory_space<hbm>> -> memref<8x32xf32, #tpu.memory_space<hbm>>
      tpu.enqueue_dma source(%dma_start3A_945 : memref<8x32xf32, #tpu.memory_space<hbm>>) target(%dma_start3A_943 : memref<8x32xf32, #tpu.memory_space<vmem>>) target_semaphore(%arg12 : memref<!tpu.dma_semaphore, #tpu.memory_space<semaphore_mem>>)
      %eq3A_946 = arith.constant 2 : i32
      %eq3A_947 = vector.broadcast %eq3A_946 : i32 to vector<16xi32>
      %eq3A_948 = arith.cmpi eq, %iota3A, %eq3A_947 : vector<16xi32>
      %jit3A_949 = arith.constant 0 : i32
      %broadcast_in_dim3A_950 = vector.broadcast %jit3A_949 : i32 to vector<16xi32>
      %select_n3A_951 = arith.select %eq3A_948, %get3A_820, %broadcast_in_dim3A_950 : vector<16xi1>, vector<16xi32>
      %reduce_sum3A_952 = arith.constant true
      %reduce_sum3A_953 = vector.broadcast %reduce_sum3A_952 : i1 to vector<16xi1>
      %reduce_sum3A_954 = tpu.scan <sum>, %select_n3A_951 masked %reduce_sum3A_953 : vector<16xi32>, vector<16xi1> -> vector<16xi32>
      %reduce_sum3A_955 = vector.extract %reduce_sum3A_954[15] : i32 from vector<16xi32>
      %shift_right_arithmetic3A_956 = arith.constant 3 : i32
      %shift_right_arithmetic3A_957 = arith.shrsi %reduce_sum3A_955, %shift_right_arithmetic3A_956 : i32
      %mul3A_958 = arith.constant 8 : i32
      %mul3A_959 = arith.muli %shift_right_arithmetic3A_957, %mul3A_958 : i32
      %multiple_of3A_960 = tpu.assume_multiple %mul3A_959, 8 : i32
      %dma_start3A_961 = arith.constant 144 : i32
      %dma_start3A_962 = arith.constant 0 : i32
      %dma_start3A_963 = tpu.memref_slice %arg10[%dma_start3A_961, %dma_start3A_962] : memref<256x32xf32, #tpu.memory_space<vmem>> -> memref<8x32xf32, #tpu.memory_space<vmem>>
      %dma_start3A_964 = arith.constant 0 : i32
      %dma_start3A_965 = tpu.memref_slice %arg5[%multiple_of3A_960, %dma_start3A_964] : memref<1000000x32xf32, #tpu.memory_space<hbm>> -> memref<8x32xf32, #tpu.memory_space<hbm>>
      %dma_start3A_966 = arith.constant 144 : i32
      %dma_start3A_967 = arith.constant 0 : i32
      %dma_start3A_968 = tpu.memref_slice %arg10[%dma_start3A_966, %dma_start3A_967] : memref<256x32xf32, #tpu.memory_space<vmem>> -> memref<8x32xf32, #tpu.memory_space<vmem>>
      %dma_start3A_969 = arith.constant 0 : i32
      %dma_start3A_970 = tpu.memref_slice %arg5[%multiple_of3A_960, %dma_start3A_969] : memref<1000000x32xf32, #tpu.memory_space<hbm>> -> memref<8x32xf32, #tpu.memory_space<hbm>>
      tpu.enqueue_dma source(%dma_start3A_970 : memref<8x32xf32, #tpu.memory_space<hbm>>) target(%dma_start3A_968 : memref<8x32xf32, #tpu.memory_space<vmem>>) target_semaphore(%arg13 : memref<!tpu.dma_semaphore, #tpu.memory_space<semaphore_mem>>)
      %eq3A_971 = arith.constant 3 : i32
      %eq3A_972 = vector.broadcast %eq3A_971 : i32 to vector<16xi32>
      %eq3A_973 = arith.cmpi eq, %iota3A, %eq3A_972 : vector<16xi32>
      %jit3A_974 = arith.constant 0 : i32
      %broadcast_in_dim3A_975 = vector.broadcast %jit3A_974 : i32 to vector<16xi32>
      %select_n3A_976 = arith.select %eq3A_973, %get3A_816, %broadcast_in_dim3A_975 : vector<16xi1>, vector<16xi32>
      %reduce_sum3A_977 = arith.constant true
      %reduce_sum3A_978 = vector.broadcast %reduce_sum3A_977 : i1 to vector<16xi1>
      %reduce_sum3A_979 = tpu.scan <sum>, %select_n3A_976 masked %reduce_sum3A_978 : vector<16xi32>, vector<16xi1> -> vector<16xi32>
      %reduce_sum3A_980 = vector.extract %reduce_sum3A_979[15] : i32 from vector<16xi32>
      %shift_right_arithmetic3A_981 = arith.constant 3 : i32
      %shift_right_arithmetic3A_982 = arith.shrsi %reduce_sum3A_980, %shift_right_arithmetic3A_981 : i32
      %mul3A_983 = arith.constant 8 : i32
      %mul3A_984 = arith.muli %shift_right_arithmetic3A_982, %mul3A_983 : i32
      %multiple_of3A_985 = tpu.assume_multiple %mul3A_984, 8 : i32
      %dma_start3A_986 = arith.constant 152 : i32
      %dma_start3A_987 = arith.constant 0 : i32
      %dma_start3A_988 = tpu.memref_slice %arg9[%dma_start3A_986, %dma_start3A_987] : memref<256x32xf32, #tpu.memory_space<vmem>> -> memref<8x32xf32, #tpu.memory_space<vmem>>
      %dma_start3A_989 = arith.constant 0 : i32
      %dma_start3A_990 = tpu.memref_slice %arg4[%multiple_of3A_985, %dma_start3A_989] : memref<1000000x32xf32, #tpu.memory_space<hbm>> -> memref<8x32xf32, #tpu.memory_space<hbm>>
      %dma_start3A_991 = arith.constant 152 : i32
      %dma_start3A_992 = arith.constant 0 : i32
      %dma_start3A_993 = tpu.memref_slice %arg9[%dma_start3A_991, %dma_start3A_992] : memref<256x32xf32, #tpu.memory_space<vmem>> -> memref<8x32xf32, #tpu.memory_space<vmem>>
      %dma_start3A_994 = arith.constant 0 : i32
      %dma_start3A_995 = tpu.memref_slice %arg4[%multiple_of3A_985, %dma_start3A_994] : memref<1000000x32xf32, #tpu.memory_space<hbm>> -> memref<8x32xf32, #tpu.memory_space<hbm>>
      tpu.enqueue_dma source(%dma_start3A_995 : memref<8x32xf32, #tpu.memory_space<hbm>>) target(%dma_start3A_993 : memref<8x32xf32, #tpu.memory_space<vmem>>) target_semaphore(%arg12 : memref<!tpu.dma_semaphore, #tpu.memory_space<semaphore_mem>>)
      %eq3A_996 = arith.constant 3 : i32
      %eq3A_997 = vector.broadcast %eq3A_996 : i32 to vector<16xi32>
      %eq3A_998 = arith.cmpi eq, %iota3A, %eq3A_997 : vector<16xi32>
      %jit3A_999 = arith.constant 0 : i32
      %broadcast_in_dim3A_1000 = vector.broadcast %jit3A_999 : i32 to vector<16xi32>
      %select_n3A_1001 = arith.select %eq3A_998, %get3A_820, %broadcast_in_dim3A_1000 : vector<16xi1>, vector<16xi32>
      %reduce_sum3A_1002 = arith.constant true
      %reduce_sum3A_1003 = vector.broadcast %reduce_sum3A_1002 : i1 to vector<16xi1>
      %reduce_sum3A_1004 = tpu.scan <sum>, %select_n3A_1001 masked %reduce_sum3A_1003 : vector<16xi32>, vector<16xi1> -> vector<16xi32>
      %reduce_sum3A_1005 = vector.extract %reduce_sum3A_1004[15] : i32 from vector<16xi32>
      %shift_right_arithmetic3A_1006 = arith.constant 3 : i32
      %shift_right_arithmetic3A_1007 = arith.shrsi %reduce_sum3A_1005, %shift_right_arithmetic3A_1006 : i32
      %mul3A_1008 = arith.constant 8 : i32
      %mul3A_1009 = arith.muli %shift_right_arithmetic3A_1007, %mul3A_1008 : i32
      %multiple_of3A_1010 = tpu.assume_multiple %mul3A_1009, 8 : i32
      %dma_start3A_1011 = arith.constant 152 : i32
      %dma_start3A_1012 = arith.constant 0 : i32
      %dma_start3A_1013 = tpu.memref_slice %arg10[%dma_start3A_1011, %dma_start3A_1012] : memref<256x32xf32, #tpu.memory_space<vmem>> -> memref<8x32xf32, #tpu.memory_space<vmem>>
      %dma_start3A_1014 = arith.constant 0 : i32
      %dma_start3A_1015 = tpu.memref_slice %arg5[%multiple_of3A_1010, %dma_start3A_1014] : memref<1000000x32xf32, #tpu.memory_space<hbm>> -> memref<8x32xf32, #tpu.memory_space<hbm>>
      %dma_start3A_1016 = arith.constant 152 : i32
      %dma_start3A_1017 = arith.constant 0 : i32
      %dma_start3A_1018 = tpu.memref_slice %arg10[%dma_start3A_1016, %dma_start3A_1017] : memref<256x32xf32, #tpu.memory_space<vmem>> -> memref<8x32xf32, #tpu.memory_space<vmem>>
      %dma_start3A_1019 = arith.constant 0 : i32
      %dma_start3A_1020 = tpu.memref_slice %arg5[%multiple_of3A_1010, %dma_start3A_1019] : memref<1000000x32xf32, #tpu.memory_space<hbm>> -> memref<8x32xf32, #tpu.memory_space<hbm>>
      tpu.enqueue_dma source(%dma_start3A_1020 : memref<8x32xf32, #tpu.memory_space<hbm>>) target(%dma_start3A_1018 : memref<8x32xf32, #tpu.memory_space<vmem>>) target_semaphore(%arg13 : memref<!tpu.dma_semaphore, #tpu.memory_space<semaphore_mem>>)
      %eq3A_1021 = arith.constant 4 : i32
      %eq3A_1022 = vector.broadcast %eq3A_1021 : i32 to vector<16xi32>
      %eq3A_1023 = arith.cmpi eq, %iota3A, %eq3A_1022 : vector<16xi32>
      %jit3A_1024 = arith.constant 0 : i32
      %broadcast_in_dim3A_1025 = vector.broadcast %jit3A_1024 : i32 to vector<16xi32>
      %select_n3A_1026 = arith.select %eq3A_1023, %get3A_816, %broadcast_in_dim3A_1025 : vector<16xi1>, vector<16xi32>
      %reduce_sum3A_1027 = arith.constant true
      %reduce_sum3A_1028 = vector.broadcast %reduce_sum3A_1027 : i1 to vector<16xi1>
      %reduce_sum3A_1029 = tpu.scan <sum>, %select_n3A_1026 masked %reduce_sum3A_1028 : vector<16xi32>, vector<16xi1> -> vector<16xi32>
      %reduce_sum3A_1030 = vector.extract %reduce_sum3A_1029[15] : i32 from vector<16xi32>
      %shift_right_arithmetic3A_1031 = arith.constant 3 : i32
      %shift_right_arithmetic3A_1032 = arith.shrsi %reduce_sum3A_1030, %shift_right_arithmetic3A_1031 : i32
      %mul3A_1033 = arith.constant 8 : i32
      %mul3A_1034 = arith.muli %shift_right_arithmetic3A_1032, %mul3A_1033 : i32
      %multiple_of3A_1035 = tpu.assume_multiple %mul3A_1034, 8 : i32
      %dma_start3A_1036 = arith.constant 160 : i32
      %dma_start3A_1037 = arith.constant 0 : i32
      %dma_start3A_1038 = tpu.memref_slice %arg9[%dma_start3A_1036, %dma_start3A_1037] : memref<256x32xf32, #tpu.memory_space<vmem>> -> memref<8x32xf32, #tpu.memory_space<vmem>>
      %dma_start3A_1039 = arith.constant 0 : i32
      %dma_start3A_1040 = tpu.memref_slice %arg4[%multiple_of3A_1035, %dma_start3A_1039] : memref<1000000x32xf32, #tpu.memory_space<hbm>> -> memref<8x32xf32, #tpu.memory_space<hbm>>
      %dma_start3A_1041 = arith.constant 160 : i32
      %dma_start3A_1042 = arith.constant 0 : i32
      %dma_start3A_1043 = tpu.memref_slice %arg9[%dma_start3A_1041, %dma_start3A_1042] : memref<256x32xf32, #tpu.memory_space<vmem>> -> memref<8x32xf32, #tpu.memory_space<vmem>>
      %dma_start3A_1044 = arith.constant 0 : i32
      %dma_start3A_1045 = tpu.memref_slice %arg4[%multiple_of3A_1035, %dma_start3A_1044] : memref<1000000x32xf32, #tpu.memory_space<hbm>> -> memref<8x32xf32, #tpu.memory_space<hbm>>
      tpu.enqueue_dma source(%dma_start3A_1045 : memref<8x32xf32, #tpu.memory_space<hbm>>) target(%dma_start3A_1043 : memref<8x32xf32, #tpu.memory_space<vmem>>) target_semaphore(%arg12 : memref<!tpu.dma_semaphore, #tpu.memory_space<semaphore_mem>>)
      %eq3A_1046 = arith.constant 4 : i32
      %eq3A_1047 = vector.broadcast %eq3A_1046 : i32 to vector<16xi32>
      %eq3A_1048 = arith.cmpi eq, %iota3A, %eq3A_1047 : vector<16xi32>
      %jit3A_1049 = arith.constant 0 : i32
      %broadcast_in_dim3A_1050 = vector.broadcast %jit3A_1049 : i32 to vector<16xi32>
      %select_n3A_1051 = arith.select %eq3A_1048, %get3A_820, %broadcast_in_dim3A_1050 : vector<16xi1>, vector<16xi32>
      %reduce_sum3A_1052 = arith.constant true
      %reduce_sum3A_1053 = vector.broadcast %reduce_sum3A_1052 : i1 to vector<16xi1>
      %reduce_sum3A_1054 = tpu.scan <sum>, %select_n3A_1051 masked %reduce_sum3A_1053 : vector<16xi32>, vector<16xi1> -> vector<16xi32>
      %reduce_sum3A_1055 = vector.extract %reduce_sum3A_1054[15] : i32 from vector<16xi32>
      %shift_right_arithmetic3A_1056 = arith.constant 3 : i32
      %shift_right_arithmetic3A_1057 = arith.shrsi %reduce_sum3A_1055, %shift_right_arithmetic3A_1056 : i32
      %mul3A_1058 = arith.constant 8 : i32
      %mul3A_1059 = arith.muli %shift_right_arithmetic3A_1057, %mul3A_1058 : i32
      %multiple_of3A_1060 = tpu.assume_multiple %mul3A_1059, 8 : i32
      %dma_start3A_1061 = arith.constant 160 : i32
      %dma_start3A_1062 = arith.constant 0 : i32
      %dma_start3A_1063 = tpu.memref_slice %arg10[%dma_start3A_1061, %dma_start3A_1062] : memref<256x32xf32, #tpu.memory_space<vmem>> -> memref<8x32xf32, #tpu.memory_space<vmem>>
      %dma_start3A_1064 = arith.constant 0 : i32
      %dma_start3A_1065 = tpu.memref_slice %arg5[%multiple_of3A_1060, %dma_start3A_1064] : memref<1000000x32xf32, #tpu.memory_space<hbm>> -> memref<8x32xf32, #tpu.memory_space<hbm>>
      %dma_start3A_1066 = arith.constant 160 : i32
      %dma_start3A_1067 = arith.constant 0 : i32
      %dma_start3A_1068 = tpu.memref_slice %arg10[%dma_start3A_1066, %dma_start3A_1067] : memref<256x32xf32, #tpu.memory_space<vmem>> -> memref<8x32xf32, #tpu.memory_space<vmem>>
      %dma_start3A_1069 = arith.constant 0 : i32
      %dma_start3A_1070 = tpu.memref_slice %arg5[%multiple_of3A_1060, %dma_start3A_1069] : memref<1000000x32xf32, #tpu.memory_space<hbm>> -> memref<8x32xf32, #tpu.memory_space<hbm>>
      tpu.enqueue_dma source(%dma_start3A_1070 : memref<8x32xf32, #tpu.memory_space<hbm>>) target(%dma_start3A_1068 : memref<8x32xf32, #tpu.memory_space<vmem>>) target_semaphore(%arg13 : memref<!tpu.dma_semaphore, #tpu.memory_space<semaphore_mem>>)
      %eq3A_1071 = arith.constant 5 : i32
      %eq3A_1072 = vector.broadcast %eq3A_1071 : i32 to vector<16xi32>
      %eq3A_1073 = arith.cmpi eq, %iota3A, %eq3A_1072 : vector<16xi32>
      %jit3A_1074 = arith.constant 0 : i32
      %broadcast_in_dim3A_1075 = vector.broadcast %jit3A_1074 : i32 to vector<16xi32>
      %select_n3A_1076 = arith.select %eq3A_1073, %get3A_816, %broadcast_in_dim3A_1075 : vector<16xi1>, vector<16xi32>
      %reduce_sum3A_1077 = arith.constant true
      %reduce_sum3A_1078 = vector.broadcast %reduce_sum3A_1077 : i1 to vector<16xi1>
      %reduce_sum3A_1079 = tpu.scan <sum>, %select_n3A_1076 masked %reduce_sum3A_1078 : vector<16xi32>, vector<16xi1> -> vector<16xi32>
      %reduce_sum3A_1080 = vector.extract %reduce_sum3A_1079[15] : i32 from vector<16xi32>
      %shift_right_arithmetic3A_1081 = arith.constant 3 : i32
      %shift_right_arithmetic3A_1082 = arith.shrsi %reduce_sum3A_1080, %shift_right_arithmetic3A_1081 : i32
      %mul3A_1083 = arith.constant 8 : i32
      %mul3A_1084 = arith.muli %shift_right_arithmetic3A_1082, %mul3A_1083 : i32
      %multiple_of3A_1085 = tpu.assume_multiple %mul3A_1084, 8 : i32
      %dma_start3A_1086 = arith.constant 168 : i32
      %dma_start3A_1087 = arith.constant 0 : i32
      %dma_start3A_1088 = tpu.memref_slice %arg9[%dma_start3A_1086, %dma_start3A_1087] : memref<256x32xf32, #tpu.memory_space<vmem>> -> memref<8x32xf32, #tpu.memory_space<vmem>>
      %dma_start3A_1089 = arith.constant 0 : i32
      %dma_start3A_1090 = tpu.memref_slice %arg4[%multiple_of3A_1085, %dma_start3A_1089] : memref<1000000x32xf32, #tpu.memory_space<hbm>> -> memref<8x32xf32, #tpu.memory_space<hbm>>
      %dma_start3A_1091 = arith.constant 168 : i32
      %dma_start3A_1092 = arith.constant 0 : i32
      %dma_start3A_1093 = tpu.memref_slice %arg9[%dma_start3A_1091, %dma_start3A_1092] : memref<256x32xf32, #tpu.memory_space<vmem>> -> memref<8x32xf32, #tpu.memory_space<vmem>>
      %dma_start3A_1094 = arith.constant 0 : i32
      %dma_start3A_1095 = tpu.memref_slice %arg4[%multiple_of3A_1085, %dma_start3A_1094] : memref<1000000x32xf32, #tpu.memory_space<hbm>> -> memref<8x32xf32, #tpu.memory_space<hbm>>
      tpu.enqueue_dma source(%dma_start3A_1095 : memref<8x32xf32, #tpu.memory_space<hbm>>) target(%dma_start3A_1093 : memref<8x32xf32, #tpu.memory_space<vmem>>) target_semaphore(%arg12 : memref<!tpu.dma_semaphore, #tpu.memory_space<semaphore_mem>>)
      %eq3A_1096 = arith.constant 5 : i32
      %eq3A_1097 = vector.broadcast %eq3A_1096 : i32 to vector<16xi32>
      %eq3A_1098 = arith.cmpi eq, %iota3A, %eq3A_1097 : vector<16xi32>
      %jit3A_1099 = arith.constant 0 : i32
      %broadcast_in_dim3A_1100 = vector.broadcast %jit3A_1099 : i32 to vector<16xi32>
      %select_n3A_1101 = arith.select %eq3A_1098, %get3A_820, %broadcast_in_dim3A_1100 : vector<16xi1>, vector<16xi32>
      %reduce_sum3A_1102 = arith.constant true
      %reduce_sum3A_1103 = vector.broadcast %reduce_sum3A_1102 : i1 to vector<16xi1>
      %reduce_sum3A_1104 = tpu.scan <sum>, %select_n3A_1101 masked %reduce_sum3A_1103 : vector<16xi32>, vector<16xi1> -> vector<16xi32>
      %reduce_sum3A_1105 = vector.extract %reduce_sum3A_1104[15] : i32 from vector<16xi32>
      %shift_right_arithmetic3A_1106 = arith.constant 3 : i32
      %shift_right_arithmetic3A_1107 = arith.shrsi %reduce_sum3A_1105, %shift_right_arithmetic3A_1106 : i32
      %mul3A_1108 = arith.constant 8 : i32
      %mul3A_1109 = arith.muli %shift_right_arithmetic3A_1107, %mul3A_1108 : i32
      %multiple_of3A_1110 = tpu.assume_multiple %mul3A_1109, 8 : i32
      %dma_start3A_1111 = arith.constant 168 : i32
      %dma_start3A_1112 = arith.constant 0 : i32
      %dma_start3A_1113 = tpu.memref_slice %arg10[%dma_start3A_1111, %dma_start3A_1112] : memref<256x32xf32, #tpu.memory_space<vmem>> -> memref<8x32xf32, #tpu.memory_space<vmem>>
      %dma_start3A_1114 = arith.constant 0 : i32
      %dma_start3A_1115 = tpu.memref_slice %arg5[%multiple_of3A_1110, %dma_start3A_1114] : memref<1000000x32xf32, #tpu.memory_space<hbm>> -> memref<8x32xf32, #tpu.memory_space<hbm>>
      %dma_start3A_1116 = arith.constant 168 : i32
      %dma_start3A_1117 = arith.constant 0 : i32
      %dma_start3A_1118 = tpu.memref_slice %arg10[%dma_start3A_1116, %dma_start3A_1117] : memref<256x32xf32, #tpu.memory_space<vmem>> -> memref<8x32xf32, #tpu.memory_space<vmem>>
      %dma_start3A_1119 = arith.constant 0 : i32
      %dma_start3A_1120 = tpu.memref_slice %arg5[%multiple_of3A_1110, %dma_start3A_1119] : memref<1000000x32xf32, #tpu.memory_space<hbm>> -> memref<8x32xf32, #tpu.memory_space<hbm>>
      tpu.enqueue_dma source(%dma_start3A_1120 : memref<8x32xf32, #tpu.memory_space<hbm>>) target(%dma_start3A_1118 : memref<8x32xf32, #tpu.memory_space<vmem>>) target_semaphore(%arg13 : memref<!tpu.dma_semaphore, #tpu.memory_space<semaphore_mem>>)
      %eq3A_1121 = arith.constant 6 : i32
      %eq3A_1122 = vector.broadcast %eq3A_1121 : i32 to vector<16xi32>
      %eq3A_1123 = arith.cmpi eq, %iota3A, %eq3A_1122 : vector<16xi32>
      %jit3A_1124 = arith.constant 0 : i32
      %broadcast_in_dim3A_1125 = vector.broadcast %jit3A_1124 : i32 to vector<16xi32>
      %select_n3A_1126 = arith.select %eq3A_1123, %get3A_816, %broadcast_in_dim3A_1125 : vector<16xi1>, vector<16xi32>
      %reduce_sum3A_1127 = arith.constant true
      %reduce_sum3A_1128 = vector.broadcast %reduce_sum3A_1127 : i1 to vector<16xi1>
      %reduce_sum3A_1129 = tpu.scan <sum>, %select_n3A_1126 masked %reduce_sum3A_1128 : vector<16xi32>, vector<16xi1> -> vector<16xi32>
      %reduce_sum3A_1130 = vector.extract %reduce_sum3A_1129[15] : i32 from vector<16xi32>
      %shift_right_arithmetic3A_1131 = arith.constant 3 : i32
      %shift_right_arithmetic3A_1132 = arith.shrsi %reduce_sum3A_1130, %shift_right_arithmetic3A_1131 : i32
      %mul3A_1133 = arith.constant 8 : i32
      %mul3A_1134 = arith.muli %shift_right_arithmetic3A_1132, %mul3A_1133 : i32
      %multiple_of3A_1135 = tpu.assume_multiple %mul3A_1134, 8 : i32
      %dma_start3A_1136 = arith.constant 176 : i32
      %dma_start3A_1137 = arith.constant 0 : i32
      %dma_start3A_1138 = tpu.memref_slice %arg9[%dma_start3A_1136, %dma_start3A_1137] : memref<256x32xf32, #tpu.memory_space<vmem>> -> memref<8x32xf32, #tpu.memory_space<vmem>>
      %dma_start3A_1139 = arith.constant 0 : i32
      %dma_start3A_1140 = tpu.memref_slice %arg4[%multiple_of3A_1135, %dma_start3A_1139] : memref<1000000x32xf32, #tpu.memory_space<hbm>> -> memref<8x32xf32, #tpu.memory_space<hbm>>
      %dma_start3A_1141 = arith.constant 176 : i32
      %dma_start3A_1142 = arith.constant 0 : i32
      %dma_start3A_1143 = tpu.memref_slice %arg9[%dma_start3A_1141, %dma_start3A_1142] : memref<256x32xf32, #tpu.memory_space<vmem>> -> memref<8x32xf32, #tpu.memory_space<vmem>>
      %dma_start3A_1144 = arith.constant 0 : i32
      %dma_start3A_1145 = tpu.memref_slice %arg4[%multiple_of3A_1135, %dma_start3A_1144] : memref<1000000x32xf32, #tpu.memory_space<hbm>> -> memref<8x32xf32, #tpu.memory_space<hbm>>
      tpu.enqueue_dma source(%dma_start3A_1145 : memref<8x32xf32, #tpu.memory_space<hbm>>) target(%dma_start3A_1143 : memref<8x32xf32, #tpu.memory_space<vmem>>) target_semaphore(%arg12 : memref<!tpu.dma_semaphore, #tpu.memory_space<semaphore_mem>>)
      %eq3A_1146 = arith.constant 6 : i32
      %eq3A_1147 = vector.broadcast %eq3A_1146 : i32 to vector<16xi32>
      %eq3A_1148 = arith.cmpi eq, %iota3A, %eq3A_1147 : vector<16xi32>
      %jit3A_1149 = arith.constant 0 : i32
      %broadcast_in_dim3A_1150 = vector.broadcast %jit3A_1149 : i32 to vector<16xi32>
      %select_n3A_1151 = arith.select %eq3A_1148, %get3A_820, %broadcast_in_dim3A_1150 : vector<16xi1>, vector<16xi32>
      %reduce_sum3A_1152 = arith.constant true
      %reduce_sum3A_1153 = vector.broadcast %reduce_sum3A_1152 : i1 to vector<16xi1>
      %reduce_sum3A_1154 = tpu.scan <sum>, %select_n3A_1151 masked %reduce_sum3A_1153 : vector<16xi32>, vector<16xi1> -> vector<16xi32>
      %reduce_sum3A_1155 = vector.extract %reduce_sum3A_1154[15] : i32 from vector<16xi32>
      %shift_right_arithmetic3A_1156 = arith.constant 3 : i32
      %shift_right_arithmetic3A_1157 = arith.shrsi %reduce_sum3A_1155, %shift_right_arithmetic3A_1156 : i32
      %mul3A_1158 = arith.constant 8 : i32
      %mul3A_1159 = arith.muli %shift_right_arithmetic3A_1157, %mul3A_1158 : i32
      %multiple_of3A_1160 = tpu.assume_multiple %mul3A_1159, 8 : i32
      %dma_start3A_1161 = arith.constant 176 : i32
      %dma_start3A_1162 = arith.constant 0 : i32
      %dma_start3A_1163 = tpu.memref_slice %arg10[%dma_start3A_1161, %dma_start3A_1162] : memref<256x32xf32, #tpu.memory_space<vmem>> -> memref<8x32xf32, #tpu.memory_space<vmem>>
      %dma_start3A_1164 = arith.constant 0 : i32
      %dma_start3A_1165 = tpu.memref_slice %arg5[%multiple_of3A_1160, %dma_start3A_1164] : memref<1000000x32xf32, #tpu.memory_space<hbm>> -> memref<8x32xf32, #tpu.memory_space<hbm>>
      %dma_start3A_1166 = arith.constant 176 : i32
      %dma_start3A_1167 = arith.constant 0 : i32
      %dma_start3A_1168 = tpu.memref_slice %arg10[%dma_start3A_1166, %dma_start3A_1167] : memref<256x32xf32, #tpu.memory_space<vmem>> -> memref<8x32xf32, #tpu.memory_space<vmem>>
      %dma_start3A_1169 = arith.constant 0 : i32
      %dma_start3A_1170 = tpu.memref_slice %arg5[%multiple_of3A_1160, %dma_start3A_1169] : memref<1000000x32xf32, #tpu.memory_space<hbm>> -> memref<8x32xf32, #tpu.memory_space<hbm>>
      tpu.enqueue_dma source(%dma_start3A_1170 : memref<8x32xf32, #tpu.memory_space<hbm>>) target(%dma_start3A_1168 : memref<8x32xf32, #tpu.memory_space<vmem>>) target_semaphore(%arg13 : memref<!tpu.dma_semaphore, #tpu.memory_space<semaphore_mem>>)
      %eq3A_1171 = arith.constant 7 : i32
      %eq3A_1172 = vector.broadcast %eq3A_1171 : i32 to vector<16xi32>
      %eq3A_1173 = arith.cmpi eq, %iota3A, %eq3A_1172 : vector<16xi32>
      %jit3A_1174 = arith.constant 0 : i32
      %broadcast_in_dim3A_1175 = vector.broadcast %jit3A_1174 : i32 to vector<16xi32>
      %select_n3A_1176 = arith.select %eq3A_1173, %get3A_816, %broadcast_in_dim3A_1175 : vector<16xi1>, vector<16xi32>
      %reduce_sum3A_1177 = arith.constant true
      %reduce_sum3A_1178 = vector.broadcast %reduce_sum3A_1177 : i1 to vector<16xi1>
      %reduce_sum3A_1179 = tpu.scan <sum>, %select_n3A_1176 masked %reduce_sum3A_1178 : vector<16xi32>, vector<16xi1> -> vector<16xi32>
      %reduce_sum3A_1180 = vector.extract %reduce_sum3A_1179[15] : i32 from vector<16xi32>
      %shift_right_arithmetic3A_1181 = arith.constant 3 : i32
      %shift_right_arithmetic3A_1182 = arith.shrsi %reduce_sum3A_1180, %shift_right_arithmetic3A_1181 : i32
      %mul3A_1183 = arith.constant 8 : i32
      %mul3A_1184 = arith.muli %shift_right_arithmetic3A_1182, %mul3A_1183 : i32
      %multiple_of3A_1185 = tpu.assume_multiple %mul3A_1184, 8 : i32
      %dma_start3A_1186 = arith.constant 184 : i32
      %dma_start3A_1187 = arith.constant 0 : i32
      %dma_start3A_1188 = tpu.memref_slice %arg9[%dma_start3A_1186, %dma_start3A_1187] : memref<256x32xf32, #tpu.memory_space<vmem>> -> memref<8x32xf32, #tpu.memory_space<vmem>>
      %dma_start3A_1189 = arith.constant 0 : i32
      %dma_start3A_1190 = tpu.memref_slice %arg4[%multiple_of3A_1185, %dma_start3A_1189] : memref<1000000x32xf32, #tpu.memory_space<hbm>> -> memref<8x32xf32, #tpu.memory_space<hbm>>
      %dma_start3A_1191 = arith.constant 184 : i32
      %dma_start3A_1192 = arith.constant 0 : i32
      %dma_start3A_1193 = tpu.memref_slice %arg9[%dma_start3A_1191, %dma_start3A_1192] : memref<256x32xf32, #tpu.memory_space<vmem>> -> memref<8x32xf32, #tpu.memory_space<vmem>>
      %dma_start3A_1194 = arith.constant 0 : i32
      %dma_start3A_1195 = tpu.memref_slice %arg4[%multiple_of3A_1185, %dma_start3A_1194] : memref<1000000x32xf32, #tpu.memory_space<hbm>> -> memref<8x32xf32, #tpu.memory_space<hbm>>
      tpu.enqueue_dma source(%dma_start3A_1195 : memref<8x32xf32, #tpu.memory_space<hbm>>) target(%dma_start3A_1193 : memref<8x32xf32, #tpu.memory_space<vmem>>) target_semaphore(%arg12 : memref<!tpu.dma_semaphore, #tpu.memory_space<semaphore_mem>>)
      %eq3A_1196 = arith.constant 7 : i32
      %eq3A_1197 = vector.broadcast %eq3A_1196 : i32 to vector<16xi32>
      %eq3A_1198 = arith.cmpi eq, %iota3A, %eq3A_1197 : vector<16xi32>
      %jit3A_1199 = arith.constant 0 : i32
      %broadcast_in_dim3A_1200 = vector.broadcast %jit3A_1199 : i32 to vector<16xi32>
      %select_n3A_1201 = arith.select %eq3A_1198, %get3A_820, %broadcast_in_dim3A_1200 : vector<16xi1>, vector<16xi32>
      %reduce_sum3A_1202 = arith.constant true
      %reduce_sum3A_1203 = vector.broadcast %reduce_sum3A_1202 : i1 to vector<16xi1>
      %reduce_sum3A_1204 = tpu.scan <sum>, %select_n3A_1201 masked %reduce_sum3A_1203 : vector<16xi32>, vector<16xi1> -> vector<16xi32>
      %reduce_sum3A_1205 = vector.extract %reduce_sum3A_1204[15] : i32 from vector<16xi32>
      %shift_right_arithmetic3A_1206 = arith.constant 3 : i32
      %shift_right_arithmetic3A_1207 = arith.shrsi %reduce_sum3A_1205, %shift_right_arithmetic3A_1206 : i32
      %mul3A_1208 = arith.constant 8 : i32
      %mul3A_1209 = arith.muli %shift_right_arithmetic3A_1207, %mul3A_1208 : i32
      %multiple_of3A_1210 = tpu.assume_multiple %mul3A_1209, 8 : i32
      %dma_start3A_1211 = arith.constant 184 : i32
      %dma_start3A_1212 = arith.constant 0 : i32
      %dma_start3A_1213 = tpu.memref_slice %arg10[%dma_start3A_1211, %dma_start3A_1212] : memref<256x32xf32, #tpu.memory_space<vmem>> -> memref<8x32xf32, #tpu.memory_space<vmem>>
      %dma_start3A_1214 = arith.constant 0 : i32
      %dma_start3A_1215 = tpu.memref_slice %arg5[%multiple_of3A_1210, %dma_start3A_1214] : memref<1000000x32xf32, #tpu.memory_space<hbm>> -> memref<8x32xf32, #tpu.memory_space<hbm>>
      %dma_start3A_1216 = arith.constant 184 : i32
      %dma_start3A_1217 = arith.constant 0 : i32
      %dma_start3A_1218 = tpu.memref_slice %arg10[%dma_start3A_1216, %dma_start3A_1217] : memref<256x32xf32, #tpu.memory_space<vmem>> -> memref<8x32xf32, #tpu.memory_space<vmem>>
      %dma_start3A_1219 = arith.constant 0 : i32
      %dma_start3A_1220 = tpu.memref_slice %arg5[%multiple_of3A_1210, %dma_start3A_1219] : memref<1000000x32xf32, #tpu.memory_space<hbm>> -> memref<8x32xf32, #tpu.memory_space<hbm>>
      tpu.enqueue_dma source(%dma_start3A_1220 : memref<8x32xf32, #tpu.memory_space<hbm>>) target(%dma_start3A_1218 : memref<8x32xf32, #tpu.memory_space<vmem>>) target_semaphore(%arg13 : memref<!tpu.dma_semaphore, #tpu.memory_space<semaphore_mem>>)
      %eq3A_1221 = arith.constant 8 : i32
      %eq3A_1222 = vector.broadcast %eq3A_1221 : i32 to vector<16xi32>
      %eq3A_1223 = arith.cmpi eq, %iota3A, %eq3A_1222 : vector<16xi32>
      %jit3A_1224 = arith.constant 0 : i32
      %broadcast_in_dim3A_1225 = vector.broadcast %jit3A_1224 : i32 to vector<16xi32>
      %select_n3A_1226 = arith.select %eq3A_1223, %get3A_816, %broadcast_in_dim3A_1225 : vector<16xi1>, vector<16xi32>
      %reduce_sum3A_1227 = arith.constant true
      %reduce_sum3A_1228 = vector.broadcast %reduce_sum3A_1227 : i1 to vector<16xi1>
      %reduce_sum3A_1229 = tpu.scan <sum>, %select_n3A_1226 masked %reduce_sum3A_1228 : vector<16xi32>, vector<16xi1> -> vector<16xi32>
      %reduce_sum3A_1230 = vector.extract %reduce_sum3A_1229[15] : i32 from vector<16xi32>
      %shift_right_arithmetic3A_1231 = arith.constant 3 : i32
      %shift_right_arithmetic3A_1232 = arith.shrsi %reduce_sum3A_1230, %shift_right_arithmetic3A_1231 : i32
      %mul3A_1233 = arith.constant 8 : i32
      %mul3A_1234 = arith.muli %shift_right_arithmetic3A_1232, %mul3A_1233 : i32
      %multiple_of3A_1235 = tpu.assume_multiple %mul3A_1234, 8 : i32
      %dma_start3A_1236 = arith.constant 192 : i32
      %dma_start3A_1237 = arith.constant 0 : i32
      %dma_start3A_1238 = tpu.memref_slice %arg9[%dma_start3A_1236, %dma_start3A_1237] : memref<256x32xf32, #tpu.memory_space<vmem>> -> memref<8x32xf32, #tpu.memory_space<vmem>>
      %dma_start3A_1239 = arith.constant 0 : i32
      %dma_start3A_1240 = tpu.memref_slice %arg4[%multiple_of3A_1235, %dma_start3A_1239] : memref<1000000x32xf32, #tpu.memory_space<hbm>> -> memref<8x32xf32, #tpu.memory_space<hbm>>
      %dma_start3A_1241 = arith.constant 192 : i32
      %dma_start3A_1242 = arith.constant 0 : i32
      %dma_start3A_1243 = tpu.memref_slice %arg9[%dma_start3A_1241, %dma_start3A_1242] : memref<256x32xf32, #tpu.memory_space<vmem>> -> memref<8x32xf32, #tpu.memory_space<vmem>>
      %dma_start3A_1244 = arith.constant 0 : i32
      %dma_start3A_1245 = tpu.memref_slice %arg4[%multiple_of3A_1235, %dma_start3A_1244] : memref<1000000x32xf32, #tpu.memory_space<hbm>> -> memref<8x32xf32, #tpu.memory_space<hbm>>
      tpu.enqueue_dma source(%dma_start3A_1245 : memref<8x32xf32, #tpu.memory_space<hbm>>) target(%dma_start3A_1243 : memref<8x32xf32, #tpu.memory_space<vmem>>) target_semaphore(%arg12 : memref<!tpu.dma_semaphore, #tpu.memory_space<semaphore_mem>>)
      %eq3A_1246 = arith.constant 8 : i32
      %eq3A_1247 = vector.broadcast %eq3A_1246 : i32 to vector<16xi32>
      %eq3A_1248 = arith.cmpi eq, %iota3A, %eq3A_1247 : vector<16xi32>
      %jit3A_1249 = arith.constant 0 : i32
      %broadcast_in_dim3A_1250 = vector.broadcast %jit3A_1249 : i32 to vector<16xi32>
      %select_n3A_1251 = arith.select %eq3A_1248, %get3A_820, %broadcast_in_dim3A_1250 : vector<16xi1>, vector<16xi32>
      %reduce_sum3A_1252 = arith.constant true
      %reduce_sum3A_1253 = vector.broadcast %reduce_sum3A_1252 : i1 to vector<16xi1>
      %reduce_sum3A_1254 = tpu.scan <sum>, %select_n3A_1251 masked %reduce_sum3A_1253 : vector<16xi32>, vector<16xi1> -> vector<16xi32>
      %reduce_sum3A_1255 = vector.extract %reduce_sum3A_1254[15] : i32 from vector<16xi32>
      %shift_right_arithmetic3A_1256 = arith.constant 3 : i32
      %shift_right_arithmetic3A_1257 = arith.shrsi %reduce_sum3A_1255, %shift_right_arithmetic3A_1256 : i32
      %mul3A_1258 = arith.constant 8 : i32
      %mul3A_1259 = arith.muli %shift_right_arithmetic3A_1257, %mul3A_1258 : i32
      %multiple_of3A_1260 = tpu.assume_multiple %mul3A_1259, 8 : i32
      %dma_start3A_1261 = arith.constant 192 : i32
      %dma_start3A_1262 = arith.constant 0 : i32
      %dma_start3A_1263 = tpu.memref_slice %arg10[%dma_start3A_1261, %dma_start3A_1262] : memref<256x32xf32, #tpu.memory_space<vmem>> -> memref<8x32xf32, #tpu.memory_space<vmem>>
      %dma_start3A_1264 = arith.constant 0 : i32
      %dma_start3A_1265 = tpu.memref_slice %arg5[%multiple_of3A_1260, %dma_start3A_1264] : memref<1000000x32xf32, #tpu.memory_space<hbm>> -> memref<8x32xf32, #tpu.memory_space<hbm>>
      %dma_start3A_1266 = arith.constant 192 : i32
      %dma_start3A_1267 = arith.constant 0 : i32
      %dma_start3A_1268 = tpu.memref_slice %arg10[%dma_start3A_1266, %dma_start3A_1267] : memref<256x32xf32, #tpu.memory_space<vmem>> -> memref<8x32xf32, #tpu.memory_space<vmem>>
      %dma_start3A_1269 = arith.constant 0 : i32
      %dma_start3A_1270 = tpu.memref_slice %arg5[%multiple_of3A_1260, %dma_start3A_1269] : memref<1000000x32xf32, #tpu.memory_space<hbm>> -> memref<8x32xf32, #tpu.memory_space<hbm>>
      tpu.enqueue_dma source(%dma_start3A_1270 : memref<8x32xf32, #tpu.memory_space<hbm>>) target(%dma_start3A_1268 : memref<8x32xf32, #tpu.memory_space<vmem>>) target_semaphore(%arg13 : memref<!tpu.dma_semaphore, #tpu.memory_space<semaphore_mem>>)
      %eq3A_1271 = arith.constant 9 : i32
      %eq3A_1272 = vector.broadcast %eq3A_1271 : i32 to vector<16xi32>
      %eq3A_1273 = arith.cmpi eq, %iota3A, %eq3A_1272 : vector<16xi32>
      %jit3A_1274 = arith.constant 0 : i32
      %broadcast_in_dim3A_1275 = vector.broadcast %jit3A_1274 : i32 to vector<16xi32>
      %select_n3A_1276 = arith.select %eq3A_1273, %get3A_816, %broadcast_in_dim3A_1275 : vector<16xi1>, vector<16xi32>
      %reduce_sum3A_1277 = arith.constant true
      %reduce_sum3A_1278 = vector.broadcast %reduce_sum3A_1277 : i1 to vector<16xi1>
      %reduce_sum3A_1279 = tpu.scan <sum>, %select_n3A_1276 masked %reduce_sum3A_1278 : vector<16xi32>, vector<16xi1> -> vector<16xi32>
      %reduce_sum3A_1280 = vector.extract %reduce_sum3A_1279[15] : i32 from vector<16xi32>
      %shift_right_arithmetic3A_1281 = arith.constant 3 : i32
      %shift_right_arithmetic3A_1282 = arith.shrsi %reduce_sum3A_1280, %shift_right_arithmetic3A_1281 : i32
      %mul3A_1283 = arith.constant 8 : i32
      %mul3A_1284 = arith.muli %shift_right_arithmetic3A_1282, %mul3A_1283 : i32
      %multiple_of3A_1285 = tpu.assume_multiple %mul3A_1284, 8 : i32
      %dma_start3A_1286 = arith.constant 200 : i32
      %dma_start3A_1287 = arith.constant 0 : i32
      %dma_start3A_1288 = tpu.memref_slice %arg9[%dma_start3A_1286, %dma_start3A_1287] : memref<256x32xf32, #tpu.memory_space<vmem>> -> memref<8x32xf32, #tpu.memory_space<vmem>>
      %dma_start3A_1289 = arith.constant 0 : i32
      %dma_start3A_1290 = tpu.memref_slice %arg4[%multiple_of3A_1285, %dma_start3A_1289] : memref<1000000x32xf32, #tpu.memory_space<hbm>> -> memref<8x32xf32, #tpu.memory_space<hbm>>
      %dma_start3A_1291 = arith.constant 200 : i32
      %dma_start3A_1292 = arith.constant 0 : i32
      %dma_start3A_1293 = tpu.memref_slice %arg9[%dma_start3A_1291, %dma_start3A_1292] : memref<256x32xf32, #tpu.memory_space<vmem>> -> memref<8x32xf32, #tpu.memory_space<vmem>>
      %dma_start3A_1294 = arith.constant 0 : i32
      %dma_start3A_1295 = tpu.memref_slice %arg4[%multiple_of3A_1285, %dma_start3A_1294] : memref<1000000x32xf32, #tpu.memory_space<hbm>> -> memref<8x32xf32, #tpu.memory_space<hbm>>
      tpu.enqueue_dma source(%dma_start3A_1295 : memref<8x32xf32, #tpu.memory_space<hbm>>) target(%dma_start3A_1293 : memref<8x32xf32, #tpu.memory_space<vmem>>) target_semaphore(%arg12 : memref<!tpu.dma_semaphore, #tpu.memory_space<semaphore_mem>>)
      %eq3A_1296 = arith.constant 9 : i32
      %eq3A_1297 = vector.broadcast %eq3A_1296 : i32 to vector<16xi32>
      %eq3A_1298 = arith.cmpi eq, %iota3A, %eq3A_1297 : vector<16xi32>
      %jit3A_1299 = arith.constant 0 : i32
      %broadcast_in_dim3A_1300 = vector.broadcast %jit3A_1299 : i32 to vector<16xi32>
      %select_n3A_1301 = arith.select %eq3A_1298, %get3A_820, %broadcast_in_dim3A_1300 : vector<16xi1>, vector<16xi32>
      %reduce_sum3A_1302 = arith.constant true
      %reduce_sum3A_1303 = vector.broadcast %reduce_sum3A_1302 : i1 to vector<16xi1>
      %reduce_sum3A_1304 = tpu.scan <sum>, %select_n3A_1301 masked %reduce_sum3A_1303 : vector<16xi32>, vector<16xi1> -> vector<16xi32>
      %reduce_sum3A_1305 = vector.extract %reduce_sum3A_1304[15] : i32 from vector<16xi32>
      %shift_right_arithmetic3A_1306 = arith.constant 3 : i32
      %shift_right_arithmetic3A_1307 = arith.shrsi %reduce_sum3A_1305, %shift_right_arithmetic3A_1306 : i32
      %mul3A_1308 = arith.constant 8 : i32
      %mul3A_1309 = arith.muli %shift_right_arithmetic3A_1307, %mul3A_1308 : i32
      %multiple_of3A_1310 = tpu.assume_multiple %mul3A_1309, 8 : i32
      %dma_start3A_1311 = arith.constant 200 : i32
      %dma_start3A_1312 = arith.constant 0 : i32
      %dma_start3A_1313 = tpu.memref_slice %arg10[%dma_start3A_1311, %dma_start3A_1312] : memref<256x32xf32, #tpu.memory_space<vmem>> -> memref<8x32xf32, #tpu.memory_space<vmem>>
      %dma_start3A_1314 = arith.constant 0 : i32
      %dma_start3A_1315 = tpu.memref_slice %arg5[%multiple_of3A_1310, %dma_start3A_1314] : memref<1000000x32xf32, #tpu.memory_space<hbm>> -> memref<8x32xf32, #tpu.memory_space<hbm>>
      %dma_start3A_1316 = arith.constant 200 : i32
      %dma_start3A_1317 = arith.constant 0 : i32
      %dma_start3A_1318 = tpu.memref_slice %arg10[%dma_start3A_1316, %dma_start3A_1317] : memref<256x32xf32, #tpu.memory_space<vmem>> -> memref<8x32xf32, #tpu.memory_space<vmem>>
      %dma_start3A_1319 = arith.constant 0 : i32
      %dma_start3A_1320 = tpu.memref_slice %arg5[%multiple_of3A_1310, %dma_start3A_1319] : memref<1000000x32xf32, #tpu.memory_space<hbm>> -> memref<8x32xf32, #tpu.memory_space<hbm>>
      tpu.enqueue_dma source(%dma_start3A_1320 : memref<8x32xf32, #tpu.memory_space<hbm>>) target(%dma_start3A_1318 : memref<8x32xf32, #tpu.memory_space<vmem>>) target_semaphore(%arg13 : memref<!tpu.dma_semaphore, #tpu.memory_space<semaphore_mem>>)
      %eq3A_1321 = arith.constant 10 : i32
      %eq3A_1322 = vector.broadcast %eq3A_1321 : i32 to vector<16xi32>
      %eq3A_1323 = arith.cmpi eq, %iota3A, %eq3A_1322 : vector<16xi32>
      %jit3A_1324 = arith.constant 0 : i32
      %broadcast_in_dim3A_1325 = vector.broadcast %jit3A_1324 : i32 to vector<16xi32>
      %select_n3A_1326 = arith.select %eq3A_1323, %get3A_816, %broadcast_in_dim3A_1325 : vector<16xi1>, vector<16xi32>
      %reduce_sum3A_1327 = arith.constant true
      %reduce_sum3A_1328 = vector.broadcast %reduce_sum3A_1327 : i1 to vector<16xi1>
      %reduce_sum3A_1329 = tpu.scan <sum>, %select_n3A_1326 masked %reduce_sum3A_1328 : vector<16xi32>, vector<16xi1> -> vector<16xi32>
      %reduce_sum3A_1330 = vector.extract %reduce_sum3A_1329[15] : i32 from vector<16xi32>
      %shift_right_arithmetic3A_1331 = arith.constant 3 : i32
      %shift_right_arithmetic3A_1332 = arith.shrsi %reduce_sum3A_1330, %shift_right_arithmetic3A_1331 : i32
      %mul3A_1333 = arith.constant 8 : i32
      %mul3A_1334 = arith.muli %shift_right_arithmetic3A_1332, %mul3A_1333 : i32
      %multiple_of3A_1335 = tpu.assume_multiple %mul3A_1334, 8 : i32
      %dma_start3A_1336 = arith.constant 208 : i32
      %dma_start3A_1337 = arith.constant 0 : i32
      %dma_start3A_1338 = tpu.memref_slice %arg9[%dma_start3A_1336, %dma_start3A_1337] : memref<256x32xf32, #tpu.memory_space<vmem>> -> memref<8x32xf32, #tpu.memory_space<vmem>>
      %dma_start3A_1339 = arith.constant 0 : i32
      %dma_start3A_1340 = tpu.memref_slice %arg4[%multiple_of3A_1335, %dma_start3A_1339] : memref<1000000x32xf32, #tpu.memory_space<hbm>> -> memref<8x32xf32, #tpu.memory_space<hbm>>
      %dma_start3A_1341 = arith.constant 208 : i32
      %dma_start3A_1342 = arith.constant 0 : i32
      %dma_start3A_1343 = tpu.memref_slice %arg9[%dma_start3A_1341, %dma_start3A_1342] : memref<256x32xf32, #tpu.memory_space<vmem>> -> memref<8x32xf32, #tpu.memory_space<vmem>>
      %dma_start3A_1344 = arith.constant 0 : i32
      %dma_start3A_1345 = tpu.memref_slice %arg4[%multiple_of3A_1335, %dma_start3A_1344] : memref<1000000x32xf32, #tpu.memory_space<hbm>> -> memref<8x32xf32, #tpu.memory_space<hbm>>
      tpu.enqueue_dma source(%dma_start3A_1345 : memref<8x32xf32, #tpu.memory_space<hbm>>) target(%dma_start3A_1343 : memref<8x32xf32, #tpu.memory_space<vmem>>) target_semaphore(%arg12 : memref<!tpu.dma_semaphore, #tpu.memory_space<semaphore_mem>>)
      %eq3A_1346 = arith.constant 10 : i32
      %eq3A_1347 = vector.broadcast %eq3A_1346 : i32 to vector<16xi32>
      %eq3A_1348 = arith.cmpi eq, %iota3A, %eq3A_1347 : vector<16xi32>
      %jit3A_1349 = arith.constant 0 : i32
      %broadcast_in_dim3A_1350 = vector.broadcast %jit3A_1349 : i32 to vector<16xi32>
      %select_n3A_1351 = arith.select %eq3A_1348, %get3A_820, %broadcast_in_dim3A_1350 : vector<16xi1>, vector<16xi32>
      %reduce_sum3A_1352 = arith.constant true
      %reduce_sum3A_1353 = vector.broadcast %reduce_sum3A_1352 : i1 to vector<16xi1>
      %reduce_sum3A_1354 = tpu.scan <sum>, %select_n3A_1351 masked %reduce_sum3A_1353 : vector<16xi32>, vector<16xi1> -> vector<16xi32>
      %reduce_sum3A_1355 = vector.extract %reduce_sum3A_1354[15] : i32 from vector<16xi32>
      %shift_right_arithmetic3A_1356 = arith.constant 3 : i32
      %shift_right_arithmetic3A_1357 = arith.shrsi %reduce_sum3A_1355, %shift_right_arithmetic3A_1356 : i32
      %mul3A_1358 = arith.constant 8 : i32
      %mul3A_1359 = arith.muli %shift_right_arithmetic3A_1357, %mul3A_1358 : i32
      %multiple_of3A_1360 = tpu.assume_multiple %mul3A_1359, 8 : i32
      %dma_start3A_1361 = arith.constant 208 : i32
      %dma_start3A_1362 = arith.constant 0 : i32
      %dma_start3A_1363 = tpu.memref_slice %arg10[%dma_start3A_1361, %dma_start3A_1362] : memref<256x32xf32, #tpu.memory_space<vmem>> -> memref<8x32xf32, #tpu.memory_space<vmem>>
      %dma_start3A_1364 = arith.constant 0 : i32
      %dma_start3A_1365 = tpu.memref_slice %arg5[%multiple_of3A_1360, %dma_start3A_1364] : memref<1000000x32xf32, #tpu.memory_space<hbm>> -> memref<8x32xf32, #tpu.memory_space<hbm>>
      %dma_start3A_1366 = arith.constant 208 : i32
      %dma_start3A_1367 = arith.constant 0 : i32
      %dma_start3A_1368 = tpu.memref_slice %arg10[%dma_start3A_1366, %dma_start3A_1367] : memref<256x32xf32, #tpu.memory_space<vmem>> -> memref<8x32xf32, #tpu.memory_space<vmem>>
      %dma_start3A_1369 = arith.constant 0 : i32
      %dma_start3A_1370 = tpu.memref_slice %arg5[%multiple_of3A_1360, %dma_start3A_1369] : memref<1000000x32xf32, #tpu.memory_space<hbm>> -> memref<8x32xf32, #tpu.memory_space<hbm>>
      tpu.enqueue_dma source(%dma_start3A_1370 : memref<8x32xf32, #tpu.memory_space<hbm>>) target(%dma_start3A_1368 : memref<8x32xf32, #tpu.memory_space<vmem>>) target_semaphore(%arg13 : memref<!tpu.dma_semaphore, #tpu.memory_space<semaphore_mem>>)
      %eq3A_1371 = arith.constant 11 : i32
      %eq3A_1372 = vector.broadcast %eq3A_1371 : i32 to vector<16xi32>
      %eq3A_1373 = arith.cmpi eq, %iota3A, %eq3A_1372 : vector<16xi32>
      %jit3A_1374 = arith.constant 0 : i32
      %broadcast_in_dim3A_1375 = vector.broadcast %jit3A_1374 : i32 to vector<16xi32>
      %select_n3A_1376 = arith.select %eq3A_1373, %get3A_816, %broadcast_in_dim3A_1375 : vector<16xi1>, vector<16xi32>
      %reduce_sum3A_1377 = arith.constant true
      %reduce_sum3A_1378 = vector.broadcast %reduce_sum3A_1377 : i1 to vector<16xi1>
      %reduce_sum3A_1379 = tpu.scan <sum>, %select_n3A_1376 masked %reduce_sum3A_1378 : vector<16xi32>, vector<16xi1> -> vector<16xi32>
      %reduce_sum3A_1380 = vector.extract %reduce_sum3A_1379[15] : i32 from vector<16xi32>
      %shift_right_arithmetic3A_1381 = arith.constant 3 : i32
      %shift_right_arithmetic3A_1382 = arith.shrsi %reduce_sum3A_1380, %shift_right_arithmetic3A_1381 : i32
      %mul3A_1383 = arith.constant 8 : i32
      %mul3A_1384 = arith.muli %shift_right_arithmetic3A_1382, %mul3A_1383 : i32
      %multiple_of3A_1385 = tpu.assume_multiple %mul3A_1384, 8 : i32
      %dma_start3A_1386 = arith.constant 216 : i32
      %dma_start3A_1387 = arith.constant 0 : i32
      %dma_start3A_1388 = tpu.memref_slice %arg9[%dma_start3A_1386, %dma_start3A_1387] : memref<256x32xf32, #tpu.memory_space<vmem>> -> memref<8x32xf32, #tpu.memory_space<vmem>>
      %dma_start3A_1389 = arith.constant 0 : i32
      %dma_start3A_1390 = tpu.memref_slice %arg4[%multiple_of3A_1385, %dma_start3A_1389] : memref<1000000x32xf32, #tpu.memory_space<hbm>> -> memref<8x32xf32, #tpu.memory_space<hbm>>
      %dma_start3A_1391 = arith.constant 216 : i32
      %dma_start3A_1392 = arith.constant 0 : i32
      %dma_start3A_1393 = tpu.memref_slice %arg9[%dma_start3A_1391, %dma_start3A_1392] : memref<256x32xf32, #tpu.memory_space<vmem>> -> memref<8x32xf32, #tpu.memory_space<vmem>>
      %dma_start3A_1394 = arith.constant 0 : i32
      %dma_start3A_1395 = tpu.memref_slice %arg4[%multiple_of3A_1385, %dma_start3A_1394] : memref<1000000x32xf32, #tpu.memory_space<hbm>> -> memref<8x32xf32, #tpu.memory_space<hbm>>
      tpu.enqueue_dma source(%dma_start3A_1395 : memref<8x32xf32, #tpu.memory_space<hbm>>) target(%dma_start3A_1393 : memref<8x32xf32, #tpu.memory_space<vmem>>) target_semaphore(%arg12 : memref<!tpu.dma_semaphore, #tpu.memory_space<semaphore_mem>>)
      %eq3A_1396 = arith.constant 11 : i32
      %eq3A_1397 = vector.broadcast %eq3A_1396 : i32 to vector<16xi32>
      %eq3A_1398 = arith.cmpi eq, %iota3A, %eq3A_1397 : vector<16xi32>
      %jit3A_1399 = arith.constant 0 : i32
      %broadcast_in_dim3A_1400 = vector.broadcast %jit3A_1399 : i32 to vector<16xi32>
      %select_n3A_1401 = arith.select %eq3A_1398, %get3A_820, %broadcast_in_dim3A_1400 : vector<16xi1>, vector<16xi32>
      %reduce_sum3A_1402 = arith.constant true
      %reduce_sum3A_1403 = vector.broadcast %reduce_sum3A_1402 : i1 to vector<16xi1>
      %reduce_sum3A_1404 = tpu.scan <sum>, %select_n3A_1401 masked %reduce_sum3A_1403 : vector<16xi32>, vector<16xi1> -> vector<16xi32>
      %reduce_sum3A_1405 = vector.extract %reduce_sum3A_1404[15] : i32 from vector<16xi32>
      %shift_right_arithmetic3A_1406 = arith.constant 3 : i32
      %shift_right_arithmetic3A_1407 = arith.shrsi %reduce_sum3A_1405, %shift_right_arithmetic3A_1406 : i32
      %mul3A_1408 = arith.constant 8 : i32
      %mul3A_1409 = arith.muli %shift_right_arithmetic3A_1407, %mul3A_1408 : i32
      %multiple_of3A_1410 = tpu.assume_multiple %mul3A_1409, 8 : i32
      %dma_start3A_1411 = arith.constant 216 : i32
      %dma_start3A_1412 = arith.constant 0 : i32
      %dma_start3A_1413 = tpu.memref_slice %arg10[%dma_start3A_1411, %dma_start3A_1412] : memref<256x32xf32, #tpu.memory_space<vmem>> -> memref<8x32xf32, #tpu.memory_space<vmem>>
      %dma_start3A_1414 = arith.constant 0 : i32
      %dma_start3A_1415 = tpu.memref_slice %arg5[%multiple_of3A_1410, %dma_start3A_1414] : memref<1000000x32xf32, #tpu.memory_space<hbm>> -> memref<8x32xf32, #tpu.memory_space<hbm>>
      %dma_start3A_1416 = arith.constant 216 : i32
      %dma_start3A_1417 = arith.constant 0 : i32
      %dma_start3A_1418 = tpu.memref_slice %arg10[%dma_start3A_1416, %dma_start3A_1417] : memref<256x32xf32, #tpu.memory_space<vmem>> -> memref<8x32xf32, #tpu.memory_space<vmem>>
      %dma_start3A_1419 = arith.constant 0 : i32
      %dma_start3A_1420 = tpu.memref_slice %arg5[%multiple_of3A_1410, %dma_start3A_1419] : memref<1000000x32xf32, #tpu.memory_space<hbm>> -> memref<8x32xf32, #tpu.memory_space<hbm>>
      tpu.enqueue_dma source(%dma_start3A_1420 : memref<8x32xf32, #tpu.memory_space<hbm>>) target(%dma_start3A_1418 : memref<8x32xf32, #tpu.memory_space<vmem>>) target_semaphore(%arg13 : memref<!tpu.dma_semaphore, #tpu.memory_space<semaphore_mem>>)
      %eq3A_1421 = arith.constant 12 : i32
      %eq3A_1422 = vector.broadcast %eq3A_1421 : i32 to vector<16xi32>
      %eq3A_1423 = arith.cmpi eq, %iota3A, %eq3A_1422 : vector<16xi32>
      %jit3A_1424 = arith.constant 0 : i32
      %broadcast_in_dim3A_1425 = vector.broadcast %jit3A_1424 : i32 to vector<16xi32>
      %select_n3A_1426 = arith.select %eq3A_1423, %get3A_816, %broadcast_in_dim3A_1425 : vector<16xi1>, vector<16xi32>
      %reduce_sum3A_1427 = arith.constant true
      %reduce_sum3A_1428 = vector.broadcast %reduce_sum3A_1427 : i1 to vector<16xi1>
      %reduce_sum3A_1429 = tpu.scan <sum>, %select_n3A_1426 masked %reduce_sum3A_1428 : vector<16xi32>, vector<16xi1> -> vector<16xi32>
      %reduce_sum3A_1430 = vector.extract %reduce_sum3A_1429[15] : i32 from vector<16xi32>
      %shift_right_arithmetic3A_1431 = arith.constant 3 : i32
      %shift_right_arithmetic3A_1432 = arith.shrsi %reduce_sum3A_1430, %shift_right_arithmetic3A_1431 : i32
      %mul3A_1433 = arith.constant 8 : i32
      %mul3A_1434 = arith.muli %shift_right_arithmetic3A_1432, %mul3A_1433 : i32
      %multiple_of3A_1435 = tpu.assume_multiple %mul3A_1434, 8 : i32
      %dma_start3A_1436 = arith.constant 224 : i32
      %dma_start3A_1437 = arith.constant 0 : i32
      %dma_start3A_1438 = tpu.memref_slice %arg9[%dma_start3A_1436, %dma_start3A_1437] : memref<256x32xf32, #tpu.memory_space<vmem>> -> memref<8x32xf32, #tpu.memory_space<vmem>>
      %dma_start3A_1439 = arith.constant 0 : i32
      %dma_start3A_1440 = tpu.memref_slice %arg4[%multiple_of3A_1435, %dma_start3A_1439] : memref<1000000x32xf32, #tpu.memory_space<hbm>> -> memref<8x32xf32, #tpu.memory_space<hbm>>
      %dma_start3A_1441 = arith.constant 224 : i32
      %dma_start3A_1442 = arith.constant 0 : i32
      %dma_start3A_1443 = tpu.memref_slice %arg9[%dma_start3A_1441, %dma_start3A_1442] : memref<256x32xf32, #tpu.memory_space<vmem>> -> memref<8x32xf32, #tpu.memory_space<vmem>>
      %dma_start3A_1444 = arith.constant 0 : i32
      %dma_start3A_1445 = tpu.memref_slice %arg4[%multiple_of3A_1435, %dma_start3A_1444] : memref<1000000x32xf32, #tpu.memory_space<hbm>> -> memref<8x32xf32, #tpu.memory_space<hbm>>
      tpu.enqueue_dma source(%dma_start3A_1445 : memref<8x32xf32, #tpu.memory_space<hbm>>) target(%dma_start3A_1443 : memref<8x32xf32, #tpu.memory_space<vmem>>) target_semaphore(%arg12 : memref<!tpu.dma_semaphore, #tpu.memory_space<semaphore_mem>>)
      %eq3A_1446 = arith.constant 12 : i32
      %eq3A_1447 = vector.broadcast %eq3A_1446 : i32 to vector<16xi32>
      %eq3A_1448 = arith.cmpi eq, %iota3A, %eq3A_1447 : vector<16xi32>
      %jit3A_1449 = arith.constant 0 : i32
      %broadcast_in_dim3A_1450 = vector.broadcast %jit3A_1449 : i32 to vector<16xi32>
      %select_n3A_1451 = arith.select %eq3A_1448, %get3A_820, %broadcast_in_dim3A_1450 : vector<16xi1>, vector<16xi32>
      %reduce_sum3A_1452 = arith.constant true
      %reduce_sum3A_1453 = vector.broadcast %reduce_sum3A_1452 : i1 to vector<16xi1>
      %reduce_sum3A_1454 = tpu.scan <sum>, %select_n3A_1451 masked %reduce_sum3A_1453 : vector<16xi32>, vector<16xi1> -> vector<16xi32>
      %reduce_sum3A_1455 = vector.extract %reduce_sum3A_1454[15] : i32 from vector<16xi32>
      %shift_right_arithmetic3A_1456 = arith.constant 3 : i32
      %shift_right_arithmetic3A_1457 = arith.shrsi %reduce_sum3A_1455, %shift_right_arithmetic3A_1456 : i32
      %mul3A_1458 = arith.constant 8 : i32
      %mul3A_1459 = arith.muli %shift_right_arithmetic3A_1457, %mul3A_1458 : i32
      %multiple_of3A_1460 = tpu.assume_multiple %mul3A_1459, 8 : i32
      %dma_start3A_1461 = arith.constant 224 : i32
      %dma_start3A_1462 = arith.constant 0 : i32
      %dma_start3A_1463 = tpu.memref_slice %arg10[%dma_start3A_1461, %dma_start3A_1462] : memref<256x32xf32, #tpu.memory_space<vmem>> -> memref<8x32xf32, #tpu.memory_space<vmem>>
      %dma_start3A_1464 = arith.constant 0 : i32
      %dma_start3A_1465 = tpu.memref_slice %arg5[%multiple_of3A_1460, %dma_start3A_1464] : memref<1000000x32xf32, #tpu.memory_space<hbm>> -> memref<8x32xf32, #tpu.memory_space<hbm>>
      %dma_start3A_1466 = arith.constant 224 : i32
      %dma_start3A_1467 = arith.constant 0 : i32
      %dma_start3A_1468 = tpu.memref_slice %arg10[%dma_start3A_1466, %dma_start3A_1467] : memref<256x32xf32, #tpu.memory_space<vmem>> -> memref<8x32xf32, #tpu.memory_space<vmem>>
      %dma_start3A_1469 = arith.constant 0 : i32
      %dma_start3A_1470 = tpu.memref_slice %arg5[%multiple_of3A_1460, %dma_start3A_1469] : memref<1000000x32xf32, #tpu.memory_space<hbm>> -> memref<8x32xf32, #tpu.memory_space<hbm>>
      tpu.enqueue_dma source(%dma_start3A_1470 : memref<8x32xf32, #tpu.memory_space<hbm>>) target(%dma_start3A_1468 : memref<8x32xf32, #tpu.memory_space<vmem>>) target_semaphore(%arg13 : memref<!tpu.dma_semaphore, #tpu.memory_space<semaphore_mem>>)
      %eq3A_1471 = arith.constant 13 : i32
      %eq3A_1472 = vector.broadcast %eq3A_1471 : i32 to vector<16xi32>
      %eq3A_1473 = arith.cmpi eq, %iota3A, %eq3A_1472 : vector<16xi32>
      %jit3A_1474 = arith.constant 0 : i32
      %broadcast_in_dim3A_1475 = vector.broadcast %jit3A_1474 : i32 to vector<16xi32>
      %select_n3A_1476 = arith.select %eq3A_1473, %get3A_816, %broadcast_in_dim3A_1475 : vector<16xi1>, vector<16xi32>
      %reduce_sum3A_1477 = arith.constant true
      %reduce_sum3A_1478 = vector.broadcast %reduce_sum3A_1477 : i1 to vector<16xi1>
      %reduce_sum3A_1479 = tpu.scan <sum>, %select_n3A_1476 masked %reduce_sum3A_1478 : vector<16xi32>, vector<16xi1> -> vector<16xi32>
      %reduce_sum3A_1480 = vector.extract %reduce_sum3A_1479[15] : i32 from vector<16xi32>
      %shift_right_arithmetic3A_1481 = arith.constant 3 : i32
      %shift_right_arithmetic3A_1482 = arith.shrsi %reduce_sum3A_1480, %shift_right_arithmetic3A_1481 : i32
      %mul3A_1483 = arith.constant 8 : i32
      %mul3A_1484 = arith.muli %shift_right_arithmetic3A_1482, %mul3A_1483 : i32
      %multiple_of3A_1485 = tpu.assume_multiple %mul3A_1484, 8 : i32
      %dma_start3A_1486 = arith.constant 232 : i32
      %dma_start3A_1487 = arith.constant 0 : i32
      %dma_start3A_1488 = tpu.memref_slice %arg9[%dma_start3A_1486, %dma_start3A_1487] : memref<256x32xf32, #tpu.memory_space<vmem>> -> memref<8x32xf32, #tpu.memory_space<vmem>>
      %dma_start3A_1489 = arith.constant 0 : i32
      %dma_start3A_1490 = tpu.memref_slice %arg4[%multiple_of3A_1485, %dma_start3A_1489] : memref<1000000x32xf32, #tpu.memory_space<hbm>> -> memref<8x32xf32, #tpu.memory_space<hbm>>
      %dma_start3A_1491 = arith.constant 232 : i32
      %dma_start3A_1492 = arith.constant 0 : i32
      %dma_start3A_1493 = tpu.memref_slice %arg9[%dma_start3A_1491, %dma_start3A_1492] : memref<256x32xf32, #tpu.memory_space<vmem>> -> memref<8x32xf32, #tpu.memory_space<vmem>>
      %dma_start3A_1494 = arith.constant 0 : i32
      %dma_start3A_1495 = tpu.memref_slice %arg4[%multiple_of3A_1485, %dma_start3A_1494] : memref<1000000x32xf32, #tpu.memory_space<hbm>> -> memref<8x32xf32, #tpu.memory_space<hbm>>
      tpu.enqueue_dma source(%dma_start3A_1495 : memref<8x32xf32, #tpu.memory_space<hbm>>) target(%dma_start3A_1493 : memref<8x32xf32, #tpu.memory_space<vmem>>) target_semaphore(%arg12 : memref<!tpu.dma_semaphore, #tpu.memory_space<semaphore_mem>>)
      %eq3A_1496 = arith.constant 13 : i32
      %eq3A_1497 = vector.broadcast %eq3A_1496 : i32 to vector<16xi32>
      %eq3A_1498 = arith.cmpi eq, %iota3A, %eq3A_1497 : vector<16xi32>
      %jit3A_1499 = arith.constant 0 : i32
      %broadcast_in_dim3A_1500 = vector.broadcast %jit3A_1499 : i32 to vector<16xi32>
      %select_n3A_1501 = arith.select %eq3A_1498, %get3A_820, %broadcast_in_dim3A_1500 : vector<16xi1>, vector<16xi32>
      %reduce_sum3A_1502 = arith.constant true
      %reduce_sum3A_1503 = vector.broadcast %reduce_sum3A_1502 : i1 to vector<16xi1>
      %reduce_sum3A_1504 = tpu.scan <sum>, %select_n3A_1501 masked %reduce_sum3A_1503 : vector<16xi32>, vector<16xi1> -> vector<16xi32>
      %reduce_sum3A_1505 = vector.extract %reduce_sum3A_1504[15] : i32 from vector<16xi32>
      %shift_right_arithmetic3A_1506 = arith.constant 3 : i32
      %shift_right_arithmetic3A_1507 = arith.shrsi %reduce_sum3A_1505, %shift_right_arithmetic3A_1506 : i32
      %mul3A_1508 = arith.constant 8 : i32
      %mul3A_1509 = arith.muli %shift_right_arithmetic3A_1507, %mul3A_1508 : i32
      %multiple_of3A_1510 = tpu.assume_multiple %mul3A_1509, 8 : i32
      %dma_start3A_1511 = arith.constant 232 : i32
      %dma_start3A_1512 = arith.constant 0 : i32
      %dma_start3A_1513 = tpu.memref_slice %arg10[%dma_start3A_1511, %dma_start3A_1512] : memref<256x32xf32, #tpu.memory_space<vmem>> -> memref<8x32xf32, #tpu.memory_space<vmem>>
      %dma_start3A_1514 = arith.constant 0 : i32
      %dma_start3A_1515 = tpu.memref_slice %arg5[%multiple_of3A_1510, %dma_start3A_1514] : memref<1000000x32xf32, #tpu.memory_space<hbm>> -> memref<8x32xf32, #tpu.memory_space<hbm>>
      %dma_start3A_1516 = arith.constant 232 : i32
      %dma_start3A_1517 = arith.constant 0 : i32
      %dma_start3A_1518 = tpu.memref_slice %arg10[%dma_start3A_1516, %dma_start3A_1517] : memref<256x32xf32, #tpu.memory_space<vmem>> -> memref<8x32xf32, #tpu.memory_space<vmem>>
      %dma_start3A_1519 = arith.constant 0 : i32
      %dma_start3A_1520 = tpu.memref_slice %arg5[%multiple_of3A_1510, %dma_start3A_1519] : memref<1000000x32xf32, #tpu.memory_space<hbm>> -> memref<8x32xf32, #tpu.memory_space<hbm>>
      tpu.enqueue_dma source(%dma_start3A_1520 : memref<8x32xf32, #tpu.memory_space<hbm>>) target(%dma_start3A_1518 : memref<8x32xf32, #tpu.memory_space<vmem>>) target_semaphore(%arg13 : memref<!tpu.dma_semaphore, #tpu.memory_space<semaphore_mem>>)
      %eq3A_1521 = arith.constant 14 : i32
      %eq3A_1522 = vector.broadcast %eq3A_1521 : i32 to vector<16xi32>
      %eq3A_1523 = arith.cmpi eq, %iota3A, %eq3A_1522 : vector<16xi32>
      %jit3A_1524 = arith.constant 0 : i32
      %broadcast_in_dim3A_1525 = vector.broadcast %jit3A_1524 : i32 to vector<16xi32>
      %select_n3A_1526 = arith.select %eq3A_1523, %get3A_816, %broadcast_in_dim3A_1525 : vector<16xi1>, vector<16xi32>
      %reduce_sum3A_1527 = arith.constant true
      %reduce_sum3A_1528 = vector.broadcast %reduce_sum3A_1527 : i1 to vector<16xi1>
      %reduce_sum3A_1529 = tpu.scan <sum>, %select_n3A_1526 masked %reduce_sum3A_1528 : vector<16xi32>, vector<16xi1> -> vector<16xi32>
      %reduce_sum3A_1530 = vector.extract %reduce_sum3A_1529[15] : i32 from vector<16xi32>
      %shift_right_arithmetic3A_1531 = arith.constant 3 : i32
      %shift_right_arithmetic3A_1532 = arith.shrsi %reduce_sum3A_1530, %shift_right_arithmetic3A_1531 : i32
      %mul3A_1533 = arith.constant 8 : i32
      %mul3A_1534 = arith.muli %shift_right_arithmetic3A_1532, %mul3A_1533 : i32
      %multiple_of3A_1535 = tpu.assume_multiple %mul3A_1534, 8 : i32
      %dma_start3A_1536 = arith.constant 240 : i32
      %dma_start3A_1537 = arith.constant 0 : i32
      %dma_start3A_1538 = tpu.memref_slice %arg9[%dma_start3A_1536, %dma_start3A_1537] : memref<256x32xf32, #tpu.memory_space<vmem>> -> memref<8x32xf32, #tpu.memory_space<vmem>>
      %dma_start3A_1539 = arith.constant 0 : i32
      %dma_start3A_1540 = tpu.memref_slice %arg4[%multiple_of3A_1535, %dma_start3A_1539] : memref<1000000x32xf32, #tpu.memory_space<hbm>> -> memref<8x32xf32, #tpu.memory_space<hbm>>
      %dma_start3A_1541 = arith.constant 240 : i32
      %dma_start3A_1542 = arith.constant 0 : i32
      %dma_start3A_1543 = tpu.memref_slice %arg9[%dma_start3A_1541, %dma_start3A_1542] : memref<256x32xf32, #tpu.memory_space<vmem>> -> memref<8x32xf32, #tpu.memory_space<vmem>>
      %dma_start3A_1544 = arith.constant 0 : i32
      %dma_start3A_1545 = tpu.memref_slice %arg4[%multiple_of3A_1535, %dma_start3A_1544] : memref<1000000x32xf32, #tpu.memory_space<hbm>> -> memref<8x32xf32, #tpu.memory_space<hbm>>
      tpu.enqueue_dma source(%dma_start3A_1545 : memref<8x32xf32, #tpu.memory_space<hbm>>) target(%dma_start3A_1543 : memref<8x32xf32, #tpu.memory_space<vmem>>) target_semaphore(%arg12 : memref<!tpu.dma_semaphore, #tpu.memory_space<semaphore_mem>>)
      %eq3A_1546 = arith.constant 14 : i32
      %eq3A_1547 = vector.broadcast %eq3A_1546 : i32 to vector<16xi32>
      %eq3A_1548 = arith.cmpi eq, %iota3A, %eq3A_1547 : vector<16xi32>
      %jit3A_1549 = arith.constant 0 : i32
      %broadcast_in_dim3A_1550 = vector.broadcast %jit3A_1549 : i32 to vector<16xi32>
      %select_n3A_1551 = arith.select %eq3A_1548, %get3A_820, %broadcast_in_dim3A_1550 : vector<16xi1>, vector<16xi32>
      %reduce_sum3A_1552 = arith.constant true
      %reduce_sum3A_1553 = vector.broadcast %reduce_sum3A_1552 : i1 to vector<16xi1>
      %reduce_sum3A_1554 = tpu.scan <sum>, %select_n3A_1551 masked %reduce_sum3A_1553 : vector<16xi32>, vector<16xi1> -> vector<16xi32>
      %reduce_sum3A_1555 = vector.extract %reduce_sum3A_1554[15] : i32 from vector<16xi32>
      %shift_right_arithmetic3A_1556 = arith.constant 3 : i32
      %shift_right_arithmetic3A_1557 = arith.shrsi %reduce_sum3A_1555, %shift_right_arithmetic3A_1556 : i32
      %mul3A_1558 = arith.constant 8 : i32
      %mul3A_1559 = arith.muli %shift_right_arithmetic3A_1557, %mul3A_1558 : i32
      %multiple_of3A_1560 = tpu.assume_multiple %mul3A_1559, 8 : i32
      %dma_start3A_1561 = arith.constant 240 : i32
      %dma_start3A_1562 = arith.constant 0 : i32
      %dma_start3A_1563 = tpu.memref_slice %arg10[%dma_start3A_1561, %dma_start3A_1562] : memref<256x32xf32, #tpu.memory_space<vmem>> -> memref<8x32xf32, #tpu.memory_space<vmem>>
      %dma_start3A_1564 = arith.constant 0 : i32
      %dma_start3A_1565 = tpu.memref_slice %arg5[%multiple_of3A_1560, %dma_start3A_1564] : memref<1000000x32xf32, #tpu.memory_space<hbm>> -> memref<8x32xf32, #tpu.memory_space<hbm>>
      %dma_start3A_1566 = arith.constant 240 : i32
      %dma_start3A_1567 = arith.constant 0 : i32
      %dma_start3A_1568 = tpu.memref_slice %arg10[%dma_start3A_1566, %dma_start3A_1567] : memref<256x32xf32, #tpu.memory_space<vmem>> -> memref<8x32xf32, #tpu.memory_space<vmem>>
      %dma_start3A_1569 = arith.constant 0 : i32
      %dma_start3A_1570 = tpu.memref_slice %arg5[%multiple_of3A_1560, %dma_start3A_1569] : memref<1000000x32xf32, #tpu.memory_space<hbm>> -> memref<8x32xf32, #tpu.memory_space<hbm>>
      tpu.enqueue_dma source(%dma_start3A_1570 : memref<8x32xf32, #tpu.memory_space<hbm>>) target(%dma_start3A_1568 : memref<8x32xf32, #tpu.memory_space<vmem>>) target_semaphore(%arg13 : memref<!tpu.dma_semaphore, #tpu.memory_space<semaphore_mem>>)
      %eq3A_1571 = arith.constant 15 : i32
      %eq3A_1572 = vector.broadcast %eq3A_1571 : i32 to vector<16xi32>
      %eq3A_1573 = arith.cmpi eq, %iota3A, %eq3A_1572 : vector<16xi32>
      %jit3A_1574 = arith.constant 0 : i32
      %broadcast_in_dim3A_1575 = vector.broadcast %jit3A_1574 : i32 to vector<16xi32>
      %select_n3A_1576 = arith.select %eq3A_1573, %get3A_816, %broadcast_in_dim3A_1575 : vector<16xi1>, vector<16xi32>
      %reduce_sum3A_1577 = arith.constant true
      %reduce_sum3A_1578 = vector.broadcast %reduce_sum3A_1577 : i1 to vector<16xi1>
      %reduce_sum3A_1579 = tpu.scan <sum>, %select_n3A_1576 masked %reduce_sum3A_1578 : vector<16xi32>, vector<16xi1> -> vector<16xi32>
      %reduce_sum3A_1580 = vector.extract %reduce_sum3A_1579[15] : i32 from vector<16xi32>
      %shift_right_arithmetic3A_1581 = arith.constant 3 : i32
      %shift_right_arithmetic3A_1582 = arith.shrsi %reduce_sum3A_1580, %shift_right_arithmetic3A_1581 : i32
      %mul3A_1583 = arith.constant 8 : i32
      %mul3A_1584 = arith.muli %shift_right_arithmetic3A_1582, %mul3A_1583 : i32
      %multiple_of3A_1585 = tpu.assume_multiple %mul3A_1584, 8 : i32
      %dma_start3A_1586 = arith.constant 248 : i32
      %dma_start3A_1587 = arith.constant 0 : i32
      %dma_start3A_1588 = tpu.memref_slice %arg9[%dma_start3A_1586, %dma_start3A_1587] : memref<256x32xf32, #tpu.memory_space<vmem>> -> memref<8x32xf32, #tpu.memory_space<vmem>>
      %dma_start3A_1589 = arith.constant 0 : i32
      %dma_start3A_1590 = tpu.memref_slice %arg4[%multiple_of3A_1585, %dma_start3A_1589] : memref<1000000x32xf32, #tpu.memory_space<hbm>> -> memref<8x32xf32, #tpu.memory_space<hbm>>
      %dma_start3A_1591 = arith.constant 248 : i32
      %dma_start3A_1592 = arith.constant 0 : i32
      %dma_start3A_1593 = tpu.memref_slice %arg9[%dma_start3A_1591, %dma_start3A_1592] : memref<256x32xf32, #tpu.memory_space<vmem>> -> memref<8x32xf32, #tpu.memory_space<vmem>>
      %dma_start3A_1594 = arith.constant 0 : i32
      %dma_start3A_1595 = tpu.memref_slice %arg4[%multiple_of3A_1585, %dma_start3A_1594] : memref<1000000x32xf32, #tpu.memory_space<hbm>> -> memref<8x32xf32, #tpu.memory_space<hbm>>
      tpu.enqueue_dma source(%dma_start3A_1595 : memref<8x32xf32, #tpu.memory_space<hbm>>) target(%dma_start3A_1593 : memref<8x32xf32, #tpu.memory_space<vmem>>) target_semaphore(%arg12 : memref<!tpu.dma_semaphore, #tpu.memory_space<semaphore_mem>>)
      %eq3A_1596 = arith.constant 15 : i32
      %eq3A_1597 = vector.broadcast %eq3A_1596 : i32 to vector<16xi32>
      %eq3A_1598 = arith.cmpi eq, %iota3A, %eq3A_1597 : vector<16xi32>
      %jit3A_1599 = arith.constant 0 : i32
      %broadcast_in_dim3A_1600 = vector.broadcast %jit3A_1599 : i32 to vector<16xi32>
      %select_n3A_1601 = arith.select %eq3A_1598, %get3A_820, %broadcast_in_dim3A_1600 : vector<16xi1>, vector<16xi32>
      %reduce_sum3A_1602 = arith.constant true
      %reduce_sum3A_1603 = vector.broadcast %reduce_sum3A_1602 : i1 to vector<16xi1>
      %reduce_sum3A_1604 = tpu.scan <sum>, %select_n3A_1601 masked %reduce_sum3A_1603 : vector<16xi32>, vector<16xi1> -> vector<16xi32>
      %reduce_sum3A_1605 = vector.extract %reduce_sum3A_1604[15] : i32 from vector<16xi32>
      %shift_right_arithmetic3A_1606 = arith.constant 3 : i32
      %shift_right_arithmetic3A_1607 = arith.shrsi %reduce_sum3A_1605, %shift_right_arithmetic3A_1606 : i32
      %mul3A_1608 = arith.constant 8 : i32
      %mul3A_1609 = arith.muli %shift_right_arithmetic3A_1607, %mul3A_1608 : i32
      %multiple_of3A_1610 = tpu.assume_multiple %mul3A_1609, 8 : i32
      %dma_start3A_1611 = arith.constant 248 : i32
      %dma_start3A_1612 = arith.constant 0 : i32
      %dma_start3A_1613 = tpu.memref_slice %arg10[%dma_start3A_1611, %dma_start3A_1612] : memref<256x32xf32, #tpu.memory_space<vmem>> -> memref<8x32xf32, #tpu.memory_space<vmem>>
      %dma_start3A_1614 = arith.constant 0 : i32
      %dma_start3A_1615 = tpu.memref_slice %arg5[%multiple_of3A_1610, %dma_start3A_1614] : memref<1000000x32xf32, #tpu.memory_space<hbm>> -> memref<8x32xf32, #tpu.memory_space<hbm>>
      %dma_start3A_1616 = arith.constant 248 : i32
      %dma_start3A_1617 = arith.constant 0 : i32
      %dma_start3A_1618 = tpu.memref_slice %arg10[%dma_start3A_1616, %dma_start3A_1617] : memref<256x32xf32, #tpu.memory_space<vmem>> -> memref<8x32xf32, #tpu.memory_space<vmem>>
      %dma_start3A_1619 = arith.constant 0 : i32
      %dma_start3A_1620 = tpu.memref_slice %arg5[%multiple_of3A_1610, %dma_start3A_1619] : memref<1000000x32xf32, #tpu.memory_space<hbm>> -> memref<8x32xf32, #tpu.memory_space<hbm>>
      tpu.enqueue_dma source(%dma_start3A_1620 : memref<8x32xf32, #tpu.memory_space<hbm>>) target(%dma_start3A_1618 : memref<8x32xf32, #tpu.memory_space<vmem>>) target_semaphore(%arg13 : memref<!tpu.dma_semaphore, #tpu.memory_space<semaphore_mem>>)
      %dma_wait3A = arith.constant 0 : i32
      %dma_wait3A_1621 = arith.constant 0 : i32
      %dma_wait3A_1622 = tpu.memref_slice %arg9[%dma_wait3A, %dma_wait3A_1621] : memref<256x32xf32, #tpu.memory_space<vmem>> -> memref<8x32xf32, #tpu.memory_space<vmem>>
      %dma_wait3A_1623 = arith.constant 0 : i32
      %dma_wait3A_1624 = tpu.memref_slice %arg4[%multiple_of3A, %dma_wait3A_1623] : memref<1000000x32xf32, #tpu.memory_space<hbm>> -> memref<8x32xf32, #tpu.memory_space<hbm>>
      %dma_wait3A_1625 = arith.constant 0 : i32
      %dma_wait3A_1626 = arith.constant 0 : i32
      %dma_wait3A_1627 = tpu.memref_slice %arg9[%dma_wait3A_1625, %dma_wait3A_1626] : memref<256x32xf32, #tpu.memory_space<vmem>> -> memref<8x32xf32, #tpu.memory_space<vmem>>
      %dma_wait3A_1628 = arith.constant 0 : i32
      %dma_wait3A_1629 = tpu.memref_slice %arg4[%multiple_of3A, %dma_wait3A_1628] : memref<1000000x32xf32, #tpu.memory_space<hbm>> -> memref<8x32xf32, #tpu.memory_space<hbm>>
      tpu.wait_dma2 semaphore(%arg12 : memref<!tpu.dma_semaphore, #tpu.memory_space<semaphore_mem>>) src(%dma_wait3A_1629 : memref<8x32xf32, #tpu.memory_space<hbm>>) dst(%dma_wait3A_1627 : memref<8x32xf32, #tpu.memory_space<vmem>>)
      %dma_wait3A_1630 = arith.constant 0 : i32
      %dma_wait3A_1631 = arith.constant 0 : i32
      %dma_wait3A_1632 = tpu.memref_slice %arg10[%dma_wait3A_1630, %dma_wait3A_1631] : memref<256x32xf32, #tpu.memory_space<vmem>> -> memref<8x32xf32, #tpu.memory_space<vmem>>
      %dma_wait3A_1633 = arith.constant 0 : i32
      %dma_wait3A_1634 = tpu.memref_slice %arg5[%multiple_of3A_52, %dma_wait3A_1633] : memref<1000000x32xf32, #tpu.memory_space<hbm>> -> memref<8x32xf32, #tpu.memory_space<hbm>>
      %dma_wait3A_1635 = arith.constant 0 : i32
      %dma_wait3A_1636 = arith.constant 0 : i32
      %dma_wait3A_1637 = tpu.memref_slice %arg10[%dma_wait3A_1635, %dma_wait3A_1636] : memref<256x32xf32, #tpu.memory_space<vmem>> -> memref<8x32xf32, #tpu.memory_space<vmem>>
      %dma_wait3A_1638 = arith.constant 0 : i32
      %dma_wait3A_1639 = tpu.memref_slice %arg5[%multiple_of3A_52, %dma_wait3A_1638] : memref<1000000x32xf32, #tpu.memory_space<hbm>> -> memref<8x32xf32, #tpu.memory_space<hbm>>
      tpu.wait_dma2 semaphore(%arg13 : memref<!tpu.dma_semaphore, #tpu.memory_space<semaphore_mem>>) src(%dma_wait3A_1639 : memref<8x32xf32, #tpu.memory_space<hbm>>) dst(%dma_wait3A_1637 : memref<8x32xf32, #tpu.memory_space<vmem>>)
      %dma_wait3A_1640 = arith.constant 8 : i32
      %dma_wait3A_1641 = arith.constant 0 : i32
      %dma_wait3A_1642 = tpu.memref_slice %arg9[%dma_wait3A_1640, %dma_wait3A_1641] : memref<256x32xf32, #tpu.memory_space<vmem>> -> memref<8x32xf32, #tpu.memory_space<vmem>>
      %dma_wait3A_1643 = arith.constant 0 : i32
      %dma_wait3A_1644 = tpu.memref_slice %arg4[%multiple_of3A_77, %dma_wait3A_1643] : memref<1000000x32xf32, #tpu.memory_space<hbm>> -> memref<8x32xf32, #tpu.memory_space<hbm>>
      %dma_wait3A_1645 = arith.constant 8 : i32
      %dma_wait3A_1646 = arith.constant 0 : i32
      %dma_wait3A_1647 = tpu.memref_slice %arg9[%dma_wait3A_1645, %dma_wait3A_1646] : memref<256x32xf32, #tpu.memory_space<vmem>> -> memref<8x32xf32, #tpu.memory_space<vmem>>
      %dma_wait3A_1648 = arith.constant 0 : i32
      %dma_wait3A_1649 = tpu.memref_slice %arg4[%multiple_of3A_77, %dma_wait3A_1648] : memref<1000000x32xf32, #tpu.memory_space<hbm>> -> memref<8x32xf32, #tpu.memory_space<hbm>>
      tpu.wait_dma2 semaphore(%arg12 : memref<!tpu.dma_semaphore, #tpu.memory_space<semaphore_mem>>) src(%dma_wait3A_1649 : memref<8x32xf32, #tpu.memory_space<hbm>>) dst(%dma_wait3A_1647 : memref<8x32xf32, #tpu.memory_space<vmem>>)
      %dma_wait3A_1650 = arith.constant 8 : i32
      %dma_wait3A_1651 = arith.constant 0 : i32
      %dma_wait3A_1652 = tpu.memref_slice %arg10[%dma_wait3A_1650, %dma_wait3A_1651] : memref<256x32xf32, #tpu.memory_space<vmem>> -> memref<8x32xf32, #tpu.memory_space<vmem>>
      %dma_wait3A_1653 = arith.constant 0 : i32
      %dma_wait3A_1654 = tpu.memref_slice %arg5[%multiple_of3A_102, %dma_wait3A_1653] : memref<1000000x32xf32, #tpu.memory_space<hbm>> -> memref<8x32xf32, #tpu.memory_space<hbm>>
      %dma_wait3A_1655 = arith.constant 8 : i32
      %dma_wait3A_1656 = arith.constant 0 : i32
      %dma_wait3A_1657 = tpu.memref_slice %arg10[%dma_wait3A_1655, %dma_wait3A_1656] : memref<256x32xf32, #tpu.memory_space<vmem>> -> memref<8x32xf32, #tpu.memory_space<vmem>>
      %dma_wait3A_1658 = arith.constant 0 : i32
      %dma_wait3A_1659 = tpu.memref_slice %arg5[%multiple_of3A_102, %dma_wait3A_1658] : memref<1000000x32xf32, #tpu.memory_space<hbm>> -> memref<8x32xf32, #tpu.memory_space<hbm>>
      tpu.wait_dma2 semaphore(%arg13 : memref<!tpu.dma_semaphore, #tpu.memory_space<semaphore_mem>>) src(%dma_wait3A_1659 : memref<8x32xf32, #tpu.memory_space<hbm>>) dst(%dma_wait3A_1657 : memref<8x32xf32, #tpu.memory_space<vmem>>)
      %dma_wait3A_1660 = arith.constant 16 : i32
      %dma_wait3A_1661 = arith.constant 0 : i32
      %dma_wait3A_1662 = tpu.memref_slice %arg9[%dma_wait3A_1660, %dma_wait3A_1661] : memref<256x32xf32, #tpu.memory_space<vmem>> -> memref<8x32xf32, #tpu.memory_space<vmem>>
      %dma_wait3A_1663 = arith.constant 0 : i32
      %dma_wait3A_1664 = tpu.memref_slice %arg4[%multiple_of3A_127, %dma_wait3A_1663] : memref<1000000x32xf32, #tpu.memory_space<hbm>> -> memref<8x32xf32, #tpu.memory_space<hbm>>
      %dma_wait3A_1665 = arith.constant 16 : i32
      %dma_wait3A_1666 = arith.constant 0 : i32
      %dma_wait3A_1667 = tpu.memref_slice %arg9[%dma_wait3A_1665, %dma_wait3A_1666] : memref<256x32xf32, #tpu.memory_space<vmem>> -> memref<8x32xf32, #tpu.memory_space<vmem>>
      %dma_wait3A_1668 = arith.constant 0 : i32
      %dma_wait3A_1669 = tpu.memref_slice %arg4[%multiple_of3A_127, %dma_wait3A_1668] : memref<1000000x32xf32, #tpu.memory_space<hbm>> -> memref<8x32xf32, #tpu.memory_space<hbm>>
      tpu.wait_dma2 semaphore(%arg12 : memref<!tpu.dma_semaphore, #tpu.memory_space<semaphore_mem>>) src(%dma_wait3A_1669 : memref<8x32xf32, #tpu.memory_space<hbm>>) dst(%dma_wait3A_1667 : memref<8x32xf32, #tpu.memory_space<vmem>>)
      %dma_wait3A_1670 = arith.constant 16 : i32
      %dma_wait3A_1671 = arith.constant 0 : i32
      %dma_wait3A_1672 = tpu.memref_slice %arg10[%dma_wait3A_1670, %dma_wait3A_1671] : memref<256x32xf32, #tpu.memory_space<vmem>> -> memref<8x32xf32, #tpu.memory_space<vmem>>
      %dma_wait3A_1673 = arith.constant 0 : i32
      %dma_wait3A_1674 = tpu.memref_slice %arg5[%multiple_of3A_152, %dma_wait3A_1673] : memref<1000000x32xf32, #tpu.memory_space<hbm>> -> memref<8x32xf32, #tpu.memory_space<hbm>>
      %dma_wait3A_1675 = arith.constant 16 : i32
      %dma_wait3A_1676 = arith.constant 0 : i32
      %dma_wait3A_1677 = tpu.memref_slice %arg10[%dma_wait3A_1675, %dma_wait3A_1676] : memref<256x32xf32, #tpu.memory_space<vmem>> -> memref<8x32xf32, #tpu.memory_space<vmem>>
      %dma_wait3A_1678 = arith.constant 0 : i32
      %dma_wait3A_1679 = tpu.memref_slice %arg5[%multiple_of3A_152, %dma_wait3A_1678] : memref<1000000x32xf32, #tpu.memory_space<hbm>> -> memref<8x32xf32, #tpu.memory_space<hbm>>
      tpu.wait_dma2 semaphore(%arg13 : memref<!tpu.dma_semaphore, #tpu.memory_space<semaphore_mem>>) src(%dma_wait3A_1679 : memref<8x32xf32, #tpu.memory_space<hbm>>) dst(%dma_wait3A_1677 : memref<8x32xf32, #tpu.memory_space<vmem>>)
      %dma_wait3A_1680 = arith.constant 24 : i32
      %dma_wait3A_1681 = arith.constant 0 : i32
      %dma_wait3A_1682 = tpu.memref_slice %arg9[%dma_wait3A_1680, %dma_wait3A_1681] : memref<256x32xf32, #tpu.memory_space<vmem>> -> memref<8x32xf32, #tpu.memory_space<vmem>>
      %dma_wait3A_1683 = arith.constant 0 : i32
      %dma_wait3A_1684 = tpu.memref_slice %arg4[%multiple_of3A_177, %dma_wait3A_1683] : memref<1000000x32xf32, #tpu.memory_space<hbm>> -> memref<8x32xf32, #tpu.memory_space<hbm>>
      %dma_wait3A_1685 = arith.constant 24 : i32
      %dma_wait3A_1686 = arith.constant 0 : i32
      %dma_wait3A_1687 = tpu.memref_slice %arg9[%dma_wait3A_1685, %dma_wait3A_1686] : memref<256x32xf32, #tpu.memory_space<vmem>> -> memref<8x32xf32, #tpu.memory_space<vmem>>
      %dma_wait3A_1688 = arith.constant 0 : i32
      %dma_wait3A_1689 = tpu.memref_slice %arg4[%multiple_of3A_177, %dma_wait3A_1688] : memref<1000000x32xf32, #tpu.memory_space<hbm>> -> memref<8x32xf32, #tpu.memory_space<hbm>>
      tpu.wait_dma2 semaphore(%arg12 : memref<!tpu.dma_semaphore, #tpu.memory_space<semaphore_mem>>) src(%dma_wait3A_1689 : memref<8x32xf32, #tpu.memory_space<hbm>>) dst(%dma_wait3A_1687 : memref<8x32xf32, #tpu.memory_space<vmem>>)
      %dma_wait3A_1690 = arith.constant 24 : i32
      %dma_wait3A_1691 = arith.constant 0 : i32
      %dma_wait3A_1692 = tpu.memref_slice %arg10[%dma_wait3A_1690, %dma_wait3A_1691] : memref<256x32xf32, #tpu.memory_space<vmem>> -> memref<8x32xf32, #tpu.memory_space<vmem>>
      %dma_wait3A_1693 = arith.constant 0 : i32
      %dma_wait3A_1694 = tpu.memref_slice %arg5[%multiple_of3A_202, %dma_wait3A_1693] : memref<1000000x32xf32, #tpu.memory_space<hbm>> -> memref<8x32xf32, #tpu.memory_space<hbm>>
      %dma_wait3A_1695 = arith.constant 24 : i32
      %dma_wait3A_1696 = arith.constant 0 : i32
      %dma_wait3A_1697 = tpu.memref_slice %arg10[%dma_wait3A_1695, %dma_wait3A_1696] : memref<256x32xf32, #tpu.memory_space<vmem>> -> memref<8x32xf32, #tpu.memory_space<vmem>>
      %dma_wait3A_1698 = arith.constant 0 : i32
      %dma_wait3A_1699 = tpu.memref_slice %arg5[%multiple_of3A_202, %dma_wait3A_1698] : memref<1000000x32xf32, #tpu.memory_space<hbm>> -> memref<8x32xf32, #tpu.memory_space<hbm>>
      tpu.wait_dma2 semaphore(%arg13 : memref<!tpu.dma_semaphore, #tpu.memory_space<semaphore_mem>>) src(%dma_wait3A_1699 : memref<8x32xf32, #tpu.memory_space<hbm>>) dst(%dma_wait3A_1697 : memref<8x32xf32, #tpu.memory_space<vmem>>)
      %dma_wait3A_1700 = arith.constant 32 : i32
      %dma_wait3A_1701 = arith.constant 0 : i32
      %dma_wait3A_1702 = tpu.memref_slice %arg9[%dma_wait3A_1700, %dma_wait3A_1701] : memref<256x32xf32, #tpu.memory_space<vmem>> -> memref<8x32xf32, #tpu.memory_space<vmem>>
      %dma_wait3A_1703 = arith.constant 0 : i32
      %dma_wait3A_1704 = tpu.memref_slice %arg4[%multiple_of3A_227, %dma_wait3A_1703] : memref<1000000x32xf32, #tpu.memory_space<hbm>> -> memref<8x32xf32, #tpu.memory_space<hbm>>
      %dma_wait3A_1705 = arith.constant 32 : i32
      %dma_wait3A_1706 = arith.constant 0 : i32
      %dma_wait3A_1707 = tpu.memref_slice %arg9[%dma_wait3A_1705, %dma_wait3A_1706] : memref<256x32xf32, #tpu.memory_space<vmem>> -> memref<8x32xf32, #tpu.memory_space<vmem>>
      %dma_wait3A_1708 = arith.constant 0 : i32
      %dma_wait3A_1709 = tpu.memref_slice %arg4[%multiple_of3A_227, %dma_wait3A_1708] : memref<1000000x32xf32, #tpu.memory_space<hbm>> -> memref<8x32xf32, #tpu.memory_space<hbm>>
      tpu.wait_dma2 semaphore(%arg12 : memref<!tpu.dma_semaphore, #tpu.memory_space<semaphore_mem>>) src(%dma_wait3A_1709 : memref<8x32xf32, #tpu.memory_space<hbm>>) dst(%dma_wait3A_1707 : memref<8x32xf32, #tpu.memory_space<vmem>>)
      %dma_wait3A_1710 = arith.constant 32 : i32
      %dma_wait3A_1711 = arith.constant 0 : i32
      %dma_wait3A_1712 = tpu.memref_slice %arg10[%dma_wait3A_1710, %dma_wait3A_1711] : memref<256x32xf32, #tpu.memory_space<vmem>> -> memref<8x32xf32, #tpu.memory_space<vmem>>
      %dma_wait3A_1713 = arith.constant 0 : i32
      %dma_wait3A_1714 = tpu.memref_slice %arg5[%multiple_of3A_252, %dma_wait3A_1713] : memref<1000000x32xf32, #tpu.memory_space<hbm>> -> memref<8x32xf32, #tpu.memory_space<hbm>>
      %dma_wait3A_1715 = arith.constant 32 : i32
      %dma_wait3A_1716 = arith.constant 0 : i32
      %dma_wait3A_1717 = tpu.memref_slice %arg10[%dma_wait3A_1715, %dma_wait3A_1716] : memref<256x32xf32, #tpu.memory_space<vmem>> -> memref<8x32xf32, #tpu.memory_space<vmem>>
      %dma_wait3A_1718 = arith.constant 0 : i32
      %dma_wait3A_1719 = tpu.memref_slice %arg5[%multiple_of3A_252, %dma_wait3A_1718] : memref<1000000x32xf32, #tpu.memory_space<hbm>> -> memref<8x32xf32, #tpu.memory_space<hbm>>
      tpu.wait_dma2 semaphore(%arg13 : memref<!tpu.dma_semaphore, #tpu.memory_space<semaphore_mem>>) src(%dma_wait3A_1719 : memref<8x32xf32, #tpu.memory_space<hbm>>) dst(%dma_wait3A_1717 : memref<8x32xf32, #tpu.memory_space<vmem>>)
      %dma_wait3A_1720 = arith.constant 40 : i32
      %dma_wait3A_1721 = arith.constant 0 : i32
      %dma_wait3A_1722 = tpu.memref_slice %arg9[%dma_wait3A_1720, %dma_wait3A_1721] : memref<256x32xf32, #tpu.memory_space<vmem>> -> memref<8x32xf32, #tpu.memory_space<vmem>>
      %dma_wait3A_1723 = arith.constant 0 : i32
      %dma_wait3A_1724 = tpu.memref_slice %arg4[%multiple_of3A_277, %dma_wait3A_1723] : memref<1000000x32xf32, #tpu.memory_space<hbm>> -> memref<8x32xf32, #tpu.memory_space<hbm>>
      %dma_wait3A_1725 = arith.constant 40 : i32
      %dma_wait3A_1726 = arith.constant 0 : i32
      %dma_wait3A_1727 = tpu.memref_slice %arg9[%dma_wait3A_1725, %dma_wait3A_1726] : memref<256x32xf32, #tpu.memory_space<vmem>> -> memref<8x32xf32, #tpu.memory_space<vmem>>
      %dma_wait3A_1728 = arith.constant 0 : i32
      %dma_wait3A_1729 = tpu.memref_slice %arg4[%multiple_of3A_277, %dma_wait3A_1728] : memref<1000000x32xf32, #tpu.memory_space<hbm>> -> memref<8x32xf32, #tpu.memory_space<hbm>>
      tpu.wait_dma2 semaphore(%arg12 : memref<!tpu.dma_semaphore, #tpu.memory_space<semaphore_mem>>) src(%dma_wait3A_1729 : memref<8x32xf32, #tpu.memory_space<hbm>>) dst(%dma_wait3A_1727 : memref<8x32xf32, #tpu.memory_space<vmem>>)
      %dma_wait3A_1730 = arith.constant 40 : i32
      %dma_wait3A_1731 = arith.constant 0 : i32
      %dma_wait3A_1732 = tpu.memref_slice %arg10[%dma_wait3A_1730, %dma_wait3A_1731] : memref<256x32xf32, #tpu.memory_space<vmem>> -> memref<8x32xf32, #tpu.memory_space<vmem>>
      %dma_wait3A_1733 = arith.constant 0 : i32
      %dma_wait3A_1734 = tpu.memref_slice %arg5[%multiple_of3A_302, %dma_wait3A_1733] : memref<1000000x32xf32, #tpu.memory_space<hbm>> -> memref<8x32xf32, #tpu.memory_space<hbm>>
      %dma_wait3A_1735 = arith.constant 40 : i32
      %dma_wait3A_1736 = arith.constant 0 : i32
      %dma_wait3A_1737 = tpu.memref_slice %arg10[%dma_wait3A_1735, %dma_wait3A_1736] : memref<256x32xf32, #tpu.memory_space<vmem>> -> memref<8x32xf32, #tpu.memory_space<vmem>>
      %dma_wait3A_1738 = arith.constant 0 : i32
      %dma_wait3A_1739 = tpu.memref_slice %arg5[%multiple_of3A_302, %dma_wait3A_1738] : memref<1000000x32xf32, #tpu.memory_space<hbm>> -> memref<8x32xf32, #tpu.memory_space<hbm>>
      tpu.wait_dma2 semaphore(%arg13 : memref<!tpu.dma_semaphore, #tpu.memory_space<semaphore_mem>>) src(%dma_wait3A_1739 : memref<8x32xf32, #tpu.memory_space<hbm>>) dst(%dma_wait3A_1737 : memref<8x32xf32, #tpu.memory_space<vmem>>)
      %dma_wait3A_1740 = arith.constant 48 : i32
      %dma_wait3A_1741 = arith.constant 0 : i32
      %dma_wait3A_1742 = tpu.memref_slice %arg9[%dma_wait3A_1740, %dma_wait3A_1741] : memref<256x32xf32, #tpu.memory_space<vmem>> -> memref<8x32xf32, #tpu.memory_space<vmem>>
      %dma_wait3A_1743 = arith.constant 0 : i32
      %dma_wait3A_1744 = tpu.memref_slice %arg4[%multiple_of3A_327, %dma_wait3A_1743] : memref<1000000x32xf32, #tpu.memory_space<hbm>> -> memref<8x32xf32, #tpu.memory_space<hbm>>
      %dma_wait3A_1745 = arith.constant 48 : i32
      %dma_wait3A_1746 = arith.constant 0 : i32
      %dma_wait3A_1747 = tpu.memref_slice %arg9[%dma_wait3A_1745, %dma_wait3A_1746] : memref<256x32xf32, #tpu.memory_space<vmem>> -> memref<8x32xf32, #tpu.memory_space<vmem>>
      %dma_wait3A_1748 = arith.constant 0 : i32
      %dma_wait3A_1749 = tpu.memref_slice %arg4[%multiple_of3A_327, %dma_wait3A_1748] : memref<1000000x32xf32, #tpu.memory_space<hbm>> -> memref<8x32xf32, #tpu.memory_space<hbm>>
      tpu.wait_dma2 semaphore(%arg12 : memref<!tpu.dma_semaphore, #tpu.memory_space<semaphore_mem>>) src(%dma_wait3A_1749 : memref<8x32xf32, #tpu.memory_space<hbm>>) dst(%dma_wait3A_1747 : memref<8x32xf32, #tpu.memory_space<vmem>>)
      %dma_wait3A_1750 = arith.constant 48 : i32
      %dma_wait3A_1751 = arith.constant 0 : i32
      %dma_wait3A_1752 = tpu.memref_slice %arg10[%dma_wait3A_1750, %dma_wait3A_1751] : memref<256x32xf32, #tpu.memory_space<vmem>> -> memref<8x32xf32, #tpu.memory_space<vmem>>
      %dma_wait3A_1753 = arith.constant 0 : i32
      %dma_wait3A_1754 = tpu.memref_slice %arg5[%multiple_of3A_352, %dma_wait3A_1753] : memref<1000000x32xf32, #tpu.memory_space<hbm>> -> memref<8x32xf32, #tpu.memory_space<hbm>>
      %dma_wait3A_1755 = arith.constant 48 : i32
      %dma_wait3A_1756 = arith.constant 0 : i32
      %dma_wait3A_1757 = tpu.memref_slice %arg10[%dma_wait3A_1755, %dma_wait3A_1756] : memref<256x32xf32, #tpu.memory_space<vmem>> -> memref<8x32xf32, #tpu.memory_space<vmem>>
      %dma_wait3A_1758 = arith.constant 0 : i32
      %dma_wait3A_1759 = tpu.memref_slice %arg5[%multiple_of3A_352, %dma_wait3A_1758] : memref<1000000x32xf32, #tpu.memory_space<hbm>> -> memref<8x32xf32, #tpu.memory_space<hbm>>
      tpu.wait_dma2 semaphore(%arg13 : memref<!tpu.dma_semaphore, #tpu.memory_space<semaphore_mem>>) src(%dma_wait3A_1759 : memref<8x32xf32, #tpu.memory_space<hbm>>) dst(%dma_wait3A_1757 : memref<8x32xf32, #tpu.memory_space<vmem>>)
      %dma_wait3A_1760 = arith.constant 56 : i32
      %dma_wait3A_1761 = arith.constant 0 : i32
      %dma_wait3A_1762 = tpu.memref_slice %arg9[%dma_wait3A_1760, %dma_wait3A_1761] : memref<256x32xf32, #tpu.memory_space<vmem>> -> memref<8x32xf32, #tpu.memory_space<vmem>>
      %dma_wait3A_1763 = arith.constant 0 : i32
      %dma_wait3A_1764 = tpu.memref_slice %arg4[%multiple_of3A_377, %dma_wait3A_1763] : memref<1000000x32xf32, #tpu.memory_space<hbm>> -> memref<8x32xf32, #tpu.memory_space<hbm>>
      %dma_wait3A_1765 = arith.constant 56 : i32
      %dma_wait3A_1766 = arith.constant 0 : i32
      %dma_wait3A_1767 = tpu.memref_slice %arg9[%dma_wait3A_1765, %dma_wait3A_1766] : memref<256x32xf32, #tpu.memory_space<vmem>> -> memref<8x32xf32, #tpu.memory_space<vmem>>
      %dma_wait3A_1768 = arith.constant 0 : i32
      %dma_wait3A_1769 = tpu.memref_slice %arg4[%multiple_of3A_377, %dma_wait3A_1768] : memref<1000000x32xf32, #tpu.memory_space<hbm>> -> memref<8x32xf32, #tpu.memory_space<hbm>>
      tpu.wait_dma2 semaphore(%arg12 : memref<!tpu.dma_semaphore, #tpu.memory_space<semaphore_mem>>) src(%dma_wait3A_1769 : memref<8x32xf32, #tpu.memory_space<hbm>>) dst(%dma_wait3A_1767 : memref<8x32xf32, #tpu.memory_space<vmem>>)
      %dma_wait3A_1770 = arith.constant 56 : i32
      %dma_wait3A_1771 = arith.constant 0 : i32
      %dma_wait3A_1772 = tpu.memref_slice %arg10[%dma_wait3A_1770, %dma_wait3A_1771] : memref<256x32xf32, #tpu.memory_space<vmem>> -> memref<8x32xf32, #tpu.memory_space<vmem>>
      %dma_wait3A_1773 = arith.constant 0 : i32
      %dma_wait3A_1774 = tpu.memref_slice %arg5[%multiple_of3A_402, %dma_wait3A_1773] : memref<1000000x32xf32, #tpu.memory_space<hbm>> -> memref<8x32xf32, #tpu.memory_space<hbm>>
      %dma_wait3A_1775 = arith.constant 56 : i32
      %dma_wait3A_1776 = arith.constant 0 : i32
      %dma_wait3A_1777 = tpu.memref_slice %arg10[%dma_wait3A_1775, %dma_wait3A_1776] : memref<256x32xf32, #tpu.memory_space<vmem>> -> memref<8x32xf32, #tpu.memory_space<vmem>>
      %dma_wait3A_1778 = arith.constant 0 : i32
      %dma_wait3A_1779 = tpu.memref_slice %arg5[%multiple_of3A_402, %dma_wait3A_1778] : memref<1000000x32xf32, #tpu.memory_space<hbm>> -> memref<8x32xf32, #tpu.memory_space<hbm>>
      tpu.wait_dma2 semaphore(%arg13 : memref<!tpu.dma_semaphore, #tpu.memory_space<semaphore_mem>>) src(%dma_wait3A_1779 : memref<8x32xf32, #tpu.memory_space<hbm>>) dst(%dma_wait3A_1777 : memref<8x32xf32, #tpu.memory_space<vmem>>)
      %dma_wait3A_1780 = arith.constant 64 : i32
      %dma_wait3A_1781 = arith.constant 0 : i32
      %dma_wait3A_1782 = tpu.memref_slice %arg9[%dma_wait3A_1780, %dma_wait3A_1781] : memref<256x32xf32, #tpu.memory_space<vmem>> -> memref<8x32xf32, #tpu.memory_space<vmem>>
      %dma_wait3A_1783 = arith.constant 0 : i32
      %dma_wait3A_1784 = tpu.memref_slice %arg4[%multiple_of3A_427, %dma_wait3A_1783] : memref<1000000x32xf32, #tpu.memory_space<hbm>> -> memref<8x32xf32, #tpu.memory_space<hbm>>
      %dma_wait3A_1785 = arith.constant 64 : i32
      %dma_wait3A_1786 = arith.constant 0 : i32
      %dma_wait3A_1787 = tpu.memref_slice %arg9[%dma_wait3A_1785, %dma_wait3A_1786] : memref<256x32xf32, #tpu.memory_space<vmem>> -> memref<8x32xf32, #tpu.memory_space<vmem>>
      %dma_wait3A_1788 = arith.constant 0 : i32
      %dma_wait3A_1789 = tpu.memref_slice %arg4[%multiple_of3A_427, %dma_wait3A_1788] : memref<1000000x32xf32, #tpu.memory_space<hbm>> -> memref<8x32xf32, #tpu.memory_space<hbm>>
      tpu.wait_dma2 semaphore(%arg12 : memref<!tpu.dma_semaphore, #tpu.memory_space<semaphore_mem>>) src(%dma_wait3A_1789 : memref<8x32xf32, #tpu.memory_space<hbm>>) dst(%dma_wait3A_1787 : memref<8x32xf32, #tpu.memory_space<vmem>>)
      %dma_wait3A_1790 = arith.constant 64 : i32
      %dma_wait3A_1791 = arith.constant 0 : i32
      %dma_wait3A_1792 = tpu.memref_slice %arg10[%dma_wait3A_1790, %dma_wait3A_1791] : memref<256x32xf32, #tpu.memory_space<vmem>> -> memref<8x32xf32, #tpu.memory_space<vmem>>
      %dma_wait3A_1793 = arith.constant 0 : i32
      %dma_wait3A_1794 = tpu.memref_slice %arg5[%multiple_of3A_452, %dma_wait3A_1793] : memref<1000000x32xf32, #tpu.memory_space<hbm>> -> memref<8x32xf32, #tpu.memory_space<hbm>>
      %dma_wait3A_1795 = arith.constant 64 : i32
      %dma_wait3A_1796 = arith.constant 0 : i32
      %dma_wait3A_1797 = tpu.memref_slice %arg10[%dma_wait3A_1795, %dma_wait3A_1796] : memref<256x32xf32, #tpu.memory_space<vmem>> -> memref<8x32xf32, #tpu.memory_space<vmem>>
      %dma_wait3A_1798 = arith.constant 0 : i32
      %dma_wait3A_1799 = tpu.memref_slice %arg5[%multiple_of3A_452, %dma_wait3A_1798] : memref<1000000x32xf32, #tpu.memory_space<hbm>> -> memref<8x32xf32, #tpu.memory_space<hbm>>
      tpu.wait_dma2 semaphore(%arg13 : memref<!tpu.dma_semaphore, #tpu.memory_space<semaphore_mem>>) src(%dma_wait3A_1799 : memref<8x32xf32, #tpu.memory_space<hbm>>) dst(%dma_wait3A_1797 : memref<8x32xf32, #tpu.memory_space<vmem>>)
      %dma_wait3A_1800 = arith.constant 72 : i32
      %dma_wait3A_1801 = arith.constant 0 : i32
      %dma_wait3A_1802 = tpu.memref_slice %arg9[%dma_wait3A_1800, %dma_wait3A_1801] : memref<256x32xf32, #tpu.memory_space<vmem>> -> memref<8x32xf32, #tpu.memory_space<vmem>>
      %dma_wait3A_1803 = arith.constant 0 : i32
      %dma_wait3A_1804 = tpu.memref_slice %arg4[%multiple_of3A_477, %dma_wait3A_1803] : memref<1000000x32xf32, #tpu.memory_space<hbm>> -> memref<8x32xf32, #tpu.memory_space<hbm>>
      %dma_wait3A_1805 = arith.constant 72 : i32
      %dma_wait3A_1806 = arith.constant 0 : i32
      %dma_wait3A_1807 = tpu.memref_slice %arg9[%dma_wait3A_1805, %dma_wait3A_1806] : memref<256x32xf32, #tpu.memory_space<vmem>> -> memref<8x32xf32, #tpu.memory_space<vmem>>
      %dma_wait3A_1808 = arith.constant 0 : i32
      %dma_wait3A_1809 = tpu.memref_slice %arg4[%multiple_of3A_477, %dma_wait3A_1808] : memref<1000000x32xf32, #tpu.memory_space<hbm>> -> memref<8x32xf32, #tpu.memory_space<hbm>>
      tpu.wait_dma2 semaphore(%arg12 : memref<!tpu.dma_semaphore, #tpu.memory_space<semaphore_mem>>) src(%dma_wait3A_1809 : memref<8x32xf32, #tpu.memory_space<hbm>>) dst(%dma_wait3A_1807 : memref<8x32xf32, #tpu.memory_space<vmem>>)
      %dma_wait3A_1810 = arith.constant 72 : i32
      %dma_wait3A_1811 = arith.constant 0 : i32
      %dma_wait3A_1812 = tpu.memref_slice %arg10[%dma_wait3A_1810, %dma_wait3A_1811] : memref<256x32xf32, #tpu.memory_space<vmem>> -> memref<8x32xf32, #tpu.memory_space<vmem>>
      %dma_wait3A_1813 = arith.constant 0 : i32
      %dma_wait3A_1814 = tpu.memref_slice %arg5[%multiple_of3A_502, %dma_wait3A_1813] : memref<1000000x32xf32, #tpu.memory_space<hbm>> -> memref<8x32xf32, #tpu.memory_space<hbm>>
      %dma_wait3A_1815 = arith.constant 72 : i32
      %dma_wait3A_1816 = arith.constant 0 : i32
      %dma_wait3A_1817 = tpu.memref_slice %arg10[%dma_wait3A_1815, %dma_wait3A_1816] : memref<256x32xf32, #tpu.memory_space<vmem>> -> memref<8x32xf32, #tpu.memory_space<vmem>>
      %dma_wait3A_1818 = arith.constant 0 : i32
      %dma_wait3A_1819 = tpu.memref_slice %arg5[%multiple_of3A_502, %dma_wait3A_1818] : memref<1000000x32xf32, #tpu.memory_space<hbm>> -> memref<8x32xf32, #tpu.memory_space<hbm>>
      tpu.wait_dma2 semaphore(%arg13 : memref<!tpu.dma_semaphore, #tpu.memory_space<semaphore_mem>>) src(%dma_wait3A_1819 : memref<8x32xf32, #tpu.memory_space<hbm>>) dst(%dma_wait3A_1817 : memref<8x32xf32, #tpu.memory_space<vmem>>)
      %dma_wait3A_1820 = arith.constant 80 : i32
      %dma_wait3A_1821 = arith.constant 0 : i32
      %dma_wait3A_1822 = tpu.memref_slice %arg9[%dma_wait3A_1820, %dma_wait3A_1821] : memref<256x32xf32, #tpu.memory_space<vmem>> -> memref<8x32xf32, #tpu.memory_space<vmem>>
      %dma_wait3A_1823 = arith.constant 0 : i32
      %dma_wait3A_1824 = tpu.memref_slice %arg4[%multiple_of3A_527, %dma_wait3A_1823] : memref<1000000x32xf32, #tpu.memory_space<hbm>> -> memref<8x32xf32, #tpu.memory_space<hbm>>
      %dma_wait3A_1825 = arith.constant 80 : i32
      %dma_wait3A_1826 = arith.constant 0 : i32
      %dma_wait3A_1827 = tpu.memref_slice %arg9[%dma_wait3A_1825, %dma_wait3A_1826] : memref<256x32xf32, #tpu.memory_space<vmem>> -> memref<8x32xf32, #tpu.memory_space<vmem>>
      %dma_wait3A_1828 = arith.constant 0 : i32
      %dma_wait3A_1829 = tpu.memref_slice %arg4[%multiple_of3A_527, %dma_wait3A_1828] : memref<1000000x32xf32, #tpu.memory_space<hbm>> -> memref<8x32xf32, #tpu.memory_space<hbm>>
      tpu.wait_dma2 semaphore(%arg12 : memref<!tpu.dma_semaphore, #tpu.memory_space<semaphore_mem>>) src(%dma_wait3A_1829 : memref<8x32xf32, #tpu.memory_space<hbm>>) dst(%dma_wait3A_1827 : memref<8x32xf32, #tpu.memory_space<vmem>>)
      %dma_wait3A_1830 = arith.constant 80 : i32
      %dma_wait3A_1831 = arith.constant 0 : i32
      %dma_wait3A_1832 = tpu.memref_slice %arg10[%dma_wait3A_1830, %dma_wait3A_1831] : memref<256x32xf32, #tpu.memory_space<vmem>> -> memref<8x32xf32, #tpu.memory_space<vmem>>
      %dma_wait3A_1833 = arith.constant 0 : i32
      %dma_wait3A_1834 = tpu.memref_slice %arg5[%multiple_of3A_552, %dma_wait3A_1833] : memref<1000000x32xf32, #tpu.memory_space<hbm>> -> memref<8x32xf32, #tpu.memory_space<hbm>>
      %dma_wait3A_1835 = arith.constant 80 : i32
      %dma_wait3A_1836 = arith.constant 0 : i32
      %dma_wait3A_1837 = tpu.memref_slice %arg10[%dma_wait3A_1835, %dma_wait3A_1836] : memref<256x32xf32, #tpu.memory_space<vmem>> -> memref<8x32xf32, #tpu.memory_space<vmem>>
      %dma_wait3A_1838 = arith.constant 0 : i32
      %dma_wait3A_1839 = tpu.memref_slice %arg5[%multiple_of3A_552, %dma_wait3A_1838] : memref<1000000x32xf32, #tpu.memory_space<hbm>> -> memref<8x32xf32, #tpu.memory_space<hbm>>
      tpu.wait_dma2 semaphore(%arg13 : memref<!tpu.dma_semaphore, #tpu.memory_space<semaphore_mem>>) src(%dma_wait3A_1839 : memref<8x32xf32, #tpu.memory_space<hbm>>) dst(%dma_wait3A_1837 : memref<8x32xf32, #tpu.memory_space<vmem>>)
      %dma_wait3A_1840 = arith.constant 88 : i32
      %dma_wait3A_1841 = arith.constant 0 : i32
      %dma_wait3A_1842 = tpu.memref_slice %arg9[%dma_wait3A_1840, %dma_wait3A_1841] : memref<256x32xf32, #tpu.memory_space<vmem>> -> memref<8x32xf32, #tpu.memory_space<vmem>>
      %dma_wait3A_1843 = arith.constant 0 : i32
      %dma_wait3A_1844 = tpu.memref_slice %arg4[%multiple_of3A_577, %dma_wait3A_1843] : memref<1000000x32xf32, #tpu.memory_space<hbm>> -> memref<8x32xf32, #tpu.memory_space<hbm>>
      %dma_wait3A_1845 = arith.constant 88 : i32
      %dma_wait3A_1846 = arith.constant 0 : i32
      %dma_wait3A_1847 = tpu.memref_slice %arg9[%dma_wait3A_1845, %dma_wait3A_1846] : memref<256x32xf32, #tpu.memory_space<vmem>> -> memref<8x32xf32, #tpu.memory_space<vmem>>
      %dma_wait3A_1848 = arith.constant 0 : i32
      %dma_wait3A_1849 = tpu.memref_slice %arg4[%multiple_of3A_577, %dma_wait3A_1848] : memref<1000000x32xf32, #tpu.memory_space<hbm>> -> memref<8x32xf32, #tpu.memory_space<hbm>>
      tpu.wait_dma2 semaphore(%arg12 : memref<!tpu.dma_semaphore, #tpu.memory_space<semaphore_mem>>) src(%dma_wait3A_1849 : memref<8x32xf32, #tpu.memory_space<hbm>>) dst(%dma_wait3A_1847 : memref<8x32xf32, #tpu.memory_space<vmem>>)
      %dma_wait3A_1850 = arith.constant 88 : i32
      %dma_wait3A_1851 = arith.constant 0 : i32
      %dma_wait3A_1852 = tpu.memref_slice %arg10[%dma_wait3A_1850, %dma_wait3A_1851] : memref<256x32xf32, #tpu.memory_space<vmem>> -> memref<8x32xf32, #tpu.memory_space<vmem>>
      %dma_wait3A_1853 = arith.constant 0 : i32
      %dma_wait3A_1854 = tpu.memref_slice %arg5[%multiple_of3A_602, %dma_wait3A_1853] : memref<1000000x32xf32, #tpu.memory_space<hbm>> -> memref<8x32xf32, #tpu.memory_space<hbm>>
      %dma_wait3A_1855 = arith.constant 88 : i32
      %dma_wait3A_1856 = arith.constant 0 : i32
      %dma_wait3A_1857 = tpu.memref_slice %arg10[%dma_wait3A_1855, %dma_wait3A_1856] : memref<256x32xf32, #tpu.memory_space<vmem>> -> memref<8x32xf32, #tpu.memory_space<vmem>>
      %dma_wait3A_1858 = arith.constant 0 : i32
      %dma_wait3A_1859 = tpu.memref_slice %arg5[%multiple_of3A_602, %dma_wait3A_1858] : memref<1000000x32xf32, #tpu.memory_space<hbm>> -> memref<8x32xf32, #tpu.memory_space<hbm>>
      tpu.wait_dma2 semaphore(%arg13 : memref<!tpu.dma_semaphore, #tpu.memory_space<semaphore_mem>>) src(%dma_wait3A_1859 : memref<8x32xf32, #tpu.memory_space<hbm>>) dst(%dma_wait3A_1857 : memref<8x32xf32, #tpu.memory_space<vmem>>)
      %dma_wait3A_1860 = arith.constant 96 : i32
      %dma_wait3A_1861 = arith.constant 0 : i32
      %dma_wait3A_1862 = tpu.memref_slice %arg9[%dma_wait3A_1860, %dma_wait3A_1861] : memref<256x32xf32, #tpu.memory_space<vmem>> -> memref<8x32xf32, #tpu.memory_space<vmem>>
      %dma_wait3A_1863 = arith.constant 0 : i32
      %dma_wait3A_1864 = tpu.memref_slice %arg4[%multiple_of3A_627, %dma_wait3A_1863] : memref<1000000x32xf32, #tpu.memory_space<hbm>> -> memref<8x32xf32, #tpu.memory_space<hbm>>
      %dma_wait3A_1865 = arith.constant 96 : i32
      %dma_wait3A_1866 = arith.constant 0 : i32
      %dma_wait3A_1867 = tpu.memref_slice %arg9[%dma_wait3A_1865, %dma_wait3A_1866] : memref<256x32xf32, #tpu.memory_space<vmem>> -> memref<8x32xf32, #tpu.memory_space<vmem>>
      %dma_wait3A_1868 = arith.constant 0 : i32
      %dma_wait3A_1869 = tpu.memref_slice %arg4[%multiple_of3A_627, %dma_wait3A_1868] : memref<1000000x32xf32, #tpu.memory_space<hbm>> -> memref<8x32xf32, #tpu.memory_space<hbm>>
      tpu.wait_dma2 semaphore(%arg12 : memref<!tpu.dma_semaphore, #tpu.memory_space<semaphore_mem>>) src(%dma_wait3A_1869 : memref<8x32xf32, #tpu.memory_space<hbm>>) dst(%dma_wait3A_1867 : memref<8x32xf32, #tpu.memory_space<vmem>>)
      %dma_wait3A_1870 = arith.constant 96 : i32
      %dma_wait3A_1871 = arith.constant 0 : i32
      %dma_wait3A_1872 = tpu.memref_slice %arg10[%dma_wait3A_1870, %dma_wait3A_1871] : memref<256x32xf32, #tpu.memory_space<vmem>> -> memref<8x32xf32, #tpu.memory_space<vmem>>
      %dma_wait3A_1873 = arith.constant 0 : i32
      %dma_wait3A_1874 = tpu.memref_slice %arg5[%multiple_of3A_652, %dma_wait3A_1873] : memref<1000000x32xf32, #tpu.memory_space<hbm>> -> memref<8x32xf32, #tpu.memory_space<hbm>>
      %dma_wait3A_1875 = arith.constant 96 : i32
      %dma_wait3A_1876 = arith.constant 0 : i32
      %dma_wait3A_1877 = tpu.memref_slice %arg10[%dma_wait3A_1875, %dma_wait3A_1876] : memref<256x32xf32, #tpu.memory_space<vmem>> -> memref<8x32xf32, #tpu.memory_space<vmem>>
      %dma_wait3A_1878 = arith.constant 0 : i32
      %dma_wait3A_1879 = tpu.memref_slice %arg5[%multiple_of3A_652, %dma_wait3A_1878] : memref<1000000x32xf32, #tpu.memory_space<hbm>> -> memref<8x32xf32, #tpu.memory_space<hbm>>
      tpu.wait_dma2 semaphore(%arg13 : memref<!tpu.dma_semaphore, #tpu.memory_space<semaphore_mem>>) src(%dma_wait3A_1879 : memref<8x32xf32, #tpu.memory_space<hbm>>) dst(%dma_wait3A_1877 : memref<8x32xf32, #tpu.memory_space<vmem>>)
      %dma_wait3A_1880 = arith.constant 104 : i32
      %dma_wait3A_1881 = arith.constant 0 : i32
      %dma_wait3A_1882 = tpu.memref_slice %arg9[%dma_wait3A_1880, %dma_wait3A_1881] : memref<256x32xf32, #tpu.memory_space<vmem>> -> memref<8x32xf32, #tpu.memory_space<vmem>>
      %dma_wait3A_1883 = arith.constant 0 : i32
      %dma_wait3A_1884 = tpu.memref_slice %arg4[%multiple_of3A_677, %dma_wait3A_1883] : memref<1000000x32xf32, #tpu.memory_space<hbm>> -> memref<8x32xf32, #tpu.memory_space<hbm>>
      %dma_wait3A_1885 = arith.constant 104 : i32
      %dma_wait3A_1886 = arith.constant 0 : i32
      %dma_wait3A_1887 = tpu.memref_slice %arg9[%dma_wait3A_1885, %dma_wait3A_1886] : memref<256x32xf32, #tpu.memory_space<vmem>> -> memref<8x32xf32, #tpu.memory_space<vmem>>
      %dma_wait3A_1888 = arith.constant 0 : i32
      %dma_wait3A_1889 = tpu.memref_slice %arg4[%multiple_of3A_677, %dma_wait3A_1888] : memref<1000000x32xf32, #tpu.memory_space<hbm>> -> memref<8x32xf32, #tpu.memory_space<hbm>>
      tpu.wait_dma2 semaphore(%arg12 : memref<!tpu.dma_semaphore, #tpu.memory_space<semaphore_mem>>) src(%dma_wait3A_1889 : memref<8x32xf32, #tpu.memory_space<hbm>>) dst(%dma_wait3A_1887 : memref<8x32xf32, #tpu.memory_space<vmem>>)
      %dma_wait3A_1890 = arith.constant 104 : i32
      %dma_wait3A_1891 = arith.constant 0 : i32
      %dma_wait3A_1892 = tpu.memref_slice %arg10[%dma_wait3A_1890, %dma_wait3A_1891] : memref<256x32xf32, #tpu.memory_space<vmem>> -> memref<8x32xf32, #tpu.memory_space<vmem>>
      %dma_wait3A_1893 = arith.constant 0 : i32
      %dma_wait3A_1894 = tpu.memref_slice %arg5[%multiple_of3A_702, %dma_wait3A_1893] : memref<1000000x32xf32, #tpu.memory_space<hbm>> -> memref<8x32xf32, #tpu.memory_space<hbm>>
      %dma_wait3A_1895 = arith.constant 104 : i32
      %dma_wait3A_1896 = arith.constant 0 : i32
      %dma_wait3A_1897 = tpu.memref_slice %arg10[%dma_wait3A_1895, %dma_wait3A_1896] : memref<256x32xf32, #tpu.memory_space<vmem>> -> memref<8x32xf32, #tpu.memory_space<vmem>>
      %dma_wait3A_1898 = arith.constant 0 : i32
      %dma_wait3A_1899 = tpu.memref_slice %arg5[%multiple_of3A_702, %dma_wait3A_1898] : memref<1000000x32xf32, #tpu.memory_space<hbm>> -> memref<8x32xf32, #tpu.memory_space<hbm>>
      tpu.wait_dma2 semaphore(%arg13 : memref<!tpu.dma_semaphore, #tpu.memory_space<semaphore_mem>>) src(%dma_wait3A_1899 : memref<8x32xf32, #tpu.memory_space<hbm>>) dst(%dma_wait3A_1897 : memref<8x32xf32, #tpu.memory_space<vmem>>)
      %dma_wait3A_1900 = arith.constant 112 : i32
      %dma_wait3A_1901 = arith.constant 0 : i32
      %dma_wait3A_1902 = tpu.memref_slice %arg9[%dma_wait3A_1900, %dma_wait3A_1901] : memref<256x32xf32, #tpu.memory_space<vmem>> -> memref<8x32xf32, #tpu.memory_space<vmem>>
      %dma_wait3A_1903 = arith.constant 0 : i32
      %dma_wait3A_1904 = tpu.memref_slice %arg4[%multiple_of3A_727, %dma_wait3A_1903] : memref<1000000x32xf32, #tpu.memory_space<hbm>> -> memref<8x32xf32, #tpu.memory_space<hbm>>
      %dma_wait3A_1905 = arith.constant 112 : i32
      %dma_wait3A_1906 = arith.constant 0 : i32
      %dma_wait3A_1907 = tpu.memref_slice %arg9[%dma_wait3A_1905, %dma_wait3A_1906] : memref<256x32xf32, #tpu.memory_space<vmem>> -> memref<8x32xf32, #tpu.memory_space<vmem>>
      %dma_wait3A_1908 = arith.constant 0 : i32
      %dma_wait3A_1909 = tpu.memref_slice %arg4[%multiple_of3A_727, %dma_wait3A_1908] : memref<1000000x32xf32, #tpu.memory_space<hbm>> -> memref<8x32xf32, #tpu.memory_space<hbm>>
      tpu.wait_dma2 semaphore(%arg12 : memref<!tpu.dma_semaphore, #tpu.memory_space<semaphore_mem>>) src(%dma_wait3A_1909 : memref<8x32xf32, #tpu.memory_space<hbm>>) dst(%dma_wait3A_1907 : memref<8x32xf32, #tpu.memory_space<vmem>>)
      %dma_wait3A_1910 = arith.constant 112 : i32
      %dma_wait3A_1911 = arith.constant 0 : i32
      %dma_wait3A_1912 = tpu.memref_slice %arg10[%dma_wait3A_1910, %dma_wait3A_1911] : memref<256x32xf32, #tpu.memory_space<vmem>> -> memref<8x32xf32, #tpu.memory_space<vmem>>
      %dma_wait3A_1913 = arith.constant 0 : i32
      %dma_wait3A_1914 = tpu.memref_slice %arg5[%multiple_of3A_752, %dma_wait3A_1913] : memref<1000000x32xf32, #tpu.memory_space<hbm>> -> memref<8x32xf32, #tpu.memory_space<hbm>>
      %dma_wait3A_1915 = arith.constant 112 : i32
      %dma_wait3A_1916 = arith.constant 0 : i32
      %dma_wait3A_1917 = tpu.memref_slice %arg10[%dma_wait3A_1915, %dma_wait3A_1916] : memref<256x32xf32, #tpu.memory_space<vmem>> -> memref<8x32xf32, #tpu.memory_space<vmem>>
      %dma_wait3A_1918 = arith.constant 0 : i32
      %dma_wait3A_1919 = tpu.memref_slice %arg5[%multiple_of3A_752, %dma_wait3A_1918] : memref<1000000x32xf32, #tpu.memory_space<hbm>> -> memref<8x32xf32, #tpu.memory_space<hbm>>
      tpu.wait_dma2 semaphore(%arg13 : memref<!tpu.dma_semaphore, #tpu.memory_space<semaphore_mem>>) src(%dma_wait3A_1919 : memref<8x32xf32, #tpu.memory_space<hbm>>) dst(%dma_wait3A_1917 : memref<8x32xf32, #tpu.memory_space<vmem>>)
      %dma_wait3A_1920 = arith.constant 120 : i32
      %dma_wait3A_1921 = arith.constant 0 : i32
      %dma_wait3A_1922 = tpu.memref_slice %arg9[%dma_wait3A_1920, %dma_wait3A_1921] : memref<256x32xf32, #tpu.memory_space<vmem>> -> memref<8x32xf32, #tpu.memory_space<vmem>>
      %dma_wait3A_1923 = arith.constant 0 : i32
      %dma_wait3A_1924 = tpu.memref_slice %arg4[%multiple_of3A_777, %dma_wait3A_1923] : memref<1000000x32xf32, #tpu.memory_space<hbm>> -> memref<8x32xf32, #tpu.memory_space<hbm>>
      %dma_wait3A_1925 = arith.constant 120 : i32
      %dma_wait3A_1926 = arith.constant 0 : i32
      %dma_wait3A_1927 = tpu.memref_slice %arg9[%dma_wait3A_1925, %dma_wait3A_1926] : memref<256x32xf32, #tpu.memory_space<vmem>> -> memref<8x32xf32, #tpu.memory_space<vmem>>
      %dma_wait3A_1928 = arith.constant 0 : i32
      %dma_wait3A_1929 = tpu.memref_slice %arg4[%multiple_of3A_777, %dma_wait3A_1928] : memref<1000000x32xf32, #tpu.memory_space<hbm>> -> memref<8x32xf32, #tpu.memory_space<hbm>>
      tpu.wait_dma2 semaphore(%arg12 : memref<!tpu.dma_semaphore, #tpu.memory_space<semaphore_mem>>) src(%dma_wait3A_1929 : memref<8x32xf32, #tpu.memory_space<hbm>>) dst(%dma_wait3A_1927 : memref<8x32xf32, #tpu.memory_space<vmem>>)
      %dma_wait3A_1930 = arith.constant 120 : i32
      %dma_wait3A_1931 = arith.constant 0 : i32
      %dma_wait3A_1932 = tpu.memref_slice %arg10[%dma_wait3A_1930, %dma_wait3A_1931] : memref<256x32xf32, #tpu.memory_space<vmem>> -> memref<8x32xf32, #tpu.memory_space<vmem>>
      %dma_wait3A_1933 = arith.constant 0 : i32
      %dma_wait3A_1934 = tpu.memref_slice %arg5[%multiple_of3A_802, %dma_wait3A_1933] : memref<1000000x32xf32, #tpu.memory_space<hbm>> -> memref<8x32xf32, #tpu.memory_space<hbm>>
      %dma_wait3A_1935 = arith.constant 120 : i32
      %dma_wait3A_1936 = arith.constant 0 : i32
      %dma_wait3A_1937 = tpu.memref_slice %arg10[%dma_wait3A_1935, %dma_wait3A_1936] : memref<256x32xf32, #tpu.memory_space<vmem>> -> memref<8x32xf32, #tpu.memory_space<vmem>>
      %dma_wait3A_1938 = arith.constant 0 : i32
      %dma_wait3A_1939 = tpu.memref_slice %arg5[%multiple_of3A_802, %dma_wait3A_1938] : memref<1000000x32xf32, #tpu.memory_space<hbm>> -> memref<8x32xf32, #tpu.memory_space<hbm>>
      tpu.wait_dma2 semaphore(%arg13 : memref<!tpu.dma_semaphore, #tpu.memory_space<semaphore_mem>>) src(%dma_wait3A_1939 : memref<8x32xf32, #tpu.memory_space<hbm>>) dst(%dma_wait3A_1937 : memref<8x32xf32, #tpu.memory_space<vmem>>)
      %dma_wait3A_1940 = arith.constant 128 : i32
      %dma_wait3A_1941 = arith.constant 0 : i32
      %dma_wait3A_1942 = tpu.memref_slice %arg9[%dma_wait3A_1940, %dma_wait3A_1941] : memref<256x32xf32, #tpu.memory_space<vmem>> -> memref<8x32xf32, #tpu.memory_space<vmem>>
      %dma_wait3A_1943 = arith.constant 0 : i32
      %dma_wait3A_1944 = tpu.memref_slice %arg4[%multiple_of3A_835, %dma_wait3A_1943] : memref<1000000x32xf32, #tpu.memory_space<hbm>> -> memref<8x32xf32, #tpu.memory_space<hbm>>
      %dma_wait3A_1945 = arith.constant 128 : i32
      %dma_wait3A_1946 = arith.constant 0 : i32
      %dma_wait3A_1947 = tpu.memref_slice %arg9[%dma_wait3A_1945, %dma_wait3A_1946] : memref<256x32xf32, #tpu.memory_space<vmem>> -> memref<8x32xf32, #tpu.memory_space<vmem>>
      %dma_wait3A_1948 = arith.constant 0 : i32
      %dma_wait3A_1949 = tpu.memref_slice %arg4[%multiple_of3A_835, %dma_wait3A_1948] : memref<1000000x32xf32, #tpu.memory_space<hbm>> -> memref<8x32xf32, #tpu.memory_space<hbm>>
      tpu.wait_dma2 semaphore(%arg12 : memref<!tpu.dma_semaphore, #tpu.memory_space<semaphore_mem>>) src(%dma_wait3A_1949 : memref<8x32xf32, #tpu.memory_space<hbm>>) dst(%dma_wait3A_1947 : memref<8x32xf32, #tpu.memory_space<vmem>>)
      %dma_wait3A_1950 = arith.constant 128 : i32
      %dma_wait3A_1951 = arith.constant 0 : i32
      %dma_wait3A_1952 = tpu.memref_slice %arg10[%dma_wait3A_1950, %dma_wait3A_1951] : memref<256x32xf32, #tpu.memory_space<vmem>> -> memref<8x32xf32, #tpu.memory_space<vmem>>
      %dma_wait3A_1953 = arith.constant 0 : i32
      %dma_wait3A_1954 = tpu.memref_slice %arg5[%multiple_of3A_860, %dma_wait3A_1953] : memref<1000000x32xf32, #tpu.memory_space<hbm>> -> memref<8x32xf32, #tpu.memory_space<hbm>>
      %dma_wait3A_1955 = arith.constant 128 : i32
      %dma_wait3A_1956 = arith.constant 0 : i32
      %dma_wait3A_1957 = tpu.memref_slice %arg10[%dma_wait3A_1955, %dma_wait3A_1956] : memref<256x32xf32, #tpu.memory_space<vmem>> -> memref<8x32xf32, #tpu.memory_space<vmem>>
      %dma_wait3A_1958 = arith.constant 0 : i32
      %dma_wait3A_1959 = tpu.memref_slice %arg5[%multiple_of3A_860, %dma_wait3A_1958] : memref<1000000x32xf32, #tpu.memory_space<hbm>> -> memref<8x32xf32, #tpu.memory_space<hbm>>
      tpu.wait_dma2 semaphore(%arg13 : memref<!tpu.dma_semaphore, #tpu.memory_space<semaphore_mem>>) src(%dma_wait3A_1959 : memref<8x32xf32, #tpu.memory_space<hbm>>) dst(%dma_wait3A_1957 : memref<8x32xf32, #tpu.memory_space<vmem>>)
      %dma_wait3A_1960 = arith.constant 136 : i32
      %dma_wait3A_1961 = arith.constant 0 : i32
      %dma_wait3A_1962 = tpu.memref_slice %arg9[%dma_wait3A_1960, %dma_wait3A_1961] : memref<256x32xf32, #tpu.memory_space<vmem>> -> memref<8x32xf32, #tpu.memory_space<vmem>>
      %dma_wait3A_1963 = arith.constant 0 : i32
      %dma_wait3A_1964 = tpu.memref_slice %arg4[%multiple_of3A_885, %dma_wait3A_1963] : memref<1000000x32xf32, #tpu.memory_space<hbm>> -> memref<8x32xf32, #tpu.memory_space<hbm>>
      %dma_wait3A_1965 = arith.constant 136 : i32
      %dma_wait3A_1966 = arith.constant 0 : i32
      %dma_wait3A_1967 = tpu.memref_slice %arg9[%dma_wait3A_1965, %dma_wait3A_1966] : memref<256x32xf32, #tpu.memory_space<vmem>> -> memref<8x32xf32, #tpu.memory_space<vmem>>
      %dma_wait3A_1968 = arith.constant 0 : i32
      %dma_wait3A_1969 = tpu.memref_slice %arg4[%multiple_of3A_885, %dma_wait3A_1968] : memref<1000000x32xf32, #tpu.memory_space<hbm>> -> memref<8x32xf32, #tpu.memory_space<hbm>>
      tpu.wait_dma2 semaphore(%arg12 : memref<!tpu.dma_semaphore, #tpu.memory_space<semaphore_mem>>) src(%dma_wait3A_1969 : memref<8x32xf32, #tpu.memory_space<hbm>>) dst(%dma_wait3A_1967 : memref<8x32xf32, #tpu.memory_space<vmem>>)
      %dma_wait3A_1970 = arith.constant 136 : i32
      %dma_wait3A_1971 = arith.constant 0 : i32
      %dma_wait3A_1972 = tpu.memref_slice %arg10[%dma_wait3A_1970, %dma_wait3A_1971] : memref<256x32xf32, #tpu.memory_space<vmem>> -> memref<8x32xf32, #tpu.memory_space<vmem>>
      %dma_wait3A_1973 = arith.constant 0 : i32
      %dma_wait3A_1974 = tpu.memref_slice %arg5[%multiple_of3A_910, %dma_wait3A_1973] : memref<1000000x32xf32, #tpu.memory_space<hbm>> -> memref<8x32xf32, #tpu.memory_space<hbm>>
      %dma_wait3A_1975 = arith.constant 136 : i32
      %dma_wait3A_1976 = arith.constant 0 : i32
      %dma_wait3A_1977 = tpu.memref_slice %arg10[%dma_wait3A_1975, %dma_wait3A_1976] : memref<256x32xf32, #tpu.memory_space<vmem>> -> memref<8x32xf32, #tpu.memory_space<vmem>>
      %dma_wait3A_1978 = arith.constant 0 : i32
      %dma_wait3A_1979 = tpu.memref_slice %arg5[%multiple_of3A_910, %dma_wait3A_1978] : memref<1000000x32xf32, #tpu.memory_space<hbm>> -> memref<8x32xf32, #tpu.memory_space<hbm>>
      tpu.wait_dma2 semaphore(%arg13 : memref<!tpu.dma_semaphore, #tpu.memory_space<semaphore_mem>>) src(%dma_wait3A_1979 : memref<8x32xf32, #tpu.memory_space<hbm>>) dst(%dma_wait3A_1977 : memref<8x32xf32, #tpu.memory_space<vmem>>)
      %dma_wait3A_1980 = arith.constant 144 : i32
      %dma_wait3A_1981 = arith.constant 0 : i32
      %dma_wait3A_1982 = tpu.memref_slice %arg9[%dma_wait3A_1980, %dma_wait3A_1981] : memref<256x32xf32, #tpu.memory_space<vmem>> -> memref<8x32xf32, #tpu.memory_space<vmem>>
      %dma_wait3A_1983 = arith.constant 0 : i32
      %dma_wait3A_1984 = tpu.memref_slice %arg4[%multiple_of3A_935, %dma_wait3A_1983] : memref<1000000x32xf32, #tpu.memory_space<hbm>> -> memref<8x32xf32, #tpu.memory_space<hbm>>
      %dma_wait3A_1985 = arith.constant 144 : i32
      %dma_wait3A_1986 = arith.constant 0 : i32
      %dma_wait3A_1987 = tpu.memref_slice %arg9[%dma_wait3A_1985, %dma_wait3A_1986] : memref<256x32xf32, #tpu.memory_space<vmem>> -> memref<8x32xf32, #tpu.memory_space<vmem>>
      %dma_wait3A_1988 = arith.constant 0 : i32
      %dma_wait3A_1989 = tpu.memref_slice %arg4[%multiple_of3A_935, %dma_wait3A_1988] : memref<1000000x32xf32, #tpu.memory_space<hbm>> -> memref<8x32xf32, #tpu.memory_space<hbm>>
      tpu.wait_dma2 semaphore(%arg12 : memref<!tpu.dma_semaphore, #tpu.memory_space<semaphore_mem>>) src(%dma_wait3A_1989 : memref<8x32xf32, #tpu.memory_space<hbm>>) dst(%dma_wait3A_1987 : memref<8x32xf32, #tpu.memory_space<vmem>>)
      %dma_wait3A_1990 = arith.constant 144 : i32
      %dma_wait3A_1991 = arith.constant 0 : i32
      %dma_wait3A_1992 = tpu.memref_slice %arg10[%dma_wait3A_1990, %dma_wait3A_1991] : memref<256x32xf32, #tpu.memory_space<vmem>> -> memref<8x32xf32, #tpu.memory_space<vmem>>
      %dma_wait3A_1993 = arith.constant 0 : i32
      %dma_wait3A_1994 = tpu.memref_slice %arg5[%multiple_of3A_960, %dma_wait3A_1993] : memref<1000000x32xf32, #tpu.memory_space<hbm>> -> memref<8x32xf32, #tpu.memory_space<hbm>>
      %dma_wait3A_1995 = arith.constant 144 : i32
      %dma_wait3A_1996 = arith.constant 0 : i32
      %dma_wait3A_1997 = tpu.memref_slice %arg10[%dma_wait3A_1995, %dma_wait3A_1996] : memref<256x32xf32, #tpu.memory_space<vmem>> -> memref<8x32xf32, #tpu.memory_space<vmem>>
      %dma_wait3A_1998 = arith.constant 0 : i32
      %dma_wait3A_1999 = tpu.memref_slice %arg5[%multiple_of3A_960, %dma_wait3A_1998] : memref<1000000x32xf32, #tpu.memory_space<hbm>> -> memref<8x32xf32, #tpu.memory_space<hbm>>
      tpu.wait_dma2 semaphore(%arg13 : memref<!tpu.dma_semaphore, #tpu.memory_space<semaphore_mem>>) src(%dma_wait3A_1999 : memref<8x32xf32, #tpu.memory_space<hbm>>) dst(%dma_wait3A_1997 : memref<8x32xf32, #tpu.memory_space<vmem>>)
      %dma_wait3A_2000 = arith.constant 152 : i32
      %dma_wait3A_2001 = arith.constant 0 : i32
      %dma_wait3A_2002 = tpu.memref_slice %arg9[%dma_wait3A_2000, %dma_wait3A_2001] : memref<256x32xf32, #tpu.memory_space<vmem>> -> memref<8x32xf32, #tpu.memory_space<vmem>>
      %dma_wait3A_2003 = arith.constant 0 : i32
      %dma_wait3A_2004 = tpu.memref_slice %arg4[%multiple_of3A_985, %dma_wait3A_2003] : memref<1000000x32xf32, #tpu.memory_space<hbm>> -> memref<8x32xf32, #tpu.memory_space<hbm>>
      %dma_wait3A_2005 = arith.constant 152 : i32
      %dma_wait3A_2006 = arith.constant 0 : i32
      %dma_wait3A_2007 = tpu.memref_slice %arg9[%dma_wait3A_2005, %dma_wait3A_2006] : memref<256x32xf32, #tpu.memory_space<vmem>> -> memref<8x32xf32, #tpu.memory_space<vmem>>
      %dma_wait3A_2008 = arith.constant 0 : i32
      %dma_wait3A_2009 = tpu.memref_slice %arg4[%multiple_of3A_985, %dma_wait3A_2008] : memref<1000000x32xf32, #tpu.memory_space<hbm>> -> memref<8x32xf32, #tpu.memory_space<hbm>>
      tpu.wait_dma2 semaphore(%arg12 : memref<!tpu.dma_semaphore, #tpu.memory_space<semaphore_mem>>) src(%dma_wait3A_2009 : memref<8x32xf32, #tpu.memory_space<hbm>>) dst(%dma_wait3A_2007 : memref<8x32xf32, #tpu.memory_space<vmem>>)
      %dma_wait3A_2010 = arith.constant 152 : i32
      %dma_wait3A_2011 = arith.constant 0 : i32
      %dma_wait3A_2012 = tpu.memref_slice %arg10[%dma_wait3A_2010, %dma_wait3A_2011] : memref<256x32xf32, #tpu.memory_space<vmem>> -> memref<8x32xf32, #tpu.memory_space<vmem>>
      %dma_wait3A_2013 = arith.constant 0 : i32
      %dma_wait3A_2014 = tpu.memref_slice %arg5[%multiple_of3A_1010, %dma_wait3A_2013] : memref<1000000x32xf32, #tpu.memory_space<hbm>> -> memref<8x32xf32, #tpu.memory_space<hbm>>
      %dma_wait3A_2015 = arith.constant 152 : i32
      %dma_wait3A_2016 = arith.constant 0 : i32
      %dma_wait3A_2017 = tpu.memref_slice %arg10[%dma_wait3A_2015, %dma_wait3A_2016] : memref<256x32xf32, #tpu.memory_space<vmem>> -> memref<8x32xf32, #tpu.memory_space<vmem>>
      %dma_wait3A_2018 = arith.constant 0 : i32
      %dma_wait3A_2019 = tpu.memref_slice %arg5[%multiple_of3A_1010, %dma_wait3A_2018] : memref<1000000x32xf32, #tpu.memory_space<hbm>> -> memref<8x32xf32, #tpu.memory_space<hbm>>
      tpu.wait_dma2 semaphore(%arg13 : memref<!tpu.dma_semaphore, #tpu.memory_space<semaphore_mem>>) src(%dma_wait3A_2019 : memref<8x32xf32, #tpu.memory_space<hbm>>) dst(%dma_wait3A_2017 : memref<8x32xf32, #tpu.memory_space<vmem>>)
      %dma_wait3A_2020 = arith.constant 160 : i32
      %dma_wait3A_2021 = arith.constant 0 : i32
      %dma_wait3A_2022 = tpu.memref_slice %arg9[%dma_wait3A_2020, %dma_wait3A_2021] : memref<256x32xf32, #tpu.memory_space<vmem>> -> memref<8x32xf32, #tpu.memory_space<vmem>>
      %dma_wait3A_2023 = arith.constant 0 : i32
      %dma_wait3A_2024 = tpu.memref_slice %arg4[%multiple_of3A_1035, %dma_wait3A_2023] : memref<1000000x32xf32, #tpu.memory_space<hbm>> -> memref<8x32xf32, #tpu.memory_space<hbm>>
      %dma_wait3A_2025 = arith.constant 160 : i32
      %dma_wait3A_2026 = arith.constant 0 : i32
      %dma_wait3A_2027 = tpu.memref_slice %arg9[%dma_wait3A_2025, %dma_wait3A_2026] : memref<256x32xf32, #tpu.memory_space<vmem>> -> memref<8x32xf32, #tpu.memory_space<vmem>>
      %dma_wait3A_2028 = arith.constant 0 : i32
      %dma_wait3A_2029 = tpu.memref_slice %arg4[%multiple_of3A_1035, %dma_wait3A_2028] : memref<1000000x32xf32, #tpu.memory_space<hbm>> -> memref<8x32xf32, #tpu.memory_space<hbm>>
      tpu.wait_dma2 semaphore(%arg12 : memref<!tpu.dma_semaphore, #tpu.memory_space<semaphore_mem>>) src(%dma_wait3A_2029 : memref<8x32xf32, #tpu.memory_space<hbm>>) dst(%dma_wait3A_2027 : memref<8x32xf32, #tpu.memory_space<vmem>>)
      %dma_wait3A_2030 = arith.constant 160 : i32
      %dma_wait3A_2031 = arith.constant 0 : i32
      %dma_wait3A_2032 = tpu.memref_slice %arg10[%dma_wait3A_2030, %dma_wait3A_2031] : memref<256x32xf32, #tpu.memory_space<vmem>> -> memref<8x32xf32, #tpu.memory_space<vmem>>
      %dma_wait3A_2033 = arith.constant 0 : i32
      %dma_wait3A_2034 = tpu.memref_slice %arg5[%multiple_of3A_1060, %dma_wait3A_2033] : memref<1000000x32xf32, #tpu.memory_space<hbm>> -> memref<8x32xf32, #tpu.memory_space<hbm>>
      %dma_wait3A_2035 = arith.constant 160 : i32
      %dma_wait3A_2036 = arith.constant 0 : i32
      %dma_wait3A_2037 = tpu.memref_slice %arg10[%dma_wait3A_2035, %dma_wait3A_2036] : memref<256x32xf32, #tpu.memory_space<vmem>> -> memref<8x32xf32, #tpu.memory_space<vmem>>
      %dma_wait3A_2038 = arith.constant 0 : i32
      %dma_wait3A_2039 = tpu.memref_slice %arg5[%multiple_of3A_1060, %dma_wait3A_2038] : memref<1000000x32xf32, #tpu.memory_space<hbm>> -> memref<8x32xf32, #tpu.memory_space<hbm>>
      tpu.wait_dma2 semaphore(%arg13 : memref<!tpu.dma_semaphore, #tpu.memory_space<semaphore_mem>>) src(%dma_wait3A_2039 : memref<8x32xf32, #tpu.memory_space<hbm>>) dst(%dma_wait3A_2037 : memref<8x32xf32, #tpu.memory_space<vmem>>)
      %dma_wait3A_2040 = arith.constant 168 : i32
      %dma_wait3A_2041 = arith.constant 0 : i32
      %dma_wait3A_2042 = tpu.memref_slice %arg9[%dma_wait3A_2040, %dma_wait3A_2041] : memref<256x32xf32, #tpu.memory_space<vmem>> -> memref<8x32xf32, #tpu.memory_space<vmem>>
      %dma_wait3A_2043 = arith.constant 0 : i32
      %dma_wait3A_2044 = tpu.memref_slice %arg4[%multiple_of3A_1085, %dma_wait3A_2043] : memref<1000000x32xf32, #tpu.memory_space<hbm>> -> memref<8x32xf32, #tpu.memory_space<hbm>>
      %dma_wait3A_2045 = arith.constant 168 : i32
      %dma_wait3A_2046 = arith.constant 0 : i32
      %dma_wait3A_2047 = tpu.memref_slice %arg9[%dma_wait3A_2045, %dma_wait3A_2046] : memref<256x32xf32, #tpu.memory_space<vmem>> -> memref<8x32xf32, #tpu.memory_space<vmem>>
      %dma_wait3A_2048 = arith.constant 0 : i32
      %dma_wait3A_2049 = tpu.memref_slice %arg4[%multiple_of3A_1085, %dma_wait3A_2048] : memref<1000000x32xf32, #tpu.memory_space<hbm>> -> memref<8x32xf32, #tpu.memory_space<hbm>>
      tpu.wait_dma2 semaphore(%arg12 : memref<!tpu.dma_semaphore, #tpu.memory_space<semaphore_mem>>) src(%dma_wait3A_2049 : memref<8x32xf32, #tpu.memory_space<hbm>>) dst(%dma_wait3A_2047 : memref<8x32xf32, #tpu.memory_space<vmem>>)
      %dma_wait3A_2050 = arith.constant 168 : i32
      %dma_wait3A_2051 = arith.constant 0 : i32
      %dma_wait3A_2052 = tpu.memref_slice %arg10[%dma_wait3A_2050, %dma_wait3A_2051] : memref<256x32xf32, #tpu.memory_space<vmem>> -> memref<8x32xf32, #tpu.memory_space<vmem>>
      %dma_wait3A_2053 = arith.constant 0 : i32
      %dma_wait3A_2054 = tpu.memref_slice %arg5[%multiple_of3A_1110, %dma_wait3A_2053] : memref<1000000x32xf32, #tpu.memory_space<hbm>> -> memref<8x32xf32, #tpu.memory_space<hbm>>
      %dma_wait3A_2055 = arith.constant 168 : i32
      %dma_wait3A_2056 = arith.constant 0 : i32
      %dma_wait3A_2057 = tpu.memref_slice %arg10[%dma_wait3A_2055, %dma_wait3A_2056] : memref<256x32xf32, #tpu.memory_space<vmem>> -> memref<8x32xf32, #tpu.memory_space<vmem>>
      %dma_wait3A_2058 = arith.constant 0 : i32
      %dma_wait3A_2059 = tpu.memref_slice %arg5[%multiple_of3A_1110, %dma_wait3A_2058] : memref<1000000x32xf32, #tpu.memory_space<hbm>> -> memref<8x32xf32, #tpu.memory_space<hbm>>
      tpu.wait_dma2 semaphore(%arg13 : memref<!tpu.dma_semaphore, #tpu.memory_space<semaphore_mem>>) src(%dma_wait3A_2059 : memref<8x32xf32, #tpu.memory_space<hbm>>) dst(%dma_wait3A_2057 : memref<8x32xf32, #tpu.memory_space<vmem>>)
      %dma_wait3A_2060 = arith.constant 176 : i32
      %dma_wait3A_2061 = arith.constant 0 : i32
      %dma_wait3A_2062 = tpu.memref_slice %arg9[%dma_wait3A_2060, %dma_wait3A_2061] : memref<256x32xf32, #tpu.memory_space<vmem>> -> memref<8x32xf32, #tpu.memory_space<vmem>>
      %dma_wait3A_2063 = arith.constant 0 : i32
      %dma_wait3A_2064 = tpu.memref_slice %arg4[%multiple_of3A_1135, %dma_wait3A_2063] : memref<1000000x32xf32, #tpu.memory_space<hbm>> -> memref<8x32xf32, #tpu.memory_space<hbm>>
      %dma_wait3A_2065 = arith.constant 176 : i32
      %dma_wait3A_2066 = arith.constant 0 : i32
      %dma_wait3A_2067 = tpu.memref_slice %arg9[%dma_wait3A_2065, %dma_wait3A_2066] : memref<256x32xf32, #tpu.memory_space<vmem>> -> memref<8x32xf32, #tpu.memory_space<vmem>>
      %dma_wait3A_2068 = arith.constant 0 : i32
      %dma_wait3A_2069 = tpu.memref_slice %arg4[%multiple_of3A_1135, %dma_wait3A_2068] : memref<1000000x32xf32, #tpu.memory_space<hbm>> -> memref<8x32xf32, #tpu.memory_space<hbm>>
      tpu.wait_dma2 semaphore(%arg12 : memref<!tpu.dma_semaphore, #tpu.memory_space<semaphore_mem>>) src(%dma_wait3A_2069 : memref<8x32xf32, #tpu.memory_space<hbm>>) dst(%dma_wait3A_2067 : memref<8x32xf32, #tpu.memory_space<vmem>>)
      %dma_wait3A_2070 = arith.constant 176 : i32
      %dma_wait3A_2071 = arith.constant 0 : i32
      %dma_wait3A_2072 = tpu.memref_slice %arg10[%dma_wait3A_2070, %dma_wait3A_2071] : memref<256x32xf32, #tpu.memory_space<vmem>> -> memref<8x32xf32, #tpu.memory_space<vmem>>
      %dma_wait3A_2073 = arith.constant 0 : i32
      %dma_wait3A_2074 = tpu.memref_slice %arg5[%multiple_of3A_1160, %dma_wait3A_2073] : memref<1000000x32xf32, #tpu.memory_space<hbm>> -> memref<8x32xf32, #tpu.memory_space<hbm>>
      %dma_wait3A_2075 = arith.constant 176 : i32
      %dma_wait3A_2076 = arith.constant 0 : i32
      %dma_wait3A_2077 = tpu.memref_slice %arg10[%dma_wait3A_2075, %dma_wait3A_2076] : memref<256x32xf32, #tpu.memory_space<vmem>> -> memref<8x32xf32, #tpu.memory_space<vmem>>
      %dma_wait3A_2078 = arith.constant 0 : i32
      %dma_wait3A_2079 = tpu.memref_slice %arg5[%multiple_of3A_1160, %dma_wait3A_2078] : memref<1000000x32xf32, #tpu.memory_space<hbm>> -> memref<8x32xf32, #tpu.memory_space<hbm>>
      tpu.wait_dma2 semaphore(%arg13 : memref<!tpu.dma_semaphore, #tpu.memory_space<semaphore_mem>>) src(%dma_wait3A_2079 : memref<8x32xf32, #tpu.memory_space<hbm>>) dst(%dma_wait3A_2077 : memref<8x32xf32, #tpu.memory_space<vmem>>)
      %dma_wait3A_2080 = arith.constant 184 : i32
      %dma_wait3A_2081 = arith.constant 0 : i32
      %dma_wait3A_2082 = tpu.memref_slice %arg9[%dma_wait3A_2080, %dma_wait3A_2081] : memref<256x32xf32, #tpu.memory_space<vmem>> -> memref<8x32xf32, #tpu.memory_space<vmem>>
      %dma_wait3A_2083 = arith.constant 0 : i32
      %dma_wait3A_2084 = tpu.memref_slice %arg4[%multiple_of3A_1185, %dma_wait3A_2083] : memref<1000000x32xf32, #tpu.memory_space<hbm>> -> memref<8x32xf32, #tpu.memory_space<hbm>>
      %dma_wait3A_2085 = arith.constant 184 : i32
      %dma_wait3A_2086 = arith.constant 0 : i32
      %dma_wait3A_2087 = tpu.memref_slice %arg9[%dma_wait3A_2085, %dma_wait3A_2086] : memref<256x32xf32, #tpu.memory_space<vmem>> -> memref<8x32xf32, #tpu.memory_space<vmem>>
      %dma_wait3A_2088 = arith.constant 0 : i32
      %dma_wait3A_2089 = tpu.memref_slice %arg4[%multiple_of3A_1185, %dma_wait3A_2088] : memref<1000000x32xf32, #tpu.memory_space<hbm>> -> memref<8x32xf32, #tpu.memory_space<hbm>>
      tpu.wait_dma2 semaphore(%arg12 : memref<!tpu.dma_semaphore, #tpu.memory_space<semaphore_mem>>) src(%dma_wait3A_2089 : memref<8x32xf32, #tpu.memory_space<hbm>>) dst(%dma_wait3A_2087 : memref<8x32xf32, #tpu.memory_space<vmem>>)
      %dma_wait3A_2090 = arith.constant 184 : i32
      %dma_wait3A_2091 = arith.constant 0 : i32
      %dma_wait3A_2092 = tpu.memref_slice %arg10[%dma_wait3A_2090, %dma_wait3A_2091] : memref<256x32xf32, #tpu.memory_space<vmem>> -> memref<8x32xf32, #tpu.memory_space<vmem>>
      %dma_wait3A_2093 = arith.constant 0 : i32
      %dma_wait3A_2094 = tpu.memref_slice %arg5[%multiple_of3A_1210, %dma_wait3A_2093] : memref<1000000x32xf32, #tpu.memory_space<hbm>> -> memref<8x32xf32, #tpu.memory_space<hbm>>
      %dma_wait3A_2095 = arith.constant 184 : i32
      %dma_wait3A_2096 = arith.constant 0 : i32
      %dma_wait3A_2097 = tpu.memref_slice %arg10[%dma_wait3A_2095, %dma_wait3A_2096] : memref<256x32xf32, #tpu.memory_space<vmem>> -> memref<8x32xf32, #tpu.memory_space<vmem>>
      %dma_wait3A_2098 = arith.constant 0 : i32
      %dma_wait3A_2099 = tpu.memref_slice %arg5[%multiple_of3A_1210, %dma_wait3A_2098] : memref<1000000x32xf32, #tpu.memory_space<hbm>> -> memref<8x32xf32, #tpu.memory_space<hbm>>
      tpu.wait_dma2 semaphore(%arg13 : memref<!tpu.dma_semaphore, #tpu.memory_space<semaphore_mem>>) src(%dma_wait3A_2099 : memref<8x32xf32, #tpu.memory_space<hbm>>) dst(%dma_wait3A_2097 : memref<8x32xf32, #tpu.memory_space<vmem>>)
      %dma_wait3A_2100 = arith.constant 192 : i32
      %dma_wait3A_2101 = arith.constant 0 : i32
      %dma_wait3A_2102 = tpu.memref_slice %arg9[%dma_wait3A_2100, %dma_wait3A_2101] : memref<256x32xf32, #tpu.memory_space<vmem>> -> memref<8x32xf32, #tpu.memory_space<vmem>>
      %dma_wait3A_2103 = arith.constant 0 : i32
      %dma_wait3A_2104 = tpu.memref_slice %arg4[%multiple_of3A_1235, %dma_wait3A_2103] : memref<1000000x32xf32, #tpu.memory_space<hbm>> -> memref<8x32xf32, #tpu.memory_space<hbm>>
      %dma_wait3A_2105 = arith.constant 192 : i32
      %dma_wait3A_2106 = arith.constant 0 : i32
      %dma_wait3A_2107 = tpu.memref_slice %arg9[%dma_wait3A_2105, %dma_wait3A_2106] : memref<256x32xf32, #tpu.memory_space<vmem>> -> memref<8x32xf32, #tpu.memory_space<vmem>>
      %dma_wait3A_2108 = arith.constant 0 : i32
      %dma_wait3A_2109 = tpu.memref_slice %arg4[%multiple_of3A_1235, %dma_wait3A_2108] : memref<1000000x32xf32, #tpu.memory_space<hbm>> -> memref<8x32xf32, #tpu.memory_space<hbm>>
      tpu.wait_dma2 semaphore(%arg12 : memref<!tpu.dma_semaphore, #tpu.memory_space<semaphore_mem>>) src(%dma_wait3A_2109 : memref<8x32xf32, #tpu.memory_space<hbm>>) dst(%dma_wait3A_2107 : memref<8x32xf32, #tpu.memory_space<vmem>>)
      %dma_wait3A_2110 = arith.constant 192 : i32
      %dma_wait3A_2111 = arith.constant 0 : i32
      %dma_wait3A_2112 = tpu.memref_slice %arg10[%dma_wait3A_2110, %dma_wait3A_2111] : memref<256x32xf32, #tpu.memory_space<vmem>> -> memref<8x32xf32, #tpu.memory_space<vmem>>
      %dma_wait3A_2113 = arith.constant 0 : i32
      %dma_wait3A_2114 = tpu.memref_slice %arg5[%multiple_of3A_1260, %dma_wait3A_2113] : memref<1000000x32xf32, #tpu.memory_space<hbm>> -> memref<8x32xf32, #tpu.memory_space<hbm>>
      %dma_wait3A_2115 = arith.constant 192 : i32
      %dma_wait3A_2116 = arith.constant 0 : i32
      %dma_wait3A_2117 = tpu.memref_slice %arg10[%dma_wait3A_2115, %dma_wait3A_2116] : memref<256x32xf32, #tpu.memory_space<vmem>> -> memref<8x32xf32, #tpu.memory_space<vmem>>
      %dma_wait3A_2118 = arith.constant 0 : i32
      %dma_wait3A_2119 = tpu.memref_slice %arg5[%multiple_of3A_1260, %dma_wait3A_2118] : memref<1000000x32xf32, #tpu.memory_space<hbm>> -> memref<8x32xf32, #tpu.memory_space<hbm>>
      tpu.wait_dma2 semaphore(%arg13 : memref<!tpu.dma_semaphore, #tpu.memory_space<semaphore_mem>>) src(%dma_wait3A_2119 : memref<8x32xf32, #tpu.memory_space<hbm>>) dst(%dma_wait3A_2117 : memref<8x32xf32, #tpu.memory_space<vmem>>)
      %dma_wait3A_2120 = arith.constant 200 : i32
      %dma_wait3A_2121 = arith.constant 0 : i32
      %dma_wait3A_2122 = tpu.memref_slice %arg9[%dma_wait3A_2120, %dma_wait3A_2121] : memref<256x32xf32, #tpu.memory_space<vmem>> -> memref<8x32xf32, #tpu.memory_space<vmem>>
      %dma_wait3A_2123 = arith.constant 0 : i32
      %dma_wait3A_2124 = tpu.memref_slice %arg4[%multiple_of3A_1285, %dma_wait3A_2123] : memref<1000000x32xf32, #tpu.memory_space<hbm>> -> memref<8x32xf32, #tpu.memory_space<hbm>>
      %dma_wait3A_2125 = arith.constant 200 : i32
      %dma_wait3A_2126 = arith.constant 0 : i32
      %dma_wait3A_2127 = tpu.memref_slice %arg9[%dma_wait3A_2125, %dma_wait3A_2126] : memref<256x32xf32, #tpu.memory_space<vmem>> -> memref<8x32xf32, #tpu.memory_space<vmem>>
      %dma_wait3A_2128 = arith.constant 0 : i32
      %dma_wait3A_2129 = tpu.memref_slice %arg4[%multiple_of3A_1285, %dma_wait3A_2128] : memref<1000000x32xf32, #tpu.memory_space<hbm>> -> memref<8x32xf32, #tpu.memory_space<hbm>>
      tpu.wait_dma2 semaphore(%arg12 : memref<!tpu.dma_semaphore, #tpu.memory_space<semaphore_mem>>) src(%dma_wait3A_2129 : memref<8x32xf32, #tpu.memory_space<hbm>>) dst(%dma_wait3A_2127 : memref<8x32xf32, #tpu.memory_space<vmem>>)
      %dma_wait3A_2130 = arith.constant 200 : i32
      %dma_wait3A_2131 = arith.constant 0 : i32
      %dma_wait3A_2132 = tpu.memref_slice %arg10[%dma_wait3A_2130, %dma_wait3A_2131] : memref<256x32xf32, #tpu.memory_space<vmem>> -> memref<8x32xf32, #tpu.memory_space<vmem>>
      %dma_wait3A_2133 = arith.constant 0 : i32
      %dma_wait3A_2134 = tpu.memref_slice %arg5[%multiple_of3A_1310, %dma_wait3A_2133] : memref<1000000x32xf32, #tpu.memory_space<hbm>> -> memref<8x32xf32, #tpu.memory_space<hbm>>
      %dma_wait3A_2135 = arith.constant 200 : i32
      %dma_wait3A_2136 = arith.constant 0 : i32
      %dma_wait3A_2137 = tpu.memref_slice %arg10[%dma_wait3A_2135, %dma_wait3A_2136] : memref<256x32xf32, #tpu.memory_space<vmem>> -> memref<8x32xf32, #tpu.memory_space<vmem>>
      %dma_wait3A_2138 = arith.constant 0 : i32
      %dma_wait3A_2139 = tpu.memref_slice %arg5[%multiple_of3A_1310, %dma_wait3A_2138] : memref<1000000x32xf32, #tpu.memory_space<hbm>> -> memref<8x32xf32, #tpu.memory_space<hbm>>
      tpu.wait_dma2 semaphore(%arg13 : memref<!tpu.dma_semaphore, #tpu.memory_space<semaphore_mem>>) src(%dma_wait3A_2139 : memref<8x32xf32, #tpu.memory_space<hbm>>) dst(%dma_wait3A_2137 : memref<8x32xf32, #tpu.memory_space<vmem>>)
      %dma_wait3A_2140 = arith.constant 208 : i32
      %dma_wait3A_2141 = arith.constant 0 : i32
      %dma_wait3A_2142 = tpu.memref_slice %arg9[%dma_wait3A_2140, %dma_wait3A_2141] : memref<256x32xf32, #tpu.memory_space<vmem>> -> memref<8x32xf32, #tpu.memory_space<vmem>>
      %dma_wait3A_2143 = arith.constant 0 : i32
      %dma_wait3A_2144 = tpu.memref_slice %arg4[%multiple_of3A_1335, %dma_wait3A_2143] : memref<1000000x32xf32, #tpu.memory_space<hbm>> -> memref<8x32xf32, #tpu.memory_space<hbm>>
      %dma_wait3A_2145 = arith.constant 208 : i32
      %dma_wait3A_2146 = arith.constant 0 : i32
      %dma_wait3A_2147 = tpu.memref_slice %arg9[%dma_wait3A_2145, %dma_wait3A_2146] : memref<256x32xf32, #tpu.memory_space<vmem>> -> memref<8x32xf32, #tpu.memory_space<vmem>>
      %dma_wait3A_2148 = arith.constant 0 : i32
      %dma_wait3A_2149 = tpu.memref_slice %arg4[%multiple_of3A_1335, %dma_wait3A_2148] : memref<1000000x32xf32, #tpu.memory_space<hbm>> -> memref<8x32xf32, #tpu.memory_space<hbm>>
      tpu.wait_dma2 semaphore(%arg12 : memref<!tpu.dma_semaphore, #tpu.memory_space<semaphore_mem>>) src(%dma_wait3A_2149 : memref<8x32xf32, #tpu.memory_space<hbm>>) dst(%dma_wait3A_2147 : memref<8x32xf32, #tpu.memory_space<vmem>>)
      %dma_wait3A_2150 = arith.constant 208 : i32
      %dma_wait3A_2151 = arith.constant 0 : i32
      %dma_wait3A_2152 = tpu.memref_slice %arg10[%dma_wait3A_2150, %dma_wait3A_2151] : memref<256x32xf32, #tpu.memory_space<vmem>> -> memref<8x32xf32, #tpu.memory_space<vmem>>
      %dma_wait3A_2153 = arith.constant 0 : i32
      %dma_wait3A_2154 = tpu.memref_slice %arg5[%multiple_of3A_1360, %dma_wait3A_2153] : memref<1000000x32xf32, #tpu.memory_space<hbm>> -> memref<8x32xf32, #tpu.memory_space<hbm>>
      %dma_wait3A_2155 = arith.constant 208 : i32
      %dma_wait3A_2156 = arith.constant 0 : i32
      %dma_wait3A_2157 = tpu.memref_slice %arg10[%dma_wait3A_2155, %dma_wait3A_2156] : memref<256x32xf32, #tpu.memory_space<vmem>> -> memref<8x32xf32, #tpu.memory_space<vmem>>
      %dma_wait3A_2158 = arith.constant 0 : i32
      %dma_wait3A_2159 = tpu.memref_slice %arg5[%multiple_of3A_1360, %dma_wait3A_2158] : memref<1000000x32xf32, #tpu.memory_space<hbm>> -> memref<8x32xf32, #tpu.memory_space<hbm>>
      tpu.wait_dma2 semaphore(%arg13 : memref<!tpu.dma_semaphore, #tpu.memory_space<semaphore_mem>>) src(%dma_wait3A_2159 : memref<8x32xf32, #tpu.memory_space<hbm>>) dst(%dma_wait3A_2157 : memref<8x32xf32, #tpu.memory_space<vmem>>)
      %dma_wait3A_2160 = arith.constant 216 : i32
      %dma_wait3A_2161 = arith.constant 0 : i32
      %dma_wait3A_2162 = tpu.memref_slice %arg9[%dma_wait3A_2160, %dma_wait3A_2161] : memref<256x32xf32, #tpu.memory_space<vmem>> -> memref<8x32xf32, #tpu.memory_space<vmem>>
      %dma_wait3A_2163 = arith.constant 0 : i32
      %dma_wait3A_2164 = tpu.memref_slice %arg4[%multiple_of3A_1385, %dma_wait3A_2163] : memref<1000000x32xf32, #tpu.memory_space<hbm>> -> memref<8x32xf32, #tpu.memory_space<hbm>>
      %dma_wait3A_2165 = arith.constant 216 : i32
      %dma_wait3A_2166 = arith.constant 0 : i32
      %dma_wait3A_2167 = tpu.memref_slice %arg9[%dma_wait3A_2165, %dma_wait3A_2166] : memref<256x32xf32, #tpu.memory_space<vmem>> -> memref<8x32xf32, #tpu.memory_space<vmem>>
      %dma_wait3A_2168 = arith.constant 0 : i32
      %dma_wait3A_2169 = tpu.memref_slice %arg4[%multiple_of3A_1385, %dma_wait3A_2168] : memref<1000000x32xf32, #tpu.memory_space<hbm>> -> memref<8x32xf32, #tpu.memory_space<hbm>>
      tpu.wait_dma2 semaphore(%arg12 : memref<!tpu.dma_semaphore, #tpu.memory_space<semaphore_mem>>) src(%dma_wait3A_2169 : memref<8x32xf32, #tpu.memory_space<hbm>>) dst(%dma_wait3A_2167 : memref<8x32xf32, #tpu.memory_space<vmem>>)
      %dma_wait3A_2170 = arith.constant 216 : i32
      %dma_wait3A_2171 = arith.constant 0 : i32
      %dma_wait3A_2172 = tpu.memref_slice %arg10[%dma_wait3A_2170, %dma_wait3A_2171] : memref<256x32xf32, #tpu.memory_space<vmem>> -> memref<8x32xf32, #tpu.memory_space<vmem>>
      %dma_wait3A_2173 = arith.constant 0 : i32
      %dma_wait3A_2174 = tpu.memref_slice %arg5[%multiple_of3A_1410, %dma_wait3A_2173] : memref<1000000x32xf32, #tpu.memory_space<hbm>> -> memref<8x32xf32, #tpu.memory_space<hbm>>
      %dma_wait3A_2175 = arith.constant 216 : i32
      %dma_wait3A_2176 = arith.constant 0 : i32
      %dma_wait3A_2177 = tpu.memref_slice %arg10[%dma_wait3A_2175, %dma_wait3A_2176] : memref<256x32xf32, #tpu.memory_space<vmem>> -> memref<8x32xf32, #tpu.memory_space<vmem>>
      %dma_wait3A_2178 = arith.constant 0 : i32
      %dma_wait3A_2179 = tpu.memref_slice %arg5[%multiple_of3A_1410, %dma_wait3A_2178] : memref<1000000x32xf32, #tpu.memory_space<hbm>> -> memref<8x32xf32, #tpu.memory_space<hbm>>
      tpu.wait_dma2 semaphore(%arg13 : memref<!tpu.dma_semaphore, #tpu.memory_space<semaphore_mem>>) src(%dma_wait3A_2179 : memref<8x32xf32, #tpu.memory_space<hbm>>) dst(%dma_wait3A_2177 : memref<8x32xf32, #tpu.memory_space<vmem>>)
      %dma_wait3A_2180 = arith.constant 224 : i32
      %dma_wait3A_2181 = arith.constant 0 : i32
      %dma_wait3A_2182 = tpu.memref_slice %arg9[%dma_wait3A_2180, %dma_wait3A_2181] : memref<256x32xf32, #tpu.memory_space<vmem>> -> memref<8x32xf32, #tpu.memory_space<vmem>>
      %dma_wait3A_2183 = arith.constant 0 : i32
      %dma_wait3A_2184 = tpu.memref_slice %arg4[%multiple_of3A_1435, %dma_wait3A_2183] : memref<1000000x32xf32, #tpu.memory_space<hbm>> -> memref<8x32xf32, #tpu.memory_space<hbm>>
      %dma_wait3A_2185 = arith.constant 224 : i32
      %dma_wait3A_2186 = arith.constant 0 : i32
      %dma_wait3A_2187 = tpu.memref_slice %arg9[%dma_wait3A_2185, %dma_wait3A_2186] : memref<256x32xf32, #tpu.memory_space<vmem>> -> memref<8x32xf32, #tpu.memory_space<vmem>>
      %dma_wait3A_2188 = arith.constant 0 : i32
      %dma_wait3A_2189 = tpu.memref_slice %arg4[%multiple_of3A_1435, %dma_wait3A_2188] : memref<1000000x32xf32, #tpu.memory_space<hbm>> -> memref<8x32xf32, #tpu.memory_space<hbm>>
      tpu.wait_dma2 semaphore(%arg12 : memref<!tpu.dma_semaphore, #tpu.memory_space<semaphore_mem>>) src(%dma_wait3A_2189 : memref<8x32xf32, #tpu.memory_space<hbm>>) dst(%dma_wait3A_2187 : memref<8x32xf32, #tpu.memory_space<vmem>>)
      %dma_wait3A_2190 = arith.constant 224 : i32
      %dma_wait3A_2191 = arith.constant 0 : i32
      %dma_wait3A_2192 = tpu.memref_slice %arg10[%dma_wait3A_2190, %dma_wait3A_2191] : memref<256x32xf32, #tpu.memory_space<vmem>> -> memref<8x32xf32, #tpu.memory_space<vmem>>
      %dma_wait3A_2193 = arith.constant 0 : i32
      %dma_wait3A_2194 = tpu.memref_slice %arg5[%multiple_of3A_1460, %dma_wait3A_2193] : memref<1000000x32xf32, #tpu.memory_space<hbm>> -> memref<8x32xf32, #tpu.memory_space<hbm>>
      %dma_wait3A_2195 = arith.constant 224 : i32
      %dma_wait3A_2196 = arith.constant 0 : i32
      %dma_wait3A_2197 = tpu.memref_slice %arg10[%dma_wait3A_2195, %dma_wait3A_2196] : memref<256x32xf32, #tpu.memory_space<vmem>> -> memref<8x32xf32, #tpu.memory_space<vmem>>
      %dma_wait3A_2198 = arith.constant 0 : i32
      %dma_wait3A_2199 = tpu.memref_slice %arg5[%multiple_of3A_1460, %dma_wait3A_2198] : memref<1000000x32xf32, #tpu.memory_space<hbm>> -> memref<8x32xf32, #tpu.memory_space<hbm>>
      tpu.wait_dma2 semaphore(%arg13 : memref<!tpu.dma_semaphore, #tpu.memory_space<semaphore_mem>>) src(%dma_wait3A_2199 : memref<8x32xf32, #tpu.memory_space<hbm>>) dst(%dma_wait3A_2197 : memref<8x32xf32, #tpu.memory_space<vmem>>)
      %dma_wait3A_2200 = arith.constant 232 : i32
      %dma_wait3A_2201 = arith.constant 0 : i32
      %dma_wait3A_2202 = tpu.memref_slice %arg9[%dma_wait3A_2200, %dma_wait3A_2201] : memref<256x32xf32, #tpu.memory_space<vmem>> -> memref<8x32xf32, #tpu.memory_space<vmem>>
      %dma_wait3A_2203 = arith.constant 0 : i32
      %dma_wait3A_2204 = tpu.memref_slice %arg4[%multiple_of3A_1485, %dma_wait3A_2203] : memref<1000000x32xf32, #tpu.memory_space<hbm>> -> memref<8x32xf32, #tpu.memory_space<hbm>>
      %dma_wait3A_2205 = arith.constant 232 : i32
      %dma_wait3A_2206 = arith.constant 0 : i32
      %dma_wait3A_2207 = tpu.memref_slice %arg9[%dma_wait3A_2205, %dma_wait3A_2206] : memref<256x32xf32, #tpu.memory_space<vmem>> -> memref<8x32xf32, #tpu.memory_space<vmem>>
      %dma_wait3A_2208 = arith.constant 0 : i32
      %dma_wait3A_2209 = tpu.memref_slice %arg4[%multiple_of3A_1485, %dma_wait3A_2208] : memref<1000000x32xf32, #tpu.memory_space<hbm>> -> memref<8x32xf32, #tpu.memory_space<hbm>>
      tpu.wait_dma2 semaphore(%arg12 : memref<!tpu.dma_semaphore, #tpu.memory_space<semaphore_mem>>) src(%dma_wait3A_2209 : memref<8x32xf32, #tpu.memory_space<hbm>>) dst(%dma_wait3A_2207 : memref<8x32xf32, #tpu.memory_space<vmem>>)
      %dma_wait3A_2210 = arith.constant 232 : i32
      %dma_wait3A_2211 = arith.constant 0 : i32
      %dma_wait3A_2212 = tpu.memref_slice %arg10[%dma_wait3A_2210, %dma_wait3A_2211] : memref<256x32xf32, #tpu.memory_space<vmem>> -> memref<8x32xf32, #tpu.memory_space<vmem>>
      %dma_wait3A_2213 = arith.constant 0 : i32
      %dma_wait3A_2214 = tpu.memref_slice %arg5[%multiple_of3A_1510, %dma_wait3A_2213] : memref<1000000x32xf32, #tpu.memory_space<hbm>> -> memref<8x32xf32, #tpu.memory_space<hbm>>
      %dma_wait3A_2215 = arith.constant 232 : i32
      %dma_wait3A_2216 = arith.constant 0 : i32
      %dma_wait3A_2217 = tpu.memref_slice %arg10[%dma_wait3A_2215, %dma_wait3A_2216] : memref<256x32xf32, #tpu.memory_space<vmem>> -> memref<8x32xf32, #tpu.memory_space<vmem>>
      %dma_wait3A_2218 = arith.constant 0 : i32
      %dma_wait3A_2219 = tpu.memref_slice %arg5[%multiple_of3A_1510, %dma_wait3A_2218] : memref<1000000x32xf32, #tpu.memory_space<hbm>> -> memref<8x32xf32, #tpu.memory_space<hbm>>
      tpu.wait_dma2 semaphore(%arg13 : memref<!tpu.dma_semaphore, #tpu.memory_space<semaphore_mem>>) src(%dma_wait3A_2219 : memref<8x32xf32, #tpu.memory_space<hbm>>) dst(%dma_wait3A_2217 : memref<8x32xf32, #tpu.memory_space<vmem>>)
      %dma_wait3A_2220 = arith.constant 240 : i32
      %dma_wait3A_2221 = arith.constant 0 : i32
      %dma_wait3A_2222 = tpu.memref_slice %arg9[%dma_wait3A_2220, %dma_wait3A_2221] : memref<256x32xf32, #tpu.memory_space<vmem>> -> memref<8x32xf32, #tpu.memory_space<vmem>>
      %dma_wait3A_2223 = arith.constant 0 : i32
      %dma_wait3A_2224 = tpu.memref_slice %arg4[%multiple_of3A_1535, %dma_wait3A_2223] : memref<1000000x32xf32, #tpu.memory_space<hbm>> -> memref<8x32xf32, #tpu.memory_space<hbm>>
      %dma_wait3A_2225 = arith.constant 240 : i32
      %dma_wait3A_2226 = arith.constant 0 : i32
      %dma_wait3A_2227 = tpu.memref_slice %arg9[%dma_wait3A_2225, %dma_wait3A_2226] : memref<256x32xf32, #tpu.memory_space<vmem>> -> memref<8x32xf32, #tpu.memory_space<vmem>>
      %dma_wait3A_2228 = arith.constant 0 : i32
      %dma_wait3A_2229 = tpu.memref_slice %arg4[%multiple_of3A_1535, %dma_wait3A_2228] : memref<1000000x32xf32, #tpu.memory_space<hbm>> -> memref<8x32xf32, #tpu.memory_space<hbm>>
      tpu.wait_dma2 semaphore(%arg12 : memref<!tpu.dma_semaphore, #tpu.memory_space<semaphore_mem>>) src(%dma_wait3A_2229 : memref<8x32xf32, #tpu.memory_space<hbm>>) dst(%dma_wait3A_2227 : memref<8x32xf32, #tpu.memory_space<vmem>>)
      %dma_wait3A_2230 = arith.constant 240 : i32
      %dma_wait3A_2231 = arith.constant 0 : i32
      %dma_wait3A_2232 = tpu.memref_slice %arg10[%dma_wait3A_2230, %dma_wait3A_2231] : memref<256x32xf32, #tpu.memory_space<vmem>> -> memref<8x32xf32, #tpu.memory_space<vmem>>
      %dma_wait3A_2233 = arith.constant 0 : i32
      %dma_wait3A_2234 = tpu.memref_slice %arg5[%multiple_of3A_1560, %dma_wait3A_2233] : memref<1000000x32xf32, #tpu.memory_space<hbm>> -> memref<8x32xf32, #tpu.memory_space<hbm>>
      %dma_wait3A_2235 = arith.constant 240 : i32
      %dma_wait3A_2236 = arith.constant 0 : i32
      %dma_wait3A_2237 = tpu.memref_slice %arg10[%dma_wait3A_2235, %dma_wait3A_2236] : memref<256x32xf32, #tpu.memory_space<vmem>> -> memref<8x32xf32, #tpu.memory_space<vmem>>
      %dma_wait3A_2238 = arith.constant 0 : i32
      %dma_wait3A_2239 = tpu.memref_slice %arg5[%multiple_of3A_1560, %dma_wait3A_2238] : memref<1000000x32xf32, #tpu.memory_space<hbm>> -> memref<8x32xf32, #tpu.memory_space<hbm>>
      tpu.wait_dma2 semaphore(%arg13 : memref<!tpu.dma_semaphore, #tpu.memory_space<semaphore_mem>>) src(%dma_wait3A_2239 : memref<8x32xf32, #tpu.memory_space<hbm>>) dst(%dma_wait3A_2237 : memref<8x32xf32, #tpu.memory_space<vmem>>)
      %dma_wait3A_2240 = arith.constant 248 : i32
      %dma_wait3A_2241 = arith.constant 0 : i32
      %dma_wait3A_2242 = tpu.memref_slice %arg9[%dma_wait3A_2240, %dma_wait3A_2241] : memref<256x32xf32, #tpu.memory_space<vmem>> -> memref<8x32xf32, #tpu.memory_space<vmem>>
      %dma_wait3A_2243 = arith.constant 0 : i32
      %dma_wait3A_2244 = tpu.memref_slice %arg4[%multiple_of3A_1585, %dma_wait3A_2243] : memref<1000000x32xf32, #tpu.memory_space<hbm>> -> memref<8x32xf32, #tpu.memory_space<hbm>>
      %dma_wait3A_2245 = arith.constant 248 : i32
      %dma_wait3A_2246 = arith.constant 0 : i32
      %dma_wait3A_2247 = tpu.memref_slice %arg9[%dma_wait3A_2245, %dma_wait3A_2246] : memref<256x32xf32, #tpu.memory_space<vmem>> -> memref<8x32xf32, #tpu.memory_space<vmem>>
      %dma_wait3A_2248 = arith.constant 0 : i32
      %dma_wait3A_2249 = tpu.memref_slice %arg4[%multiple_of3A_1585, %dma_wait3A_2248] : memref<1000000x32xf32, #tpu.memory_space<hbm>> -> memref<8x32xf32, #tpu.memory_space<hbm>>
      tpu.wait_dma2 semaphore(%arg12 : memref<!tpu.dma_semaphore, #tpu.memory_space<semaphore_mem>>) src(%dma_wait3A_2249 : memref<8x32xf32, #tpu.memory_space<hbm>>) dst(%dma_wait3A_2247 : memref<8x32xf32, #tpu.memory_space<vmem>>)
      %dma_wait3A_2250 = arith.constant 248 : i32
      %dma_wait3A_2251 = arith.constant 0 : i32
      %dma_wait3A_2252 = tpu.memref_slice %arg10[%dma_wait3A_2250, %dma_wait3A_2251] : memref<256x32xf32, #tpu.memory_space<vmem>> -> memref<8x32xf32, #tpu.memory_space<vmem>>
      %dma_wait3A_2253 = arith.constant 0 : i32
      %dma_wait3A_2254 = tpu.memref_slice %arg5[%multiple_of3A_1610, %dma_wait3A_2253] : memref<1000000x32xf32, #tpu.memory_space<hbm>> -> memref<8x32xf32, #tpu.memory_space<hbm>>
      %dma_wait3A_2255 = arith.constant 248 : i32
      %dma_wait3A_2256 = arith.constant 0 : i32
      %dma_wait3A_2257 = tpu.memref_slice %arg10[%dma_wait3A_2255, %dma_wait3A_2256] : memref<256x32xf32, #tpu.memory_space<vmem>> -> memref<8x32xf32, #tpu.memory_space<vmem>>
      %dma_wait3A_2258 = arith.constant 0 : i32
      %dma_wait3A_2259 = tpu.memref_slice %arg5[%multiple_of3A_1610, %dma_wait3A_2258] : memref<1000000x32xf32, #tpu.memory_space<hbm>> -> memref<8x32xf32, #tpu.memory_space<hbm>>
      tpu.wait_dma2 semaphore(%arg13 : memref<!tpu.dma_semaphore, #tpu.memory_space<semaphore_mem>>) src(%dma_wait3A_2259 : memref<8x32xf32, #tpu.memory_space<hbm>>) dst(%dma_wait3A_2257 : memref<8x32xf32, #tpu.memory_space<vmem>>)
      %and3A = arith.constant 7 : i32
      %and3A_2260 = vector.broadcast %and3A : i32 to vector<16xi32>
      %and3A_2261 = arith.andi %get3A_16, %and3A_2260 : vector<16xi32>
      %add3A_2262 = arith.addi %mul3A_3, %and3A_2261 : vector<16xi32>
      %add3A_2263 = arith.constant 0 : i32
      %add3A_2264 = vector.broadcast %add3A_2263 : i32 to vector<16xi32>
      %add3A_2265 = arith.addi %add3A_2262, %add3A_2264 : vector<16xi32>
      %and3A_2266 = arith.constant 7 : i32
      %and3A_2267 = vector.broadcast %and3A_2266 : i32 to vector<16xi32>
      %and3A_2268 = arith.andi %get3A_20, %and3A_2267 : vector<16xi32>
      %add3A_2269 = arith.addi %mul3A_3, %and3A_2268 : vector<16xi32>
      %add3A_2270 = arith.constant 0 : i32
      %add3A_2271 = vector.broadcast %add3A_2270 : i32 to vector<16xi32>
      %add3A_2272 = arith.addi %add3A_2269, %add3A_2271 : vector<16xi32>
      %broadcast_in_dim3A_2273 = arith.constant 0.000000e+00 : f32
      %broadcast_in_dim3A_2274 = vector.broadcast %broadcast_in_dim3A_2273 : f32 to vector<16xf32>
      %broadcast_in_dim3A_2275 = arith.constant 0 : i32
      %broadcast_in_dim3A_2276 = vector.broadcast %broadcast_in_dim3A_2275 : i32 to vector<16xi32>
      %gather3A = tpu.vector_load_idx %arg9[%add3A_2265, %broadcast_in_dim3A_2276] : memref<256x32xf32, #tpu.memory_space<vmem>>[vector<16xi32>, vector<16xi32>], vector<16xf32>,
      %gather3A_2277 = tpu.vector_load_idx %arg10[%add3A_2272, %broadcast_in_dim3A_2276] : memref<256x32xf32, #tpu.memory_space<vmem>>[vector<16xi32>, vector<16xi32>], vector<16xf32>,
      %mul3A_2278 = arith.mulf %gather3A, %gather3A_2277 : vector<16xf32>
      %add3A_2279 = arith.addf %broadcast_in_dim3A_2274, %mul3A_2278 : vector<16xf32>
      %broadcast_in_dim3A_2280 = arith.constant 1 : i32
      %broadcast_in_dim3A_2281 = vector.broadcast %broadcast_in_dim3A_2280 : i32 to vector<16xi32>
      %gather3A_2282 = tpu.vector_load_idx %arg9[%add3A_2265, %broadcast_in_dim3A_2281] : memref<256x32xf32, #tpu.memory_space<vmem>>[vector<16xi32>, vector<16xi32>], vector<16xf32>,
      %gather3A_2283 = tpu.vector_load_idx %arg10[%add3A_2272, %broadcast_in_dim3A_2281] : memref<256x32xf32, #tpu.memory_space<vmem>>[vector<16xi32>, vector<16xi32>], vector<16xf32>,
      %mul3A_2284 = arith.mulf %gather3A_2282, %gather3A_2283 : vector<16xf32>
      %add3A_2285 = arith.addf %add3A_2279, %mul3A_2284 : vector<16xf32>
      %broadcast_in_dim3A_2286 = arith.constant 2 : i32
      %broadcast_in_dim3A_2287 = vector.broadcast %broadcast_in_dim3A_2286 : i32 to vector<16xi32>
      %gather3A_2288 = tpu.vector_load_idx %arg9[%add3A_2265, %broadcast_in_dim3A_2287] : memref<256x32xf32, #tpu.memory_space<vmem>>[vector<16xi32>, vector<16xi32>], vector<16xf32>,
      %gather3A_2289 = tpu.vector_load_idx %arg10[%add3A_2272, %broadcast_in_dim3A_2287] : memref<256x32xf32, #tpu.memory_space<vmem>>[vector<16xi32>, vector<16xi32>], vector<16xf32>,
      %mul3A_2290 = arith.mulf %gather3A_2288, %gather3A_2289 : vector<16xf32>
      %add3A_2291 = arith.addf %add3A_2285, %mul3A_2290 : vector<16xf32>
      %broadcast_in_dim3A_2292 = arith.constant 3 : i32
      %broadcast_in_dim3A_2293 = vector.broadcast %broadcast_in_dim3A_2292 : i32 to vector<16xi32>
      %gather3A_2294 = tpu.vector_load_idx %arg9[%add3A_2265, %broadcast_in_dim3A_2293] : memref<256x32xf32, #tpu.memory_space<vmem>>[vector<16xi32>, vector<16xi32>], vector<16xf32>,
      %gather3A_2295 = tpu.vector_load_idx %arg10[%add3A_2272, %broadcast_in_dim3A_2293] : memref<256x32xf32, #tpu.memory_space<vmem>>[vector<16xi32>, vector<16xi32>], vector<16xf32>,
      %mul3A_2296 = arith.mulf %gather3A_2294, %gather3A_2295 : vector<16xf32>
      %add3A_2297 = arith.addf %add3A_2291, %mul3A_2296 : vector<16xf32>
      %broadcast_in_dim3A_2298 = arith.constant 4 : i32
      %broadcast_in_dim3A_2299 = vector.broadcast %broadcast_in_dim3A_2298 : i32 to vector<16xi32>
      %gather3A_2300 = tpu.vector_load_idx %arg9[%add3A_2265, %broadcast_in_dim3A_2299] : memref<256x32xf32, #tpu.memory_space<vmem>>[vector<16xi32>, vector<16xi32>], vector<16xf32>,
      %gather3A_2301 = tpu.vector_load_idx %arg10[%add3A_2272, %broadcast_in_dim3A_2299] : memref<256x32xf32, #tpu.memory_space<vmem>>[vector<16xi32>, vector<16xi32>], vector<16xf32>,
      %mul3A_2302 = arith.mulf %gather3A_2300, %gather3A_2301 : vector<16xf32>
      %add3A_2303 = arith.addf %add3A_2297, %mul3A_2302 : vector<16xf32>
      %broadcast_in_dim3A_2304 = arith.constant 5 : i32
      %broadcast_in_dim3A_2305 = vector.broadcast %broadcast_in_dim3A_2304 : i32 to vector<16xi32>
      %gather3A_2306 = tpu.vector_load_idx %arg9[%add3A_2265, %broadcast_in_dim3A_2305] : memref<256x32xf32, #tpu.memory_space<vmem>>[vector<16xi32>, vector<16xi32>], vector<16xf32>,
      %gather3A_2307 = tpu.vector_load_idx %arg10[%add3A_2272, %broadcast_in_dim3A_2305] : memref<256x32xf32, #tpu.memory_space<vmem>>[vector<16xi32>, vector<16xi32>], vector<16xf32>,
      %mul3A_2308 = arith.mulf %gather3A_2306, %gather3A_2307 : vector<16xf32>
      %add3A_2309 = arith.addf %add3A_2303, %mul3A_2308 : vector<16xf32>
      %broadcast_in_dim3A_2310 = arith.constant 6 : i32
      %broadcast_in_dim3A_2311 = vector.broadcast %broadcast_in_dim3A_2310 : i32 to vector<16xi32>
      %gather3A_2312 = tpu.vector_load_idx %arg9[%add3A_2265, %broadcast_in_dim3A_2311] : memref<256x32xf32, #tpu.memory_space<vmem>>[vector<16xi32>, vector<16xi32>], vector<16xf32>,
      %gather3A_2313 = tpu.vector_load_idx %arg10[%add3A_2272, %broadcast_in_dim3A_2311] : memref<256x32xf32, #tpu.memory_space<vmem>>[vector<16xi32>, vector<16xi32>], vector<16xf32>,
      %mul3A_2314 = arith.mulf %gather3A_2312, %gather3A_2313 : vector<16xf32>
      %add3A_2315 = arith.addf %add3A_2309, %mul3A_2314 : vector<16xf32>
      %broadcast_in_dim3A_2316 = arith.constant 7 : i32
      %broadcast_in_dim3A_2317 = vector.broadcast %broadcast_in_dim3A_2316 : i32 to vector<16xi32>
      %gather3A_2318 = tpu.vector_load_idx %arg9[%add3A_2265, %broadcast_in_dim3A_2317] : memref<256x32xf32, #tpu.memory_space<vmem>>[vector<16xi32>, vector<16xi32>], vector<16xf32>,
      %gather3A_2319 = tpu.vector_load_idx %arg10[%add3A_2272, %broadcast_in_dim3A_2317] : memref<256x32xf32, #tpu.memory_space<vmem>>[vector<16xi32>, vector<16xi32>], vector<16xf32>,
      %mul3A_2320 = arith.mulf %gather3A_2318, %gather3A_2319 : vector<16xf32>
      %add3A_2321 = arith.addf %add3A_2315, %mul3A_2320 : vector<16xf32>
      %broadcast_in_dim3A_2322 = arith.constant 8 : i32
      %broadcast_in_dim3A_2323 = vector.broadcast %broadcast_in_dim3A_2322 : i32 to vector<16xi32>
      %gather3A_2324 = tpu.vector_load_idx %arg9[%add3A_2265, %broadcast_in_dim3A_2323] : memref<256x32xf32, #tpu.memory_space<vmem>>[vector<16xi32>, vector<16xi32>], vector<16xf32>,
      %gather3A_2325 = tpu.vector_load_idx %arg10[%add3A_2272, %broadcast_in_dim3A_2323] : memref<256x32xf32, #tpu.memory_space<vmem>>[vector<16xi32>, vector<16xi32>], vector<16xf32>,
      %mul3A_2326 = arith.mulf %gather3A_2324, %gather3A_2325 : vector<16xf32>
      %add3A_2327 = arith.addf %add3A_2321, %mul3A_2326 : vector<16xf32>
      %broadcast_in_dim3A_2328 = arith.constant 9 : i32
      %broadcast_in_dim3A_2329 = vector.broadcast %broadcast_in_dim3A_2328 : i32 to vector<16xi32>
      %gather3A_2330 = tpu.vector_load_idx %arg9[%add3A_2265, %broadcast_in_dim3A_2329] : memref<256x32xf32, #tpu.memory_space<vmem>>[vector<16xi32>, vector<16xi32>], vector<16xf32>,
      %gather3A_2331 = tpu.vector_load_idx %arg10[%add3A_2272, %broadcast_in_dim3A_2329] : memref<256x32xf32, #tpu.memory_space<vmem>>[vector<16xi32>, vector<16xi32>], vector<16xf32>,
      %mul3A_2332 = arith.mulf %gather3A_2330, %gather3A_2331 : vector<16xf32>
      %add3A_2333 = arith.addf %add3A_2327, %mul3A_2332 : vector<16xf32>
      %broadcast_in_dim3A_2334 = arith.constant 10 : i32
      %broadcast_in_dim3A_2335 = vector.broadcast %broadcast_in_dim3A_2334 : i32 to vector<16xi32>
      %gather3A_2336 = tpu.vector_load_idx %arg9[%add3A_2265, %broadcast_in_dim3A_2335] : memref<256x32xf32, #tpu.memory_space<vmem>>[vector<16xi32>, vector<16xi32>], vector<16xf32>,
      %gather3A_2337 = tpu.vector_load_idx %arg10[%add3A_2272, %broadcast_in_dim3A_2335] : memref<256x32xf32, #tpu.memory_space<vmem>>[vector<16xi32>, vector<16xi32>], vector<16xf32>,
      %mul3A_2338 = arith.mulf %gather3A_2336, %gather3A_2337 : vector<16xf32>
      %add3A_2339 = arith.addf %add3A_2333, %mul3A_2338 : vector<16xf32>
      %broadcast_in_dim3A_2340 = arith.constant 11 : i32
      %broadcast_in_dim3A_2341 = vector.broadcast %broadcast_in_dim3A_2340 : i32 to vector<16xi32>
      %gather3A_2342 = tpu.vector_load_idx %arg9[%add3A_2265, %broadcast_in_dim3A_2341] : memref<256x32xf32, #tpu.memory_space<vmem>>[vector<16xi32>, vector<16xi32>], vector<16xf32>,
      %gather3A_2343 = tpu.vector_load_idx %arg10[%add3A_2272, %broadcast_in_dim3A_2341] : memref<256x32xf32, #tpu.memory_space<vmem>>[vector<16xi32>, vector<16xi32>], vector<16xf32>,
      %mul3A_2344 = arith.mulf %gather3A_2342, %gather3A_2343 : vector<16xf32>
      %add3A_2345 = arith.addf %add3A_2339, %mul3A_2344 : vector<16xf32>
      %broadcast_in_dim3A_2346 = arith.constant 12 : i32
      %broadcast_in_dim3A_2347 = vector.broadcast %broadcast_in_dim3A_2346 : i32 to vector<16xi32>
      %gather3A_2348 = tpu.vector_load_idx %arg9[%add3A_2265, %broadcast_in_dim3A_2347] : memref<256x32xf32, #tpu.memory_space<vmem>>[vector<16xi32>, vector<16xi32>], vector<16xf32>,
      %gather3A_2349 = tpu.vector_load_idx %arg10[%add3A_2272, %broadcast_in_dim3A_2347] : memref<256x32xf32, #tpu.memory_space<vmem>>[vector<16xi32>, vector<16xi32>], vector<16xf32>,
      %mul3A_2350 = arith.mulf %gather3A_2348, %gather3A_2349 : vector<16xf32>
      %add3A_2351 = arith.addf %add3A_2345, %mul3A_2350 : vector<16xf32>
      %broadcast_in_dim3A_2352 = arith.constant 13 : i32
      %broadcast_in_dim3A_2353 = vector.broadcast %broadcast_in_dim3A_2352 : i32 to vector<16xi32>
      %gather3A_2354 = tpu.vector_load_idx %arg9[%add3A_2265, %broadcast_in_dim3A_2353] : memref<256x32xf32, #tpu.memory_space<vmem>>[vector<16xi32>, vector<16xi32>], vector<16xf32>,
      %gather3A_2355 = tpu.vector_load_idx %arg10[%add3A_2272, %broadcast_in_dim3A_2353] : memref<256x32xf32, #tpu.memory_space<vmem>>[vector<16xi32>, vector<16xi32>], vector<16xf32>,
      %mul3A_2356 = arith.mulf %gather3A_2354, %gather3A_2355 : vector<16xf32>
      %add3A_2357 = arith.addf %add3A_2351, %mul3A_2356 : vector<16xf32>
      %broadcast_in_dim3A_2358 = arith.constant 14 : i32
      %broadcast_in_dim3A_2359 = vector.broadcast %broadcast_in_dim3A_2358 : i32 to vector<16xi32>
      %gather3A_2360 = tpu.vector_load_idx %arg9[%add3A_2265, %broadcast_in_dim3A_2359] : memref<256x32xf32, #tpu.memory_space<vmem>>[vector<16xi32>, vector<16xi32>], vector<16xf32>,
      %gather3A_2361 = tpu.vector_load_idx %arg10[%add3A_2272, %broadcast_in_dim3A_2359] : memref<256x32xf32, #tpu.memory_space<vmem>>[vector<16xi32>, vector<16xi32>], vector<16xf32>,
      %mul3A_2362 = arith.mulf %gather3A_2360, %gather3A_2361 : vector<16xf32>
      %add3A_2363 = arith.addf %add3A_2357, %mul3A_2362 : vector<16xf32>
      %broadcast_in_dim3A_2364 = arith.constant 15 : i32
      %broadcast_in_dim3A_2365 = vector.broadcast %broadcast_in_dim3A_2364 : i32 to vector<16xi32>
      %gather3A_2366 = tpu.vector_load_idx %arg9[%add3A_2265, %broadcast_in_dim3A_2365] : memref<256x32xf32, #tpu.memory_space<vmem>>[vector<16xi32>, vector<16xi32>], vector<16xf32>,
      %gather3A_2367 = tpu.vector_load_idx %arg10[%add3A_2272, %broadcast_in_dim3A_2365] : memref<256x32xf32, #tpu.memory_space<vmem>>[vector<16xi32>, vector<16xi32>], vector<16xf32>,
      %mul3A_2368 = arith.mulf %gather3A_2366, %gather3A_2367 : vector<16xf32>
      %add3A_2369 = arith.addf %add3A_2363, %mul3A_2368 : vector<16xf32>
      %broadcast_in_dim3A_2370 = arith.constant 16 : i32
      %broadcast_in_dim3A_2371 = vector.broadcast %broadcast_in_dim3A_2370 : i32 to vector<16xi32>
      %gather3A_2372 = tpu.vector_load_idx %arg9[%add3A_2265, %broadcast_in_dim3A_2371] : memref<256x32xf32, #tpu.memory_space<vmem>>[vector<16xi32>, vector<16xi32>], vector<16xf32>,
      %gather3A_2373 = tpu.vector_load_idx %arg10[%add3A_2272, %broadcast_in_dim3A_2371] : memref<256x32xf32, #tpu.memory_space<vmem>>[vector<16xi32>, vector<16xi32>], vector<16xf32>,
      %mul3A_2374 = arith.mulf %gather3A_2372, %gather3A_2373 : vector<16xf32>
      %add3A_2375 = arith.addf %add3A_2369, %mul3A_2374 : vector<16xf32>
      %broadcast_in_dim3A_2376 = arith.constant 17 : i32
      %broadcast_in_dim3A_2377 = vector.broadcast %broadcast_in_dim3A_2376 : i32 to vector<16xi32>
      %gather3A_2378 = tpu.vector_load_idx %arg9[%add3A_2265, %broadcast_in_dim3A_2377] : memref<256x32xf32, #tpu.memory_space<vmem>>[vector<16xi32>, vector<16xi32>], vector<16xf32>,
      %gather3A_2379 = tpu.vector_load_idx %arg10[%add3A_2272, %broadcast_in_dim3A_2377] : memref<256x32xf32, #tpu.memory_space<vmem>>[vector<16xi32>, vector<16xi32>], vector<16xf32>,
      %mul3A_2380 = arith.mulf %gather3A_2378, %gather3A_2379 : vector<16xf32>
      %add3A_2381 = arith.addf %add3A_2375, %mul3A_2380 : vector<16xf32>
      %broadcast_in_dim3A_2382 = arith.constant 18 : i32
      %broadcast_in_dim3A_2383 = vector.broadcast %broadcast_in_dim3A_2382 : i32 to vector<16xi32>
      %gather3A_2384 = tpu.vector_load_idx %arg9[%add3A_2265, %broadcast_in_dim3A_2383] : memref<256x32xf32, #tpu.memory_space<vmem>>[vector<16xi32>, vector<16xi32>], vector<16xf32>,
      %gather3A_2385 = tpu.vector_load_idx %arg10[%add3A_2272, %broadcast_in_dim3A_2383] : memref<256x32xf32, #tpu.memory_space<vmem>>[vector<16xi32>, vector<16xi32>], vector<16xf32>,
      %mul3A_2386 = arith.mulf %gather3A_2384, %gather3A_2385 : vector<16xf32>
      %add3A_2387 = arith.addf %add3A_2381, %mul3A_2386 : vector<16xf32>
      %broadcast_in_dim3A_2388 = arith.constant 19 : i32
      %broadcast_in_dim3A_2389 = vector.broadcast %broadcast_in_dim3A_2388 : i32 to vector<16xi32>
      %gather3A_2390 = tpu.vector_load_idx %arg9[%add3A_2265, %broadcast_in_dim3A_2389] : memref<256x32xf32, #tpu.memory_space<vmem>>[vector<16xi32>, vector<16xi32>], vector<16xf32>,
      %gather3A_2391 = tpu.vector_load_idx %arg10[%add3A_2272, %broadcast_in_dim3A_2389] : memref<256x32xf32, #tpu.memory_space<vmem>>[vector<16xi32>, vector<16xi32>], vector<16xf32>,
      %mul3A_2392 = arith.mulf %gather3A_2390, %gather3A_2391 : vector<16xf32>
      %add3A_2393 = arith.addf %add3A_2387, %mul3A_2392 : vector<16xf32>
      %broadcast_in_dim3A_2394 = arith.constant 20 : i32
      %broadcast_in_dim3A_2395 = vector.broadcast %broadcast_in_dim3A_2394 : i32 to vector<16xi32>
      %gather3A_2396 = tpu.vector_load_idx %arg9[%add3A_2265, %broadcast_in_dim3A_2395] : memref<256x32xf32, #tpu.memory_space<vmem>>[vector<16xi32>, vector<16xi32>], vector<16xf32>,
      %gather3A_2397 = tpu.vector_load_idx %arg10[%add3A_2272, %broadcast_in_dim3A_2395] : memref<256x32xf32, #tpu.memory_space<vmem>>[vector<16xi32>, vector<16xi32>], vector<16xf32>,
      %mul3A_2398 = arith.mulf %gather3A_2396, %gather3A_2397 : vector<16xf32>
      %add3A_2399 = arith.addf %add3A_2393, %mul3A_2398 : vector<16xf32>
      %broadcast_in_dim3A_2400 = arith.constant 21 : i32
      %broadcast_in_dim3A_2401 = vector.broadcast %broadcast_in_dim3A_2400 : i32 to vector<16xi32>
      %gather3A_2402 = tpu.vector_load_idx %arg9[%add3A_2265, %broadcast_in_dim3A_2401] : memref<256x32xf32, #tpu.memory_space<vmem>>[vector<16xi32>, vector<16xi32>], vector<16xf32>,
      %gather3A_2403 = tpu.vector_load_idx %arg10[%add3A_2272, %broadcast_in_dim3A_2401] : memref<256x32xf32, #tpu.memory_space<vmem>>[vector<16xi32>, vector<16xi32>], vector<16xf32>,
      %mul3A_2404 = arith.mulf %gather3A_2402, %gather3A_2403 : vector<16xf32>
      %add3A_2405 = arith.addf %add3A_2399, %mul3A_2404 : vector<16xf32>
      %broadcast_in_dim3A_2406 = arith.constant 22 : i32
      %broadcast_in_dim3A_2407 = vector.broadcast %broadcast_in_dim3A_2406 : i32 to vector<16xi32>
      %gather3A_2408 = tpu.vector_load_idx %arg9[%add3A_2265, %broadcast_in_dim3A_2407] : memref<256x32xf32, #tpu.memory_space<vmem>>[vector<16xi32>, vector<16xi32>], vector<16xf32>,
      %gather3A_2409 = tpu.vector_load_idx %arg10[%add3A_2272, %broadcast_in_dim3A_2407] : memref<256x32xf32, #tpu.memory_space<vmem>>[vector<16xi32>, vector<16xi32>], vector<16xf32>,
      %mul3A_2410 = arith.mulf %gather3A_2408, %gather3A_2409 : vector<16xf32>
      %add3A_2411 = arith.addf %add3A_2405, %mul3A_2410 : vector<16xf32>
      %broadcast_in_dim3A_2412 = arith.constant 23 : i32
      %broadcast_in_dim3A_2413 = vector.broadcast %broadcast_in_dim3A_2412 : i32 to vector<16xi32>
      %gather3A_2414 = tpu.vector_load_idx %arg9[%add3A_2265, %broadcast_in_dim3A_2413] : memref<256x32xf32, #tpu.memory_space<vmem>>[vector<16xi32>, vector<16xi32>], vector<16xf32>,
      %gather3A_2415 = tpu.vector_load_idx %arg10[%add3A_2272, %broadcast_in_dim3A_2413] : memref<256x32xf32, #tpu.memory_space<vmem>>[vector<16xi32>, vector<16xi32>], vector<16xf32>,
      %mul3A_2416 = arith.mulf %gather3A_2414, %gather3A_2415 : vector<16xf32>
      %add3A_2417 = arith.addf %add3A_2411, %mul3A_2416 : vector<16xf32>
      %broadcast_in_dim3A_2418 = arith.constant 24 : i32
      %broadcast_in_dim3A_2419 = vector.broadcast %broadcast_in_dim3A_2418 : i32 to vector<16xi32>
      %gather3A_2420 = tpu.vector_load_idx %arg9[%add3A_2265, %broadcast_in_dim3A_2419] : memref<256x32xf32, #tpu.memory_space<vmem>>[vector<16xi32>, vector<16xi32>], vector<16xf32>,
      %gather3A_2421 = tpu.vector_load_idx %arg10[%add3A_2272, %broadcast_in_dim3A_2419] : memref<256x32xf32, #tpu.memory_space<vmem>>[vector<16xi32>, vector<16xi32>], vector<16xf32>,
      %mul3A_2422 = arith.mulf %gather3A_2420, %gather3A_2421 : vector<16xf32>
      %add3A_2423 = arith.addf %add3A_2417, %mul3A_2422 : vector<16xf32>
      %broadcast_in_dim3A_2424 = arith.constant 25 : i32
      %broadcast_in_dim3A_2425 = vector.broadcast %broadcast_in_dim3A_2424 : i32 to vector<16xi32>
      %gather3A_2426 = tpu.vector_load_idx %arg9[%add3A_2265, %broadcast_in_dim3A_2425] : memref<256x32xf32, #tpu.memory_space<vmem>>[vector<16xi32>, vector<16xi32>], vector<16xf32>,
      %gather3A_2427 = tpu.vector_load_idx %arg10[%add3A_2272, %broadcast_in_dim3A_2425] : memref<256x32xf32, #tpu.memory_space<vmem>>[vector<16xi32>, vector<16xi32>], vector<16xf32>,
      %mul3A_2428 = arith.mulf %gather3A_2426, %gather3A_2427 : vector<16xf32>
      %add3A_2429 = arith.addf %add3A_2423, %mul3A_2428 : vector<16xf32>
      %broadcast_in_dim3A_2430 = arith.constant 26 : i32
      %broadcast_in_dim3A_2431 = vector.broadcast %broadcast_in_dim3A_2430 : i32 to vector<16xi32>
      %gather3A_2432 = tpu.vector_load_idx %arg9[%add3A_2265, %broadcast_in_dim3A_2431] : memref<256x32xf32, #tpu.memory_space<vmem>>[vector<16xi32>, vector<16xi32>], vector<16xf32>,
      %gather3A_2433 = tpu.vector_load_idx %arg10[%add3A_2272, %broadcast_in_dim3A_2431] : memref<256x32xf32, #tpu.memory_space<vmem>>[vector<16xi32>, vector<16xi32>], vector<16xf32>,
      %mul3A_2434 = arith.mulf %gather3A_2432, %gather3A_2433 : vector<16xf32>
      %add3A_2435 = arith.addf %add3A_2429, %mul3A_2434 : vector<16xf32>
      %broadcast_in_dim3A_2436 = arith.constant 27 : i32
      %broadcast_in_dim3A_2437 = vector.broadcast %broadcast_in_dim3A_2436 : i32 to vector<16xi32>
      %gather3A_2438 = tpu.vector_load_idx %arg9[%add3A_2265, %broadcast_in_dim3A_2437] : memref<256x32xf32, #tpu.memory_space<vmem>>[vector<16xi32>, vector<16xi32>], vector<16xf32>,
      %gather3A_2439 = tpu.vector_load_idx %arg10[%add3A_2272, %broadcast_in_dim3A_2437] : memref<256x32xf32, #tpu.memory_space<vmem>>[vector<16xi32>, vector<16xi32>], vector<16xf32>,
      %mul3A_2440 = arith.mulf %gather3A_2438, %gather3A_2439 : vector<16xf32>
      %add3A_2441 = arith.addf %add3A_2435, %mul3A_2440 : vector<16xf32>
      %broadcast_in_dim3A_2442 = arith.constant 28 : i32
      %broadcast_in_dim3A_2443 = vector.broadcast %broadcast_in_dim3A_2442 : i32 to vector<16xi32>
      %gather3A_2444 = tpu.vector_load_idx %arg9[%add3A_2265, %broadcast_in_dim3A_2443] : memref<256x32xf32, #tpu.memory_space<vmem>>[vector<16xi32>, vector<16xi32>], vector<16xf32>,
      %gather3A_2445 = tpu.vector_load_idx %arg10[%add3A_2272, %broadcast_in_dim3A_2443] : memref<256x32xf32, #tpu.memory_space<vmem>>[vector<16xi32>, vector<16xi32>], vector<16xf32>,
      %mul3A_2446 = arith.mulf %gather3A_2444, %gather3A_2445 : vector<16xf32>
      %add3A_2447 = arith.addf %add3A_2441, %mul3A_2446 : vector<16xf32>
      %broadcast_in_dim3A_2448 = arith.constant 29 : i32
      %broadcast_in_dim3A_2449 = vector.broadcast %broadcast_in_dim3A_2448 : i32 to vector<16xi32>
      %gather3A_2450 = tpu.vector_load_idx %arg9[%add3A_2265, %broadcast_in_dim3A_2449] : memref<256x32xf32, #tpu.memory_space<vmem>>[vector<16xi32>, vector<16xi32>], vector<16xf32>,
      %gather3A_2451 = tpu.vector_load_idx %arg10[%add3A_2272, %broadcast_in_dim3A_2449] : memref<256x32xf32, #tpu.memory_space<vmem>>[vector<16xi32>, vector<16xi32>], vector<16xf32>,
      %mul3A_2452 = arith.mulf %gather3A_2450, %gather3A_2451 : vector<16xf32>
      %add3A_2453 = arith.addf %add3A_2447, %mul3A_2452 : vector<16xf32>
      %broadcast_in_dim3A_2454 = arith.constant 30 : i32
      %broadcast_in_dim3A_2455 = vector.broadcast %broadcast_in_dim3A_2454 : i32 to vector<16xi32>
      %gather3A_2456 = tpu.vector_load_idx %arg9[%add3A_2265, %broadcast_in_dim3A_2455] : memref<256x32xf32, #tpu.memory_space<vmem>>[vector<16xi32>, vector<16xi32>], vector<16xf32>,
      %gather3A_2457 = tpu.vector_load_idx %arg10[%add3A_2272, %broadcast_in_dim3A_2455] : memref<256x32xf32, #tpu.memory_space<vmem>>[vector<16xi32>, vector<16xi32>], vector<16xf32>,
      %mul3A_2458 = arith.mulf %gather3A_2456, %gather3A_2457 : vector<16xf32>
      %add3A_2459 = arith.addf %add3A_2453, %mul3A_2458 : vector<16xf32>
      %broadcast_in_dim3A_2460 = arith.constant 31 : i32
      %broadcast_in_dim3A_2461 = vector.broadcast %broadcast_in_dim3A_2460 : i32 to vector<16xi32>
      %gather3A_2462 = tpu.vector_load_idx %arg9[%add3A_2265, %broadcast_in_dim3A_2461] : memref<256x32xf32, #tpu.memory_space<vmem>>[vector<16xi32>, vector<16xi32>], vector<16xf32>,
      %gather3A_2463 = tpu.vector_load_idx %arg10[%add3A_2272, %broadcast_in_dim3A_2461] : memref<256x32xf32, #tpu.memory_space<vmem>>[vector<16xi32>, vector<16xi32>], vector<16xf32>,
      %mul3A_2464 = arith.mulf %gather3A_2462, %gather3A_2463 : vector<16xf32>
      %add3A_2465 = arith.addf %add3A_2459, %mul3A_2464 : vector<16xf32>
      %add3A_2466 = arith.constant 0 : i32
      %add3A_2467 = arith.addi %mul3A_13, %add3A_2466 : i32
      %swap3A = arith.index_cast %add3A_2467 : i32 to index
      %swap3A_2468 = tpu.vector_load %arg11[%swap3A] {strides = array<i32>} : memref<512xf32, #tpu.memory_space<vmem>>, vector<16xf32>,
      tpu.vector_store %arg11[%swap3A], %add3A_2465 {strides = array<i32>} : memref<512xf32, #tpu.memory_space<vmem>>, vector<16xf32>,
      %and3A_2469 = arith.constant 7 : i32
      %and3A_2470 = vector.broadcast %and3A_2469 : i32 to vector<16xi32>
      %and3A_2471 = arith.andi %get3A_816, %and3A_2470 : vector<16xi32>
      %add3A_2472 = arith.addi %mul3A_3, %and3A_2471 : vector<16xi32>
      %add3A_2473 = arith.constant 128 : i32
      %add3A_2474 = vector.broadcast %add3A_2473 : i32 to vector<16xi32>
      %add3A_2475 = arith.addi %add3A_2472, %add3A_2474 : vector<16xi32>
      %and3A_2476 = arith.constant 7 : i32
      %and3A_2477 = vector.broadcast %and3A_2476 : i32 to vector<16xi32>
      %and3A_2478 = arith.andi %get3A_820, %and3A_2477 : vector<16xi32>
      %add3A_2479 = arith.addi %mul3A_3, %and3A_2478 : vector<16xi32>
      %add3A_2480 = arith.constant 128 : i32
      %add3A_2481 = vector.broadcast %add3A_2480 : i32 to vector<16xi32>
      %add3A_2482 = arith.addi %add3A_2479, %add3A_2481 : vector<16xi32>
      %broadcast_in_dim3A_2483 = arith.constant 0.000000e+00 : f32
      %broadcast_in_dim3A_2484 = vector.broadcast %broadcast_in_dim3A_2483 : f32 to vector<16xf32>
      %broadcast_in_dim3A_2485 = arith.constant 0 : i32
      %broadcast_in_dim3A_2486 = vector.broadcast %broadcast_in_dim3A_2485 : i32 to vector<16xi32>
      %gather3A_2487 = tpu.vector_load_idx %arg9[%add3A_2475, %broadcast_in_dim3A_2486] : memref<256x32xf32, #tpu.memory_space<vmem>>[vector<16xi32>, vector<16xi32>], vector<16xf32>,
      %gather3A_2488 = tpu.vector_load_idx %arg10[%add3A_2482, %broadcast_in_dim3A_2486] : memref<256x32xf32, #tpu.memory_space<vmem>>[vector<16xi32>, vector<16xi32>], vector<16xf32>,
      %mul3A_2489 = arith.mulf %gather3A_2487, %gather3A_2488 : vector<16xf32>
      %add3A_2490 = arith.addf %broadcast_in_dim3A_2484, %mul3A_2489 : vector<16xf32>
      %broadcast_in_dim3A_2491 = arith.constant 1 : i32
      %broadcast_in_dim3A_2492 = vector.broadcast %broadcast_in_dim3A_2491 : i32 to vector<16xi32>
      %gather3A_2493 = tpu.vector_load_idx %arg9[%add3A_2475, %broadcast_in_dim3A_2492] : memref<256x32xf32, #tpu.memory_space<vmem>>[vector<16xi32>, vector<16xi32>], vector<16xf32>,
      %gather3A_2494 = tpu.vector_load_idx %arg10[%add3A_2482, %broadcast_in_dim3A_2492] : memref<256x32xf32, #tpu.memory_space<vmem>>[vector<16xi32>, vector<16xi32>], vector<16xf32>,
      %mul3A_2495 = arith.mulf %gather3A_2493, %gather3A_2494 : vector<16xf32>
      %add3A_2496 = arith.addf %add3A_2490, %mul3A_2495 : vector<16xf32>
      %broadcast_in_dim3A_2497 = arith.constant 2 : i32
      %broadcast_in_dim3A_2498 = vector.broadcast %broadcast_in_dim3A_2497 : i32 to vector<16xi32>
      %gather3A_2499 = tpu.vector_load_idx %arg9[%add3A_2475, %broadcast_in_dim3A_2498] : memref<256x32xf32, #tpu.memory_space<vmem>>[vector<16xi32>, vector<16xi32>], vector<16xf32>,
      %gather3A_2500 = tpu.vector_load_idx %arg10[%add3A_2482, %broadcast_in_dim3A_2498] : memref<256x32xf32, #tpu.memory_space<vmem>>[vector<16xi32>, vector<16xi32>], vector<16xf32>,
      %mul3A_2501 = arith.mulf %gather3A_2499, %gather3A_2500 : vector<16xf32>
      %add3A_2502 = arith.addf %add3A_2496, %mul3A_2501 : vector<16xf32>
      %broadcast_in_dim3A_2503 = arith.constant 3 : i32
      %broadcast_in_dim3A_2504 = vector.broadcast %broadcast_in_dim3A_2503 : i32 to vector<16xi32>
      %gather3A_2505 = tpu.vector_load_idx %arg9[%add3A_2475, %broadcast_in_dim3A_2504] : memref<256x32xf32, #tpu.memory_space<vmem>>[vector<16xi32>, vector<16xi32>], vector<16xf32>,
      %gather3A_2506 = tpu.vector_load_idx %arg10[%add3A_2482, %broadcast_in_dim3A_2504] : memref<256x32xf32, #tpu.memory_space<vmem>>[vector<16xi32>, vector<16xi32>], vector<16xf32>,
      %mul3A_2507 = arith.mulf %gather3A_2505, %gather3A_2506 : vector<16xf32>
      %add3A_2508 = arith.addf %add3A_2502, %mul3A_2507 : vector<16xf32>
      %broadcast_in_dim3A_2509 = arith.constant 4 : i32
      %broadcast_in_dim3A_2510 = vector.broadcast %broadcast_in_dim3A_2509 : i32 to vector<16xi32>
      %gather3A_2511 = tpu.vector_load_idx %arg9[%add3A_2475, %broadcast_in_dim3A_2510] : memref<256x32xf32, #tpu.memory_space<vmem>>[vector<16xi32>, vector<16xi32>], vector<16xf32>,
      %gather3A_2512 = tpu.vector_load_idx %arg10[%add3A_2482, %broadcast_in_dim3A_2510] : memref<256x32xf32, #tpu.memory_space<vmem>>[vector<16xi32>, vector<16xi32>], vector<16xf32>,
      %mul3A_2513 = arith.mulf %gather3A_2511, %gather3A_2512 : vector<16xf32>
      %add3A_2514 = arith.addf %add3A_2508, %mul3A_2513 : vector<16xf32>
      %broadcast_in_dim3A_2515 = arith.constant 5 : i32
      %broadcast_in_dim3A_2516 = vector.broadcast %broadcast_in_dim3A_2515 : i32 to vector<16xi32>
      %gather3A_2517 = tpu.vector_load_idx %arg9[%add3A_2475, %broadcast_in_dim3A_2516] : memref<256x32xf32, #tpu.memory_space<vmem>>[vector<16xi32>, vector<16xi32>], vector<16xf32>,
      %gather3A_2518 = tpu.vector_load_idx %arg10[%add3A_2482, %broadcast_in_dim3A_2516] : memref<256x32xf32, #tpu.memory_space<vmem>>[vector<16xi32>, vector<16xi32>], vector<16xf32>,
      %mul3A_2519 = arith.mulf %gather3A_2517, %gather3A_2518 : vector<16xf32>
      %add3A_2520 = arith.addf %add3A_2514, %mul3A_2519 : vector<16xf32>
      %broadcast_in_dim3A_2521 = arith.constant 6 : i32
      %broadcast_in_dim3A_2522 = vector.broadcast %broadcast_in_dim3A_2521 : i32 to vector<16xi32>
      %gather3A_2523 = tpu.vector_load_idx %arg9[%add3A_2475, %broadcast_in_dim3A_2522] : memref<256x32xf32, #tpu.memory_space<vmem>>[vector<16xi32>, vector<16xi32>], vector<16xf32>,
      %gather3A_2524 = tpu.vector_load_idx %arg10[%add3A_2482, %broadcast_in_dim3A_2522] : memref<256x32xf32, #tpu.memory_space<vmem>>[vector<16xi32>, vector<16xi32>], vector<16xf32>,
      %mul3A_2525 = arith.mulf %gather3A_2523, %gather3A_2524 : vector<16xf32>
      %add3A_2526 = arith.addf %add3A_2520, %mul3A_2525 : vector<16xf32>
      %broadcast_in_dim3A_2527 = arith.constant 7 : i32
      %broadcast_in_dim3A_2528 = vector.broadcast %broadcast_in_dim3A_2527 : i32 to vector<16xi32>
      %gather3A_2529 = tpu.vector_load_idx %arg9[%add3A_2475, %broadcast_in_dim3A_2528] : memref<256x32xf32, #tpu.memory_space<vmem>>[vector<16xi32>, vector<16xi32>], vector<16xf32>,
      %gather3A_2530 = tpu.vector_load_idx %arg10[%add3A_2482, %broadcast_in_dim3A_2528] : memref<256x32xf32, #tpu.memory_space<vmem>>[vector<16xi32>, vector<16xi32>], vector<16xf32>,
      %mul3A_2531 = arith.mulf %gather3A_2529, %gather3A_2530 : vector<16xf32>
      %add3A_2532 = arith.addf %add3A_2526, %mul3A_2531 : vector<16xf32>
      %broadcast_in_dim3A_2533 = arith.constant 8 : i32
      %broadcast_in_dim3A_2534 = vector.broadcast %broadcast_in_dim3A_2533 : i32 to vector<16xi32>
      %gather3A_2535 = tpu.vector_load_idx %arg9[%add3A_2475, %broadcast_in_dim3A_2534] : memref<256x32xf32, #tpu.memory_space<vmem>>[vector<16xi32>, vector<16xi32>], vector<16xf32>,
      %gather3A_2536 = tpu.vector_load_idx %arg10[%add3A_2482, %broadcast_in_dim3A_2534] : memref<256x32xf32, #tpu.memory_space<vmem>>[vector<16xi32>, vector<16xi32>], vector<16xf32>,
      %mul3A_2537 = arith.mulf %gather3A_2535, %gather3A_2536 : vector<16xf32>
      %add3A_2538 = arith.addf %add3A_2532, %mul3A_2537 : vector<16xf32>
      %broadcast_in_dim3A_2539 = arith.constant 9 : i32
      %broadcast_in_dim3A_2540 = vector.broadcast %broadcast_in_dim3A_2539 : i32 to vector<16xi32>
      %gather3A_2541 = tpu.vector_load_idx %arg9[%add3A_2475, %broadcast_in_dim3A_2540] : memref<256x32xf32, #tpu.memory_space<vmem>>[vector<16xi32>, vector<16xi32>], vector<16xf32>,
      %gather3A_2542 = tpu.vector_load_idx %arg10[%add3A_2482, %broadcast_in_dim3A_2540] : memref<256x32xf32, #tpu.memory_space<vmem>>[vector<16xi32>, vector<16xi32>], vector<16xf32>,
      %mul3A_2543 = arith.mulf %gather3A_2541, %gather3A_2542 : vector<16xf32>
      %add3A_2544 = arith.addf %add3A_2538, %mul3A_2543 : vector<16xf32>
      %broadcast_in_dim3A_2545 = arith.constant 10 : i32
      %broadcast_in_dim3A_2546 = vector.broadcast %broadcast_in_dim3A_2545 : i32 to vector<16xi32>
      %gather3A_2547 = tpu.vector_load_idx %arg9[%add3A_2475, %broadcast_in_dim3A_2546] : memref<256x32xf32, #tpu.memory_space<vmem>>[vector<16xi32>, vector<16xi32>], vector<16xf32>,
      %gather3A_2548 = tpu.vector_load_idx %arg10[%add3A_2482, %broadcast_in_dim3A_2546] : memref<256x32xf32, #tpu.memory_space<vmem>>[vector<16xi32>, vector<16xi32>], vector<16xf32>,
      %mul3A_2549 = arith.mulf %gather3A_2547, %gather3A_2548 : vector<16xf32>
      %add3A_2550 = arith.addf %add3A_2544, %mul3A_2549 : vector<16xf32>
      %broadcast_in_dim3A_2551 = arith.constant 11 : i32
      %broadcast_in_dim3A_2552 = vector.broadcast %broadcast_in_dim3A_2551 : i32 to vector<16xi32>
      %gather3A_2553 = tpu.vector_load_idx %arg9[%add3A_2475, %broadcast_in_dim3A_2552] : memref<256x32xf32, #tpu.memory_space<vmem>>[vector<16xi32>, vector<16xi32>], vector<16xf32>,
      %gather3A_2554 = tpu.vector_load_idx %arg10[%add3A_2482, %broadcast_in_dim3A_2552] : memref<256x32xf32, #tpu.memory_space<vmem>>[vector<16xi32>, vector<16xi32>], vector<16xf32>,
      %mul3A_2555 = arith.mulf %gather3A_2553, %gather3A_2554 : vector<16xf32>
      %add3A_2556 = arith.addf %add3A_2550, %mul3A_2555 : vector<16xf32>
      %broadcast_in_dim3A_2557 = arith.constant 12 : i32
      %broadcast_in_dim3A_2558 = vector.broadcast %broadcast_in_dim3A_2557 : i32 to vector<16xi32>
      %gather3A_2559 = tpu.vector_load_idx %arg9[%add3A_2475, %broadcast_in_dim3A_2558] : memref<256x32xf32, #tpu.memory_space<vmem>>[vector<16xi32>, vector<16xi32>], vector<16xf32>,
      %gather3A_2560 = tpu.vector_load_idx %arg10[%add3A_2482, %broadcast_in_dim3A_2558] : memref<256x32xf32, #tpu.memory_space<vmem>>[vector<16xi32>, vector<16xi32>], vector<16xf32>,
      %mul3A_2561 = arith.mulf %gather3A_2559, %gather3A_2560 : vector<16xf32>
      %add3A_2562 = arith.addf %add3A_2556, %mul3A_2561 : vector<16xf32>
      %broadcast_in_dim3A_2563 = arith.constant 13 : i32
      %broadcast_in_dim3A_2564 = vector.broadcast %broadcast_in_dim3A_2563 : i32 to vector<16xi32>
      %gather3A_2565 = tpu.vector_load_idx %arg9[%add3A_2475, %broadcast_in_dim3A_2564] : memref<256x32xf32, #tpu.memory_space<vmem>>[vector<16xi32>, vector<16xi32>], vector<16xf32>,
      %gather3A_2566 = tpu.vector_load_idx %arg10[%add3A_2482, %broadcast_in_dim3A_2564] : memref<256x32xf32, #tpu.memory_space<vmem>>[vector<16xi32>, vector<16xi32>], vector<16xf32>,
      %mul3A_2567 = arith.mulf %gather3A_2565, %gather3A_2566 : vector<16xf32>
      %add3A_2568 = arith.addf %add3A_2562, %mul3A_2567 : vector<16xf32>
      %broadcast_in_dim3A_2569 = arith.constant 14 : i32
      %broadcast_in_dim3A_2570 = vector.broadcast %broadcast_in_dim3A_2569 : i32 to vector<16xi32>
      %gather3A_2571 = tpu.vector_load_idx %arg9[%add3A_2475, %broadcast_in_dim3A_2570] : memref<256x32xf32, #tpu.memory_space<vmem>>[vector<16xi32>, vector<16xi32>], vector<16xf32>,
      %gather3A_2572 = tpu.vector_load_idx %arg10[%add3A_2482, %broadcast_in_dim3A_2570] : memref<256x32xf32, #tpu.memory_space<vmem>>[vector<16xi32>, vector<16xi32>], vector<16xf32>,
      %mul3A_2573 = arith.mulf %gather3A_2571, %gather3A_2572 : vector<16xf32>
      %add3A_2574 = arith.addf %add3A_2568, %mul3A_2573 : vector<16xf32>
      %broadcast_in_dim3A_2575 = arith.constant 15 : i32
      %broadcast_in_dim3A_2576 = vector.broadcast %broadcast_in_dim3A_2575 : i32 to vector<16xi32>
      %gather3A_2577 = tpu.vector_load_idx %arg9[%add3A_2475, %broadcast_in_dim3A_2576] : memref<256x32xf32, #tpu.memory_space<vmem>>[vector<16xi32>, vector<16xi32>], vector<16xf32>,
      %gather3A_2578 = tpu.vector_load_idx %arg10[%add3A_2482, %broadcast_in_dim3A_2576] : memref<256x32xf32, #tpu.memory_space<vmem>>[vector<16xi32>, vector<16xi32>], vector<16xf32>,
      %mul3A_2579 = arith.mulf %gather3A_2577, %gather3A_2578 : vector<16xf32>
      %add3A_2580 = arith.addf %add3A_2574, %mul3A_2579 : vector<16xf32>
      %broadcast_in_dim3A_2581 = arith.constant 16 : i32
      %broadcast_in_dim3A_2582 = vector.broadcast %broadcast_in_dim3A_2581 : i32 to vector<16xi32>
      %gather3A_2583 = tpu.vector_load_idx %arg9[%add3A_2475, %broadcast_in_dim3A_2582] : memref<256x32xf32, #tpu.memory_space<vmem>>[vector<16xi32>, vector<16xi32>], vector<16xf32>,
      %gather3A_2584 = tpu.vector_load_idx %arg10[%add3A_2482, %broadcast_in_dim3A_2582] : memref<256x32xf32, #tpu.memory_space<vmem>>[vector<16xi32>, vector<16xi32>], vector<16xf32>,
      %mul3A_2585 = arith.mulf %gather3A_2583, %gather3A_2584 : vector<16xf32>
      %add3A_2586 = arith.addf %add3A_2580, %mul3A_2585 : vector<16xf32>
      %broadcast_in_dim3A_2587 = arith.constant 17 : i32
      %broadcast_in_dim3A_2588 = vector.broadcast %broadcast_in_dim3A_2587 : i32 to vector<16xi32>
      %gather3A_2589 = tpu.vector_load_idx %arg9[%add3A_2475, %broadcast_in_dim3A_2588] : memref<256x32xf32, #tpu.memory_space<vmem>>[vector<16xi32>, vector<16xi32>], vector<16xf32>,
      %gather3A_2590 = tpu.vector_load_idx %arg10[%add3A_2482, %broadcast_in_dim3A_2588] : memref<256x32xf32, #tpu.memory_space<vmem>>[vector<16xi32>, vector<16xi32>], vector<16xf32>,
      %mul3A_2591 = arith.mulf %gather3A_2589, %gather3A_2590 : vector<16xf32>
      %add3A_2592 = arith.addf %add3A_2586, %mul3A_2591 : vector<16xf32>
      %broadcast_in_dim3A_2593 = arith.constant 18 : i32
      %broadcast_in_dim3A_2594 = vector.broadcast %broadcast_in_dim3A_2593 : i32 to vector<16xi32>
      %gather3A_2595 = tpu.vector_load_idx %arg9[%add3A_2475, %broadcast_in_dim3A_2594] : memref<256x32xf32, #tpu.memory_space<vmem>>[vector<16xi32>, vector<16xi32>], vector<16xf32>,
      %gather3A_2596 = tpu.vector_load_idx %arg10[%add3A_2482, %broadcast_in_dim3A_2594] : memref<256x32xf32, #tpu.memory_space<vmem>>[vector<16xi32>, vector<16xi32>], vector<16xf32>,
      %mul3A_2597 = arith.mulf %gather3A_2595, %gather3A_2596 : vector<16xf32>
      %add3A_2598 = arith.addf %add3A_2592, %mul3A_2597 : vector<16xf32>
      %broadcast_in_dim3A_2599 = arith.constant 19 : i32
      %broadcast_in_dim3A_2600 = vector.broadcast %broadcast_in_dim3A_2599 : i32 to vector<16xi32>
      %gather3A_2601 = tpu.vector_load_idx %arg9[%add3A_2475, %broadcast_in_dim3A_2600] : memref<256x32xf32, #tpu.memory_space<vmem>>[vector<16xi32>, vector<16xi32>], vector<16xf32>,
      %gather3A_2602 = tpu.vector_load_idx %arg10[%add3A_2482, %broadcast_in_dim3A_2600] : memref<256x32xf32, #tpu.memory_space<vmem>>[vector<16xi32>, vector<16xi32>], vector<16xf32>,
      %mul3A_2603 = arith.mulf %gather3A_2601, %gather3A_2602 : vector<16xf32>
      %add3A_2604 = arith.addf %add3A_2598, %mul3A_2603 : vector<16xf32>
      %broadcast_in_dim3A_2605 = arith.constant 20 : i32
      %broadcast_in_dim3A_2606 = vector.broadcast %broadcast_in_dim3A_2605 : i32 to vector<16xi32>
      %gather3A_2607 = tpu.vector_load_idx %arg9[%add3A_2475, %broadcast_in_dim3A_2606] : memref<256x32xf32, #tpu.memory_space<vmem>>[vector<16xi32>, vector<16xi32>], vector<16xf32>,
      %gather3A_2608 = tpu.vector_load_idx %arg10[%add3A_2482, %broadcast_in_dim3A_2606] : memref<256x32xf32, #tpu.memory_space<vmem>>[vector<16xi32>, vector<16xi32>], vector<16xf32>,
      %mul3A_2609 = arith.mulf %gather3A_2607, %gather3A_2608 : vector<16xf32>
      %add3A_2610 = arith.addf %add3A_2604, %mul3A_2609 : vector<16xf32>
      %broadcast_in_dim3A_2611 = arith.constant 21 : i32
      %broadcast_in_dim3A_2612 = vector.broadcast %broadcast_in_dim3A_2611 : i32 to vector<16xi32>
      %gather3A_2613 = tpu.vector_load_idx %arg9[%add3A_2475, %broadcast_in_dim3A_2612] : memref<256x32xf32, #tpu.memory_space<vmem>>[vector<16xi32>, vector<16xi32>], vector<16xf32>,
      %gather3A_2614 = tpu.vector_load_idx %arg10[%add3A_2482, %broadcast_in_dim3A_2612] : memref<256x32xf32, #tpu.memory_space<vmem>>[vector<16xi32>, vector<16xi32>], vector<16xf32>,
      %mul3A_2615 = arith.mulf %gather3A_2613, %gather3A_2614 : vector<16xf32>
      %add3A_2616 = arith.addf %add3A_2610, %mul3A_2615 : vector<16xf32>
      %broadcast_in_dim3A_2617 = arith.constant 22 : i32
      %broadcast_in_dim3A_2618 = vector.broadcast %broadcast_in_dim3A_2617 : i32 to vector<16xi32>
      %gather3A_2619 = tpu.vector_load_idx %arg9[%add3A_2475, %broadcast_in_dim3A_2618] : memref<256x32xf32, #tpu.memory_space<vmem>>[vector<16xi32>, vector<16xi32>], vector<16xf32>,
      %gather3A_2620 = tpu.vector_load_idx %arg10[%add3A_2482, %broadcast_in_dim3A_2618] : memref<256x32xf32, #tpu.memory_space<vmem>>[vector<16xi32>, vector<16xi32>], vector<16xf32>,
      %mul3A_2621 = arith.mulf %gather3A_2619, %gather3A_2620 : vector<16xf32>
      %add3A_2622 = arith.addf %add3A_2616, %mul3A_2621 : vector<16xf32>
      %broadcast_in_dim3A_2623 = arith.constant 23 : i32
      %broadcast_in_dim3A_2624 = vector.broadcast %broadcast_in_dim3A_2623 : i32 to vector<16xi32>
      %gather3A_2625 = tpu.vector_load_idx %arg9[%add3A_2475, %broadcast_in_dim3A_2624] : memref<256x32xf32, #tpu.memory_space<vmem>>[vector<16xi32>, vector<16xi32>], vector<16xf32>,
      %gather3A_2626 = tpu.vector_load_idx %arg10[%add3A_2482, %broadcast_in_dim3A_2624] : memref<256x32xf32, #tpu.memory_space<vmem>>[vector<16xi32>, vector<16xi32>], vector<16xf32>,
      %mul3A_2627 = arith.mulf %gather3A_2625, %gather3A_2626 : vector<16xf32>
      %add3A_2628 = arith.addf %add3A_2622, %mul3A_2627 : vector<16xf32>
      %broadcast_in_dim3A_2629 = arith.constant 24 : i32
      %broadcast_in_dim3A_2630 = vector.broadcast %broadcast_in_dim3A_2629 : i32 to vector<16xi32>
      %gather3A_2631 = tpu.vector_load_idx %arg9[%add3A_2475, %broadcast_in_dim3A_2630] : memref<256x32xf32, #tpu.memory_space<vmem>>[vector<16xi32>, vector<16xi32>], vector<16xf32>,
      %gather3A_2632 = tpu.vector_load_idx %arg10[%add3A_2482, %broadcast_in_dim3A_2630] : memref<256x32xf32, #tpu.memory_space<vmem>>[vector<16xi32>, vector<16xi32>], vector<16xf32>,
      %mul3A_2633 = arith.mulf %gather3A_2631, %gather3A_2632 : vector<16xf32>
      %add3A_2634 = arith.addf %add3A_2628, %mul3A_2633 : vector<16xf32>
      %broadcast_in_dim3A_2635 = arith.constant 25 : i32
      %broadcast_in_dim3A_2636 = vector.broadcast %broadcast_in_dim3A_2635 : i32 to vector<16xi32>
      %gather3A_2637 = tpu.vector_load_idx %arg9[%add3A_2475, %broadcast_in_dim3A_2636] : memref<256x32xf32, #tpu.memory_space<vmem>>[vector<16xi32>, vector<16xi32>], vector<16xf32>,
      %gather3A_2638 = tpu.vector_load_idx %arg10[%add3A_2482, %broadcast_in_dim3A_2636] : memref<256x32xf32, #tpu.memory_space<vmem>>[vector<16xi32>, vector<16xi32>], vector<16xf32>,
      %mul3A_2639 = arith.mulf %gather3A_2637, %gather3A_2638 : vector<16xf32>
      %add3A_2640 = arith.addf %add3A_2634, %mul3A_2639 : vector<16xf32>
      %broadcast_in_dim3A_2641 = arith.constant 26 : i32
      %broadcast_in_dim3A_2642 = vector.broadcast %broadcast_in_dim3A_2641 : i32 to vector<16xi32>
      %gather3A_2643 = tpu.vector_load_idx %arg9[%add3A_2475, %broadcast_in_dim3A_2642] : memref<256x32xf32, #tpu.memory_space<vmem>>[vector<16xi32>, vector<16xi32>], vector<16xf32>,
      %gather3A_2644 = tpu.vector_load_idx %arg10[%add3A_2482, %broadcast_in_dim3A_2642] : memref<256x32xf32, #tpu.memory_space<vmem>>[vector<16xi32>, vector<16xi32>], vector<16xf32>,
      %mul3A_2645 = arith.mulf %gather3A_2643, %gather3A_2644 : vector<16xf32>
      %add3A_2646 = arith.addf %add3A_2640, %mul3A_2645 : vector<16xf32>
      %broadcast_in_dim3A_2647 = arith.constant 27 : i32
      %broadcast_in_dim3A_2648 = vector.broadcast %broadcast_in_dim3A_2647 : i32 to vector<16xi32>
      %gather3A_2649 = tpu.vector_load_idx %arg9[%add3A_2475, %broadcast_in_dim3A_2648] : memref<256x32xf32, #tpu.memory_space<vmem>>[vector<16xi32>, vector<16xi32>], vector<16xf32>,
      %gather3A_2650 = tpu.vector_load_idx %arg10[%add3A_2482, %broadcast_in_dim3A_2648] : memref<256x32xf32, #tpu.memory_space<vmem>>[vector<16xi32>, vector<16xi32>], vector<16xf32>,
      %mul3A_2651 = arith.mulf %gather3A_2649, %gather3A_2650 : vector<16xf32>
      %add3A_2652 = arith.addf %add3A_2646, %mul3A_2651 : vector<16xf32>
      %broadcast_in_dim3A_2653 = arith.constant 28 : i32
      %broadcast_in_dim3A_2654 = vector.broadcast %broadcast_in_dim3A_2653 : i32 to vector<16xi32>
      %gather3A_2655 = tpu.vector_load_idx %arg9[%add3A_2475, %broadcast_in_dim3A_2654] : memref<256x32xf32, #tpu.memory_space<vmem>>[vector<16xi32>, vector<16xi32>], vector<16xf32>,
      %gather3A_2656 = tpu.vector_load_idx %arg10[%add3A_2482, %broadcast_in_dim3A_2654] : memref<256x32xf32, #tpu.memory_space<vmem>>[vector<16xi32>, vector<16xi32>], vector<16xf32>,
      %mul3A_2657 = arith.mulf %gather3A_2655, %gather3A_2656 : vector<16xf32>
      %add3A_2658 = arith.addf %add3A_2652, %mul3A_2657 : vector<16xf32>
      %broadcast_in_dim3A_2659 = arith.constant 29 : i32
      %broadcast_in_dim3A_2660 = vector.broadcast %broadcast_in_dim3A_2659 : i32 to vector<16xi32>
      %gather3A_2661 = tpu.vector_load_idx %arg9[%add3A_2475, %broadcast_in_dim3A_2660] : memref<256x32xf32, #tpu.memory_space<vmem>>[vector<16xi32>, vector<16xi32>], vector<16xf32>,
      %gather3A_2662 = tpu.vector_load_idx %arg10[%add3A_2482, %broadcast_in_dim3A_2660] : memref<256x32xf32, #tpu.memory_space<vmem>>[vector<16xi32>, vector<16xi32>], vector<16xf32>,
      %mul3A_2663 = arith.mulf %gather3A_2661, %gather3A_2662 : vector<16xf32>
      %add3A_2664 = arith.addf %add3A_2658, %mul3A_2663 : vector<16xf32>
      %broadcast_in_dim3A_2665 = arith.constant 30 : i32
      %broadcast_in_dim3A_2666 = vector.broadcast %broadcast_in_dim3A_2665 : i32 to vector<16xi32>
      %gather3A_2667 = tpu.vector_load_idx %arg9[%add3A_2475, %broadcast_in_dim3A_2666] : memref<256x32xf32, #tpu.memory_space<vmem>>[vector<16xi32>, vector<16xi32>], vector<16xf32>,
      %gather3A_2668 = tpu.vector_load_idx %arg10[%add3A_2482, %broadcast_in_dim3A_2666] : memref<256x32xf32, #tpu.memory_space<vmem>>[vector<16xi32>, vector<16xi32>], vector<16xf32>,
      %mul3A_2669 = arith.mulf %gather3A_2667, %gather3A_2668 : vector<16xf32>
      %add3A_2670 = arith.addf %add3A_2664, %mul3A_2669 : vector<16xf32>
      %broadcast_in_dim3A_2671 = arith.constant 31 : i32
      %broadcast_in_dim3A_2672 = vector.broadcast %broadcast_in_dim3A_2671 : i32 to vector<16xi32>
      %gather3A_2673 = tpu.vector_load_idx %arg9[%add3A_2475, %broadcast_in_dim3A_2672] : memref<256x32xf32, #tpu.memory_space<vmem>>[vector<16xi32>, vector<16xi32>], vector<16xf32>,
      %gather3A_2674 = tpu.vector_load_idx %arg10[%add3A_2482, %broadcast_in_dim3A_2672] : memref<256x32xf32, #tpu.memory_space<vmem>>[vector<16xi32>, vector<16xi32>], vector<16xf32>,
      %mul3A_2675 = arith.mulf %gather3A_2673, %gather3A_2674 : vector<16xf32>
      %add3A_2676 = arith.addf %add3A_2670, %mul3A_2675 : vector<16xf32>
      %add3A_2677 = arith.constant 16 : i32
      %add3A_2678 = arith.addi %mul3A_13, %add3A_2677 : i32
      %swap3A_2679 = arith.index_cast %add3A_2678 : i32 to index
      %swap3A_2680 = tpu.vector_load %arg11[%swap3A_2679] {strides = array<i32>} : memref<512xf32, #tpu.memory_space<vmem>>, vector<16xf32>,
      tpu.vector_store %arg11[%swap3A_2679], %add3A_2676 {strides = array<i32>} : memref<512xf32, #tpu.memory_space<vmem>>, vector<16xf32>,
    }
    %scan3A_8 = arith.constant 16 : i32
    %mul3A_9 = arith.constant 512 : i32
    %mul3A_10 = arith.muli %add3A, %mul3A_9 : i32
    "tpu.region"() ({
      %run_scoped3A = tpu.sem_alloc : memref<!tpu.dma_semaphore, #tpu.memory_space<semaphore_mem>>
      %dma_start3A = tpu.memref_slice %arg6[%mul3A_10] : memref<16384xf32, #tpu.memory_space<hbm>> -> memref<512xf32, #tpu.memory_space<hbm>>
      %dma_start3A_11 = tpu.memref_slice %arg6[%mul3A_10] : memref<16384xf32, #tpu.memory_space<hbm>> -> memref<512xf32, #tpu.memory_space<hbm>>
      tpu.enqueue_dma source(%arg11 : memref<512xf32, #tpu.memory_space<vmem>>) target(%dma_start3A_11 : memref<512xf32, #tpu.memory_space<hbm>>) target_semaphore(%run_scoped3A : memref<!tpu.dma_semaphore, #tpu.memory_space<semaphore_mem>>)
      %dma_wait3A = tpu.memref_slice %arg6[%mul3A_10] : memref<16384xf32, #tpu.memory_space<hbm>> -> memref<512xf32, #tpu.memory_space<hbm>>
      %dma_wait3A_12 = tpu.memref_slice %arg6[%mul3A_10] : memref<16384xf32, #tpu.memory_space<hbm>> -> memref<512xf32, #tpu.memory_space<hbm>>
      tpu.wait_dma2 semaphore(%run_scoped3A : memref<!tpu.dma_semaphore, #tpu.memory_space<semaphore_mem>>) src(%arg11 : memref<512xf32, #tpu.memory_space<vmem>>) dst(%dma_wait3A_12 : memref<512xf32, #tpu.memory_space<hbm>>)
      tpu.yield
    }) : () -> ()
    return
  }
}

</mosaic_0001>

<sc_bundles>
// kernel: _pmf.3.cloned.1.call-start
scs
__scs_entry_jumppad:
0x0: {  	(pc) =	sbr.rel $0x88, $3  }
0x1: {  	(tag) =	ssettag $0x0;
	lr =	simm.s32 $0x1  }
0x2: {  	[smem:$0x3F9D] =	sst lr;
	_ =	strace $0xD0000000  }
0x3: {  	_ = 	snop  }
0x4: {  	_ = 	snop  }
0x5: {  	_ = 	snop  }
0x6: {  	_ = 	snop  }
0x7: {  	_ = 	snop  }
__scs_overlays_trampoline_lowered:
0x8: {  	[smem:$0x3FAC] =	sst s0  }
0x9: {  	[smem:$0x3FAD] =	sst s1  }
0xa: {  	[smem:$0x3FAE] =	sst s2  }
0xb: {  	[smem:$0x3FAF] =	sst s3  }
0xc: {  	[smem:$0x3FB0] =	sst s4  }
0xd: {  	[smem:$0x3FB1] =	sst s5  }
0xe: {  	[smem:$0x3FB2] =	sst s6  }
0xf: {  	[smem:$0x3FB3] =	sst s7  }
0x10: {  	[smem:$0x3FB4] =	sst s8  }
0x11: {  	[smem:$0x3FB5] =	sst s9;
	s0 =	simm.s32 @!p0 $0x0  }
0x12: {  	s1 =	sld [smem:$0x3F9B];
	s0 =	simm.s32 @p0 $0x1  }
0x13: {  	[smem:$0x3FB6] =	sst s0;
	s0 =	simm.s32 @!p1 $0x0  }
0x14: {  	s2 =	sld [smem:$0x3F9A];
	s0 =	simm.s32 @p1 $0x1  }
0x15: {  	[smem:$0x3FB7] =	sst s0;
	s0 =	simm.s32 @!p2 $0x0  }
0x16: {  	s3 =	sld [smem:$0x3FDB];
	s0 =	simm.s32 @p2 $0x1  }
0x17: {  	s4 =	simm.s32 $0x1BF5;
	[smem:$0x3FB9] =	sst s0  }
0x18: {  	s0 =	sld [smem:$0x3F9C];
	_ =	swait.ge [sflag:s4], $0x0  }
0x19: {  	s7 =	sld [smem:$0x3F9D]  }
0x1a: {  	s8 =	sadd.s32 $0xFFFFE003, lr  }
0x1b: {  	s9 =	sadd.s32 $0xFFFFFEF7, lr;
	s5 =	simm.s32 $0xFFFFFFFF;
	p2 =	slt.u32 s8, $0xFFFFF086  }
0x1c: {  	p1 =	slt.u32 s9, $0xF7A;
	s5 =	simm.s32 @!p2 $0x0  }
0x1d: {  	s5 =	simm.s32 @p1 $0x1;
	p0 =	seq.s32 s7, s2  }
0x1e: {  	s7 =	smul.u32 @!p0 $0xF7A, s2;
	p2 =	seq.s32 @!p0 s5, $0x0  }
0x1f: {  	s9 =	smul.u32 $0xF7A, s1;
	s8 =	simm.s32 @!p0 $0x1BF5;
	p2 =	por !p2, p0  }
0x20: {  	[sflag:s8] =	ssyncset.s32 @!p0 $0xFFFFF086;
	s6 =	sadd.s32 @!p0 s3, s7;
	s7 =	simm.s32 @!p0 $0x108  }
0x21: {  	s3 =	sadd.s32 s3, s9;
	s6 =	sadd.s32 @!p0 $0x88, s6;
	s7 =	simm.s32 @p2 $0x1082  }
0x22: {  	[simem:s7], [sflag:s8] =	dma.local @!p0 [hbm:s6], $0xF7A  }
0x23: {  	s9 =	sor.u32 $0xD0000000, s2;
	s6 =	simm.s32 $0x108;
	_ =	swait.ge @!p0 [sflag:s8], $0x0  }
0x24: {  	s3 =	sadd.s32 $0x88, s3;
	s6 =	simm.s32 @!p1 $0x1082;
	[sflag:s4] =	ssyncset.s32 $0xFFFFF086  }
0x25: {  	[simem:s6], [sflag:s4] =	dma.local [hbm:s3], $0xF7A  }
0x26: {  	[smem:$0x3F9D] =	sst s1;
	(tag) =	ssettag s2;
	_ =	strace s9  }
0x27: {  	s1 =	sld [smem:$0x3FAD]  }
0x28: {  	s2 =	sld [smem:$0x3FAE]  }
0x29: {  	s4 =	sld [smem:$0x3FB0]  }
0x2a: {  	p0 =	seq.s32 s5, $0x0;
	s5 =	sld [smem:$0x3FB1]  }
0x2b: {  	s6 =	sld [smem:$0x3FB2]  }
0x2c: {  	s7 =	sld [smem:$0x3FB3]  }
0x2d: {  	s3 =	simm.s32 $0x108;
	s8 =	sld [smem:$0x3FB4]  }
0x2e: {  	s3 =	simm.s32 @!p0 $0x1082;
	s9 =	sld [smem:$0x3FB5]  }
0x2f: {  	lr =	sadd.s32 s0, s3;
	s0 =	sld [smem:$0x3FAC]  }
0x30: {  	s3 =	sld [smem:$0x3FAF]  }
0x31: {  	[smem:$0x3FB8] =	sst s10  }
0x32: {  	s10 =	sld [smem:$0x3FB6];
	_ =	sdelay $0x3  }
0x33: {  	p0 =	seq.s32 s10, $0x1;
	s10 =	sld [smem:$0x3FB8];
	_ =	sdelay $0x3  }
0x34: {  	[smem:$0x3FB8] =	sst s10  }
0x35: {  	s10 =	sld [smem:$0x3FB7];
	_ =	sdelay $0x3  }
0x36: {  	p1 =	seq.s32 s10, $0x1;
	s10 =	sld [smem:$0x3FB8];
	_ =	sdelay $0x3  }
0x37: {  	[smem:$0x3FB8] =	sst s10  }
0x38: {  	s10 =	sld [smem:$0x3FB9]  }
0x39: {  	_ = 	snop;
	(pc) =	sbr.ind lr, $3  }
0x3a: {  	_ = 	snop  }
0x3b: {  	_ = 	snop  }
0x3c: {  	p2 =	seq.s32 s10, $0x1;
	s10 =	sld [smem:$0x3FB8]  }
0x3d: {  	_ =	shalt  }
0x3e: {  	_ =	shalt  }
0x3f: {  	_ =	shalt  }
0x40: {  	_ =	shalt  }
0x41: {  	_ =	shalt  }
0x42: {  	_ =	shalt  }
0x43: {  	_ =	shalt  }
0x44: {  	_ =	shalt  }
0x45: {  	_ =	shalt  }
0x46: {  	_ =	shalt  }
0x47: {  	_ =	shalt  }
0x48: {  	_ =	shalt  }
0x49: {  	_ =	shalt  }
0x4a: {  	_ =	shalt  }
0x4b: {  	_ =	shalt  }
0x4c: {  	_ =	shalt  }
0x4d: {  	_ =	shalt  }
0x4e: {  	_ =	shalt  }
0x4f: {  	_ =	shalt  }
0x50: {  	_ =	shalt  }
0x51: {  	_ =	shalt  }
0x52: {  	_ =	shalt  }
0x53: {  	_ =	shalt  }
0x54: {  	_ =	shalt  }
0x55: {  	_ =	shalt  }
0x56: {  	_ =	shalt  }
0x57: {  	_ =	shalt  }
0x58: {  	_ =	shalt  }
0x59: {  	_ =	shalt  }
0x5a: {  	_ =	shalt  }
0x5b: {  	_ =	shalt  }
0x5c: {  	_ =	shalt  }
0x5d: {  	_ =	shalt  }
0x5e: {  	_ =	shalt  }
0x5f: {  	_ =	shalt  }
0x60: {  	_ =	shalt  }
0x61: {  	_ =	shalt  }
0x62: {  	_ =	shalt  }
0x63: {  	_ =	shalt  }
0x64: {  	_ =	shalt  }
0x65: {  	_ =	shalt  }
0x66: {  	_ =	shalt  }
0x67: {  	_ =	shalt  }
0x68: {  	_ =	shalt  }
0x69: {  	_ =	shalt  }
0x6a: {  	_ =	shalt  }
0x6b: {  	_ =	shalt  }
0x6c: {  	_ =	shalt  }
0x6d: {  	_ =	shalt  }
0x6e: {  	_ =	shalt  }
0x6f: {  	_ =	shalt  }
0x70: {  	_ =	shalt  }
0x71: {  	_ =	shalt  }
0x72: {  	_ =	shalt  }
0x73: {  	_ =	shalt  }
0x74: {  	_ =	shalt  }
0x75: {  	_ =	shalt  }
0x76: {  	_ =	shalt  }
0x77: {  	_ =	shalt  }
0x78: {  	_ =	shalt  }
0x79: {  	_ =	shalt  }
0x7a: {  	_ =	shalt  }
0x7b: {  	_ =	shalt  }
0x7c: {  	_ =	shalt  }
0x7d: {  	_ =	shalt  }
0x7e: {  	_ =	shalt  }
0x7f: {  	_ =	shalt  }
0x80: {  	_ =	shalt  }
0x81: {  	_ =	shalt  }
0x82: {  	_ =	shalt  }
0x83: {  	_ =	shalt  }
0x84: {  	_ =	shalt  }
0x85: {  	_ =	shalt  }
0x86: {  	_ =	shalt  }
0x87: {  	_ =	shalt  }
.Lfunc_end0:
.L_simem_size_0:
called_computation_lowered:
.L_overlay_start_0:
0x88: {  	s2 =	sld [smem:$0x3FD9]  }
0x89: {  	s3 =	sld [smem:$0x3FFE];
	_ =	sdelay $0x1  }
0x8a: {  	s1 =	srdreg.scid  }
0x8b: {  	s0 =	sand.u32 $0x1, s1  }
0x8c: {  	s17 =	sshll.u32 s0, $0xA;
	s2 =	sadd.s32 s3, s2  }
0x8d: {  	s2 =	sadd.s32 s2, s17  }
0x8e: {  	[smem:$0x3FC4] =	sst s2  }
0x8f: {  	_ = 	snop  }
0x90: {  	s2 =	sld [smem:$0x3FC9]  }
0x91: {  	s18 =	sld [smem:$0x3FC8]  }
0x92: {  	s4 =	sld [smem:$0x3FD0];
	(tm) =	ssettm $0x1  }
0x93: {  	s5 =	sld [smem:$0x3FFB];
	_ =	sdelay $0x3  }
0x94: {  	_ =	strace s5  }
0x95: {  	s5 =	sld [smem:$0x3FFC];
	_ =	sdelay $0x3  }
0x96: {  	_ =	strace s5  }
0x97: {  	s5 =	sld [smem:$0x3FFD];
	_ =	sdelay $0x3  }
0x98: {  	_ =	strace s5  }
0x99: {  	_ =	strace $0x8FFFFFFF  }
0x9a: {  	s19 =	sld [smem:$0x3FDB];
	_ =	sdelay $0x1  }
0x9b: {  	s6 =	simm.s32 $_scs_section_size  }
0x9c: {  	s7 =	simm.s32 $_size__tile_overlayer_lowered;
	s8 =	simm.s32 $_tile_overlayer_lowered  }
0x9d: {  	s22 =	simm.s32 $0x1BFF;
	s21 =	sshll.u32 s8, $0x1;
	s5 =	sadd.s32 s6, s19  }
0x9e: {  	s9 =	simm.s32 $0x0;
	s20 =	sshll.u32 s7, $0x1;
	s7 =	sadd.s32 s21, s5  }
0x9f: {  	[timem:s9], [sflag:s22] =	dma.local [hbm:s7], s20  }
0xa0: {  	_ =	swait.ge [sflag:s22], s20  }
0xa1: {  	s6 =	ssub.s32 $0x0, s20;
	[sflag:s22] =	ssyncset.done $0x0  }
0xa2: {  	[sflag:s22] =	ssyncadd.s32 s6;
	_ =	sdelay $0x1  }
0xa3: {  	s23 =	simm.s32 $0x1B8B  }
0xa4: {  	_ =	swait.ge [sflag:s23], $0x1  }
0xa5: {  	[sflag:s23] =	ssyncset.done $0x0  }
0xa6: {  	s25 =	simm.s32 $0x1B8E;
	s24 =	sld [smem:$0x3FFE];
	[sflag:s23] =	ssyncadd.s32 $0xFFFFFFFF  }
0xa7: {  	s26 =	simm.s32 $execute0_lowered;
	[smem:$0x3FD2] =	sst s25  }
0xa8: {  	s7 =	sshll.u32 s26, $0x1;
	_ =	strace $0x80000046;
	[dreg:$0x1] =	wrdreg $0xFFFFFFFF  }
0xa9: {  	s28 =	simm.s32 $_size_execute0_lowered;
	s5 =	sadd.s32 s5, s7;
	[dreg:$0x0] =	wrdreg $0x0  }
0xaa: {  	s7 =	sshll.u32 s28, $0x1;
	[dreg:$0x2] =	wrdreg s5  }
0xab: {  	[dreg:$0x3] =	wrdreg s7  }
0xac: {  	[dreg:$0x4] =	wrdreg $0xC0  }
0xad: {  	_ =	task [dreg:s9], $0x5FFFF  }
0xae: {  	[dreg:$0x1] =	wrdreg $0xFFFFFFFF  }
0xaf: {  	[dreg:$0x0] =	wrdreg $0x60  }
0xb0: {  	[dreg:$0x2] =	wrdreg s2  }
0xb1: {  	[dreg:$0x3] =	wrdreg s18  }
0xb2: {  	[dreg:$0x4] =	wrdreg s24  }
0xb3: {  	[dreg:$0x5] =	wrdreg s4  }
0xb4: {  	[dreg:$0x6] =	wrdreg $0x9  }
0xb5: {  	_ =	task.clear_ibuf [dreg:s9], $0x7FFFF;
	_ =	strace $0x90000046  }
0xb6: {  	s29 =	simm.s32 $0x9;
	_ =	strace $0x80000048  }
0xb7: {  	_ =	swait.ge [sflag:s29], $0x1  }
0xb8: {  	[sflag:s29] =	ssyncadd.s32 $0xFFFFFFFF  }
0xb9: {  	_ =	strace $0x90000048  }
0xba: {  	_ =	sfence  }
0xbb: {  	s30 =	sld [smem:$0x0];
	_ =	sdelay $0x2  }
0xbc: {  	s31 =	sshll.u32 s1, $0xD;
	s1 =	sshrl.u32 s1, $0x2  }
0xbd: {  	s3 =	sand.u32 $0x4000, s31;
	s1 =	sadd.s32 s1, s30  }
0xbe: {  	s0 =	sor.u32 s3, s0;
	s1 =	sshll.u32 s1, $0x11  }
0xbf: {  	s0 =	sor.u32 s1, s0  }
0xc0: {  	s0 =	sadd.s32 $0x8F2B, s0  }
0xc1: {  	[sflag:s0] =	ssyncadd.remote.s32 $0x1  }
0xc2: {  	_ =	sfence.sel $0xFFFF  }
0xc3: {  	[dreg:$0x0] =	wrdreg $0xFFFFFFFF;
	(pc) =	sbr.abs _section_cstart, $3  }
0xc4: {  	[dreg:$0x1] =	wrdreg $0xFFFFFFFF  }
0xc5: {  	_ =	task.clear_ibuf [dreg:s9], $0x2FFFF;
	_ =	strace $0x9FFFFFFF  }
0xc6: {  	(tm) =	ssettm $0x7FFFFFFF  }
0xc7: {  	_ =	shalt  }
tec
execute0_lowered:
.L_overlay_start_1:
0x0: {  	(tag) =	ssettag $0x1  }
0x1: {  	s5 =	rddreg [dreg:$0x0]  }
0x2: {  	s6 =	rddreg [dreg:$0x1]  }
0x3: {  	s3 =	rddreg [dreg:$0x2]  }
0x4: {  	s7 =	rddreg [dreg:$0x3]  }
0x5: {  	s0 =	rddreg [dreg:$0x4];
	s1 =	simm.s32 $0x0  }
0x6: {  	s2 =	simm.s32 $0x800;
	[smem:$0x7FF] =	sst s1  }
0x7: {  	s20 =	simm.s32 $0x8800;
	_ =	strace $0x80000047;
	[dreg:$0x5] =	wrdreg s2  }
0x8: {  	s21 =	simm.s32 $0xC00;
	[dreg:$0x6] =	wrdreg s20  }
0x9: {  	s22 =	simm.s32 $0x8C00;
	[dreg:$0x7] =	wrdreg s21  }
0xa: {  	s23 =	simm.s32 $0x1000;
	[dreg:$0x8] =	wrdreg s22  }
0xb: {  	s24 =	simm.s32 $0x9000;
	[dreg:$0x9] =	wrdreg s23  }
0xc: {  	s25 =	simm.s32 $0x1400;
	[dreg:$0xa] =	wrdreg s24  }
0xd: {  	s26 =	simm.s32 $0x9400;
	[dreg:$0xb] =	wrdreg s25  }
0xe: {  	s28 =	simm.s32 $0x1800;
	[dreg:$0xc] =	wrdreg s26  }
0xf: {  	s29 =	simm.s32 $0x9800;
	[dreg:$0xd] =	wrdreg s28  }
0x10: {  	s30 =	simm.s32 $0x1C00;
	[dreg:$0xe] =	wrdreg s29  }
0x11: {  	s31 =	simm.s32 $0x9C00;
	[dreg:$0xf] =	wrdreg s30  }
0x12: {  	s4 =	simm.s32 $0x2000;
	[dreg:$0x10] =	wrdreg s31  }
0x13: {  	s8 =	simm.s32 $0xA000;
	[dreg:$0x11] =	wrdreg s4  }
0x14: {  	s9 =	simm.s32 $0x2400;
	[dreg:$0x12] =	wrdreg s8  }
0x15: {  	s10 =	simm.s32 $0xA400;
	[dreg:$0x13] =	wrdreg s9  }
0x16: {  	s11 =	simm.s32 $0x2800;
	[dreg:$0x14] =	wrdreg s10  }
0x17: {  	s12 =	simm.s32 $0xA800;
	[dreg:$0x15] =	wrdreg s11  }
0x18: {  	s13 =	simm.s32 $0x2C00;
	[dreg:$0x16] =	wrdreg s12  }
0x19: {  	s14 =	simm.s32 $0xAC00;
	[dreg:$0x17] =	wrdreg s13  }
0x1a: {  	s15 =	simm.s32 $0x3000;
	[dreg:$0x18] =	wrdreg s14  }
0x1b: {  	s16 =	simm.s32 $0xB000;
	[dreg:$0x19] =	wrdreg s15  }
0x1c: {  	s17 =	simm.s32 $0x3400;
	[dreg:$0x1a] =	wrdreg s16  }
0x1d: {  	s18 =	simm.s32 $0xB400;
	[dreg:$0x1b] =	wrdreg s17  }
0x1e: {  	s19 =	simm.s32 $0x3800;
	[dreg:$0x1c] =	wrdreg s18  }
0x1f: {  	[dreg:$0x1d] =	wrdreg s19;
	s20 =	simm.s32 $0xB800  }
0x20: {  	s21 =	simm.s32 $0x3C00;
	[dreg:$0x1e] =	wrdreg s20  }
0x21: {  	s22 =	simm.s32 $0xBC00;
	[dreg:$0x1f] =	wrdreg s21  }
0x22: {  	s23 =	simm.s32 $0x4000;
	[smem:$0x7DB] =	sst s22  }
0x23: {  	s24 =	simm.s32 $0xC000;
	[smem:$0x7DC] =	sst s23  }
0x24: {  	s25 =	simm.s32 $0x4400;
	[smem:$0x7DD] =	sst s24  }
0x25: {  	s26 =	simm.s32 $0xC400;
	[smem:$0x7DE] =	sst s25  }
0x26: {  	s28 =	simm.s32 $0x4800;
	[smem:$0x7DF] =	sst s26  }
0x27: {  	s29 =	simm.s32 $0xC800;
	[smem:$0x7E0] =	sst s28  }
0x28: {  	s30 =	simm.s32 $0x4C00;
	[smem:$0x7E1] =	sst s29  }
0x29: {  	s31 =	simm.s32 $0xCC00;
	[smem:$0x7E2] =	sst s30  }
0x2a: {  	s4 =	simm.s32 $0x5000;
	[smem:$0x7E3] =	sst s31  }
0x2b: {  	s8 =	simm.s32 $0xD000;
	[smem:$0x7E4] =	sst s4  }
0x2c: {  	s9 =	simm.s32 $0xD400;
	[smem:$0x7E5] =	sst s8  }
0x2d: {  	s10 =	simm.s32 $0x5800;
	[smem:$0x7E7] =	sst s9  }
0x2e: {  	s11 =	simm.s32 $0x5C00;
	[smem:$0x7E8] =	sst s10  }
0x2f: {  	s12 =	simm.s32 $0xDC00;
	[smem:$0x7EA] =	sst s11  }
0x30: {  	s13 =	simm.s32 $0x6000;
	[smem:$0x7EB] =	sst s12  }
0x31: {  	s14 =	simm.s32 $0xE000;
	[smem:$0x7EC] =	sst s13  }
0x32: {  	s15 =	simm.s32 $0x6400;
	[smem:$0x7ED] =	sst s14  }
0x33: {  	s17 =	simm.s32 $0xE400;
	[smem:$0x7EE] =	sst s15  }
0x34: {  	s18 =	simm.s32 $0x6800;
	[smem:$0x7EF] =	sst s17  }
0x35: {  	s4 =	simm.s32 $0x5400;
	[smem:$0x7F0] =	sst s18  }
0x36: {  	s9 =	simm.s32 $0xD800;
	[smem:$0x7E6] =	sst s4  }
0x37: {  	s20 =	simm.s32 $0xE800;
	[smem:$0x7E9] =	sst s9  }
0x38: {  	s21 =	simm.s32 $0x6C00;
	[smem:$0x7F1] =	sst s20  }
0x39: {  	s22 =	simm.s32 $0xEC00;
	[smem:$0x7F2] =	sst s21  }
0x3a: {  	s23 =	simm.s32 $0x7000;
	[smem:$0x7F3] =	sst s22  }
0x3b: {  	s24 =	simm.s32 $0xF000;
	[smem:$0x7F4] =	sst s23  }
0x3c: {  	s2 =	sadd.s32 $0x400, s3;
	s25 =	simm.s32 $0x7400;
	[smem:$0x7F5] =	sst s24  }
0x3d: {  	s3 =	sadd.s32 $0xF42800, s3;
	s26 =	simm.s32 $0xF400;
	[smem:$0x7F6] =	sst s25  }
0x3e: {  	s8 =	srdreg.scid;
	s28 =	simm.s32 $0x7800;
	[smem:$0x7F7] =	sst s26  }
0x3f: {  	s29 =	simm.s32 $0xF800;
	s30 =	simm.s32 $0x7C00;
	[smem:$0x7F8] =	sst s28  }
0x40: {  	s31 =	simm.s32 $0xFC00;
	s13 =	simm.s32 $0x8000;
	[smem:$0x7F9] =	sst s29  }
0x41: {  	s14 =	simm.s32 $0x10000;
	s15 =	simm.s32 $0x2;
	[smem:$0x7FA] =	sst s30  }
0x42: {  	s17 =	simm.s32 $0x0;
	s4 =	stileid.u32;
	[smem:$0x7FB] =	sst s31  }
0x43: {  	s8 =	sand.u32 $0x1, s8;
	s9 =	simm.s32 $0x80;
	[smem:$0x7FC] =	sst s13  }
0x44: {  	vm0 =	vmmov $0x1;
	s13 =	simm.s32 $0x8400;
	[smem:$0x7FD] =	sst s14;
	s14 =	simm.s32 $0x1  }
0x45: {  	vm1 =	vcmask $0x308;
	vm2 =	vcmask $0x70C;
	vm3 =	vcmask $0xB10;
	s10 =	ssub.s32 $0x2, s8;
	s16 =	sshll.u32 s4, $0x1;
	s19 =	sshll.u32 s4, $0x7  }
0x46: {  	vm4 =	vcmask $0xF14;
	vm5 =	vcmask $0x1318;
	vm6 =	vcmask $0x171C;
	s11 =	sshrl.u32 s10, $0x1;
	s8 =	sor.u32 s8, s16;
	s16 =	simm.s32 $0x10400  }
0x47: {  	vm7 =	vcmask $0x1B20;
	vm8 =	vcmask $0x1F24;
	v0 =	vlaneseq.u32;
	s10 =	ssub.s32 s10, s11;
	s12 =	sshll.u32 s8, $0x4;
	s8 =	sshll.u32 s8, $0x6  }
0x48: {  	vm9 =	vcmask $0x2328;
	vm10 =	vcmask $0x272C;
	v0 =	vmul.u32 $0x400, v0;
	s11 =	sor.u32 s19, s12;
	s7 =	sadd.s32 s7, s8;
	s8 =	smax.u32 s10, $0x1  }
0x49: {  	vm11 =	vcmask $0x2B30;
	vm12 =	vcmask $0x2F34;
	vm13 =	vcmask $0x3338;
	s10 =	simm.s32 $0x400;
	s12 =	simm.s32 $0x200;
	s11 =	sand.u32 $0x670, s11  }
0x4a: {  	vm14 =	vcmask $0x373C;
	vm15 =	vmmov $0x7fff;
	v1 =	vor.u32 $0x4000, v0;
	s5 =	sadd.s32 s5, s11;
	s6 =	sadd.s32 s6, s11;
	s11 =	simm.s32 $0x3  }
.LBB2_1:
0x4b: {  	[tilespmem:s1], [sflag:$0x3] =	stream.strided.gather [hbm4b:s5+s9], $0x200, s10, s9, $0x38;
	[tilespmem:$0x10600] =	vst v63  }
0x4c: {  	_ =	swait.ge [sflag:s11], $0x200  }
0x4d: {  	[sflag:s11] =	ssyncset.done $0x0  }
0x4e: {  	[sflag:s11] =	ssyncadd.s32 $0xFFFFFE00  }
0x4f: {  	[tilespmem:s12], [sflag:$0x3] =	stream.strided.gather [hbm4b:s6+s9], $0x200, s10, s9, $0x38;
	[tilespmem:$0x10600] =	vst v63  }
0x50: {  	_ =	swait.ge [sflag:s11], $0x200  }
0x51: {  	[sflag:s11] =	ssyncset.done $0x0  }
0x52: {  	s18 =	simm.s32 $0x0;
	[sflag:s11] =	ssyncadd.s32 $0xFFFFFE00  }
.LBB2_2:
0x53: {  	s19 =	sshra.s32 s18, $0x2  }
0x54: {  	v3 =	vld [tilespmem:s19+$0x0];
	_ =	sdelay $0x2  }
0x55: {  	v2 =	vld [tilespmem:s19+$0x200];
	_ =	sdelay $0x1  }
0x56: {  	v4 =	vnsel vm0, $0x0, v3  }
0x57: {  	(xrf0) =	vadd.scan.msk.s32 $0xffff, v4;
	_ =	sdelay $0x1  }
0x58: {  	v40 =	vnsel vm0, $0x0, v2  }
0x59: {  	(xrf0) =	vadd.scan.msk.s32 $0xffff, v40;
	_ =	sdelay $0x2  }
0x5a: {  	v42 =	vsel vm1, $0x0, v3;
	v41, _, _ =	vpop (xrf0)  }
0x5b: {  	(xrf0) =	vadd.scan.msk.s32 $0xffff, v42;
	(v2sf) =	vpush v41, $0xF;
	_ =	sdelay $0x1  }
0x5c: {  	v43, _, _ =	vpop (xrf0)  }
0x5d: {  	(v2sf) =	vpush v43, $0xF;
	_ =	sdelay $0x2  }
0x5e: {  	v45, _, _ =	vpop (xrf0)  }
0x5f: {  	v44 =	vsel vm1, $0x0, v2;
	(v2sf) =	vpush v45, $0xF  }
0x60: {  	(xrf0) =	vadd.scan.msk.s32 $0xffff, v44;
	_ =	sdelay $0x1  }
0x61: {  	v46 =	vsel vm2, $0x0, v3  }
0x62: {  	(xrf0) =	vadd.scan.msk.s32 $0xffff, v46;
	_ =	sdelay $0x2  }
0x63: {  	v48 =	vsel vm2, $0x0, v2;
	v47, _, _ =	vpop (xrf0)  }
0x64: {  	(xrf0) =	vadd.scan.msk.s32 $0xffff, v48;
	s20 =	spop (v2sf);
	(v2sf) =	vpush v47, $0xF;
	_ =	sdelay $0x1  }
0x65: {  	v49, _, _ =	vpop (xrf0)  }
0x66: {  	s28 =	spop (v2sf);
	(v2sf) =	vpush v49, $0xF;
	_ =	sdelay $0x2  }
0x67: {  	v51, _, _ =	vpop (xrf0);
	s20 =	sshll.u32 s20, $0x4  }
0x68: {  	v50 =	vsel vm3, $0x0, v3;
	s20 =	sand.u32 $0xFFFFF80, s20;
	s29 =	spop (v2sf);
	(v2sf) =	vpush v51, $0xF  }
0x69: {  	(xrf0) =	vadd.scan.msk.s32 $0xffff, v50;
	s20 =	sadd.s32 s2, s20  }
0x6a: {  	[tilespmem:s10], [sflag:$0x1] =	stream.linear.gather [hbm4b:s20+s1], $0x400, $0x38;
	[tilespmem:$0x10600] =	vst v63  }
0x6b: {  	v52 =	vsel vm3, $0x0, v2;
	s20 =	sshll.u32 s28, $0x4  }
0x6c: {  	(xrf0) =	vadd.scan.msk.s32 $0xffff, v52;
	s20 =	sand.u32 $0xFFFFF80, s20  }
0x6d: {  	s20 =	sadd.s32 s3, s20  }
0x6e: {  	[tilespmem:s13], [sflag:$0x2] =	stream.linear.gather [hbm4b:s20+s1], $0x400, $0x38;
	[tilespmem:$0x10600] =	vst v63  }
0x6f: {  	v54 =	vsel vm4, $0x0, v3;
	v53, _, _ =	vpop (xrf0);
	s20 =	sshll.u32 s29, $0x4  }
0x70: {  	(xrf0) =	vadd.scan.msk.s32 $0xffff, v54;
	s20 =	sand.u32 $0xFFFFF80, s20;
	s30 =	spop (v2sf);
	(v2sf) =	vpush v53, $0xF  }
0x71: {  	s21 =	rddreg [dreg:$0x5];
	s20 =	sadd.s32 s2, s20  }
0x72: {  	v55, _, _ =	vpop (xrf0);
	[tilespmem:s21], [sflag:$0x1] =	stream.linear.gather [hbm4b:s20+s1], $0x400, $0x38;
	[tilespmem:$0x10600] =	vst v63  }
0x73: {  	s21 =	spop (v2sf);
	(v2sf) =	vpush v55, $0xF;
	_ =	sdelay $0x2  }
0x74: {  	v57, _, _ =	vpop (xrf0)  }
0x75: {  	v56 =	vsel vm4, $0x0, v2;
	s23 =	spop (v2sf);
	(v2sf) =	vpush v57, $0xF  }
0x76: {  	(xrf0) =	vadd.scan.msk.s32 $0xffff, v56;
	_ =	sdelay $0x1  }
0x77: {  	v58 =	vsel vm5, $0x0, v3  }
0x78: {  	(xrf0) =	vadd.scan.msk.s32 $0xffff, v58;
	_ =	sdelay $0x2  }
0x79: {  	v60 =	vsel vm5, $0x0, v2;
	v59, _, _ =	vpop (xrf0)  }
0x7a: {  	(xrf0) =	vadd.scan.msk.s32 $0xffff, v60;
	s25 =	spop (v2sf);
	(v2sf) =	vpush v59, $0xF;
	_ =	sdelay $0x1  }
0x7b: {  	v61, _, _ =	vpop (xrf0);
	s20 =	sshll.u32 s30, $0x4  }
0x7c: {  	s20 =	sand.u32 $0xFFFFF80, s20;
	s28 =	spop (v2sf);
	(v2sf) =	vpush v61, $0xF  }
0x7d: {  	s31 =	rddreg [dreg:$0x6];
	s20 =	sadd.s32 s3, s20  }
0x7e: {  	[tilespmem:s31], [sflag:$0x2] =	stream.linear.gather [hbm4b:s20+s1], $0x400, $0x38;
	[tilespmem:$0x10600] =	vst v63  }
0x7f: {  	v63, _, _ =	vpop (xrf0);
	s20 =	sshll.u32 s21, $0x4  }
0x80: {  	v62 =	vsel vm6, $0x0, v3;
	s20 =	sand.u32 $0xFFFFF80, s20;
	s30 =	spop (v2sf);
	(v2sf) =	vpush v63, $0xF  }
0x81: {  	s22 =	rddreg [dreg:$0x7];
	(xrf0) =	vadd.scan.msk.s32 $0xffff, v62;
	s20 =	sadd.s32 s2, s20  }
0x82: {  	[tilespmem:s22], [sflag:$0x1] =	stream.linear.gather [hbm4b:s20+s1], $0x400, $0x38;
	[tilespmem:$0x10600] =	vst v63  }
0x83: {  	v8 =	vsel vm6, $0x0, v2;
	s20 =	sshll.u32 s23, $0x4  }
0x84: {  	(xrf0) =	vadd.scan.msk.s32 $0xffff, v8;
	s20 =	sand.u32 $0xFFFFF80, s20  }
0x85: {  	s24 =	rddreg [dreg:$0x8];
	s20 =	sadd.s32 s3, s20  }
0x86: {  	[tilespmem:s24], [sflag:$0x2] =	stream.linear.gather [hbm4b:s20+s1], $0x400, $0x38;
	[tilespmem:$0x10600] =	vst v63  }
0x87: {  	v10 =	vsel vm7, $0x0, v3;
	v9, _, _ =	vpop (xrf0);
	s20 =	sshll.u32 s25, $0x4  }
0x88: {  	(xrf0) =	vadd.scan.msk.s32 $0xffff, v10;
	s20 =	sand.u32 $0xFFFFF80, s20;
	s21 =	spop (v2sf);
	(v2sf) =	vpush v9, $0xF  }
0x89: {  	s26 =	rddreg [dreg:$0x9];
	s20 =	sadd.s32 s2, s20  }
0x8a: {  	v11, _, _ =	vpop (xrf0);
	[tilespmem:s26], [sflag:$0x1] =	stream.linear.gather [hbm4b:s20+s1], $0x400, $0x38;
	[tilespmem:$0x10600] =	vst v63  }
0x8b: {  	s20 =	sshll.u32 s28, $0x4;
	s23 =	spop (v2sf);
	(v2sf) =	vpush v11, $0xF  }
0x8c: {  	s20 =	sand.u32 $0xFFFFF80, s20  }
0x8d: {  	s29 =	rddreg [dreg:$0xa];
	s20 =	sadd.s32 s3, s20  }
0x8e: {  	v13, _, _ =	vpop (xrf0);
	[tilespmem:s29], [sflag:$0x2] =	stream.linear.gather [hbm4b:s20+s1], $0x400, $0x38;
	[tilespmem:$0x10600] =	vst v63  }
0x8f: {  	v12 =	vsel vm7, $0x0, v2;
	s20 =	sshll.u32 s30, $0x4;
	s25 =	spop (v2sf);
	(v2sf) =	vpush v13, $0xF  }
0x90: {  	(xrf0) =	vadd.scan.msk.s32 $0xffff, v12;
	s20 =	sand.u32 $0xFFFFF80, s20  }
0x91: {  	s31 =	rddreg [dreg:$0xb];
	s20 =	sadd.s32 s2, s20  }
0x92: {  	v14 =	vsel vm8, $0x0, v3;
	[tilespmem:s31], [sflag:$0x1] =	stream.linear.gather [hbm4b:s20+s1], $0x400, $0x38;
	[tilespmem:$0x10600] =	vst v63  }
0x93: {  	(xrf0) =	vadd.scan.msk.s32 $0xffff, v14;
	s20 =	sshll.u32 s21, $0x4  }
0x94: {  	s20 =	sand.u32 $0xFFFFF80, s20  }
0x95: {  	s22 =	rddreg [dreg:$0xc];
	s20 =	sadd.s32 s3, s20  }
0x96: {  	v16 =	vsel vm8, $0x0, v2;
	v15, _, _ =	vpop (xrf0);
	[tilespmem:s22], [sflag:$0x2] =	stream.linear.gather [hbm4b:s20+s1], $0x400, $0x38;
	[tilespmem:$0x10600] =	vst v63  }
0x97: {  	(xrf0) =	vadd.scan.msk.s32 $0xffff, v16;
	s28 =	spop (v2sf);
	(v2sf) =	vpush v15, $0xF  }
0x98: {  	s20 =	sshll.u32 s23, $0x4  }
0x99: {  	v17, _, _ =	vpop (xrf0);
	s20 =	sand.u32 $0xFFFFF80, s20  }
0x9a: {  	s24 =	rddreg [dreg:$0xd];
	s20 =	sadd.s32 s2, s20;
	s30 =	spop (v2sf);
	(v2sf) =	vpush v17, $0xF  }
0x9b: {  	[tilespmem:s24], [sflag:$0x1] =	stream.linear.gather [hbm4b:s20+s1], $0x400, $0x38;
	[tilespmem:$0x10600] =	vst v63  }
0x9c: {  	s20 =	sshll.u32 s25, $0x4  }
0x9d: {  	v18 =	vsel vm9, $0x0, v3;
	v19, _, _ =	vpop (xrf0);
	s20 =	sand.u32 $0xFFFFF80, s20  }
0x9e: {  	(xrf0) =	vadd.scan.msk.s32 $0xffff, v18;
	s26 =	rddreg [dreg:$0xe];
	s20 =	sadd.s32 s3, s20;
	s21 =	spop (v2sf);
	(v2sf) =	vpush v19, $0xF  }
0x9f: {  	[tilespmem:s26], [sflag:$0x2] =	stream.linear.gather [hbm4b:s20+s1], $0x400, $0x38;
	[tilespmem:$0x10600] =	vst v63  }
0xa0: {  	s20 =	sshll.u32 s28, $0x4  }
0xa1: {  	v20 =	vsel vm9, $0x0, v2;
	s20 =	sand.u32 $0xFFFFF80, s20  }
0xa2: {  	(xrf0) =	vadd.scan.msk.s32 $0xffff, v20;
	s29 =	rddreg [dreg:$0xf];
	s20 =	sadd.s32 s2, s20  }
0xa3: {  	[tilespmem:s29], [sflag:$0x1] =	stream.linear.gather [hbm4b:s20+s1], $0x400, $0x38;
	[tilespmem:$0x10600] =	vst v63  }
0xa4: {  	s20 =	sshll.u32 s30, $0x4  }
0xa5: {  	v22 =	vsel vm10, $0x0, v3;
	v21, _, _ =	vpop (xrf0);
	s20 =	sand.u32 $0xFFFFF80, s20  }
0xa6: {  	(xrf0) =	vadd.scan.msk.s32 $0xffff, v22;
	s31 =	rddreg [dreg:$0x10];
	s20 =	sadd.s32 s3, s20;
	s23 =	spop (v2sf);
	(v2sf) =	vpush v21, $0xF  }
0xa7: {  	[tilespmem:s31], [sflag:$0x2] =	stream.linear.gather [hbm4b:s20+s1], $0x400, $0x38;
	[tilespmem:$0x10600] =	vst v63  }
0xa8: {  	v23, _, _ =	vpop (xrf0);
	s20 =	sshll.u32 s21, $0x4  }
0xa9: {  	s20 =	sand.u32 $0xFFFFF80, s20;
	s25 =	spop (v2sf);
	(v2sf) =	vpush v23, $0xF  }
0xaa: {  	s22 =	rddreg [dreg:$0x11];
	s20 =	sadd.s32 s2, s20  }
0xab: {  	[tilespmem:s22], [sflag:$0x1] =	stream.linear.gather [hbm4b:s20+s1], $0x400, $0x38;
	[tilespmem:$0x10600] =	vst v63  }
0xac: {  	v25, _, _ =	vpop (xrf0);
	s20 =	sshll.u32 s23, $0x4  }
0xad: {  	v24 =	vsel vm10, $0x0, v2;
	s20 =	sand.u32 $0xFFFFF80, s20;
	s28 =	spop (v2sf);
	(v2sf) =	vpush v25, $0xF  }
0xae: {  	(xrf0) =	vadd.scan.msk.s32 $0xffff, v24;
	s24 =	rddreg [dreg:$0x12];
	s20 =	sadd.s32 s3, s20  }
0xaf: {  	[tilespmem:s24], [sflag:$0x2] =	stream.linear.gather [hbm4b:s20+s1], $0x400, $0x38;
	[tilespmem:$0x10600] =	vst v63  }
0xb0: {  	v26 =	vsel vm11, $0x0, v3;
	s20 =	sshll.u32 s25, $0x4  }
0xb1: {  	(xrf0) =	vadd.scan.msk.s32 $0xffff, v26;
	s20 =	sand.u32 $0xFFFFF80, s20  }
0xb2: {  	s26 =	rddreg [dreg:$0x13];
	s20 =	sadd.s32 s2, s20  }
0xb3: {  	[tilespmem:s26], [sflag:$0x1] =	stream.linear.gather [hbm4b:s20+s1], $0x400, $0x38;
	[tilespmem:$0x10600] =	vst v63  }
0xb4: {  	v28 =	vsel vm11, $0x0, v2;
	v27, _, _ =	vpop (xrf0);
	s20 =	sshll.u32 s28, $0x4  }
0xb5: {  	(xrf0) =	vadd.scan.msk.s32 $0xffff, v28;
	s20 =	sand.u32 $0xFFFFF80, s20;
	s30 =	spop (v2sf);
	(v2sf) =	vpush v27, $0xF  }
0xb6: {  	s29 =	rddreg [dreg:$0x14];
	s20 =	sadd.s32 s3, s20  }
0xb7: {  	v29, _, _ =	vpop (xrf0);
	[tilespmem:s29], [sflag:$0x2] =	stream.linear.gather [hbm4b:s20+s1], $0x400, $0x38;
	[tilespmem:$0x10600] =	vst v63  }
0xb8: {  	s20 =	sshll.u32 s30, $0x4;
	s21 =	spop (v2sf);
	(v2sf) =	vpush v29, $0xF  }
0xb9: {  	s20 =	sand.u32 $0xFFFFF80, s20  }
0xba: {  	s31 =	rddreg [dreg:$0x15];
	s20 =	sadd.s32 s2, s20  }
0xbb: {  	v30, _, _ =	vpop (xrf0);
	[tilespmem:s31], [sflag:$0x1] =	stream.linear.gather [hbm4b:s20+s1], $0x400, $0x38;
	[tilespmem:$0x10600] =	vst v63  }
0xbc: {  	s20 =	sshll.u32 s21, $0x4;
	s23 =	spop (v2sf);
	(v2sf) =	vpush v30, $0xF  }
0xbd: {  	s20 =	sand.u32 $0xFFFFF80, s20  }
0xbe: {  	s22 =	rddreg [dreg:$0x16];
	s20 =	sadd.s32 s3, s20  }
0xbf: {  	[tilespmem:s22], [sflag:$0x2] =	stream.linear.gather [hbm4b:s20+s1], $0x400, $0x38;
	[tilespmem:$0x10600] =	vst v63  }
0xc0: {  	s20 =	sshll.u32 s23, $0x4  }
0xc1: {  	s20 =	sand.u32 $0xFFFFF80, s20  }
0xc2: {  	s24 =	rddreg [dreg:$0x17];
	s20 =	sadd.s32 s2, s20  }
0xc3: {  	[tilespmem:s24], [sflag:$0x1] =	stream.linear.gather [hbm4b:s20+s1], $0x400, $0x38;
	[tilespmem:$0x10600] =	vst v63  }
0xc4: {  	s25 =	spop (v2sf)  }
0xc5: {  	s20 =	sshll.u32 s25, $0x4  }
0xc6: {  	s20 =	sand.u32 $0xFFFFF80, s20  }
0xc7: {  	s26 =	rddreg [dreg:$0x18];
	s28 =	spop (v2sf);
	s20 =	sadd.s32 s3, s20  }
0xc8: {  	[tilespmem:s26], [sflag:$0x2] =	stream.linear.gather [hbm4b:s20+s1], $0x400, $0x38;
	[tilespmem:$0x10600] =	vst v63  }
0xc9: {  	s20 =	sshll.u32 s28, $0x4  }
0xca: {  	s20 =	sand.u32 $0xFFFFF80, s20  }
0xcb: {  	s29 =	rddreg [dreg:$0x19];
	s20 =	sadd.s32 s2, s20;
	s30 =	spop (v2sf)  }
0xcc: {  	[tilespmem:s29], [sflag:$0x1] =	stream.linear.gather [hbm4b:s20+s1], $0x400, $0x38;
	[tilespmem:$0x10600] =	vst v63  }
0xcd: {  	s20 =	sshll.u32 s30, $0x4  }
0xce: {  	s20 =	sand.u32 $0xFFFFF80, s20  }
0xcf: {  	s31 =	rddreg [dreg:$0x1a];
	s20 =	sadd.s32 s3, s20  }
0xd0: {  	v31 =	vsel vm12, $0x0, v3;
	[tilespmem:s31], [sflag:$0x2] =	stream.linear.gather [hbm4b:s20+s1], $0x400, $0x38;
	[tilespmem:$0x10600] =	vst v63  }
0xd1: {  	(xrf0) =	vadd.scan.msk.s32 $0xffff, v31;
	_ =	sdelay $0x1  }
0xd2: {  	v32 =	vsel vm12, $0x0, v2  }
0xd3: {  	(xrf0) =	vadd.scan.msk.s32 $0xffff, v32;
	_ =	sdelay $0x2  }
0xd4: {  	v33, _, _ =	vpop (xrf0)  }
0xd5: {  	(v2sf) =	vpush v33, $0xF  }
0xd6: {  	v34 =	vsel vm13, $0x0, v3  }
0xd7: {  	(xrf0) =	vadd.scan.msk.s32 $0xffff, v34;
	v35, _, _ =	vpop (xrf0)  }
0xd8: {  	(v2sf) =	vpush v35, $0xF;
	_ =	sdelay $0x3  }
0xd9: {  	v36 =	vsel vm13, $0x0, v2  }
0xda: {  	(xrf0) =	vadd.scan.msk.s32 $0xffff, v36;
	v37, _, _ =	vpop (xrf0)  }
0xdb: {  	(v2sf) =	vpush v37, $0xF  }
0xdc: {  	v38 =	vsel vm14, $0x0, v3  }
0xdd: {  	(xrf0) =	vadd.scan.msk.s32 $0xffff, v38;
	_ =	sdelay $0x2  }
0xde: {  	v39, _, _ =	vpop (xrf0)  }
0xdf: {  	s21 =	spop (v2sf);
	(v2sf) =	vpush v39, $0xF  }
0xe0: {  	v40 =	vsel vm14, $0x0, v2  }
0xe1: {  	(xrf0) =	vadd.scan.msk.s32 $0xffff, v40;
	v41, _, _ =	vpop (xrf0)  }
0xe2: {  	s23 =	spop (v2sf);
	(v2sf) =	vpush v41, $0xF;
	_ =	sdelay $0x1  }
0xe3: {  	s20 =	sshll.u32 s21, $0x4  }
0xe4: {  	v42 =	vsel vm15, $0x0, v3;
	s20 =	sand.u32 $0xFFFFF80, s20  }
0xe5: {  	s22 =	rddreg [dreg:$0x1b];
	(xrf0) =	vadd.scan.msk.s32 $0xffff, v42;
	s20 =	sadd.s32 s2, s20  }
0xe6: {  	v43, _, _ =	vpop (xrf0);
	[tilespmem:s22], [sflag:$0x1] =	stream.linear.gather [hbm4b:s20+s1], $0x400, $0x38;
	[tilespmem:$0x10600] =	vst v63  }
0xe7: {  	s25 =	spop (v2sf);
	(v2sf) =	vpush v43, $0xF  }
0xe8: {  	v44 =	vsel vm15, $0x0, v2;
	s20 =	sshll.u32 s23, $0x4  }
0xe9: {  	(xrf0) =	vadd.scan.msk.s32 $0xffff, v44;
	s20 =	sand.u32 $0xFFFFF80, s20  }
0xea: {  	s24 =	rddreg [dreg:$0x1c];
	s20 =	sadd.s32 s3, s20  }
0xeb: {  	[tilespmem:s24], [sflag:$0x2] =	stream.linear.gather [hbm4b:s20+s1], $0x400, $0x38;
	[tilespmem:$0x10600] =	vst v63  }
0xec: {  	v45, _, _ =	vpop (xrf0);
	s20 =	sshll.u32 s25, $0x4  }
0xed: {  	s20 =	sand.u32 $0xFFFFF80, s20;
	s28 =	spop (v2sf);
	(v2sf) =	vpush v45, $0xF  }
0xee: {  	s26 =	rddreg [dreg:$0x1d];
	s20 =	sadd.s32 s2, s20  }
0xef: {  	v46, _, _ =	vpop (xrf0);
	[tilespmem:s26], [sflag:$0x1] =	stream.linear.gather [hbm4b:s20+s1], $0x400, $0x38;
	[tilespmem:$0x10600] =	vst v63  }
0xf0: {  	s20 =	sshll.u32 s28, $0x4;
	s30 =	spop (v2sf);
	(v2sf) =	vpush v46, $0xF  }
0xf1: {  	s20 =	sand.u32 $0xFFFFF80, s20  }
0xf2: {  	s29 =	rddreg [dreg:$0x1e];
	s20 =	sadd.s32 s3, s20  }
0xf3: {  	[tilespmem:s29], [sflag:$0x2] =	stream.linear.gather [hbm4b:s20+s1], $0x400, $0x38;
	[tilespmem:$0x10600] =	vst v63  }
0xf4: {  	s20 =	sshll.u32 s30, $0x4  }
0xf5: {  	s20 =	sand.u32 $0xFFFFF80, s20  }
0xf6: {  	s31 =	rddreg [dreg:$0x1f];
	s20 =	sadd.s32 s2, s20;
	s21 =	spop (v2sf)  }
0xf7: {  	[tilespmem:s31], [sflag:$0x1] =	stream.linear.gather [hbm4b:s20+s1], $0x400, $0x38;
	[tilespmem:$0x10600] =	vst v63  }
0xf8: {  	s22 =	sld [smem:$0x7DB];
	s20 =	sshll.u32 s21, $0x4  }
0xf9: {  	s20 =	sand.u32 $0xFFFFF80, s20  }
0xfa: {  	s20 =	sadd.s32 s3, s20  }
0xfb: {  	[tilespmem:s22], [sflag:$0x2] =	stream.linear.gather [hbm4b:s20+s1], $0x400, $0x38;
	[tilespmem:$0x10600] =	vst v63  }
0xfc: {  	s23 =	spop (v2sf)  }
0xfd: {  	s24 =	sld [smem:$0x7DC];
	s20 =	sshll.u32 s23, $0x4  }
0xfe: {  	s20 =	sand.u32 $0xFFFFF80, s20  }
0xff: {  	s25 =	spop (v2sf);
	s20 =	sadd.s32 s2, s20  }
0x100: {  	[tilespmem:s24], [sflag:$0x1] =	stream.linear.gather [hbm4b:s20+s1], $0x400, $0x38;
	[tilespmem:$0x10600] =	vst v63  }
0x101: {  	s26 =	sld [smem:$0x7DD];
	s20 =	sshll.u32 s25, $0x4  }
0x102: {  	s20 =	sand.u32 $0xFFFFF80, s20  }
0x103: {  	s20 =	sadd.s32 s3, s20  }
0x104: {  	[tilespmem:s26], [sflag:$0x2] =	stream.linear.gather [hbm4b:s20+s1], $0x400, $0x38;
	[tilespmem:$0x10600] =	vst v63  }
0x105: {  	v5 =	vld [tilespmem:s19+$0x10];
	_ =	sdelay $0x2  }
0x106: {  	v4 =	vld [tilespmem:s19+$0x210];
	_ =	sdelay $0x1  }
0x107: {  	v6 =	vnsel vm0, $0x0, v5  }
0x108: {  	(xrf0) =	vadd.scan.msk.s32 $0xffff, v6;
	_ =	sdelay $0x1  }
0x109: {  	v47 =	vnsel vm0, $0x0, v4  }
0x10a: {  	(xrf0) =	vadd.scan.msk.s32 $0xffff, v47;
	_ =	sdelay $0x2  }
0x10b: {  	v48, _, _ =	vpop (xrf0)  }
0x10c: {  	(v2sf) =	vpush v48, $0xF  }
0x10d: {  	v49 =	vsel vm1, $0x0, v5  }
0x10e: {  	(xrf0) =	vadd.scan.msk.s32 $0xffff, v49;
	v50, _, _ =	vpop (xrf0)  }
0x10f: {  	(v2sf) =	vpush v50, $0xF;
	_ =	sdelay $0x3  }
0x110: {  	v51 =	vsel vm1, $0x0, v4  }
0x111: {  	(xrf0) =	vadd.scan.msk.s32 $0xffff, v51;
	v52, _, _ =	vpop (xrf0)  }
0x112: {  	(v2sf) =	vpush v52, $0xF  }
0x113: {  	v53 =	vsel vm2, $0x0, v5  }
0x114: {  	(xrf0) =	vadd.scan.msk.s32 $0xffff, v53;
	_ =	sdelay $0x2  }
0x115: {  	v54, _, _ =	vpop (xrf0)  }
0x116: {  	s28 =	spop (v2sf);
	(v2sf) =	vpush v54, $0xF  }
0x117: {  	v55 =	vsel vm2, $0x0, v4  }
0x118: {  	(xrf0) =	vadd.scan.msk.s32 $0xffff, v55;
	v56, _, _ =	vpop (xrf0)  }
0x119: {  	s30 =	spop (v2sf);
	(v2sf) =	vpush v56, $0xF;
	_ =	sdelay $0x3  }
0x11a: {  	v57 =	vsel vm3, $0x0, v5  }
0x11b: {  	(xrf0) =	vadd.scan.msk.s32 $0xffff, v57;
	v58, _, _ =	vpop (xrf0)  }
0x11c: {  	s21 =	spop (v2sf);
	(v2sf) =	vpush v58, $0xF  }
0x11d: {  	v59 =	vsel vm3, $0x0, v4  }
0x11e: {  	(xrf0) =	vadd.scan.msk.s32 $0xffff, v59;
	_ =	sdelay $0x2  }
0x11f: {  	v60, _, _ =	vpop (xrf0)  }
0x120: {  	s23 =	spop (v2sf);
	(v2sf) =	vpush v60, $0xF  }
0x121: {  	v61 =	vsel vm4, $0x0, v5  }
0x122: {  	(xrf0) =	vadd.scan.msk.s32 $0xffff, v61;
	v62, _, _ =	vpop (xrf0)  }
0x123: {  	s25 =	spop (v2sf);
	(v2sf) =	vpush v62, $0xF;
	_ =	sdelay $0x3  }
0x124: {  	s29 =	sld [smem:$0x7DE];
	v63 =	vsel vm4, $0x0, v4;
	s20 =	sshll.u32 s28, $0x4  }
0x125: {  	s20 =	sand.u32 $0xFFFFF80, s20;
	(xrf0) =	vadd.scan.msk.s32 $0xffff, v63;
	v9, _, _ =	vpop (xrf0)  }
0x126: {  	s20 =	sadd.s32 s2, s20;
	s28 =	spop (v2sf);
	(v2sf) =	vpush v9, $0xF  }
0x127: {  	v10 =	vsel vm5, $0x0, v5;
	[tilespmem:s29], [sflag:$0x1] =	stream.linear.gather [hbm4b:s20+s1], $0x400, $0x38;
	[tilespmem:$0x10600] =	vst v63  }
0x128: {  	s31 =	sld [smem:$0x7DF];
	s20 =	sshll.u32 s30, $0x4;
	(xrf0) =	vadd.scan.msk.s32 $0xffff, v10  }
0x129: {  	s20 =	sand.u32 $0xFFFFF80, s20  }
0x12a: {  	s20 =	sadd.s32 s3, s20  }
0x12b: {  	[tilespmem:s31], [sflag:$0x2] =	stream.linear.gather [hbm4b:s20+s1], $0x400, $0x38;
	v11, _, _ =	vpop (xrf0);
	[tilespmem:$0x10600] =	vst v63  }
0x12c: {  	s30 =	spop (v2sf);
	(v2sf) =	vpush v11, $0xF  }
0x12d: {  	s22 =	sld [smem:$0x7E0];
	v12 =	vsel vm5, $0x0, v4;
	s20 =	sshll.u32 s21, $0x4  }
0x12e: {  	s20 =	sand.u32 $0xFFFFF80, s20;
	(xrf0) =	vadd.scan.msk.s32 $0xffff, v12;
	v13, _, _ =	vpop (xrf0)  }
0x12f: {  	s20 =	sadd.s32 s2, s20;
	s21 =	spop (v2sf);
	(v2sf) =	vpush v13, $0xF  }
0x130: {  	[tilespmem:s22], [sflag:$0x1] =	stream.linear.gather [hbm4b:s20+s1], $0x400, $0x38;
	[tilespmem:$0x10600] =	vst v63  }
0x131: {  	s24 =	sld [smem:$0x7E1];
	s20 =	sshll.u32 s23, $0x4  }
0x132: {  	v14 =	vsel vm6, $0x0, v5;
	s20 =	sand.u32 $0xFFFFF80, s20  }
0x133: {  	(xrf0) =	vadd.scan.msk.s32 $0xffff, v14;
	s20 =	sadd.s32 s3, s20  }
0x134: {  	v15, _, _ =	vpop (xrf0);
	[tilespmem:s24], [sflag:$0x2] =	stream.linear.gather [hbm4b:s20+s1], $0x400, $0x38;
	[tilespmem:$0x10600] =	vst v63  }
0x135: {  	s23 =	spop (v2sf);
	(v2sf) =	vpush v15, $0xF  }
0x136: {  	s26 =	sld [smem:$0x7E2];
	v16 =	vsel vm6, $0x0, v4;
	s20 =	sshll.u32 s25, $0x4  }
0x137: {  	(xrf0) =	vadd.scan.msk.s32 $0xffff, v16;
	s20 =	sand.u32 $0xFFFFF80, s20  }
0x138: {  	s20 =	sadd.s32 s2, s20  }
0x139: {  	[tilespmem:s26], [sflag:$0x1] =	stream.linear.gather [hbm4b:s20+s1], $0x400, $0x38;
	[tilespmem:$0x10600] =	vst v63  }
0x13a: {  	s29 =	sld [smem:$0x7E3];
	v17, _, _ =	vpop (xrf0);
	s20 =	sshll.u32 s28, $0x4  }
0x13b: {  	v18 =	vsel vm7, $0x0, v5;
	s20 =	sand.u32 $0xFFFFF80, s20;
	s25 =	spop (v2sf);
	(v2sf) =	vpush v17, $0xF  }
0x13c: {  	(xrf0) =	vadd.scan.msk.s32 $0xffff, v18;
	s20 =	sadd.s32 s3, s20  }
0x13d: {  	v19, _, _ =	vpop (xrf0);
	[tilespmem:s29], [sflag:$0x2] =	stream.linear.gather [hbm4b:s20+s1], $0x400, $0x38;
	[tilespmem:$0x10600] =	vst v63  }
0x13e: {  	s31 =	sld [smem:$0x7E4];
	s20 =	sshll.u32 s30, $0x4;
	s28 =	spop (v2sf);
	(v2sf) =	vpush v19, $0xF  }
0x13f: {  	s20 =	sand.u32 $0xFFFFF80, s20  }
0x140: {  	s20 =	sadd.s32 s2, s20  }
0x141: {  	[tilespmem:s31], [sflag:$0x1] =	stream.linear.gather [hbm4b:s20+s1], $0x400, $0x38;
	[tilespmem:$0x10600] =	vst v63  }
0x142: {  	v20 =	vsel vm7, $0x0, v4;
	s22 =	sld [smem:$0x7E5];
	s20 =	sshll.u32 s21, $0x4  }
0x143: {  	(xrf0) =	vadd.scan.msk.s32 $0xffff, v20;
	v21, _, _ =	vpop (xrf0);
	s20 =	sand.u32 $0xFFFFF80, s20  }
0x144: {  	s20 =	sadd.s32 s3, s20;
	s30 =	spop (v2sf);
	(v2sf) =	vpush v21, $0xF  }
0x145: {  	v22 =	vsel vm8, $0x0, v5;
	[tilespmem:s22], [sflag:$0x2] =	stream.linear.gather [hbm4b:s20+s1], $0x400, $0x38;
	[tilespmem:$0x10600] =	vst v63  }
0x146: {  	s24 =	sld [smem:$0x7E6];
	(xrf0) =	vadd.scan.msk.s32 $0xffff, v22;
	s20 =	sshll.u32 s23, $0x4  }
0x147: {  	s20 =	sand.u32 $0xFFFFF80, s20  }
0x148: {  	s20 =	sadd.s32 s2, s20  }
0x149: {  	v23, _, _ =	vpop (xrf0);
	[tilespmem:s24], [sflag:$0x1] =	stream.linear.gather [hbm4b:s20+s1], $0x400, $0x38;
	[tilespmem:$0x10600] =	vst v63  }
0x14a: {  	s21 =	spop (v2sf);
	(v2sf) =	vpush v23, $0xF  }
0x14b: {  	v24 =	vsel vm8, $0x0, v4;
	s26 =	sld [smem:$0x7E7];
	s20 =	sshll.u32 s25, $0x4  }
0x14c: {  	(xrf0) =	vadd.scan.msk.s32 $0xffff, v24;
	v25, _, _ =	vpop (xrf0);
	s20 =	sand.u32 $0xFFFFF80, s20  }
0x14d: {  	s20 =	sadd.s32 s3, s20;
	s23 =	spop (v2sf);
	(v2sf) =	vpush v25, $0xF  }
0x14e: {  	[tilespmem:s26], [sflag:$0x2] =	stream.linear.gather [hbm4b:s20+s1], $0x400, $0x38;
	[tilespmem:$0x10600] =	vst v63  }
0x14f: {  	s29 =	sld [smem:$0x7E8];
	s20 =	sshll.u32 s28, $0x4  }
0x150: {  	v26 =	vsel vm9, $0x0, v5;
	s20 =	sand.u32 $0xFFFFF80, s20  }
0x151: {  	(xrf0) =	vadd.scan.msk.s32 $0xffff, v26;
	s20 =	sadd.s32 s2, s20  }
0x152: {  	v27, _, _ =	vpop (xrf0);
	[tilespmem:s29], [sflag:$0x1] =	stream.linear.gather [hbm4b:s20+s1], $0x400, $0x38;
	[tilespmem:$0x10600] =	vst v63  }
0x153: {  	s25 =	spop (v2sf);
	(v2sf) =	vpush v27, $0xF  }
0x154: {  	v28 =	vsel vm9, $0x0, v4;
	s31 =	sld [smem:$0x7E9];
	s20 =	sshll.u32 s30, $0x4  }
0x155: {  	(xrf0) =	vadd.scan.msk.s32 $0xffff, v28;
	s20 =	sand.u32 $0xFFFFF80, s20  }
0x156: {  	s20 =	sadd.s32 s3, s20  }
0x157: {  	[tilespmem:s31], [sflag:$0x2] =	stream.linear.gather [hbm4b:s20+s1], $0x400, $0x38;
	[tilespmem:$0x10600] =	vst v63  }
0x158: {  	s22 =	sld [smem:$0x7EA];
	v29, _, _ =	vpop (xrf0);
	s20 =	sshll.u32 s21, $0x4  }
0x159: {  	v30 =	vsel vm10, $0x0, v5;
	s20 =	sand.u32 $0xFFFFF80, s20;
	s28 =	spop (v2sf);
	(v2sf) =	vpush v29, $0xF  }
0x15a: {  	(xrf0) =	vadd.scan.msk.s32 $0xffff, v30;
	s20 =	sadd.s32 s2, s20  }
0x15b: {  	v31, _, _ =	vpop (xrf0);
	[tilespmem:s22], [sflag:$0x1] =	stream.linear.gather [hbm4b:s20+s1], $0x400, $0x38;
	[tilespmem:$0x10600] =	vst v63  }
0x15c: {  	s24 =	sld [smem:$0x7EB];
	s20 =	sshll.u32 s23, $0x4;
	s30 =	spop (v2sf);
	(v2sf) =	vpush v31, $0xF  }
0x15d: {  	s20 =	sand.u32 $0xFFFFF80, s20  }
0x15e: {  	s20 =	sadd.s32 s3, s20  }
0x15f: {  	[tilespmem:s24], [sflag:$0x2] =	stream.linear.gather [hbm4b:s20+s1], $0x400, $0x38;
	[tilespmem:$0x10600] =	vst v63  }
0x160: {  	v32 =	vsel vm10, $0x0, v4;
	s26 =	sld [smem:$0x7EC];
	s20 =	sshll.u32 s25, $0x4  }
0x161: {  	(xrf0) =	vadd.scan.msk.s32 $0xffff, v32;
	v33, _, _ =	vpop (xrf0);
	s20 =	sand.u32 $0xFFFFF80, s20  }
0x162: {  	s20 =	sadd.s32 s2, s20;
	s21 =	spop (v2sf);
	(v2sf) =	vpush v33, $0xF  }
0x163: {  	v34 =	vsel vm11, $0x0, v5;
	[tilespmem:s26], [sflag:$0x1] =	stream.linear.gather [hbm4b:s20+s1], $0x400, $0x38;
	[tilespmem:$0x10600] =	vst v63  }
0x164: {  	(xrf0) =	vadd.scan.msk.s32 $0xffff, v34;
	s29 =	sld [smem:$0x7ED];
	s20 =	sshll.u32 s28, $0x4  }
0x165: {  	s20 =	sand.u32 $0xFFFFF80, s20  }
0x166: {  	s20 =	sadd.s32 s3, s20  }
0x167: {  	v35, _, _ =	vpop (xrf0);
	[tilespmem:s29], [sflag:$0x2] =	stream.linear.gather [hbm4b:s20+s1], $0x400, $0x38;
	[tilespmem:$0x10600] =	vst v63  }
0x168: {  	s23 =	spop (v2sf);
	(v2sf) =	vpush v35, $0xF  }
0x169: {  	v36 =	vsel vm11, $0x0, v4;
	s31 =	sld [smem:$0x7EE];
	s20 =	sshll.u32 s30, $0x4  }
0x16a: {  	(xrf0) =	vadd.scan.msk.s32 $0xffff, v36;
	v37, _, _ =	vpop (xrf0);
	s20 =	sand.u32 $0xFFFFF80, s20  }
0x16b: {  	s20 =	sadd.s32 s2, s20;
	s25 =	spop (v2sf);
	(v2sf) =	vpush v37, $0xF  }
0x16c: {  	[tilespmem:s31], [sflag:$0x1] =	stream.linear.gather [hbm4b:s20+s1], $0x400, $0x38;
	[tilespmem:$0x10600] =	vst v63  }
0x16d: {  	s22 =	sld [smem:$0x7EF];
	s20 =	sshll.u32 s21, $0x4  }
0x16e: {  	v38 =	vsel vm12, $0x0, v5;
	s20 =	sand.u32 $0xFFFFF80, s20  }
0x16f: {  	(xrf0) =	vadd.scan.msk.s32 $0xffff, v38;
	s20 =	sadd.s32 s3, s20  }
0x170: {  	v39, _, _ =	vpop (xrf0);
	[tilespmem:s22], [sflag:$0x2] =	stream.linear.gather [hbm4b:s20+s1], $0x400, $0x38;
	[tilespmem:$0x10600] =	vst v63  }
0x171: {  	s28 =	spop (v2sf);
	(v2sf) =	vpush v39, $0xF  }
0x172: {  	v40 =	vsel vm12, $0x0, v4;
	s24 =	sld [smem:$0x7F0];
	s20 =	sshll.u32 s23, $0x4  }
0x173: {  	(xrf0) =	vadd.scan.msk.s32 $0xffff, v40;
	s20 =	sand.u32 $0xFFFFF80, s20  }
0x174: {  	s20 =	sadd.s32 s2, s20  }
0x175: {  	[tilespmem:s24], [sflag:$0x1] =	stream.linear.gather [hbm4b:s20+s1], $0x400, $0x38;
	[tilespmem:$0x10600] =	vst v63  }
0x176: {  	v41, _, _ =	vpop (xrf0);
	s26 =	sld [smem:$0x7F1];
	s20 =	sshll.u32 s25, $0x4  }
0x177: {  	v42 =	vsel vm13, $0x0, v5;
	s20 =	sand.u32 $0xFFFFF80, s20;
	s30 =	spop (v2sf);
	(v2sf) =	vpush v41, $0xF  }
0x178: {  	(xrf0) =	vadd.scan.msk.s32 $0xffff, v42;
	s20 =	sadd.s32 s3, s20  }
0x179: {  	v43, _, _ =	vpop (xrf0);
	[tilespmem:s26], [sflag:$0x2] =	stream.linear.gather [hbm4b:s20+s1], $0x400, $0x38;
	[tilespmem:$0x10600] =	vst v63  }
0x17a: {  	s29 =	sld [smem:$0x7F2];
	s20 =	sshll.u32 s28, $0x4;
	s21 =	spop (v2sf);
	(v2sf) =	vpush v43, $0xF  }
0x17b: {  	s20 =	sand.u32 $0xFFFFF80, s20  }
0x17c: {  	s20 =	sadd.s32 s2, s20  }
0x17d: {  	[tilespmem:s29], [sflag:$0x1] =	stream.linear.gather [hbm4b:s20+s1], $0x400, $0x38;
	[tilespmem:$0x10600] =	vst v63  }
0x17e: {  	v44 =	vsel vm13, $0x0, v4;
	s31 =	sld [smem:$0x7F3];
	s20 =	sshll.u32 s30, $0x4  }
0x17f: {  	(xrf0) =	vadd.scan.msk.s32 $0xffff, v44;
	v45, _, _ =	vpop (xrf0);
	s20 =	sand.u32 $0xFFFFF80, s20  }
0x180: {  	s20 =	sadd.s32 s3, s20;
	s23 =	spop (v2sf);
	(v2sf) =	vpush v45, $0xF  }
0x181: {  	v46 =	vsel vm14, $0x0, v5;
	[tilespmem:s31], [sflag:$0x2] =	stream.linear.gather [hbm4b:s20+s1], $0x400, $0x38;
	[tilespmem:$0x10600] =	vst v63  }
0x182: {  	(xrf0) =	vadd.scan.msk.s32 $0xffff, v46;
	s22 =	sld [smem:$0x7F4];
	s20 =	sshll.u32 s21, $0x4  }
0x183: {  	s20 =	sand.u32 $0xFFFFF80, s20  }
0x184: {  	s20 =	sadd.s32 s2, s20  }
0x185: {  	v47, _, _ =	vpop (xrf0);
	[tilespmem:s22], [sflag:$0x1] =	stream.linear.gather [hbm4b:s20+s1], $0x400, $0x38;
	[tilespmem:$0x10600] =	vst v63  }
0x186: {  	s25 =	spop (v2sf);
	(v2sf) =	vpush v47, $0xF  }
0x187: {  	v48 =	vsel vm14, $0x0, v4;
	s24 =	sld [smem:$0x7F5];
	s20 =	sshll.u32 s23, $0x4  }
0x188: {  	(xrf0) =	vadd.scan.msk.s32 $0xffff, v48;
	v49, _, _ =	vpop (xrf0);
	s20 =	sand.u32 $0xFFFFF80, s20  }
0x189: {  	s20 =	sadd.s32 s3, s20;
	s28 =	spop (v2sf);
	(v2sf) =	vpush v49, $0xF  }
0x18a: {  	[tilespmem:s24], [sflag:$0x2] =	stream.linear.gather [hbm4b:s20+s1], $0x400, $0x38;
	[tilespmem:$0x10600] =	vst v63  }
0x18b: {  	s26 =	sld [smem:$0x7F6];
	s20 =	sshll.u32 s25, $0x4  }
0x18c: {  	v50 =	vsel vm15, $0x0, v5;
	s20 =	sand.u32 $0xFFFFF80, s20  }
0x18d: {  	(xrf0) =	vadd.scan.msk.s32 $0xffff, v50;
	s20 =	sadd.s32 s2, s20  }
0x18e: {  	v51, _, _ =	vpop (xrf0);
	[tilespmem:s26], [sflag:$0x1] =	stream.linear.gather [hbm4b:s20+s1], $0x400, $0x38;
	[tilespmem:$0x10600] =	vst v63  }
0x18f: {  	s30 =	spop (v2sf);
	(v2sf) =	vpush v51, $0xF  }
0x190: {  	v52 =	vsel vm15, $0x0, v4;
	s29 =	sld [smem:$0x7F7];
	s20 =	sshll.u32 s28, $0x4  }
0x191: {  	(xrf0) =	vadd.scan.msk.s32 $0xffff, v52;
	s20 =	sand.u32 $0xFFFFF80, s20  }
0x192: {  	s20 =	sadd.s32 s3, s20  }
0x193: {  	[tilespmem:s29], [sflag:$0x2] =	stream.linear.gather [hbm4b:s20+s1], $0x400, $0x38;
	[tilespmem:$0x10600] =	vst v63  }
0x194: {  	v53, _, _ =	vpop (xrf0);
	s31 =	sld [smem:$0x7F8];
	s20 =	sshll.u32 s30, $0x4  }
0x195: {  	s20 =	sand.u32 $0xFFFFF80, s20;
	s21 =	spop (v2sf);
	(v2sf) =	vpush v53, $0xF  }
0x196: {  	s20 =	sadd.s32 s2, s20  }
0x197: {  	v54, _, _ =	vpop (xrf0);
	[tilespmem:s31], [sflag:$0x1] =	stream.linear.gather [hbm4b:s20+s1], $0x400, $0x38;
	[tilespmem:$0x10600] =	vst v63  }
0x198: {  	s22 =	sld [smem:$0x7F9];
	s20 =	sshll.u32 s21, $0x4;
	s23 =	spop (v2sf);
	(v2sf) =	vpush v54, $0xF  }
0x199: {  	s20 =	sand.u32 $0xFFFFF80, s20  }
0x19a: {  	s20 =	sadd.s32 s3, s20  }
0x19b: {  	[tilespmem:s22], [sflag:$0x2] =	stream.linear.gather [hbm4b:s20+s1], $0x400, $0x38;
	[tilespmem:$0x10600] =	vst v63  }
0x19c: {  	s24 =	sld [smem:$0x7FA];
	s20 =	sshll.u32 s23, $0x4  }
0x19d: {  	s20 =	sand.u32 $0xFFFFF80, s20  }
0x19e: {  	s20 =	sadd.s32 s2, s20;
	s25 =	spop (v2sf)  }
0x19f: {  	[tilespmem:s24], [sflag:$0x1] =	stream.linear.gather [hbm4b:s20+s1], $0x400, $0x38;
	[tilespmem:$0x10600] =	vst v63  }
0x1a0: {  	s26 =	sld [smem:$0x7FB];
	s20 =	sshll.u32 s25, $0x4  }
0x1a1: {  	s20 =	sand.u32 $0xFFFFF80, s20  }
0x1a2: {  	s20 =	sadd.s32 s3, s20  }
0x1a3: {  	[tilespmem:s26], [sflag:$0x2] =	stream.linear.gather [hbm4b:s20+s1], $0x400, $0x38;
	[tilespmem:$0x10600] =	vst v63  }
0x1a4: {  	s28 =	spop (v2sf)  }
0x1a5: {  	s29 =	sld [smem:$0x7FC];
	s20 =	sshll.u32 s28, $0x4  }
0x1a6: {  	s20 =	sand.u32 $0xFFFFF80, s20  }
0x1a7: {  	s30 =	spop (v2sf);
	s20 =	sadd.s32 s2, s20  }
0x1a8: {  	[tilespmem:s29], [sflag:$0x1] =	stream.linear.gather [hbm4b:s20+s1], $0x400, $0x38;
	[tilespmem:$0x10600] =	vst v63  }
0x1a9: {  	s31 =	sld [smem:$0x7FD];
	s20 =	sshll.u32 s30, $0x4  }
0x1aa: {  	s20 =	sand.u32 $0xFFFFF80, s20  }
0x1ab: {  	s20 =	sadd.s32 s3, s20  }
0x1ac: {  	[tilespmem:s31], [sflag:$0x2] =	stream.linear.gather [hbm4b:s20+s1], $0x400, $0x38;
	[tilespmem:$0x10600] =	vst v63  }
0x1ad: {  	_ =	swait.ge [sflag:s14], $0x400  }
0x1ae: {  	[sflag:s14] =	ssyncset.done $0x0  }
0x1af: {  	[sflag:s14] =	ssyncadd.s32 $0xFFFFFC00  }
0x1b0: {  	_ =	swait.ge [sflag:s15], $0x400  }
0x1b1: {  	[sflag:s15] =	ssyncset.done $0x0  }
0x1b2: {  	[sflag:s15] =	ssyncadd.s32 $0xFFFFFC00  }
0x1b3: {  	_ =	swait.ge [sflag:s14], $0x400  }
0x1b4: {  	[sflag:s14] =	ssyncset.done $0x0  }
0x1b5: {  	[sflag:s14] =	ssyncadd.s32 $0xFFFFFC00  }
0x1b6: {  	_ =	swait.ge [sflag:s15], $0x400  }
0x1b7: {  	[sflag:s15] =	ssyncset.done $0x0  }
0x1b8: {  	[sflag:s15] =	ssyncadd.s32 $0xFFFFFC00  }
0x1b9: {  	_ =	swait.ge [sflag:s14], $0x400  }
0x1ba: {  	[sflag:s14] =	ssyncset.done $0x0  }
0x1bb: {  	[sflag:s14] =	ssyncadd.s32 $0xFFFFFC00  }
0x1bc: {  	_ =	swait.ge [sflag:s15], $0x400  }
0x1bd: {  	[sflag:s15] =	ssyncset.done $0x0  }
0x1be: {  	[sflag:s15] =	ssyncadd.s32 $0xFFFFFC00  }
0x1bf: {  	_ =	swait.ge [sflag:s14], $0x400  }
0x1c0: {  	[sflag:s14] =	ssyncset.done $0x0  }
0x1c1: {  	[sflag:s14] =	ssyncadd.s32 $0xFFFFFC00  }
0x1c2: {  	_ =	swait.ge [sflag:s15], $0x400  }
0x1c3: {  	[sflag:s15] =	ssyncset.done $0x0  }
0x1c4: {  	[sflag:s15] =	ssyncadd.s32 $0xFFFFFC00  }
0x1c5: {  	_ =	swait.ge [sflag:s14], $0x400  }
0x1c6: {  	[sflag:s14] =	ssyncset.done $0x0  }
0x1c7: {  	[sflag:s14] =	ssyncadd.s32 $0xFFFFFC00  }
0x1c8: {  	_ =	swait.ge [sflag:s15], $0x400  }
0x1c9: {  	[sflag:s15] =	ssyncset.done $0x0  }
0x1ca: {  	[sflag:s15] =	ssyncadd.s32 $0xFFFFFC00  }
0x1cb: {  	_ =	swait.ge [sflag:s14], $0x400  }
0x1cc: {  	[sflag:s14] =	ssyncset.done $0x0  }
0x1cd: {  	[sflag:s14] =	ssyncadd.s32 $0xFFFFFC00  }
0x1ce: {  	_ =	swait.ge [sflag:s15], $0x400  }
0x1cf: {  	[sflag:s15] =	ssyncset.done $0x0  }
0x1d0: {  	[sflag:s15] =	ssyncadd.s32 $0xFFFFFC00  }
0x1d1: {  	_ =	swait.ge [sflag:s14], $0x400  }
0x1d2: {  	[sflag:s14] =	ssyncset.done $0x0  }
0x1d3: {  	[sflag:s14] =	ssyncadd.s32 $0xFFFFFC00  }
0x1d4: {  	_ =	swait.ge [sflag:s15], $0x400  }
0x1d5: {  	[sflag:s15] =	ssyncset.done $0x0  }
0x1d6: {  	[sflag:s15] =	ssyncadd.s32 $0xFFFFFC00  }
0x1d7: {  	_ =	swait.ge [sflag:s14], $0x400  }
0x1d8: {  	[sflag:s14] =	ssyncset.done $0x0  }
0x1d9: {  	[sflag:s14] =	ssyncadd.s32 $0xFFFFFC00  }
0x1da: {  	_ =	swait.ge [sflag:s15], $0x400  }
0x1db: {  	[sflag:s15] =	ssyncset.done $0x0  }
0x1dc: {  	[sflag:s15] =	ssyncadd.s32 $0xFFFFFC00  }
0x1dd: {  	_ =	swait.ge [sflag:s14], $0x400  }
0x1de: {  	[sflag:s14] =	ssyncset.done $0x0  }
0x1df: {  	[sflag:s14] =	ssyncadd.s32 $0xFFFFFC00  }
0x1e0: {  	_ =	swait.ge [sflag:s15], $0x400  }
0x1e1: {  	[sflag:s15] =	ssyncset.done $0x0  }
0x1e2: {  	[sflag:s15] =	ssyncadd.s32 $0xFFFFFC00  }
0x1e3: {  	_ =	swait.ge [sflag:s14], $0x400  }
0x1e4: {  	[sflag:s14] =	ssyncset.done $0x0  }
0x1e5: {  	[sflag:s14] =	ssyncadd.s32 $0xFFFFFC00  }
0x1e6: {  	_ =	swait.ge [sflag:s15], $0x400  }
0x1e7: {  	[sflag:s15] =	ssyncset.done $0x0  }
0x1e8: {  	[sflag:s15] =	ssyncadd.s32 $0xFFFFFC00  }
0x1e9: {  	_ =	swait.ge [sflag:s14], $0x400  }
0x1ea: {  	[sflag:s14] =	ssyncset.done $0x0  }
0x1eb: {  	[sflag:s14] =	ssyncadd.s32 $0xFFFFFC00  }
0x1ec: {  	_ =	swait.ge [sflag:s15], $0x400  }
0x1ed: {  	[sflag:s15] =	ssyncset.done $0x0  }
0x1ee: {  	[sflag:s15] =	ssyncadd.s32 $0xFFFFFC00  }
0x1ef: {  	_ =	swait.ge [sflag:s14], $0x400  }
0x1f0: {  	[sflag:s14] =	ssyncset.done $0x0  }
0x1f1: {  	[sflag:s14] =	ssyncadd.s32 $0xFFFFFC00  }
0x1f2: {  	_ =	swait.ge [sflag:s15], $0x400  }
0x1f3: {  	[sflag:s15] =	ssyncset.done $0x0  }
0x1f4: {  	[sflag:s15] =	ssyncadd.s32 $0xFFFFFC00  }
0x1f5: {  	_ =	swait.ge [sflag:s14], $0x400  }
0x1f6: {  	[sflag:s14] =	ssyncset.done $0x0  }
0x1f7: {  	[sflag:s14] =	ssyncadd.s32 $0xFFFFFC00  }
0x1f8: {  	_ =	swait.ge [sflag:s15], $0x400  }
0x1f9: {  	[sflag:s15] =	ssyncset.done $0x0  }
0x1fa: {  	[sflag:s15] =	ssyncadd.s32 $0xFFFFFC00  }
0x1fb: {  	_ =	swait.ge [sflag:s14], $0x400  }
0x1fc: {  	[sflag:s14] =	ssyncset.done $0x0  }
0x1fd: {  	[sflag:s14] =	ssyncadd.s32 $0xFFFFFC00  }
0x1fe: {  	_ =	swait.ge [sflag:s15], $0x400  }
0x1ff: {  	[sflag:s15] =	ssyncset.done $0x0  }
0x200: {  	[sflag:s15] =	ssyncadd.s32 $0xFFFFFC00  }
0x201: {  	_ =	swait.ge [sflag:s14], $0x400  }
0x202: {  	[sflag:s14] =	ssyncset.done $0x0  }
0x203: {  	[sflag:s14] =	ssyncadd.s32 $0xFFFFFC00  }
0x204: {  	_ =	swait.ge [sflag:s15], $0x400  }
0x205: {  	[sflag:s15] =	ssyncset.done $0x0  }
0x206: {  	[sflag:s15] =	ssyncadd.s32 $0xFFFFFC00  }
0x207: {  	_ =	swait.ge [sflag:s14], $0x400  }
0x208: {  	[sflag:s14] =	ssyncset.done $0x0  }
0x209: {  	[sflag:s14] =	ssyncadd.s32 $0xFFFFFC00  }
0x20a: {  	_ =	swait.ge [sflag:s15], $0x400  }
0x20b: {  	[sflag:s15] =	ssyncset.done $0x0  }
0x20c: {  	[sflag:s15] =	ssyncadd.s32 $0xFFFFFC00  }
0x20d: {  	_ =	swait.ge [sflag:s14], $0x400  }
0x20e: {  	[sflag:s14] =	ssyncset.done $0x0  }
0x20f: {  	[sflag:s14] =	ssyncadd.s32 $0xFFFFFC00  }
0x210: {  	_ =	swait.ge [sflag:s15], $0x400  }
0x211: {  	[sflag:s15] =	ssyncset.done $0x0  }
0x212: {  	[sflag:s15] =	ssyncadd.s32 $0xFFFFFC00  }
0x213: {  	_ =	swait.ge [sflag:s14], $0x400  }
0x214: {  	[sflag:s14] =	ssyncset.done $0x0  }
0x215: {  	[sflag:s14] =	ssyncadd.s32 $0xFFFFFC00  }
0x216: {  	_ =	swait.ge [sflag:s15], $0x400  }
0x217: {  	[sflag:s15] =	ssyncset.done $0x0  }
0x218: {  	[sflag:s15] =	ssyncadd.s32 $0xFFFFFC00  }
0x219: {  	_ =	swait.ge [sflag:s14], $0x400  }
0x21a: {  	[sflag:s14] =	ssyncset.done $0x0  }
0x21b: {  	[sflag:s14] =	ssyncadd.s32 $0xFFFFFC00  }
0x21c: {  	_ =	swait.ge [sflag:s15], $0x400  }
0x21d: {  	[sflag:s15] =	ssyncset.done $0x0  }
0x21e: {  	[sflag:s15] =	ssyncadd.s32 $0xFFFFFC00  }
0x21f: {  	_ =	swait.ge [sflag:s14], $0x400  }
0x220: {  	[sflag:s14] =	ssyncset.done $0x0  }
0x221: {  	[sflag:s14] =	ssyncadd.s32 $0xFFFFFC00  }
0x222: {  	_ =	swait.ge [sflag:s15], $0x400  }
0x223: {  	[sflag:s15] =	ssyncset.done $0x0  }
0x224: {  	[sflag:s15] =	ssyncadd.s32 $0xFFFFFC00  }
0x225: {  	_ =	swait.ge [sflag:s14], $0x400  }
0x226: {  	[sflag:s14] =	ssyncset.done $0x0  }
0x227: {  	[sflag:s14] =	ssyncadd.s32 $0xFFFFFC00  }
0x228: {  	_ =	swait.ge [sflag:s15], $0x400  }
0x229: {  	[sflag:s15] =	ssyncset.done $0x0  }
0x22a: {  	[sflag:s15] =	ssyncadd.s32 $0xFFFFFC00  }
0x22b: {  	_ =	swait.ge [sflag:s14], $0x400  }
0x22c: {  	[sflag:s14] =	ssyncset.done $0x0  }
0x22d: {  	[sflag:s14] =	ssyncadd.s32 $0xFFFFFC00  }
0x22e: {  	_ =	swait.ge [sflag:s15], $0x400  }
0x22f: {  	[sflag:s15] =	ssyncset.done $0x0  }
0x230: {  	[sflag:s15] =	ssyncadd.s32 $0xFFFFFC00  }
0x231: {  	_ =	swait.ge [sflag:s14], $0x400  }
0x232: {  	[sflag:s14] =	ssyncset.done $0x0  }
0x233: {  	[sflag:s14] =	ssyncadd.s32 $0xFFFFFC00  }
0x234: {  	_ =	swait.ge [sflag:s15], $0x400  }
0x235: {  	[sflag:s15] =	ssyncset.done $0x0  }
0x236: {  	[sflag:s15] =	ssyncadd.s32 $0xFFFFFC00  }
0x237: {  	_ =	swait.ge [sflag:s14], $0x400  }
0x238: {  	[sflag:s14] =	ssyncset.done $0x0  }
0x239: {  	[sflag:s14] =	ssyncadd.s32 $0xFFFFFC00  }
0x23a: {  	_ =	swait.ge [sflag:s15], $0x400  }
0x23b: {  	[sflag:s15] =	ssyncset.done $0x0  }
0x23c: {  	[sflag:s15] =	ssyncadd.s32 $0xFFFFFC00  }
0x23d: {  	_ =	swait.ge [sflag:s14], $0x400  }
0x23e: {  	[sflag:s14] =	ssyncset.done $0x0  }
0x23f: {  	[sflag:s14] =	ssyncadd.s32 $0xFFFFFC00  }
0x240: {  	_ =	swait.ge [sflag:s15], $0x400  }
0x241: {  	[sflag:s15] =	ssyncset.done $0x0  }
0x242: {  	[sflag:s15] =	ssyncadd.s32 $0xFFFFFC00  }
0x243: {  	_ =	swait.ge [sflag:s14], $0x400  }
0x244: {  	[sflag:s14] =	ssyncset.done $0x0  }
0x245: {  	[sflag:s14] =	ssyncadd.s32 $0xFFFFFC00  }
0x246: {  	_ =	swait.ge [sflag:s15], $0x400  }
0x247: {  	[sflag:s15] =	ssyncset.done $0x0  }
0x248: {  	[sflag:s15] =	ssyncadd.s32 $0xFFFFFC00  }
0x249: {  	_ =	swait.ge [sflag:s14], $0x400  }
0x24a: {  	[sflag:s14] =	ssyncset.done $0x0  }
0x24b: {  	[sflag:s14] =	ssyncadd.s32 $0xFFFFFC00  }
0x24c: {  	_ =	swait.ge [sflag:s15], $0x400  }
0x24d: {  	[sflag:s15] =	ssyncset.done $0x0  }
0x24e: {  	[sflag:s15] =	ssyncadd.s32 $0xFFFFFC00  }
0x24f: {  	_ =	swait.ge [sflag:s14], $0x400  }
0x250: {  	[sflag:s14] =	ssyncset.done $0x0  }
0x251: {  	[sflag:s14] =	ssyncadd.s32 $0xFFFFFC00  }
0x252: {  	_ =	swait.ge [sflag:s15], $0x400  }
0x253: {  	[sflag:s15] =	ssyncset.done $0x0  }
0x254: {  	[sflag:s15] =	ssyncadd.s32 $0xFFFFFC00  }
0x255: {  	_ =	swait.ge [sflag:s14], $0x400  }
0x256: {  	[sflag:s14] =	ssyncset.done $0x0  }
0x257: {  	[sflag:s14] =	ssyncadd.s32 $0xFFFFFC00  }
0x258: {  	_ =	swait.ge [sflag:s15], $0x400  }
0x259: {  	[sflag:s15] =	ssyncset.done $0x0  }
0x25a: {  	[sflag:s15] =	ssyncadd.s32 $0xFFFFFC00  }
0x25b: {  	_ =	swait.ge [sflag:s14], $0x400  }
0x25c: {  	[sflag:s14] =	ssyncset.done $0x0  }
0x25d: {  	[sflag:s14] =	ssyncadd.s32 $0xFFFFFC00  }
0x25e: {  	_ =	swait.ge [sflag:s15], $0x400  }
0x25f: {  	[sflag:s15] =	ssyncset.done $0x0  }
0x260: {  	[sflag:s15] =	ssyncadd.s32 $0xFFFFFC00  }
0x261: {  	_ =	swait.ge [sflag:s14], $0x400  }
0x262: {  	[sflag:s14] =	ssyncset.done $0x0  }
0x263: {  	[sflag:s14] =	ssyncadd.s32 $0xFFFFFC00  }
0x264: {  	_ =	swait.ge [sflag:s15], $0x400  }
0x265: {  	[sflag:s15] =	ssyncset.done $0x0  }
0x266: {  	v3 =	vand.u32 $0x7, v3;
	[sflag:s15] =	ssyncadd.s32 $0xFFFFFC00  }
0x267: {  	v3 =	vshll.u32 v3, $0x7;
	v2 =	vand.u32 $0x7, v2;
	_ =	swait.ge [sflag:s14], $0x400  }
0x268: {  	v55 =	vshll.u32 v2, $0x7;
	v2 =	vor.u32 v0, v3;
	[sflag:s14] =	ssyncset.done $0x0  }
0x269: {  	v3 =	vor.u32 v0, v55;
	[sflag:s14] =	ssyncadd.s32 $0xFFFFFC00  }
0x26a: {  	v56 =	vor.u32 $0x1, v2;
	_ =	swait.ge [sflag:s15], $0x400  }
0x26b: {  	v7 =	vor.u32 $0x1, v3;
	[sflag:s15] =	ssyncset.done $0x0  }
0x26c: {  	v8 =	vor.u32 $0x2, v2;
	[sflag:s15] =	ssyncadd.s32 $0xFFFFFC00  }
0x26d: {  	v10 =	vor.u32 $0x2, v3;
	v9 =	vld.idx.msk [tilespmem:v2+s10+$0x0], $0xffff  }
0x26e: {  	v12 =	vor.u32 $0x3, v2;
	v11 =	vld.idx.msk [tilespmem:v3+s13+$0x0], $0xffff  }
0x26f: {  	v13 =	vor.u32 $0x3, v3;
	v6 =	vld.idx.msk [tilespmem:v56+s10+$0x0], $0xffff  }
0x270: {  	v14 =	vor.u32 $0x4, v2;
	v7 =	vld.idx.msk [tilespmem:v7+s13+$0x0], $0xffff  }
0x271: {  	v15 =	vor.u32 $0x4, v3;
	v8 =	vld.idx.msk [tilespmem:v8+s10+$0x0], $0xffff  }
0x272: {  	v16 =	vor.u32 $0x5, v2;
	v10 =	vld.idx.msk [tilespmem:v10+s13+$0x0], $0xffff  }
0x273: {  	v58 =	vor.u32 $0x5, v3;
	v57 =	vld.idx.msk [tilespmem:v12+s10+$0x0], $0xffff  }
0x274: {  	v17 =	vor.u32 $0x6, v2;
	v13 =	vld.idx.msk [tilespmem:v13+s13+$0x0], $0xffff;
	v9 =	vmul.f32 v11, v9  }
0x275: {  	v60 =	vor.u32 $0x6, v3;
	v59 =	vld.idx.msk [tilespmem:v14+s10+$0x0], $0xffff  }
0x276: {  	v18 =	vor.u32 $0x7, v2;
	v15 =	vld.idx.msk [tilespmem:v15+s13+$0x0], $0xffff;
	v6 =	vmul.f32 v7, v6;
	v9 =	vadd.f32 $0.0e+00, v9  }
0x277: {  	v63 =	vor.u32 $0x8, v2;
	v61 =	vld.idx.msk [tilespmem:v16+s10+$0x0], $0xffff  }
0x278: {  	v62 =	vor.u32 $0x7, v3;
	v12 =	vld.idx.msk [tilespmem:v58+s13+$0x0], $0xffff;
	v8 =	vmul.f32 v10, v8;
	v6 =	vadd.f32 v6, v9  }
0x279: {  	v24 =	vor.u32 $0x9, v2;
	v22 =	vld.idx.msk [tilespmem:v17+s10+$0x0], $0xffff  }
0x27a: {  	v23 =	vor.u32 $0x8, v3;
	v14 =	vld.idx.msk [tilespmem:v60+s13+$0x0], $0xffff;
	v21 =	vmul.f32 v13, v57;
	v6 =	vadd.f32 v8, v6  }
0x27b: {  	v27 =	vor.u32 $0xA, v2;
	v25 =	vld.idx.msk [tilespmem:v18+s10+$0x0], $0xffff  }
0x27c: {  	v26 =	vor.u32 $0x9, v3;
	v29 =	vld.idx.msk [tilespmem:v63+s10+$0x0], $0xffff;
	v7 =	vmul.f32 v15, v59;
	v6 =	vadd.f32 v21, v6  }
0x27d: {  	v31 =	vor.u32 $0xB, v2;
	v10 =	vld.idx.msk [tilespmem:v62+s13+$0x0], $0xffff  }
0x27e: {  	v30 =	vor.u32 $0xA, v3;
	v33 =	vld.idx.msk [tilespmem:v24+s10+$0x0], $0xffff;
	v28 =	vmul.f32 v12, v61;
	v6 =	vadd.f32 v7, v6  }
0x27f: {  	v35 =	vor.u32 $0xC, v2;
	v13 =	vld.idx.msk [tilespmem:v23+s13+$0x0], $0xffff  }
0x280: {  	v34 =	vor.u32 $0xB, v3;
	v37 =	vld.idx.msk [tilespmem:v27+s10+$0x0], $0xffff;
	v32 =	vmul.f32 v14, v22;
	v6 =	vadd.f32 v28, v6  }
0x281: {  	v39 =	vor.u32 $0xD, v2;
	v15 =	vld.idx.msk [tilespmem:v26+s13+$0x0], $0xffff  }
0x282: {  	v38 =	vor.u32 $0xC, v3;
	v41 =	vld.idx.msk [tilespmem:v31+s10+$0x0], $0xffff;
	v36 =	vmul.f32 v10, v25;
	v6 =	vadd.f32 v32, v6  }
0x283: {  	v43 =	vor.u32 $0xE, v2;
	v12 =	vld.idx.msk [tilespmem:v30+s13+$0x0], $0xffff  }
0x284: {  	v42 =	vor.u32 $0xD, v3;
	v45 =	vld.idx.msk [tilespmem:v35+s10+$0x0], $0xffff;
	v40 =	vmul.f32 v13, v29;
	v6 =	vadd.f32 v36, v6  }
0x285: {  	v47 =	vor.u32 $0xF, v2;
	v14 =	vld.idx.msk [tilespmem:v34+s13+$0x0], $0xffff  }
0x286: {  	v46 =	vor.u32 $0xE, v3;
	v49 =	vld.idx.msk [tilespmem:v39+s10+$0x0], $0xffff;
	v44 =	vmul.f32 v15, v33;
	v6 =	vadd.f32 v40, v6  }
0x287: {  	v51 =	vor.u32 $0x10, v2;
	v10 =	vld.idx.msk [tilespmem:v38+s13+$0x0], $0xffff  }
0x288: {  	v50 =	vor.u32 $0xF, v3;
	v53 =	vld.idx.msk [tilespmem:v43+s10+$0x0], $0xffff;
	v48 =	vmul.f32 v12, v37;
	v6 =	vadd.f32 v44, v6  }
0x289: {  	v58 =	vor.u32 $0x11, v3;
	v13 =	vld.idx.msk [tilespmem:v42+s13+$0x0], $0xffff  }
0x28a: {  	v54 =	vor.u32 $0x10, v3;
	v57 =	vld.idx.msk [tilespmem:v47+s10+$0x0], $0xffff;
	v52 =	vmul.f32 v14, v41;
	v6 =	vadd.f32 v48, v6  }
0x28b: {  	v59 =	vor.u32 $0x12, v2;
	v15 =	vld.idx.msk [tilespmem:v46+s13+$0x0], $0xffff  }
0x28c: {  	v55 =	vor.u32 $0x11, v2;
	v61 =	vld.idx.msk [tilespmem:v51+s10+$0x0], $0xffff;
	v56 =	vmul.f32 v10, v45;
	v6 =	vadd.f32 v52, v6  }
0x28d: {  	v63 =	vor.u32 $0x13, v2;
	v12 =	vld.idx.msk [tilespmem:v50+s13+$0x0], $0xffff  }
0x28e: {  	v62 =	vor.u32 $0x12, v3;
	v11 =	vld.idx.msk [tilespmem:v58+s13+$0x0], $0xffff;
	v60 =	vmul.f32 v13, v49;
	v6 =	vadd.f32 v56, v6  }
0x28f: {  	v23 =	vor.u32 $0x14, v2;
	v14 =	vld.idx.msk [tilespmem:v54+s13+$0x0], $0xffff  }
0x290: {  	v22 =	vor.u32 $0x13, v3;
	v25 =	vld.idx.msk [tilespmem:v59+s10+$0x0], $0xffff;
	v20 =	vmul.f32 v15, v53;
	v6 =	vadd.f32 v60, v6  }
0x291: {  	v27 =	vor.u32 $0x15, v2;
	v21 =	vld.idx.msk [tilespmem:v55+s10+$0x0], $0xffff  }
0x292: {  	v26 =	vor.u32 $0x14, v3;
	v29 =	vld.idx.msk [tilespmem:v63+s10+$0x0], $0xffff;
	v24 =	vmul.f32 v12, v57;
	v6 =	vadd.f32 v20, v6  }
0x293: {  	v31 =	vor.u32 $0x16, v2;
	v13 =	vld.idx.msk [tilespmem:v62+s13+$0x0], $0xffff  }
0x294: {  	v30 =	vor.u32 $0x15, v3;
	v33 =	vld.idx.msk [tilespmem:v23+s10+$0x0], $0xffff;
	v28 =	vmul.f32 v14, v61;
	v6 =	vadd.f32 v24, v6  }
0x295: {  	v35 =	vor.u32 $0x17, v2;
	v15 =	vld.idx.msk [tilespmem:v22+s13+$0x0], $0xffff  }
0x296: {  	v34 =	vor.u32 $0x16, v3;
	v37 =	vld.idx.msk [tilespmem:v27+s10+$0x0], $0xffff;
	v32 =	vmul.f32 v11, v21;
	v6 =	vadd.f32 v28, v6  }
0x297: {  	v39 =	vor.u32 $0x18, v2;
	v12 =	vld.idx.msk [tilespmem:v26+s13+$0x0], $0xffff  }
0x298: {  	v38 =	vor.u32 $0x17, v3;
	v41 =	vld.idx.msk [tilespmem:v31+s10+$0x0], $0xffff;
	v36 =	vmul.f32 v13, v25;
	v6 =	vadd.f32 v32, v6  }
0x299: {  	v43 =	vor.u32 $0x19, v2;
	v14 =	vld.idx.msk [tilespmem:v30+s13+$0x0], $0xffff  }
0x29a: {  	v42 =	vor.u32 $0x18, v3;
	v45 =	vld.idx.msk [tilespmem:v35+s10+$0x0], $0xffff;
	v40 =	vmul.f32 v15, v29;
	v6 =	vadd.f32 v36, v6  }
0x29b: {  	v47 =	vor.u32 $0x1A, v2;
	v11 =	vld.idx.msk [tilespmem:v34+s13+$0x0], $0xffff  }
0x29c: {  	v46 =	vor.u32 $0x19, v3;
	v49 =	vld.idx.msk [tilespmem:v39+s10+$0x0], $0xffff;
	v44 =	vmul.f32 v12, v33;
	v6 =	vadd.f32 v40, v6  }
0x29d: {  	v59 =	vor.u32 $0x1D, v2;
	v13 =	vld.idx.msk [tilespmem:v38+s13+$0x0], $0xffff  }
0x29e: {  	v50 =	vor.u32 $0x1A, v3;
	v53 =	vld.idx.msk [tilespmem:v43+s10+$0x0], $0xffff;
	v48 =	vmul.f32 v14, v37;
	v6 =	vadd.f32 v44, v6  }
0x29f: {  	v51 =	vor.u32 $0x1B, v2;
	v15 =	vld.idx.msk [tilespmem:v42+s13+$0x0], $0xffff  }
0x2a0: {  	v54 =	vor.u32 $0x1B, v3;
	v57 =	vld.idx.msk [tilespmem:v47+s10+$0x0], $0xffff;
	v52 =	vmul.f32 v11, v41;
	v6 =	vadd.f32 v48, v6  }
0x2a1: {  	v58 =	vor.u32 $0x1C, v3;
	v12 =	vld.idx.msk [tilespmem:v46+s13+$0x0], $0xffff  }
0x2a2: {  	v55 =	vor.u32 $0x1C, v2;
	v23 =	vld.idx.msk [tilespmem:v59+s10+$0x0], $0xffff;
	v56 =	vmul.f32 v13, v45;
	v6 =	vadd.f32 v52, v6  }
0x2a3: {  	v63 =	vor.u32 $0x1E, v2;
	v14 =	vld.idx.msk [tilespmem:v50+s13+$0x0], $0xffff  }
0x2a4: {  	v62 =	vor.u32 $0x1D, v3;
	v61 =	vld.idx.msk [tilespmem:v51+s10+$0x0], $0xffff;
	v60 =	vmul.f32 v15, v49;
	v6 =	vadd.f32 v56, v6  }
0x2a5: {  	v2 =	vor.u32 $0x1F, v2;
	v11 =	vld.idx.msk [tilespmem:v54+s13+$0x0], $0xffff  }
0x2a6: {  	v21 =	vor.u32 $0x1E, v3;
	v19 =	vmul.f32 v12, v53;
	v13 =	vld.idx.msk [tilespmem:v58+s13+$0x0], $0xffff;
	v6 =	vadd.f32 v60, v6  }
0x2a7: {  	v3 =	vor.u32 $0x1F, v3;
	v20 =	vld.idx.msk [tilespmem:v55+s10+$0x0], $0xffff  }
0x2a8: {  	v26 =	vld.idx.msk [tilespmem:v63+s10+$0x0], $0xffff;
	v22 =	vmul.f32 v14, v57;
	v6 =	vadd.f32 v19, v6  }
0x2a9: {  	v24 =	vld.idx.msk [tilespmem:v62+s13+$0x0], $0xffff  }
0x2aa: {  	v2 =	vld.idx.msk [tilespmem:v2+s10+$0x0], $0xffff;
	v25 =	vmul.f32 v11, v61;
	v6 =	vadd.f32 v22, v6  }
0x2ab: {  	v27 =	vld.idx.msk [tilespmem:v21+s13+$0x0], $0xffff  }
0x2ac: {  	v3 =	vld.idx.msk [tilespmem:v3+s13+$0x0], $0xffff;
	v28 =	vmul.f32 v13, v20;
	v6 =	vadd.f32 v25, v6;
	_ =	sdelay $0x1  }
0x2ad: {  	v29 =	vmul.f32 v24, v23;
	v6 =	vadd.f32 v28, v6;
	_ =	sdelay $0x1  }
0x2ae: {  	v5 =	vand.u32 $0x7, v5;
	v30 =	vmul.f32 v27, v26;
	v6 =	vadd.f32 v29, v6  }
0x2af: {  	v5 =	vshll.u32 v5, $0x7;
	v4 =	vand.u32 $0x7, v4;
	v31 =	vmul.f32 v3, v2  }
0x2b0: {  	v2 =	vshll.u32 v4, $0x7;
	v3 =	vor.u32 v1, v5;
	v6 =	vadd.f32 v30, v6  }
0x2b1: {  	v2 =	vor.u32 v1, v2  }
0x2b2: {  	v5 =	vor.u32 $0x1, v3;
	v32 =	vadd.f32 v31, v6  }
0x2b3: {  	v33 =	vor.u32 $0x1, v2  }
0x2b4: {  	v34 =	vor.u32 $0x2, v3;
	[tilespmem:s19+$0x10400] =	vst v32  }
0x2b5: {  	v36 =	vor.u32 $0x2, v2;
	v35 =	vld.idx.msk [tilespmem:v3+s10+$0x0], $0xffff  }
0x2b6: {  	v38 =	vor.u32 $0x3, v3;
	v37 =	vld.idx.msk [tilespmem:v2+s13+$0x0], $0xffff  }
0x2b7: {  	v39 =	vor.u32 $0x3, v2;
	v5 =	vld.idx.msk [tilespmem:v5+s10+$0x0], $0xffff  }
0x2b8: {  	v40 =	vor.u32 $0x4, v3;
	v6 =	vld.idx.msk [tilespmem:v33+s13+$0x0], $0xffff  }
0x2b9: {  	v41 =	vor.u32 $0x4, v2;
	v4 =	vld.idx.msk [tilespmem:v34+s10+$0x0], $0xffff  }
0x2ba: {  	v42 =	vor.u32 $0x5, v3;
	v8 =	vld.idx.msk [tilespmem:v36+s13+$0x0], $0xffff  }
0x2bb: {  	v44 =	vor.u32 $0x5, v2;
	v43 =	vld.idx.msk [tilespmem:v38+s10+$0x0], $0xffff;
	v7 =	vmul.f32 v37, v35  }
0x2bc: {  	v45 =	vor.u32 $0x6, v3;
	v11 =	vld.idx.msk [tilespmem:v39+s13+$0x0], $0xffff  }
0x2bd: {  	v47 =	vor.u32 $0x6, v2;
	v46 =	vld.idx.msk [tilespmem:v40+s10+$0x0], $0xffff;
	v5 =	vmul.f32 v6, v5;
	v7 =	vadd.f32 $0.0e+00, v7  }
0x2be: {  	v48 =	vor.u32 $0x7, v3;
	v13 =	vld.idx.msk [tilespmem:v41+s13+$0x0], $0xffff  }
0x2bf: {  	v50 =	vor.u32 $0x7, v2;
	v49 =	vld.idx.msk [tilespmem:v42+s10+$0x0], $0xffff;
	v4 =	vmul.f32 v8, v4;
	v5 =	vadd.f32 v5, v7  }
0x2c0: {  	v51 =	vor.u32 $0x8, v3;
	v10 =	vld.idx.msk [tilespmem:v44+s13+$0x0], $0xffff  }
0x2c1: {  	v54 =	vor.u32 $0x8, v2;
	v53 =	vld.idx.msk [tilespmem:v45+s10+$0x0], $0xffff;
	v52 =	vmul.f32 v11, v43;
	v4 =	vadd.f32 v4, v5  }
0x2c2: {  	v55 =	vor.u32 $0x9, v3;
	v12 =	vld.idx.msk [tilespmem:v47+s13+$0x0], $0xffff  }
0x2c3: {  	v58 =	vor.u32 $0x9, v2;
	v57 =	vld.idx.msk [tilespmem:v48+s10+$0x0], $0xffff;
	v56 =	vmul.f32 v13, v46;
	v4 =	vadd.f32 v52, v4  }
0x2c4: {  	v59 =	vor.u32 $0xA, v3;
	v8 =	vld.idx.msk [tilespmem:v50+s13+$0x0], $0xffff  }
0x2c5: {  	v62 =	vor.u32 $0xA, v2;
	v61 =	vld.idx.msk [tilespmem:v51+s10+$0x0], $0xffff;
	v60 =	vmul.f32 v10, v49;
	v4 =	vadd.f32 v56, v4  }
0x2c6: {  	v63 =	vor.u32 $0xB, v3;
	v11 =	vld.idx.msk [tilespmem:v54+s13+$0x0], $0xffff  }
0x2c7: {  	v22 =	vor.u32 $0xB, v2;
	v21 =	vld.idx.msk [tilespmem:v55+s10+$0x0], $0xffff;
	v20 =	vmul.f32 v12, v53;
	v4 =	vadd.f32 v60, v4  }
0x2c8: {  	v23 =	vor.u32 $0xC, v3;
	v13 =	vld.idx.msk [tilespmem:v58+s13+$0x0], $0xffff  }
0x2c9: {  	v26 =	vor.u32 $0xC, v2;
	v25 =	vld.idx.msk [tilespmem:v59+s10+$0x0], $0xffff;
	v24 =	vmul.f32 v8, v57;
	v4 =	vadd.f32 v20, v4  }
0x2ca: {  	v27 =	vor.u32 $0xD, v3;
	v10 =	vld.idx.msk [tilespmem:v62+s13+$0x0], $0xffff  }
0x2cb: {  	v30 =	vor.u32 $0xD, v2;
	v29 =	vld.idx.msk [tilespmem:v63+s10+$0x0], $0xffff;
	v28 =	vmul.f32 v11, v61;
	v4 =	vadd.f32 v24, v4  }
0x2cc: {  	v31 =	vor.u32 $0xE, v3;
	v12 =	vld.idx.msk [tilespmem:v22+s13+$0x0], $0xffff  }
0x2cd: {  	v33 =	vld.idx.msk [tilespmem:v23+s10+$0x0], $0xffff;
	v34 =	vor.u32 $0xE, v2;
	v32 =	vmul.f32 v13, v21;
	v4 =	vadd.f32 v28, v4  }
0x2ce: {  	v35 =	vor.u32 $0xF, v3;
	v8 =	vld.idx.msk [tilespmem:v26+s13+$0x0], $0xffff  }
0x2cf: {  	v38 =	vor.u32 $0xF, v2;
	v37 =	vld.idx.msk [tilespmem:v27+s10+$0x0], $0xffff;
	v36 =	vmul.f32 v10, v25;
	v4 =	vadd.f32 v32, v4  }
0x2d0: {  	v39 =	vor.u32 $0x10, v3;
	v11 =	vld.idx.msk [tilespmem:v30+s13+$0x0], $0xffff  }
0x2d1: {  	v42 =	vor.u32 $0x10, v2;
	v41 =	vld.idx.msk [tilespmem:v31+s10+$0x0], $0xffff;
	v40 =	vmul.f32 v12, v29;
	v4 =	vadd.f32 v36, v4  }
0x2d2: {  	v43 =	vor.u32 $0x11, v3;
	v13 =	vld.idx.msk [tilespmem:v34+s13+$0x0], $0xffff  }
0x2d3: {  	v46 =	vor.u32 $0x11, v2;
	v45 =	vld.idx.msk [tilespmem:v35+s10+$0x0], $0xffff;
	v44 =	vmul.f32 v8, v33;
	v4 =	vadd.f32 v40, v4  }
0x2d4: {  	v47 =	vor.u32 $0x12, v3;
	v10 =	vld.idx.msk [tilespmem:v38+s13+$0x0], $0xffff  }
0x2d5: {  	v49 =	vld.idx.msk [tilespmem:v39+s10+$0x0], $0xffff;
	v50 =	vor.u32 $0x12, v2;
	v48 =	vmul.f32 v11, v37;
	v4 =	vadd.f32 v44, v4  }
0x2d6: {  	v51 =	vor.u32 $0x13, v3;
	v12 =	vld.idx.msk [tilespmem:v42+s13+$0x0], $0xffff  }
0x2d7: {  	v54 =	vor.u32 $0x13, v2;
	v53 =	vld.idx.msk [tilespmem:v43+s10+$0x0], $0xffff;
	v52 =	vmul.f32 v13, v41;
	v4 =	vadd.f32 v48, v4  }
0x2d8: {  	v55 =	vor.u32 $0x14, v3;
	v9 =	vld.idx.msk [tilespmem:v46+s13+$0x0], $0xffff  }
0x2d9: {  	v58 =	vor.u32 $0x14, v2;
	v57 =	vld.idx.msk [tilespmem:v47+s10+$0x0], $0xffff;
	v56 =	vmul.f32 v10, v45;
	v4 =	vadd.f32 v52, v4  }
0x2da: {  	v59 =	vor.u32 $0x15, v3;
	v11 =	vld.idx.msk [tilespmem:v50+s13+$0x0], $0xffff  }
0x2db: {  	v62 =	vor.u32 $0x15, v2;
	v61 =	vld.idx.msk [tilespmem:v51+s10+$0x0], $0xffff;
	v60 =	vmul.f32 v12, v49;
	v4 =	vadd.f32 v56, v4  }
0x2dc: {  	v63 =	vor.u32 $0x16, v3;
	v13 =	vld.idx.msk [tilespmem:v54+s13+$0x0], $0xffff  }
0x2dd: {  	v22 =	vor.u32 $0x16, v2;
	v21 =	vld.idx.msk [tilespmem:v55+s10+$0x0], $0xffff;
	v20 =	vmul.f32 v9, v53;
	v4 =	vadd.f32 v60, v4  }
0x2de: {  	v23 =	vor.u32 $0x17, v3;
	v10 =	vld.idx.msk [tilespmem:v58+s13+$0x0], $0xffff  }
0x2df: {  	v25 =	vld.idx.msk [tilespmem:v59+s10+$0x0], $0xffff;
	v26 =	vor.u32 $0x17, v2;
	v24 =	vmul.f32 v11, v57;
	v4 =	vadd.f32 v20, v4  }
0x2e0: {  	v27 =	vor.u32 $0x18, v3;
	v12 =	vld.idx.msk [tilespmem:v62+s13+$0x0], $0xffff  }
0x2e1: {  	v29 =	vld.idx.msk [tilespmem:v63+s10+$0x0], $0xffff;
	v30 =	vor.u32 $0x18, v2;
	v28 =	vmul.f32 v13, v61;
	v4 =	vadd.f32 v24, v4  }
0x2e2: {  	v31 =	vor.u32 $0x19, v3;
	v9 =	vld.idx.msk [tilespmem:v22+s13+$0x0], $0xffff  }
0x2e3: {  	v34 =	vor.u32 $0x19, v2;
	v33 =	vld.idx.msk [tilespmem:v23+s10+$0x0], $0xffff;
	v32 =	vmul.f32 v10, v21;
	v4 =	vadd.f32 v28, v4  }
0x2e4: {  	v35 =	vor.u32 $0x1A, v3;
	v11 =	vld.idx.msk [tilespmem:v26+s13+$0x0], $0xffff  }
0x2e5: {  	v38 =	vor.u32 $0x1A, v2;
	v37 =	vld.idx.msk [tilespmem:v27+s10+$0x0], $0xffff;
	v36 =	vmul.f32 v12, v25;
	v4 =	vadd.f32 v32, v4  }
0x2e6: {  	v39 =	vor.u32 $0x1B, v3;
	v13 =	vld.idx.msk [tilespmem:v30+s13+$0x0], $0xffff  }
0x2e7: {  	v42 =	vor.u32 $0x1B, v2;
	v41 =	vld.idx.msk [tilespmem:v31+s10+$0x0], $0xffff;
	v40 =	vmul.f32 v9, v29;
	v4 =	vadd.f32 v36, v4  }
0x2e8: {  	v43 =	vor.u32 $0x1C, v3;
	v10 =	vld.idx.msk [tilespmem:v34+s13+$0x0], $0xffff  }
0x2e9: {  	v46 =	vor.u32 $0x1C, v2;
	v45 =	vld.idx.msk [tilespmem:v35+s10+$0x0], $0xffff;
	v44 =	vmul.f32 v11, v33;
	v4 =	vadd.f32 v40, v4  }
0x2ea: {  	v50 =	vor.u32 $0x1D, v2;
	v12 =	vld.idx.msk [tilespmem:v38+s13+$0x0], $0xffff  }
0x2eb: {  	v47 =	vor.u32 $0x1D, v3;
	v49 =	vld.idx.msk [tilespmem:v39+s10+$0x0], $0xffff;
	v48 =	vmul.f32 v13, v37;
	v4 =	vadd.f32 v44, v4  }
0x2ec: {  	v51 =	vor.u32 $0x1E, v3;
	v9 =	vld.idx.msk [tilespmem:v42+s13+$0x0], $0xffff  }
0x2ed: {  	v54 =	vor.u32 $0x1E, v2;
	v53 =	vld.idx.msk [tilespmem:v43+s10+$0x0], $0xffff;
	v52 =	vmul.f32 v10, v41;
	v4 =	vadd.f32 v48, v4  }
0x2ee: {  	v3 =	vor.u32 $0x1F, v3;
	v11 =	vld.idx.msk [tilespmem:v46+s13+$0x0], $0xffff  }
0x2ef: {  	v2 =	vor.u32 $0x1F, v2;
	v57 =	vld.idx.msk [tilespmem:v50+s13+$0x0], $0xffff;
	v55 =	vmul.f32 v12, v45;
	v4 =	vadd.f32 v52, v4  }
0x2f0: {  	v56 =	vld.idx.msk [tilespmem:v47+s10+$0x0], $0xffff  }
0x2f1: {  	v59 =	vld.idx.msk [tilespmem:v51+s10+$0x0], $0xffff;
	v58 =	vmul.f32 v9, v49;
	v4 =	vadd.f32 v55, v4  }
0x2f2: {  	v60 =	vld.idx.msk [tilespmem:v54+s13+$0x0], $0xffff  }
0x2f3: {  	v3 =	vld.idx.msk [tilespmem:v3+s10+$0x0], $0xffff;
	v61 =	vmul.f32 v11, v53;
	v4 =	vadd.f32 v58, v4  }
0x2f4: {  	v2 =	vld.idx.msk [tilespmem:v2+s13+$0x0], $0xffff  }
0x2f5: {  	v62 =	vmul.f32 v57, v56;
	v4 =	vadd.f32 v61, v4;
	_ =	sdelay $0x1  }
0x2f6: {  	v63 =	vmul.f32 v60, v59;
	v4 =	vadd.f32 v62, v4  }
0x2f7: {  	p0 =	sne.s32 s18, $0x780  }
.Ltmp0:
0x2f8: {  	v2 =	vmul.f32 v2, v3;
	v4 =	vadd.f32 v63, v4;
	(pc) =	sbr.rel @p0 .LBB2_2-.Ltmp0, $3  }
0x2f9: {  	_ = 	snop  }
0x2fa: {  	v2 =	vadd.f32 v2, v4;
	_ =	sdelay $0x1  }
0x2fb: {  	s18 =	sadd.s32 $0x80, s18;
	[tilespmem:s19+$0x10410] =	vst v2  }
0x2fc: {  	s17 =	sadd.s32 $0x1, s17  }
0x2fd: {  	p0 =	sne.s32 s17, s8  }
.Ltmp1:
0x2fe: {  	_ = 	snop;
	(pc) =	sbr.rel @p0 .LBB2_1-.Ltmp1, $4  }
0x2ff: {  	[hbm4b:s7+s1] =	stream.linear.scatter [tilespmem:s16], [sflag:$0x3], $0x200, $0x38;
	[tilespmem:$0x10600] =	vst v63  }
0x300: {  	_ =	swait.ge [sflag:s11], $0x200  }
0x301: {  	[sflag:s11] =	ssyncset.done $0x0  }
0x302: {  	[sflag:s11] =	ssyncadd.s32 $0xFFFFFE00  }
0x303: {  	_ =	sfence.sel $0x180000  }
0x304: {  	[bflag:$0x0] =	sbarrier.arrive $0xFFFF  }
0x305: {  	p0 =	sne.s32 s4, $0x0;
	_ =	strace $0x90000047  }
0x306: {  	s0 =	sadd.s32 @!p0 $0x100000, s0;
	[bflag:$0x2] =	sbarrier.arrive $0xFFFF  }
0x307: {  	[sflag:s0] =	ssyncadd.tile.s32 @!p0 $0x1;
	_ =	shalt  }
.Lfunc_end2:
_tile_overlayer_lowered:
.L_overlay_start_2:
0x308: {  	(tag) =	ssettag $0x2  }
0x309: {  	s0 =	rddreg [dreg:$0x0];
	s2 =	stileid.u32  }
0x30a: {  	s1 =	rddreg [dreg:$0x1];
	p0 =	sne.s32 s2, $0x0  }
0x30b: {  	s3 =	rddreg [dreg:$0x2];
	[bflag:$0x3] =	sbarrier.arrive $0xFFFF;
	s2 =	simm.s32 @!p0 $0x1C03  }
0x30c: {  	[timem:s3], [sflag:s2] =	dma.local @!p0 [hbm:s0], s1  }
0x30d: {  	s0 =	simm.s32 @!p0 $0x3  }
0x30e: {  	_ =	swait.ge @!p0 [sflag:s0], s1  }
0x30f: {  	s1 =	ssub.s32 @!p0 $0x0, s1;
	[sflag:s0] =	ssyncset.done @!p0 $0x0  }
0x310: {  	[sflag:s0] =	ssyncadd.s32 @!p0 s1  }
0x311: {  	[bflag:$0x3] =	sbarrier.arrive $0xFFFF  }
0x312: {  	_ =	shalt  }

</sc_bundles>
